<compile_context>
chip_gen: v7x
topology: tpu7x:2x2x1
jax: 0.10.2.dev20260603
libtpu: 0.0.44.dev20260713+nightly
codegen_flags: <defaults>
</compile_context>

<pallas_src>
import jax
import jax.numpy as jnp
from jax import lax
from jax.experimental import pallas as pl
from jax.experimental.pallas import tpu as pltpu
from jax.experimental.pallas import tpu_sc as plsc

_NC = 2
_NS = 16
_NW = _NC * _NS
_LANES = 16

_B, _L, _E = 4096, 200, 32
_BT = _B // _NW
_ET = _E // 8
_RPL = 128 // _E


_NLINE = 250000
_NCHK = 7813
_FULL = _NCHK - 1


def _tbody(src_hbm, tail_hbm, out_hbm, s_v, d_v, isem0, isem1, osem0, osem1):
    wid = lax.axis_index("s") * _NC + lax.axis_index("c")
    isems = (isem0, isem1)
    osems = (osem0, osem1)
    lanes = lax.iota(jnp.int32, _LANES)

    def in_copy(c, buf):
        return pltpu.make_async_copy(
            src_hbm.at[:, pl.ds(c * 128, 128)], s_v.at[buf], isems[buf])

    def out_copy(c, buf):
        return pltpu.make_async_copy(
            d_v.at[buf], out_hbm.at[pl.ds(c * 32, 32), :], osems[buf])

    def flip(c, buf, nrow):
        lo = lanes
        hi = lanes + _LANES

        @plsc.parallel_loop(0, nrow, unroll=8)
        def _m(m):
            base = jnp.full((_LANES,), 4 * m, dtype=jnp.int32)
            for j in range(_RPL):
                col = base + j if j else base
                v0 = plsc.load_gather(s_v.at[buf], [lo, col])
                d_v[buf, m, pl.ds(j * _E, _LANES)] = v0
                v1 = plsc.load_gather(s_v.at[buf], [hi, col])
                d_v[buf, m, pl.ds(j * _E + _LANES, _LANES)] = v1

    in_copy(wid, 0).start()

    @pl.loop(0, 244, step=2)
    def _kgrp(k0):
        for g in range(2):
            k = k0 + g
            c = wid + 32 * k

            @pl.when(jnp.logical_or(k < 243, wid < 4))
            def _():
                in_copy(c + 32, 1 - g).start()

            in_copy(c, g).wait()

            @pl.when(k >= 2)
            def _():
                out_copy(c - 64, g).wait()

            flip(c, g, 32)
            out_copy(c, g).start()

    @pl.when(wid < 4)
    def _():
        c = wid + 32 * 244
        in_copy(c, 0).wait()
        out_copy(c - 64, 0).wait()
        flip(c, 0, 32)
        out_copy(c, 0).start()
        out_copy(c - 32, 1).wait()
        out_copy(c, 0).wait()

    @pl.when(wid >= 4)
    def _():
        out_copy(wid + 32 * 242, 0).wait()
        out_copy(wid + 32 * 243, 1).wait()

    @pl.when(wid == 4)
    def _():
        pltpu.sync_copy(tail_hbm, d_v.at[0, pl.ds(0, 16), :])
        pltpu.sync_copy(d_v.at[0, pl.ds(0, 16), :],
                        out_hbm.at[pl.ds(_FULL * 32, 16), :])


def _body(idx_hbm, tbl_hbm, pos_hbm, out_hbm,
          idx_v, pos_v, div_v, rem_v, g_v, t_v,
          gsem0, gsem1, osem0, osem1):
    wid = lax.axis_index("s") * _NC + lax.axis_index("c")

    pltpu.sync_copy(idx_hbm.at[wid], idx_v)
    pltpu.sync_copy(pos_hbm, pos_v)

    gsems = (gsem0, gsem1)
    osems = (osem0, osem1)
    lanes = lax.iota(jnp.int32, _LANES)
    _HALF = _BT // 2
    _NCH = _BT // _LANES

    def div_fill(l, buf):
        for bg in range(_NCH):
            v = idx_v[l, pl.ds(bg * _LANES, _LANES)]
            div_v[buf, pl.ds(bg * _LANES, _LANES)] = v >> 2

    def gather_start(buf):
        for h in range(2):
            pltpu.make_async_copy(
                tbl_hbm.at[div_v.at[buf, pl.ds(h * _HALF, _HALF)]],
                g_v.at[buf, pl.ds(h * _HALF, _HALF), :],
                gsems[buf]).start()

    def gather_wait(buf):
        pltpu.make_async_copy(
            tbl_hbm.at[div_v.at[buf]], g_v.at[buf], gsems[buf]).wait()

    def out_tile(l, i, buf):
        return pltpu.make_async_copy(
            t_v.at[buf, pl.ds(i * 8, 8), :], out_hbm.at[l, i, wid],
            osems[buf])

    div_fill(0, 0)
    gather_start(0)

    @pl.loop(0, _L, step=2)
    def _lgrp(l0):
        for g in range(2):
            l = l0 + g

            @pl.when(l + 1 < _L)
            def _():
                div_fill(l + 1, 1 - g)
                gather_start(1 - g)

            gather_wait(g)

            @pl.when(l >= 2)
            def _():
                for i in range(_ET):
                    out_tile(l - 2, i, g).wait()

            for bg in range(_NCH):
                v = idx_v[l, pl.ds(bg * _LANES, _LANES)]
                rem_v[pl.ds(bg * _LANES, _LANES)] = (v & (_RPL - 1)) << 5

            lsplat = jnp.full((_LANES,), l, dtype=jnp.int32)

            @plsc.parallel_loop(0, _E, unroll=8)
            def _te(e):
                esplat = jnp.full((_LANES,), e, dtype=jnp.int32)
                pv = plsc.load_gather(pos_v, [esplat, lsplat])
                for bg in range(_NCH):
                    rows = lanes + (bg * _LANES)
                    cols = rem_v[pl.ds(bg * _LANES, _LANES)] + esplat
                    v = plsc.load_gather(g_v.at[g], [rows, cols])
                    t_v[g, e, pl.ds(bg * _LANES, _LANES)] = v + pv

            for i in range(_ET):
                out_tile(l, i, g).start()

    for b in range(2):
        for i in range(_ET):
            out_tile(_L - 2 + b, i, b % 2).wait()


@jax.jit
def _run(idx3, tblT, tail, posT):
    mesh = plsc.VectorSubcoreMesh(
        core_axis_name="c", subcore_axis_name="s",
        num_cores=_NC, num_subcores=_NS,
    )
    relayout = pl.kernel(
        _tbody,
        out_type=jax.ShapeDtypeStruct((_NLINE, 128), jnp.float32),
        mesh=mesh,
        scratch_types=[
            pltpu.VMEM((2, _E, 128), jnp.float32),
            pltpu.VMEM((2, _E, 128), jnp.float32),
            pltpu.SemaphoreType.DMA,
            pltpu.SemaphoreType.DMA,
            pltpu.SemaphoreType.DMA,
            pltpu.SemaphoreType.DMA,
        ],
        compiler_params=pltpu.CompilerParams(needs_layout_passes=False),
    )
    tbl = relayout(tblT, tail)
    fn = pl.kernel(
        _body,
        out_type=jax.ShapeDtypeStruct((_L, _ET, _NW, 8, _BT), jnp.float32),
        mesh=mesh,
        scratch_types=[
            pltpu.VMEM((_L, _BT), jnp.int32),
            pltpu.VMEM((_E, _L), jnp.float32),
            pltpu.VMEM((2, _BT), jnp.int32),
            pltpu.VMEM((_BT,), jnp.int32),
            pltpu.VMEM((2, _BT, 128), jnp.float32),
            pltpu.VMEM((2, _E, _BT), jnp.float32),
            pltpu.SemaphoreType.DMA,
            pltpu.SemaphoreType.DMA,
            pltpu.SemaphoreType.DMA,
            pltpu.SemaphoreType.DMA,
        ],
        compiler_params=pltpu.CompilerParams(needs_layout_passes=False),
    )
    return fn(idx3, tbl, posT)


def kernel(x, token_table, pos_table):
    idx3 = (x.astype(jnp.int32)
            .reshape(_NW, _BT, _L).transpose((0, 2, 1)))
    tail = token_table[_FULL * 128:].reshape(16, _RPL * _E)
    out5 = _run(idx3, token_table.T, tail, pos_table.T)
    return out5.transpose((2, 4, 0, 1, 3)).reshape(_B, _L, _E)

# --- scband reference (transcript-rebuilt; emitter-appended) ---
"""Pipeline reference for scband-token-and-position-embedding-14568529068302 (READ-ONLY COPY).

The authoritative reference and input builder live on the scoring server;
editing this copy changes nothing except your own understanding.
"""

import jax, jax.numpy as jnp
import numpy as np

VOCAB = 1000000
MAXLEN = 200
EMBED = 32
BATCH = 4096

def setup_inputs(seed: int = 0) -> dict:
    key = jax.random.key(seed)
    k1, k2, k3 = jax.random.split(key, 3)
    x = jax.random.randint(k1, (BATCH, MAXLEN), 0, VOCAB, dtype=jnp.int64 if jax.config.jax_enable_x64 else jnp.int32)
    token_table = jax.random.normal(k2, (VOCAB, EMBED), dtype=jnp.float32) * 0.05
    pos_table = jax.random.normal(k3, (MAXLEN, EMBED), dtype=jnp.float32) * 0.05
    return {"x": x, "token_table": token_table, "pos_table": pos_table}

def reference(x, token_table, pos_table):
    # TokenAndPositionEmbedding.call
    seqlen = x.shape[-1]
    positions = jnp.arange(0, seqlen)
    pos = jnp.take(pos_table, positions, axis=0)          # [L, E]
    tok = jnp.take(token_table, x, axis=0)                # [B, L, E]
    return tok + pos[None, :, :]

if __name__ == "__main__":
    import jax
    _d = setup_inputs()
    print(jax.jit(kernel)(*tuple(_d.values())))

</pallas_src>

<mosaic_0001>
#map = affine_map<(d0, d1) -> (0, 0, 0)>
#map1 = affine_map<(d0, d1) -> (0, 0)>
#map2 = affine_map<(d0, d1) -> (0, 0, 0, 0, 0)>
module attributes {stable_mosaic.version = 14 : i64} {
  func.func @_body(%arg0: i32, %arg1: i32, %arg2: memref<32x200x128xi32, #tpu.memory_space<hbm>>, %arg3: memref<250000x128xf32, #tpu.memory_space<hbm>>, %arg4: memref<32x200xf32, #tpu.memory_space<hbm>>, %arg5: memref<200x4x32x8x128xf32, #tpu.memory_space<hbm>>, %arg6: memref<200x128xi32, #tpu.memory_space<vmem>>, %arg7: memref<32x200xf32, #tpu.memory_space<vmem>>, %arg8: memref<2x128xi32, #tpu.memory_space<vmem>>, %arg9: memref<128xi32, #tpu.memory_space<vmem>>, %arg10: memref<2x128x128xf32, #tpu.memory_space<vmem>>, %arg11: memref<2x32x128xf32, #tpu.memory_space<vmem>>, %arg12: memref<!tpu.dma_semaphore, #tpu.memory_space<semaphore_mem>>, %arg13: memref<!tpu.dma_semaphore, #tpu.memory_space<semaphore_mem>>, %arg14: memref<!tpu.dma_semaphore, #tpu.memory_space<semaphore_mem>>, %arg15: memref<!tpu.dma_semaphore, #tpu.memory_space<semaphore_mem>>) attributes {dimension_semantics = [#tpu.dimension_semantics<core_parallel>, #tpu.dimension_semantics<subcore_parallel>], iteration_bounds = array<i64: 2, 16>, scalar_prefetch = 0 : i64, scratch_operands = 10 : i64, tpu.core_type = #tpu.core_type<sc_vector_subcore>, window_params = [{transform_indices = #map}, {transform_indices = #map1}, {transform_indices = #map1}, {transform_indices = #map2}]} {
    %mul3A = arith.constant 2 : i32
    %mul3A_0 = arith.muli %arg1, %mul3A : i32
    %add3A = arith.addi %mul3A_0, %arg0 : i32
    "tpu.region"() ({
      %run_scoped3A = tpu.sem_alloc : memref<!tpu.dma_semaphore, #tpu.memory_space<semaphore_mem>>
      %dma_start3A_264 = arith.constant 0 : i32
      %dma_start3A_265 = arith.constant 0 : i32
      %dma_start3A_266 = tpu.memref_slice %arg2[%add3A, %dma_start3A_264, %dma_start3A_265] : memref<32x200x128xi32, #tpu.memory_space<hbm>> -> memref<1x200x128xi32, #tpu.memory_space<hbm>>
      %dma_start3A_267 = tpu.memref_squeeze %dma_start3A_266 : memref<1x200x128xi32, #tpu.memory_space<hbm>> -> memref<200x128xi32, #tpu.memory_space<hbm>>
      %dma_start3A_268 = arith.constant 0 : i32
      %dma_start3A_269 = arith.constant 0 : i32
      %dma_start3A_270 = tpu.memref_slice %arg2[%add3A, %dma_start3A_268, %dma_start3A_269] : memref<32x200x128xi32, #tpu.memory_space<hbm>> -> memref<1x200x128xi32, #tpu.memory_space<hbm>>
      %dma_start3A_271 = tpu.memref_squeeze %dma_start3A_270 : memref<1x200x128xi32, #tpu.memory_space<hbm>> -> memref<200x128xi32, #tpu.memory_space<hbm>>
      tpu.enqueue_dma source(%dma_start3A_271 : memref<200x128xi32, #tpu.memory_space<hbm>>) target(%arg6 : memref<200x128xi32, #tpu.memory_space<vmem>>) target_semaphore(%run_scoped3A : memref<!tpu.dma_semaphore, #tpu.memory_space<semaphore_mem>>)
      %dma_wait3A_272 = arith.constant 0 : i32
      %dma_wait3A_273 = arith.constant 0 : i32
      %dma_wait3A_274 = tpu.memref_slice %arg2[%add3A, %dma_wait3A_272, %dma_wait3A_273] : memref<32x200x128xi32, #tpu.memory_space<hbm>> -> memref<1x200x128xi32, #tpu.memory_space<hbm>>
      %dma_wait3A_275 = tpu.memref_squeeze %dma_wait3A_274 : memref<1x200x128xi32, #tpu.memory_space<hbm>> -> memref<200x128xi32, #tpu.memory_space<hbm>>
      %dma_wait3A_276 = arith.constant 0 : i32
      %dma_wait3A_277 = arith.constant 0 : i32
      %dma_wait3A_278 = tpu.memref_slice %arg2[%add3A, %dma_wait3A_276, %dma_wait3A_277] : memref<32x200x128xi32, #tpu.memory_space<hbm>> -> memref<1x200x128xi32, #tpu.memory_space<hbm>>
      %dma_wait3A_279 = tpu.memref_squeeze %dma_wait3A_278 : memref<1x200x128xi32, #tpu.memory_space<hbm>> -> memref<200x128xi32, #tpu.memory_space<hbm>>
      tpu.wait_dma2 semaphore(%run_scoped3A : memref<!tpu.dma_semaphore, #tpu.memory_space<semaphore_mem>>) src(%dma_wait3A_279 : memref<200x128xi32, #tpu.memory_space<hbm>>) dst(%arg6 : memref<200x128xi32, #tpu.memory_space<vmem>>)
      tpu.yield
    }) : () -> ()
    "tpu.region"() ({
      %run_scoped3A = tpu.sem_alloc : memref<!tpu.dma_semaphore, #tpu.memory_space<semaphore_mem>>
      tpu.enqueue_dma source(%arg4 : memref<32x200xf32, #tpu.memory_space<hbm>>) target(%arg7 : memref<32x200xf32, #tpu.memory_space<vmem>>) target_semaphore(%run_scoped3A : memref<!tpu.dma_semaphore, #tpu.memory_space<semaphore_mem>>)
      tpu.wait_dma2 semaphore(%run_scoped3A : memref<!tpu.dma_semaphore, #tpu.memory_space<semaphore_mem>>) src(%arg4 : memref<32x200xf32, #tpu.memory_space<hbm>>) dst(%arg7 : memref<32x200xf32, #tpu.memory_space<vmem>>)
      tpu.yield
    }) : () -> ()
    %iota3A = tpu.iota {dimensions = array<i32: 0>} : vector<16xi32>
    %get3A = arith.constant 0 : i32
    %get3A_1 = arith.index_cast %get3A : i32 to index
    %get3A_2 = arith.constant 0 : index
    %get3A_3 = tpu.vector_load %arg6[%get3A_1, %get3A_2] {strides = array<i32>} : memref<200x128xi32, #tpu.memory_space<vmem>>, vector<16xi32>,
    %shift_right_arithmetic3A = arith.constant 2 : i32
    %shift_right_arithmetic3A_4 = vector.broadcast %shift_right_arithmetic3A : i32 to vector<16xi32>
    %shift_right_arithmetic3A_5 = arith.shrsi %get3A_3, %shift_right_arithmetic3A_4 : vector<16xi32>
    %swap3A = arith.constant 0 : i32
    %swap3A_6 = arith.index_cast %swap3A : i32 to index
    %swap3A_7 = arith.constant 0 : index
    %swap3A_8 = tpu.vector_load %arg8[%swap3A_6, %swap3A_7] {strides = array<i32>} : memref<2x128xi32, #tpu.memory_space<vmem>>, vector<16xi32>,
    tpu.vector_store %arg8[%swap3A_6, %swap3A_7], %shift_right_arithmetic3A_5 {strides = array<i32>} : memref<2x128xi32, #tpu.memory_space<vmem>>, vector<16xi32>,
    %get3A_9 = arith.constant 0 : i32
    %get3A_10 = arith.index_cast %get3A_9 : i32 to index
    %get3A_11 = arith.constant 16 : index
    %get3A_12 = tpu.vector_load %arg6[%get3A_10, %get3A_11] {strides = array<i32>} : memref<200x128xi32, #tpu.memory_space<vmem>>, vector<16xi32>,
    %shift_right_arithmetic3A_13 = arith.constant 2 : i32
    %shift_right_arithmetic3A_14 = vector.broadcast %shift_right_arithmetic3A_13 : i32 to vector<16xi32>
    %shift_right_arithmetic3A_15 = arith.shrsi %get3A_12, %shift_right_arithmetic3A_14 : vector<16xi32>
    %swap3A_16 = arith.constant 0 : i32
    %swap3A_17 = arith.index_cast %swap3A_16 : i32 to index
    %swap3A_18 = arith.constant 16 : index
    %swap3A_19 = tpu.vector_load %arg8[%swap3A_17, %swap3A_18] {strides = array<i32>} : memref<2x128xi32, #tpu.memory_space<vmem>>, vector<16xi32>,
    tpu.vector_store %arg8[%swap3A_17, %swap3A_18], %shift_right_arithmetic3A_15 {strides = array<i32>} : memref<2x128xi32, #tpu.memory_space<vmem>>, vector<16xi32>,
    %get3A_20 = arith.constant 0 : i32
    %get3A_21 = arith.index_cast %get3A_20 : i32 to index
    %get3A_22 = arith.constant 32 : index
    %get3A_23 = tpu.vector_load %arg6[%get3A_21, %get3A_22] {strides = array<i32>} : memref<200x128xi32, #tpu.memory_space<vmem>>, vector<16xi32>,
    %shift_right_arithmetic3A_24 = arith.constant 2 : i32
    %shift_right_arithmetic3A_25 = vector.broadcast %shift_right_arithmetic3A_24 : i32 to vector<16xi32>
    %shift_right_arithmetic3A_26 = arith.shrsi %get3A_23, %shift_right_arithmetic3A_25 : vector<16xi32>
    %swap3A_27 = arith.constant 0 : i32
    %swap3A_28 = arith.index_cast %swap3A_27 : i32 to index
    %swap3A_29 = arith.constant 32 : index
    %swap3A_30 = tpu.vector_load %arg8[%swap3A_28, %swap3A_29] {strides = array<i32>} : memref<2x128xi32, #tpu.memory_space<vmem>>, vector<16xi32>,
    tpu.vector_store %arg8[%swap3A_28, %swap3A_29], %shift_right_arithmetic3A_26 {strides = array<i32>} : memref<2x128xi32, #tpu.memory_space<vmem>>, vector<16xi32>,
    %get3A_31 = arith.constant 0 : i32
    %get3A_32 = arith.index_cast %get3A_31 : i32 to index
    %get3A_33 = arith.constant 48 : index
    %get3A_34 = tpu.vector_load %arg6[%get3A_32, %get3A_33] {strides = array<i32>} : memref<200x128xi32, #tpu.memory_space<vmem>>, vector<16xi32>,
    %shift_right_arithmetic3A_35 = arith.constant 2 : i32
    %shift_right_arithmetic3A_36 = vector.broadcast %shift_right_arithmetic3A_35 : i32 to vector<16xi32>
    %shift_right_arithmetic3A_37 = arith.shrsi %get3A_34, %shift_right_arithmetic3A_36 : vector<16xi32>
    %swap3A_38 = arith.constant 0 : i32
    %swap3A_39 = arith.index_cast %swap3A_38 : i32 to index
    %swap3A_40 = arith.constant 48 : index
    %swap3A_41 = tpu.vector_load %arg8[%swap3A_39, %swap3A_40] {strides = array<i32>} : memref<2x128xi32, #tpu.memory_space<vmem>>, vector<16xi32>,
    tpu.vector_store %arg8[%swap3A_39, %swap3A_40], %shift_right_arithmetic3A_37 {strides = array<i32>} : memref<2x128xi32, #tpu.memory_space<vmem>>, vector<16xi32>,
    %get3A_42 = arith.constant 0 : i32
    %get3A_43 = arith.index_cast %get3A_42 : i32 to index
    %get3A_44 = arith.constant 64 : index
    %get3A_45 = tpu.vector_load %arg6[%get3A_43, %get3A_44] {strides = array<i32>} : memref<200x128xi32, #tpu.memory_space<vmem>>, vector<16xi32>,
    %shift_right_arithmetic3A_46 = arith.constant 2 : i32
    %shift_right_arithmetic3A_47 = vector.broadcast %shift_right_arithmetic3A_46 : i32 to vector<16xi32>
    %shift_right_arithmetic3A_48 = arith.shrsi %get3A_45, %shift_right_arithmetic3A_47 : vector<16xi32>
    %swap3A_49 = arith.constant 0 : i32
    %swap3A_50 = arith.index_cast %swap3A_49 : i32 to index
    %swap3A_51 = arith.constant 64 : index
    %swap3A_52 = tpu.vector_load %arg8[%swap3A_50, %swap3A_51] {strides = array<i32>} : memref<2x128xi32, #tpu.memory_space<vmem>>, vector<16xi32>,
    tpu.vector_store %arg8[%swap3A_50, %swap3A_51], %shift_right_arithmetic3A_48 {strides = array<i32>} : memref<2x128xi32, #tpu.memory_space<vmem>>, vector<16xi32>,
    %get3A_53 = arith.constant 0 : i32
    %get3A_54 = arith.index_cast %get3A_53 : i32 to index
    %get3A_55 = arith.constant 80 : index
    %get3A_56 = tpu.vector_load %arg6[%get3A_54, %get3A_55] {strides = array<i32>} : memref<200x128xi32, #tpu.memory_space<vmem>>, vector<16xi32>,
    %shift_right_arithmetic3A_57 = arith.constant 2 : i32
    %shift_right_arithmetic3A_58 = vector.broadcast %shift_right_arithmetic3A_57 : i32 to vector<16xi32>
    %shift_right_arithmetic3A_59 = arith.shrsi %get3A_56, %shift_right_arithmetic3A_58 : vector<16xi32>
    %swap3A_60 = arith.constant 0 : i32
    %swap3A_61 = arith.index_cast %swap3A_60 : i32 to index
    %swap3A_62 = arith.constant 80 : index
    %swap3A_63 = tpu.vector_load %arg8[%swap3A_61, %swap3A_62] {strides = array<i32>} : memref<2x128xi32, #tpu.memory_space<vmem>>, vector<16xi32>,
    tpu.vector_store %arg8[%swap3A_61, %swap3A_62], %shift_right_arithmetic3A_59 {strides = array<i32>} : memref<2x128xi32, #tpu.memory_space<vmem>>, vector<16xi32>,
    %get3A_64 = arith.constant 0 : i32
    %get3A_65 = arith.index_cast %get3A_64 : i32 to index
    %get3A_66 = arith.constant 96 : index
    %get3A_67 = tpu.vector_load %arg6[%get3A_65, %get3A_66] {strides = array<i32>} : memref<200x128xi32, #tpu.memory_space<vmem>>, vector<16xi32>,
    %shift_right_arithmetic3A_68 = arith.constant 2 : i32
    %shift_right_arithmetic3A_69 = vector.broadcast %shift_right_arithmetic3A_68 : i32 to vector<16xi32>
    %shift_right_arithmetic3A_70 = arith.shrsi %get3A_67, %shift_right_arithmetic3A_69 : vector<16xi32>
    %swap3A_71 = arith.constant 0 : i32
    %swap3A_72 = arith.index_cast %swap3A_71 : i32 to index
    %swap3A_73 = arith.constant 96 : index
    %swap3A_74 = tpu.vector_load %arg8[%swap3A_72, %swap3A_73] {strides = array<i32>} : memref<2x128xi32, #tpu.memory_space<vmem>>, vector<16xi32>,
    tpu.vector_store %arg8[%swap3A_72, %swap3A_73], %shift_right_arithmetic3A_70 {strides = array<i32>} : memref<2x128xi32, #tpu.memory_space<vmem>>, vector<16xi32>,
    %get3A_75 = arith.constant 0 : i32
    %get3A_76 = arith.index_cast %get3A_75 : i32 to index
    %get3A_77 = arith.constant 112 : index
    %get3A_78 = tpu.vector_load %arg6[%get3A_76, %get3A_77] {strides = array<i32>} : memref<200x128xi32, #tpu.memory_space<vmem>>, vector<16xi32>,
    %shift_right_arithmetic3A_79 = arith.constant 2 : i32
    %shift_right_arithmetic3A_80 = vector.broadcast %shift_right_arithmetic3A_79 : i32 to vector<16xi32>
    %shift_right_arithmetic3A_81 = arith.shrsi %get3A_78, %shift_right_arithmetic3A_80 : vector<16xi32>
    %swap3A_82 = arith.constant 0 : i32
    %swap3A_83 = arith.index_cast %swap3A_82 : i32 to index
    %swap3A_84 = arith.constant 112 : index
    %swap3A_85 = tpu.vector_load %arg8[%swap3A_83, %swap3A_84] {strides = array<i32>} : memref<2x128xi32, #tpu.memory_space<vmem>>, vector<16xi32>,
    tpu.vector_store %arg8[%swap3A_83, %swap3A_84], %shift_right_arithmetic3A_81 {strides = array<i32>} : memref<2x128xi32, #tpu.memory_space<vmem>>, vector<16xi32>,
    %dma_start3A = arith.constant 0 : i32
    %dma_start3A_86 = arith.constant 0 : i32
    %dma_start3A_87 = arith.constant 0 : i32
    %dma_start3A_88 = arith.constant 0 : i32
    %dma_start3A_89 = tpu.memref_slice %arg10[%dma_start3A_86, %dma_start3A_87, %dma_start3A_88] : memref<2x128x128xf32, #tpu.memory_space<vmem>> -> memref<1x64x128xf32, #tpu.memory_space<vmem>>
    %dma_start3A_90 = tpu.memref_squeeze %dma_start3A_89 : memref<1x64x128xf32, #tpu.memory_space<vmem>> -> memref<64x128xf32, #tpu.memory_space<vmem>>
    %dma_start3A_91 = arith.constant 0 : i32
    %dma_start3A_92 = tpu.memref_slice %arg8[%dma_start3A, %dma_start3A_91] : memref<2x128xi32, #tpu.memory_space<vmem>> -> memref<1x64xi32, #tpu.memory_space<vmem>>
    %dma_start3A_93 = tpu.memref_squeeze %dma_start3A_92 : memref<1x64xi32, #tpu.memory_space<vmem>> -> memref<64xi32, #tpu.memory_space<vmem>>
    %dma_start3A_94 = arith.constant 0 : i32
    %dma_start3A_95 = arith.constant 0 : i32
    %dma_start3A_96 = tpu.memref_slice %arg3[%dma_start3A_94, %dma_start3A_95] : memref<250000x128xf32, #tpu.memory_space<hbm>> -> memref<250000x128xf32, #tpu.memory_space<hbm>>
    tpu.enqueue_indirect_dma source(%dma_start3A_96 : memref<250000x128xf32, #tpu.memory_space<hbm>>) target(%dma_start3A_90 : memref<64x128xf32, #tpu.memory_space<vmem>>) offsets(%dma_start3A_93 : memref<64xi32, #tpu.memory_space<vmem>>) semaphore(%arg12 : memref<!tpu.dma_semaphore, #tpu.memory_space<semaphore_mem>>)
    %dma_start3A_97 = arith.constant 0 : i32
    %dma_start3A_98 = arith.constant 0 : i32
    %dma_start3A_99 = arith.constant 64 : i32
    %dma_start3A_100 = arith.constant 0 : i32
    %dma_start3A_101 = tpu.memref_slice %arg10[%dma_start3A_98, %dma_start3A_99, %dma_start3A_100] : memref<2x128x128xf32, #tpu.memory_space<vmem>> -> memref<1x64x128xf32, #tpu.memory_space<vmem>>
    %dma_start3A_102 = tpu.memref_squeeze %dma_start3A_101 : memref<1x64x128xf32, #tpu.memory_space<vmem>> -> memref<64x128xf32, #tpu.memory_space<vmem>>
    %dma_start3A_103 = arith.constant 64 : i32
    %dma_start3A_104 = tpu.memref_slice %arg8[%dma_start3A_97, %dma_start3A_103] : memref<2x128xi32, #tpu.memory_space<vmem>> -> memref<1x64xi32, #tpu.memory_space<vmem>>
    %dma_start3A_105 = tpu.memref_squeeze %dma_start3A_104 : memref<1x64xi32, #tpu.memory_space<vmem>> -> memref<64xi32, #tpu.memory_space<vmem>>
    %dma_start3A_106 = arith.constant 0 : i32
    %dma_start3A_107 = arith.constant 0 : i32
    %dma_start3A_108 = tpu.memref_slice %arg3[%dma_start3A_106, %dma_start3A_107] : memref<250000x128xf32, #tpu.memory_space<hbm>> -> memref<250000x128xf32, #tpu.memory_space<hbm>>
    tpu.enqueue_indirect_dma source(%dma_start3A_108 : memref<250000x128xf32, #tpu.memory_space<hbm>>) target(%dma_start3A_102 : memref<64x128xf32, #tpu.memory_space<vmem>>) offsets(%dma_start3A_105 : memref<64xi32, #tpu.memory_space<vmem>>) semaphore(%arg12 : memref<!tpu.dma_semaphore, #tpu.memory_space<semaphore_mem>>)
    %scan3A = arith.constant 0 : i32
    %scan3A_109 = arith.constant 100 : i32
    %scan3A_110 = arith.addi %scan3A, %scan3A_109 : i32
    %scan3A_111 = arith.constant 1 : i32
    scf.for %scan3A_264 = %scan3A to %scan3A_110 step %scan3A_111  : i32 {
      %mul3A_265 = arith.constant 2 : i32
      %mul3A_266 = arith.muli %scan3A_264, %mul3A_265 : i32
      %add3A_267 = arith.constant 0 : i32
      %add3A_268 = arith.addi %add3A_267, %mul3A_266 : i32
      %add3A_269 = arith.constant 0 : i32
      %add3A_270 = arith.addi %add3A_268, %add3A_269 : i32
      %add3A_271 = arith.constant 1 : i32
      %add3A_272 = arith.addi %add3A_270, %add3A_271 : i32
      %lt3A = arith.constant 200 : i32
      %lt3A_273 = arith.cmpi slt, %add3A_272, %lt3A : i32
      %convert_element_type3A = arith.extui %lt3A_273 : i1 to i32
      %cond3A = arith.constant 0 : i32
      %cond3A_274 = arith.cmpi ne, %convert_element_type3A, %cond3A : i32
      scf.if %cond3A_274 {
        %add3A_641 = arith.constant 1 : i32
        %add3A_642 = arith.addi %add3A_270, %add3A_641 : i32
        %get3A_643 = arith.index_cast %add3A_642 : i32 to index
        %get3A_644 = arith.constant 0 : index
        %get3A_645 = tpu.vector_load %arg6[%get3A_643, %get3A_644] {strides = array<i32>} : memref<200x128xi32, #tpu.memory_space<vmem>>, vector<16xi32>,
        %shift_right_arithmetic3A_646 = arith.constant 2 : i32
        %shift_right_arithmetic3A_647 = vector.broadcast %shift_right_arithmetic3A_646 : i32 to vector<16xi32>
        %shift_right_arithmetic3A_648 = arith.shrsi %get3A_645, %shift_right_arithmetic3A_647 : vector<16xi32>
        %swap3A_649 = arith.constant 1 : i32
        %swap3A_650 = arith.index_cast %swap3A_649 : i32 to index
        %swap3A_651 = arith.constant 0 : index
        %swap3A_652 = tpu.vector_load %arg8[%swap3A_650, %swap3A_651] {strides = array<i32>} : memref<2x128xi32, #tpu.memory_space<vmem>>, vector<16xi32>,
        tpu.vector_store %arg8[%swap3A_650, %swap3A_651], %shift_right_arithmetic3A_648 {strides = array<i32>} : memref<2x128xi32, #tpu.memory_space<vmem>>, vector<16xi32>,
        %get3A_653 = arith.index_cast %add3A_642 : i32 to index
        %get3A_654 = arith.constant 16 : index
        %get3A_655 = tpu.vector_load %arg6[%get3A_653, %get3A_654] {strides = array<i32>} : memref<200x128xi32, #tpu.memory_space<vmem>>, vector<16xi32>,
        %shift_right_arithmetic3A_656 = arith.constant 2 : i32
        %shift_right_arithmetic3A_657 = vector.broadcast %shift_right_arithmetic3A_656 : i32 to vector<16xi32>
        %shift_right_arithmetic3A_658 = arith.shrsi %get3A_655, %shift_right_arithmetic3A_657 : vector<16xi32>
        %swap3A_659 = arith.constant 1 : i32
        %swap3A_660 = arith.index_cast %swap3A_659 : i32 to index
        %swap3A_661 = arith.constant 16 : index
        %swap3A_662 = tpu.vector_load %arg8[%swap3A_660, %swap3A_661] {strides = array<i32>} : memref<2x128xi32, #tpu.memory_space<vmem>>, vector<16xi32>,
        tpu.vector_store %arg8[%swap3A_660, %swap3A_661], %shift_right_arithmetic3A_658 {strides = array<i32>} : memref<2x128xi32, #tpu.memory_space<vmem>>, vector<16xi32>,
        %get3A_663 = arith.index_cast %add3A_642 : i32 to index
        %get3A_664 = arith.constant 32 : index
        %get3A_665 = tpu.vector_load %arg6[%get3A_663, %get3A_664] {strides = array<i32>} : memref<200x128xi32, #tpu.memory_space<vmem>>, vector<16xi32>,
        %shift_right_arithmetic3A_666 = arith.constant 2 : i32
        %shift_right_arithmetic3A_667 = vector.broadcast %shift_right_arithmetic3A_666 : i32 to vector<16xi32>
        %shift_right_arithmetic3A_668 = arith.shrsi %get3A_665, %shift_right_arithmetic3A_667 : vector<16xi32>
        %swap3A_669 = arith.constant 1 : i32
        %swap3A_670 = arith.index_cast %swap3A_669 : i32 to index
        %swap3A_671 = arith.constant 32 : index
        %swap3A_672 = tpu.vector_load %arg8[%swap3A_670, %swap3A_671] {strides = array<i32>} : memref<2x128xi32, #tpu.memory_space<vmem>>, vector<16xi32>,
        tpu.vector_store %arg8[%swap3A_670, %swap3A_671], %shift_right_arithmetic3A_668 {strides = array<i32>} : memref<2x128xi32, #tpu.memory_space<vmem>>, vector<16xi32>,
        %get3A_673 = arith.index_cast %add3A_642 : i32 to index
        %get3A_674 = arith.constant 48 : index
        %get3A_675 = tpu.vector_load %arg6[%get3A_673, %get3A_674] {strides = array<i32>} : memref<200x128xi32, #tpu.memory_space<vmem>>, vector<16xi32>,
        %shift_right_arithmetic3A_676 = arith.constant 2 : i32
        %shift_right_arithmetic3A_677 = vector.broadcast %shift_right_arithmetic3A_676 : i32 to vector<16xi32>
        %shift_right_arithmetic3A_678 = arith.shrsi %get3A_675, %shift_right_arithmetic3A_677 : vector<16xi32>
        %swap3A_679 = arith.constant 1 : i32
        %swap3A_680 = arith.index_cast %swap3A_679 : i32 to index
        %swap3A_681 = arith.constant 48 : index
        %swap3A_682 = tpu.vector_load %arg8[%swap3A_680, %swap3A_681] {strides = array<i32>} : memref<2x128xi32, #tpu.memory_space<vmem>>, vector<16xi32>,
        tpu.vector_store %arg8[%swap3A_680, %swap3A_681], %shift_right_arithmetic3A_678 {strides = array<i32>} : memref<2x128xi32, #tpu.memory_space<vmem>>, vector<16xi32>,
        %get3A_683 = arith.index_cast %add3A_642 : i32 to index
        %get3A_684 = arith.constant 64 : index
        %get3A_685 = tpu.vector_load %arg6[%get3A_683, %get3A_684] {strides = array<i32>} : memref<200x128xi32, #tpu.memory_space<vmem>>, vector<16xi32>,
        %shift_right_arithmetic3A_686 = arith.constant 2 : i32
        %shift_right_arithmetic3A_687 = vector.broadcast %shift_right_arithmetic3A_686 : i32 to vector<16xi32>
        %shift_right_arithmetic3A_688 = arith.shrsi %get3A_685, %shift_right_arithmetic3A_687 : vector<16xi32>
        %swap3A_689 = arith.constant 1 : i32
        %swap3A_690 = arith.index_cast %swap3A_689 : i32 to index
        %swap3A_691 = arith.constant 64 : index
        %swap3A_692 = tpu.vector_load %arg8[%swap3A_690, %swap3A_691] {strides = array<i32>} : memref<2x128xi32, #tpu.memory_space<vmem>>, vector<16xi32>,
        tpu.vector_store %arg8[%swap3A_690, %swap3A_691], %shift_right_arithmetic3A_688 {strides = array<i32>} : memref<2x128xi32, #tpu.memory_space<vmem>>, vector<16xi32>,
        %get3A_693 = arith.index_cast %add3A_642 : i32 to index
        %get3A_694 = arith.constant 80 : index
        %get3A_695 = tpu.vector_load %arg6[%get3A_693, %get3A_694] {strides = array<i32>} : memref<200x128xi32, #tpu.memory_space<vmem>>, vector<16xi32>,
        %shift_right_arithmetic3A_696 = arith.constant 2 : i32
        %shift_right_arithmetic3A_697 = vector.broadcast %shift_right_arithmetic3A_696 : i32 to vector<16xi32>
        %shift_right_arithmetic3A_698 = arith.shrsi %get3A_695, %shift_right_arithmetic3A_697 : vector<16xi32>
        %swap3A_699 = arith.constant 1 : i32
        %swap3A_700 = arith.index_cast %swap3A_699 : i32 to index
        %swap3A_701 = arith.constant 80 : index
        %swap3A_702 = tpu.vector_load %arg8[%swap3A_700, %swap3A_701] {strides = array<i32>} : memref<2x128xi32, #tpu.memory_space<vmem>>, vector<16xi32>,
        tpu.vector_store %arg8[%swap3A_700, %swap3A_701], %shift_right_arithmetic3A_698 {strides = array<i32>} : memref<2x128xi32, #tpu.memory_space<vmem>>, vector<16xi32>,
        %get3A_703 = arith.index_cast %add3A_642 : i32 to index
        %get3A_704 = arith.constant 96 : index
        %get3A_705 = tpu.vector_load %arg6[%get3A_703, %get3A_704] {strides = array<i32>} : memref<200x128xi32, #tpu.memory_space<vmem>>, vector<16xi32>,
        %shift_right_arithmetic3A_706 = arith.constant 2 : i32
        %shift_right_arithmetic3A_707 = vector.broadcast %shift_right_arithmetic3A_706 : i32 to vector<16xi32>
        %shift_right_arithmetic3A_708 = arith.shrsi %get3A_705, %shift_right_arithmetic3A_707 : vector<16xi32>
        %swap3A_709 = arith.constant 1 : i32
        %swap3A_710 = arith.index_cast %swap3A_709 : i32 to index
        %swap3A_711 = arith.constant 96 : index
        %swap3A_712 = tpu.vector_load %arg8[%swap3A_710, %swap3A_711] {strides = array<i32>} : memref<2x128xi32, #tpu.memory_space<vmem>>, vector<16xi32>,
        tpu.vector_store %arg8[%swap3A_710, %swap3A_711], %shift_right_arithmetic3A_708 {strides = array<i32>} : memref<2x128xi32, #tpu.memory_space<vmem>>, vector<16xi32>,
        %get3A_713 = arith.index_cast %add3A_642 : i32 to index
        %get3A_714 = arith.constant 112 : index
        %get3A_715 = tpu.vector_load %arg6[%get3A_713, %get3A_714] {strides = array<i32>} : memref<200x128xi32, #tpu.memory_space<vmem>>, vector<16xi32>,
        %shift_right_arithmetic3A_716 = arith.constant 2 : i32
        %shift_right_arithmetic3A_717 = vector.broadcast %shift_right_arithmetic3A_716 : i32 to vector<16xi32>
        %shift_right_arithmetic3A_718 = arith.shrsi %get3A_715, %shift_right_arithmetic3A_717 : vector<16xi32>
        %swap3A_719 = arith.constant 1 : i32
        %swap3A_720 = arith.index_cast %swap3A_719 : i32 to index
        %swap3A_721 = arith.constant 112 : index
        %swap3A_722 = tpu.vector_load %arg8[%swap3A_720, %swap3A_721] {strides = array<i32>} : memref<2x128xi32, #tpu.memory_space<vmem>>, vector<16xi32>,
        tpu.vector_store %arg8[%swap3A_720, %swap3A_721], %shift_right_arithmetic3A_718 {strides = array<i32>} : memref<2x128xi32, #tpu.memory_space<vmem>>, vector<16xi32>,
        %dma_start3A_723 = arith.constant 1 : i32
        %dma_start3A_724 = arith.constant 1 : i32
        %dma_start3A_725 = arith.constant 0 : i32
        %dma_start3A_726 = arith.constant 0 : i32
        %dma_start3A_727 = tpu.memref_slice %arg10[%dma_start3A_724, %dma_start3A_725, %dma_start3A_726] : memref<2x128x128xf32, #tpu.memory_space<vmem>> -> memref<1x64x128xf32, #tpu.memory_space<vmem>>
        %dma_start3A_728 = tpu.memref_squeeze %dma_start3A_727 : memref<1x64x128xf32, #tpu.memory_space<vmem>> -> memref<64x128xf32, #tpu.memory_space<vmem>>
        %dma_start3A_729 = arith.constant 0 : i32
        %dma_start3A_730 = tpu.memref_slice %arg8[%dma_start3A_723, %dma_start3A_729] : memref<2x128xi32, #tpu.memory_space<vmem>> -> memref<1x64xi32, #tpu.memory_space<vmem>>
        %dma_start3A_731 = tpu.memref_squeeze %dma_start3A_730 : memref<1x64xi32, #tpu.memory_space<vmem>> -> memref<64xi32, #tpu.memory_space<vmem>>
        %dma_start3A_732 = arith.constant 0 : i32
        %dma_start3A_733 = arith.constant 0 : i32
        %dma_start3A_734 = tpu.memref_slice %arg3[%dma_start3A_732, %dma_start3A_733] : memref<250000x128xf32, #tpu.memory_space<hbm>> -> memref<250000x128xf32, #tpu.memory_space<hbm>>
        tpu.enqueue_indirect_dma source(%dma_start3A_734 : memref<250000x128xf32, #tpu.memory_space<hbm>>) target(%dma_start3A_728 : memref<64x128xf32, #tpu.memory_space<vmem>>) offsets(%dma_start3A_731 : memref<64xi32, #tpu.memory_space<vmem>>) semaphore(%arg13 : memref<!tpu.dma_semaphore, #tpu.memory_space<semaphore_mem>>)
        %dma_start3A_735 = arith.constant 1 : i32
        %dma_start3A_736 = arith.constant 1 : i32
        %dma_start3A_737 = arith.constant 64 : i32
        %dma_start3A_738 = arith.constant 0 : i32
        %dma_start3A_739 = tpu.memref_slice %arg10[%dma_start3A_736, %dma_start3A_737, %dma_start3A_738] : memref<2x128x128xf32, #tpu.memory_space<vmem>> -> memref<1x64x128xf32, #tpu.memory_space<vmem>>
        %dma_start3A_740 = tpu.memref_squeeze %dma_start3A_739 : memref<1x64x128xf32, #tpu.memory_space<vmem>> -> memref<64x128xf32, #tpu.memory_space<vmem>>
        %dma_start3A_741 = arith.constant 64 : i32
        %dma_start3A_742 = tpu.memref_slice %arg8[%dma_start3A_735, %dma_start3A_741] : memref<2x128xi32, #tpu.memory_space<vmem>> -> memref<1x64xi32, #tpu.memory_space<vmem>>
        %dma_start3A_743 = tpu.memref_squeeze %dma_start3A_742 : memref<1x64xi32, #tpu.memory_space<vmem>> -> memref<64xi32, #tpu.memory_space<vmem>>
        %dma_start3A_744 = arith.constant 0 : i32
        %dma_start3A_745 = arith.constant 0 : i32
        %dma_start3A_746 = tpu.memref_slice %arg3[%dma_start3A_744, %dma_start3A_745] : memref<250000x128xf32, #tpu.memory_space<hbm>> -> memref<250000x128xf32, #tpu.memory_space<hbm>>
        tpu.enqueue_indirect_dma source(%dma_start3A_746 : memref<250000x128xf32, #tpu.memory_space<hbm>>) target(%dma_start3A_740 : memref<64x128xf32, #tpu.memory_space<vmem>>) offsets(%dma_start3A_743 : memref<64xi32, #tpu.memory_space<vmem>>) semaphore(%arg13 : memref<!tpu.dma_semaphore, #tpu.memory_space<semaphore_mem>>)
      } else {
      }
      %dma_wait3A_275 = arith.constant 0 : i32
      %dma_wait3A_276 = arith.constant 0 : i32
      %dma_wait3A_277 = arith.constant 0 : i32
      %dma_wait3A_278 = arith.constant 0 : i32
      %dma_wait3A_279 = tpu.memref_slice %arg10[%dma_wait3A_276, %dma_wait3A_277, %dma_wait3A_278] : memref<2x128x128xf32, #tpu.memory_space<vmem>> -> memref<1x128x128xf32, #tpu.memory_space<vmem>>
      %dma_wait3A_280 = tpu.memref_squeeze %dma_wait3A_279 : memref<1x128x128xf32, #tpu.memory_space<vmem>> -> memref<128x128xf32, #tpu.memory_space<vmem>>
      %dma_wait3A_281 = arith.constant 0 : i32
      %dma_wait3A_282 = tpu.memref_slice %arg8[%dma_wait3A_275, %dma_wait3A_281] : memref<2x128xi32, #tpu.memory_space<vmem>> -> memref<1x128xi32, #tpu.memory_space<vmem>>
      %dma_wait3A_283 = tpu.memref_squeeze %dma_wait3A_282 : memref<1x128xi32, #tpu.memory_space<vmem>> -> memref<128xi32, #tpu.memory_space<vmem>>
      %dma_wait3A_284 = arith.constant 0 : i32
      %dma_wait3A_285 = arith.constant 0 : i32
      %dma_wait3A_286 = tpu.memref_slice %arg3[%dma_wait3A_284, %dma_wait3A_285] : memref<250000x128xf32, #tpu.memory_space<hbm>> -> memref<250000x128xf32, #tpu.memory_space<hbm>>
      tpu.wait_indirect_dma semaphore(%arg12 : memref<!tpu.dma_semaphore, #tpu.memory_space<semaphore_mem>>) src(%dma_wait3A_286 : memref<250000x128xf32, #tpu.memory_space<hbm>>) dst(%dma_wait3A_280 : memref<128x128xf32, #tpu.memory_space<vmem>>)
      %ge3A = arith.constant 2 : i32
      %ge3A_287 = arith.cmpi sge, %add3A_270, %ge3A : i32
      %convert_element_type3A_288 = arith.extui %ge3A_287 : i1 to i32
      %cond3A_289 = arith.constant 0 : i32
      %cond3A_290 = arith.cmpi ne, %convert_element_type3A_288, %cond3A_289 : i32
      scf.if %cond3A_290 {
        %sub3A = arith.constant 2 : i32
        %sub3A_641 = arith.subi %add3A_270, %sub3A : i32
        %dma_wait3A_642 = arith.constant 0 : i32
        %dma_wait3A_643 = arith.constant 0 : i32
        %dma_wait3A_644 = arith.constant 0 : i32
        %dma_wait3A_645 = arith.constant 0 : i32
        %dma_wait3A_646 = tpu.memref_slice %arg11[%dma_wait3A_642, %dma_wait3A_644, %dma_wait3A_645] : memref<2x32x128xf32, #tpu.memory_space<vmem>> -> memref<1x8x128xf32, #tpu.memory_space<vmem>>
        %dma_wait3A_647 = tpu.memref_squeeze %dma_wait3A_646 : memref<1x8x128xf32, #tpu.memory_space<vmem>> -> memref<8x128xf32, #tpu.memory_space<vmem>>
        %dma_wait3A_648 = arith.constant 0 : i32
        %dma_wait3A_649 = arith.constant 0 : i32
        %dma_wait3A_650 = tpu.memref_slice %arg5[%sub3A_641, %dma_wait3A_643, %add3A, %dma_wait3A_648, %dma_wait3A_649] : memref<200x4x32x8x128xf32, #tpu.memory_space<hbm>> -> memref<1x1x1x8x128xf32, #tpu.memory_space<hbm>>
        %dma_wait3A_651 = tpu.memref_squeeze %dma_wait3A_650 : memref<1x1x1x8x128xf32, #tpu.memory_space<hbm>> -> memref<8x128xf32, #tpu.memory_space<hbm>>
        %dma_wait3A_652 = arith.constant 0 : i32
        %dma_wait3A_653 = arith.constant 0 : i32
        %dma_wait3A_654 = tpu.memref_slice %arg5[%sub3A_641, %dma_wait3A_643, %add3A, %dma_wait3A_652, %dma_wait3A_653] : memref<200x4x32x8x128xf32, #tpu.memory_space<hbm>> -> memref<1x1x1x8x128xf32, #tpu.memory_space<hbm>>
        %dma_wait3A_655 = tpu.memref_squeeze %dma_wait3A_654 : memref<1x1x1x8x128xf32, #tpu.memory_space<hbm>> -> memref<8x128xf32, #tpu.memory_space<hbm>>
        %dma_wait3A_656 = arith.constant 0 : i32
        %dma_wait3A_657 = arith.constant 0 : i32
        %dma_wait3A_658 = tpu.memref_slice %arg11[%dma_wait3A_642, %dma_wait3A_656, %dma_wait3A_657] : memref<2x32x128xf32, #tpu.memory_space<vmem>> -> memref<1x8x128xf32, #tpu.memory_space<vmem>>
        %dma_wait3A_659 = tpu.memref_squeeze %dma_wait3A_658 : memref<1x8x128xf32, #tpu.memory_space<vmem>> -> memref<8x128xf32, #tpu.memory_space<vmem>>
        tpu.wait_dma2 semaphore(%arg14 : memref<!tpu.dma_semaphore, #tpu.memory_space<semaphore_mem>>) src(%dma_wait3A_659 : memref<8x128xf32, #tpu.memory_space<vmem>>) dst(%dma_wait3A_655 : memref<8x128xf32, #tpu.memory_space<hbm>>)
        %sub3A_660 = arith.constant 2 : i32
        %sub3A_661 = arith.subi %add3A_270, %sub3A_660 : i32
        %dma_wait3A_662 = arith.constant 0 : i32
        %dma_wait3A_663 = arith.constant 1 : i32
        %dma_wait3A_664 = arith.constant 8 : i32
        %dma_wait3A_665 = arith.constant 0 : i32
        %dma_wait3A_666 = tpu.memref_slice %arg11[%dma_wait3A_662, %dma_wait3A_664, %dma_wait3A_665] : memref<2x32x128xf32, #tpu.memory_space<vmem>> -> memref<1x8x128xf32, #tpu.memory_space<vmem>>
        %dma_wait3A_667 = tpu.memref_squeeze %dma_wait3A_666 : memref<1x8x128xf32, #tpu.memory_space<vmem>> -> memref<8x128xf32, #tpu.memory_space<vmem>>
        %dma_wait3A_668 = arith.constant 0 : i32
        %dma_wait3A_669 = arith.constant 0 : i32
        %dma_wait3A_670 = tpu.memref_slice %arg5[%sub3A_661, %dma_wait3A_663, %add3A, %dma_wait3A_668, %dma_wait3A_669] : memref<200x4x32x8x128xf32, #tpu.memory_space<hbm>> -> memref<1x1x1x8x128xf32, #tpu.memory_space<hbm>>
        %dma_wait3A_671 = tpu.memref_squeeze %dma_wait3A_670 : memref<1x1x1x8x128xf32, #tpu.memory_space<hbm>> -> memref<8x128xf32, #tpu.memory_space<hbm>>
        %dma_wait3A_672 = arith.constant 0 : i32
        %dma_wait3A_673 = arith.constant 0 : i32
        %dma_wait3A_674 = tpu.memref_slice %arg5[%sub3A_661, %dma_wait3A_663, %add3A, %dma_wait3A_672, %dma_wait3A_673] : memref<200x4x32x8x128xf32, #tpu.memory_space<hbm>> -> memref<1x1x1x8x128xf32, #tpu.memory_space<hbm>>
        %dma_wait3A_675 = tpu.memref_squeeze %dma_wait3A_674 : memref<1x1x1x8x128xf32, #tpu.memory_space<hbm>> -> memref<8x128xf32, #tpu.memory_space<hbm>>
        %dma_wait3A_676 = arith.constant 8 : i32
        %dma_wait3A_677 = arith.constant 0 : i32
        %dma_wait3A_678 = tpu.memref_slice %arg11[%dma_wait3A_662, %dma_wait3A_676, %dma_wait3A_677] : memref<2x32x128xf32, #tpu.memory_space<vmem>> -> memref<1x8x128xf32, #tpu.memory_space<vmem>>
        %dma_wait3A_679 = tpu.memref_squeeze %dma_wait3A_678 : memref<1x8x128xf32, #tpu.memory_space<vmem>> -> memref<8x128xf32, #tpu.memory_space<vmem>>
        tpu.wait_dma2 semaphore(%arg14 : memref<!tpu.dma_semaphore, #tpu.memory_space<semaphore_mem>>) src(%dma_wait3A_679 : memref<8x128xf32, #tpu.memory_space<vmem>>) dst(%dma_wait3A_675 : memref<8x128xf32, #tpu.memory_space<hbm>>)
        %sub3A_680 = arith.constant 2 : i32
        %sub3A_681 = arith.subi %add3A_270, %sub3A_680 : i32
        %dma_wait3A_682 = arith.constant 0 : i32
        %dma_wait3A_683 = arith.constant 2 : i32
        %dma_wait3A_684 = arith.constant 16 : i32
        %dma_wait3A_685 = arith.constant 0 : i32
        %dma_wait3A_686 = tpu.memref_slice %arg11[%dma_wait3A_682, %dma_wait3A_684, %dma_wait3A_685] : memref<2x32x128xf32, #tpu.memory_space<vmem>> -> memref<1x8x128xf32, #tpu.memory_space<vmem>>
        %dma_wait3A_687 = tpu.memref_squeeze %dma_wait3A_686 : memref<1x8x128xf32, #tpu.memory_space<vmem>> -> memref<8x128xf32, #tpu.memory_space<vmem>>
        %dma_wait3A_688 = arith.constant 0 : i32
        %dma_wait3A_689 = arith.constant 0 : i32
        %dma_wait3A_690 = tpu.memref_slice %arg5[%sub3A_681, %dma_wait3A_683, %add3A, %dma_wait3A_688, %dma_wait3A_689] : memref<200x4x32x8x128xf32, #tpu.memory_space<hbm>> -> memref<1x1x1x8x128xf32, #tpu.memory_space<hbm>>
        %dma_wait3A_691 = tpu.memref_squeeze %dma_wait3A_690 : memref<1x1x1x8x128xf32, #tpu.memory_space<hbm>> -> memref<8x128xf32, #tpu.memory_space<hbm>>
        %dma_wait3A_692 = arith.constant 0 : i32
        %dma_wait3A_693 = arith.constant 0 : i32
        %dma_wait3A_694 = tpu.memref_slice %arg5[%sub3A_681, %dma_wait3A_683, %add3A, %dma_wait3A_692, %dma_wait3A_693] : memref<200x4x32x8x128xf32, #tpu.memory_space<hbm>> -> memref<1x1x1x8x128xf32, #tpu.memory_space<hbm>>
        %dma_wait3A_695 = tpu.memref_squeeze %dma_wait3A_694 : memref<1x1x1x8x128xf32, #tpu.memory_space<hbm>> -> memref<8x128xf32, #tpu.memory_space<hbm>>
        %dma_wait3A_696 = arith.constant 16 : i32
        %dma_wait3A_697 = arith.constant 0 : i32
        %dma_wait3A_698 = tpu.memref_slice %arg11[%dma_wait3A_682, %dma_wait3A_696, %dma_wait3A_697] : memref<2x32x128xf32, #tpu.memory_space<vmem>> -> memref<1x8x128xf32, #tpu.memory_space<vmem>>
        %dma_wait3A_699 = tpu.memref_squeeze %dma_wait3A_698 : memref<1x8x128xf32, #tpu.memory_space<vmem>> -> memref<8x128xf32, #tpu.memory_space<vmem>>
        tpu.wait_dma2 semaphore(%arg14 : memref<!tpu.dma_semaphore, #tpu.memory_space<semaphore_mem>>) src(%dma_wait3A_699 : memref<8x128xf32, #tpu.memory_space<vmem>>) dst(%dma_wait3A_695 : memref<8x128xf32, #tpu.memory_space<hbm>>)
        %sub3A_700 = arith.constant 2 : i32
        %sub3A_701 = arith.subi %add3A_270, %sub3A_700 : i32
        %dma_wait3A_702 = arith.constant 0 : i32
        %dma_wait3A_703 = arith.constant 3 : i32
        %dma_wait3A_704 = arith.constant 24 : i32
        %dma_wait3A_705 = arith.constant 0 : i32
        %dma_wait3A_706 = tpu.memref_slice %arg11[%dma_wait3A_702, %dma_wait3A_704, %dma_wait3A_705] : memref<2x32x128xf32, #tpu.memory_space<vmem>> -> memref<1x8x128xf32, #tpu.memory_space<vmem>>
        %dma_wait3A_707 = tpu.memref_squeeze %dma_wait3A_706 : memref<1x8x128xf32, #tpu.memory_space<vmem>> -> memref<8x128xf32, #tpu.memory_space<vmem>>
        %dma_wait3A_708 = arith.constant 0 : i32
        %dma_wait3A_709 = arith.constant 0 : i32
        %dma_wait3A_710 = tpu.memref_slice %arg5[%sub3A_701, %dma_wait3A_703, %add3A, %dma_wait3A_708, %dma_wait3A_709] : memref<200x4x32x8x128xf32, #tpu.memory_space<hbm>> -> memref<1x1x1x8x128xf32, #tpu.memory_space<hbm>>
        %dma_wait3A_711 = tpu.memref_squeeze %dma_wait3A_710 : memref<1x1x1x8x128xf32, #tpu.memory_space<hbm>> -> memref<8x128xf32, #tpu.memory_space<hbm>>
        %dma_wait3A_712 = arith.constant 0 : i32
        %dma_wait3A_713 = arith.constant 0 : i32
        %dma_wait3A_714 = tpu.memref_slice %arg5[%sub3A_701, %dma_wait3A_703, %add3A, %dma_wait3A_712, %dma_wait3A_713] : memref<200x4x32x8x128xf32, #tpu.memory_space<hbm>> -> memref<1x1x1x8x128xf32, #tpu.memory_space<hbm>>
        %dma_wait3A_715 = tpu.memref_squeeze %dma_wait3A_714 : memref<1x1x1x8x128xf32, #tpu.memory_space<hbm>> -> memref<8x128xf32, #tpu.memory_space<hbm>>
        %dma_wait3A_716 = arith.constant 24 : i32
        %dma_wait3A_717 = arith.constant 0 : i32
        %dma_wait3A_718 = tpu.memref_slice %arg11[%dma_wait3A_702, %dma_wait3A_716, %dma_wait3A_717] : memref<2x32x128xf32, #tpu.memory_space<vmem>> -> memref<1x8x128xf32, #tpu.memory_space<vmem>>
        %dma_wait3A_719 = tpu.memref_squeeze %dma_wait3A_718 : memref<1x8x128xf32, #tpu.memory_space<vmem>> -> memref<8x128xf32, #tpu.memory_space<vmem>>
        tpu.wait_dma2 semaphore(%arg14 : memref<!tpu.dma_semaphore, #tpu.memory_space<semaphore_mem>>) src(%dma_wait3A_719 : memref<8x128xf32, #tpu.memory_space<vmem>>) dst(%dma_wait3A_715 : memref<8x128xf32, #tpu.memory_space<hbm>>)
      } else {
      }
      %get3A_291 = arith.index_cast %add3A_270 : i32 to index
      %get3A_292 = arith.constant 0 : index
      %get3A_293 = tpu.vector_load %arg6[%get3A_291, %get3A_292] {strides = array<i32>} : memref<200x128xi32, #tpu.memory_space<vmem>>, vector<16xi32>,
      %and3A = arith.constant 3 : i32
      %and3A_294 = vector.broadcast %and3A : i32 to vector<16xi32>
      %and3A_295 = arith.andi %get3A_293, %and3A_294 : vector<16xi32>
      %shift_left3A = arith.constant 5 : i32
      %shift_left3A_296 = vector.broadcast %shift_left3A : i32 to vector<16xi32>
      %shift_left3A_297 = arith.shli %and3A_295, %shift_left3A_296 : vector<16xi32>
      %swap3A_298 = arith.constant 0 : index
      %swap3A_299 = tpu.vector_load %arg9[%swap3A_298] {strides = array<i32>} : memref<128xi32, #tpu.memory_space<vmem>>, vector<16xi32>,
      tpu.vector_store %arg9[%swap3A_298], %shift_left3A_297 {strides = array<i32>} : memref<128xi32, #tpu.memory_space<vmem>>, vector<16xi32>,
      %get3A_300 = arith.index_cast %add3A_270 : i32 to index
      %get3A_301 = arith.constant 16 : index
      %get3A_302 = tpu.vector_load %arg6[%get3A_300, %get3A_301] {strides = array<i32>} : memref<200x128xi32, #tpu.memory_space<vmem>>, vector<16xi32>,
      %and3A_303 = arith.constant 3 : i32
      %and3A_304 = vector.broadcast %and3A_303 : i32 to vector<16xi32>
      %and3A_305 = arith.andi %get3A_302, %and3A_304 : vector<16xi32>
      %shift_left3A_306 = arith.constant 5 : i32
      %shift_left3A_307 = vector.broadcast %shift_left3A_306 : i32 to vector<16xi32>
      %shift_left3A_308 = arith.shli %and3A_305, %shift_left3A_307 : vector<16xi32>
      %swap3A_309 = arith.constant 16 : index
      %swap3A_310 = tpu.vector_load %arg9[%swap3A_309] {strides = array<i32>} : memref<128xi32, #tpu.memory_space<vmem>>, vector<16xi32>,
      tpu.vector_store %arg9[%swap3A_309], %shift_left3A_308 {strides = array<i32>} : memref<128xi32, #tpu.memory_space<vmem>>, vector<16xi32>,
      %get3A_311 = arith.index_cast %add3A_270 : i32 to index
      %get3A_312 = arith.constant 32 : index
      %get3A_313 = tpu.vector_load %arg6[%get3A_311, %get3A_312] {strides = array<i32>} : memref<200x128xi32, #tpu.memory_space<vmem>>, vector<16xi32>,
      %and3A_314 = arith.constant 3 : i32
      %and3A_315 = vector.broadcast %and3A_314 : i32 to vector<16xi32>
      %and3A_316 = arith.andi %get3A_313, %and3A_315 : vector<16xi32>
      %shift_left3A_317 = arith.constant 5 : i32
      %shift_left3A_318 = vector.broadcast %shift_left3A_317 : i32 to vector<16xi32>
      %shift_left3A_319 = arith.shli %and3A_316, %shift_left3A_318 : vector<16xi32>
      %swap3A_320 = arith.constant 32 : index
      %swap3A_321 = tpu.vector_load %arg9[%swap3A_320] {strides = array<i32>} : memref<128xi32, #tpu.memory_space<vmem>>, vector<16xi32>,
      tpu.vector_store %arg9[%swap3A_320], %shift_left3A_319 {strides = array<i32>} : memref<128xi32, #tpu.memory_space<vmem>>, vector<16xi32>,
      %get3A_322 = arith.index_cast %add3A_270 : i32 to index
      %get3A_323 = arith.constant 48 : index
      %get3A_324 = tpu.vector_load %arg6[%get3A_322, %get3A_323] {strides = array<i32>} : memref<200x128xi32, #tpu.memory_space<vmem>>, vector<16xi32>,
      %and3A_325 = arith.constant 3 : i32
      %and3A_326 = vector.broadcast %and3A_325 : i32 to vector<16xi32>
      %and3A_327 = arith.andi %get3A_324, %and3A_326 : vector<16xi32>
      %shift_left3A_328 = arith.constant 5 : i32
      %shift_left3A_329 = vector.broadcast %shift_left3A_328 : i32 to vector<16xi32>
      %shift_left3A_330 = arith.shli %and3A_327, %shift_left3A_329 : vector<16xi32>
      %swap3A_331 = arith.constant 48 : index
      %swap3A_332 = tpu.vector_load %arg9[%swap3A_331] {strides = array<i32>} : memref<128xi32, #tpu.memory_space<vmem>>, vector<16xi32>,
      tpu.vector_store %arg9[%swap3A_331], %shift_left3A_330 {strides = array<i32>} : memref<128xi32, #tpu.memory_space<vmem>>, vector<16xi32>,
      %get3A_333 = arith.index_cast %add3A_270 : i32 to index
      %get3A_334 = arith.constant 64 : index
      %get3A_335 = tpu.vector_load %arg6[%get3A_333, %get3A_334] {strides = array<i32>} : memref<200x128xi32, #tpu.memory_space<vmem>>, vector<16xi32>,
      %and3A_336 = arith.constant 3 : i32
      %and3A_337 = vector.broadcast %and3A_336 : i32 to vector<16xi32>
      %and3A_338 = arith.andi %get3A_335, %and3A_337 : vector<16xi32>
      %shift_left3A_339 = arith.constant 5 : i32
      %shift_left3A_340 = vector.broadcast %shift_left3A_339 : i32 to vector<16xi32>
      %shift_left3A_341 = arith.shli %and3A_338, %shift_left3A_340 : vector<16xi32>
      %swap3A_342 = arith.constant 64 : index
      %swap3A_343 = tpu.vector_load %arg9[%swap3A_342] {strides = array<i32>} : memref<128xi32, #tpu.memory_space<vmem>>, vector<16xi32>,
      tpu.vector_store %arg9[%swap3A_342], %shift_left3A_341 {strides = array<i32>} : memref<128xi32, #tpu.memory_space<vmem>>, vector<16xi32>,
      %get3A_344 = arith.index_cast %add3A_270 : i32 to index
      %get3A_345 = arith.constant 80 : index
      %get3A_346 = tpu.vector_load %arg6[%get3A_344, %get3A_345] {strides = array<i32>} : memref<200x128xi32, #tpu.memory_space<vmem>>, vector<16xi32>,
      %and3A_347 = arith.constant 3 : i32
      %and3A_348 = vector.broadcast %and3A_347 : i32 to vector<16xi32>
      %and3A_349 = arith.andi %get3A_346, %and3A_348 : vector<16xi32>
      %shift_left3A_350 = arith.constant 5 : i32
      %shift_left3A_351 = vector.broadcast %shift_left3A_350 : i32 to vector<16xi32>
      %shift_left3A_352 = arith.shli %and3A_349, %shift_left3A_351 : vector<16xi32>
      %swap3A_353 = arith.constant 80 : index
      %swap3A_354 = tpu.vector_load %arg9[%swap3A_353] {strides = array<i32>} : memref<128xi32, #tpu.memory_space<vmem>>, vector<16xi32>,
      tpu.vector_store %arg9[%swap3A_353], %shift_left3A_352 {strides = array<i32>} : memref<128xi32, #tpu.memory_space<vmem>>, vector<16xi32>,
      %get3A_355 = arith.index_cast %add3A_270 : i32 to index
      %get3A_356 = arith.constant 96 : index
      %get3A_357 = tpu.vector_load %arg6[%get3A_355, %get3A_356] {strides = array<i32>} : memref<200x128xi32, #tpu.memory_space<vmem>>, vector<16xi32>,
      %and3A_358 = arith.constant 3 : i32
      %and3A_359 = vector.broadcast %and3A_358 : i32 to vector<16xi32>
      %and3A_360 = arith.andi %get3A_357, %and3A_359 : vector<16xi32>
      %shift_left3A_361 = arith.constant 5 : i32
      %shift_left3A_362 = vector.broadcast %shift_left3A_361 : i32 to vector<16xi32>
      %shift_left3A_363 = arith.shli %and3A_360, %shift_left3A_362 : vector<16xi32>
      %swap3A_364 = arith.constant 96 : index
      %swap3A_365 = tpu.vector_load %arg9[%swap3A_364] {strides = array<i32>} : memref<128xi32, #tpu.memory_space<vmem>>, vector<16xi32>,
      tpu.vector_store %arg9[%swap3A_364], %shift_left3A_363 {strides = array<i32>} : memref<128xi32, #tpu.memory_space<vmem>>, vector<16xi32>,
      %get3A_366 = arith.index_cast %add3A_270 : i32 to index
      %get3A_367 = arith.constant 112 : index
      %get3A_368 = tpu.vector_load %arg6[%get3A_366, %get3A_367] {strides = array<i32>} : memref<200x128xi32, #tpu.memory_space<vmem>>, vector<16xi32>,
      %and3A_369 = arith.constant 3 : i32
      %and3A_370 = vector.broadcast %and3A_369 : i32 to vector<16xi32>
      %and3A_371 = arith.andi %get3A_368, %and3A_370 : vector<16xi32>
      %shift_left3A_372 = arith.constant 5 : i32
      %shift_left3A_373 = vector.broadcast %shift_left3A_372 : i32 to vector<16xi32>
      %shift_left3A_374 = arith.shli %and3A_371, %shift_left3A_373 : vector<16xi32>
      %swap3A_375 = arith.constant 112 : index
      %swap3A_376 = tpu.vector_load %arg9[%swap3A_375] {strides = array<i32>} : memref<128xi32, #tpu.memory_space<vmem>>, vector<16xi32>,
      tpu.vector_store %arg9[%swap3A_375], %shift_left3A_374 {strides = array<i32>} : memref<128xi32, #tpu.memory_space<vmem>>, vector<16xi32>,
      %broadcast_in_dim3A = vector.broadcast %add3A_270 : i32 to vector<16xi32>
      %parallel_loop3A = arith.constant 0 : i32
      %parallel_loop3A_377 = arith.constant 32 : i32
      %parallel_loop3A_378 = arith.constant 1 : i32
      scf.for %parallel_loop3A_641 = %parallel_loop3A to %parallel_loop3A_377 step %parallel_loop3A_378  : i32 {
        %parallel_loop3A_642 = vector.broadcast %parallel_loop3A_641 : i32 to vector<16xi32>
        %parallel_loop3A_643 = tpu.vector_load_idx %arg7[%parallel_loop3A_642, %broadcast_in_dim3A] : memref<32x200xf32, #tpu.memory_space<vmem>>[vector<16xi32>, vector<16xi32>], vector<16xf32>,
        %parallel_loop3A_644 = arith.constant 0 : i32
        %parallel_loop3A_645 = vector.broadcast %parallel_loop3A_644 : i32 to vector<16xi32>
        %parallel_loop3A_646 = arith.addi %iota3A, %parallel_loop3A_645 : vector<16xi32>
        %parallel_loop3A_647 = arith.constant 0 : index
        %parallel_loop3A_648 = tpu.vector_load %arg9[%parallel_loop3A_647] {strides = array<i32>} : memref<128xi32, #tpu.memory_space<vmem>>, vector<16xi32>,
        %parallel_loop3A_649 = arith.addi %parallel_loop3A_648, %parallel_loop3A_642 : vector<16xi32>
        %parallel_loop3A_650 = arith.constant 0 : i32
        %parallel_loop3A_651 = arith.constant 0 : i32
        %parallel_loop3A_652 = arith.constant 0 : i32
        %parallel_loop3A_653 = tpu.memref_slice %arg10[%parallel_loop3A_650, %parallel_loop3A_651, %parallel_loop3A_652] : memref<2x128x128xf32, #tpu.memory_space<vmem>> -> memref<1x128x128xf32, #tpu.memory_space<vmem>>
        %parallel_loop3A_654 = tpu.memref_squeeze %parallel_loop3A_653 : memref<1x128x128xf32, #tpu.memory_space<vmem>> -> memref<128x128xf32, #tpu.memory_space<vmem>>
        %parallel_loop3A_655 = tpu.vector_load_idx %parallel_loop3A_654[%parallel_loop3A_646, %parallel_loop3A_649] : memref<128x128xf32, #tpu.memory_space<vmem>>[vector<16xi32>, vector<16xi32>], vector<16xf32>,
        %parallel_loop3A_656 = arith.addf %parallel_loop3A_655, %parallel_loop3A_643 : vector<16xf32>
        %parallel_loop3A_657 = arith.constant 0 : i32
        %parallel_loop3A_658 = arith.index_cast %parallel_loop3A_657 : i32 to index
        %parallel_loop3A_659 = arith.index_cast %parallel_loop3A_641 : i32 to index
        %parallel_loop3A_660 = arith.constant 0 : index
        %parallel_loop3A_661 = tpu.vector_load %arg11[%parallel_loop3A_658, %parallel_loop3A_659, %parallel_loop3A_660] {strides = array<i32>} : memref<2x32x128xf32, #tpu.memory_space<vmem>>, vector<16xf32>,
        tpu.vector_store %arg11[%parallel_loop3A_658, %parallel_loop3A_659, %parallel_loop3A_660], %parallel_loop3A_656 {strides = array<i32>} : memref<2x32x128xf32, #tpu.memory_space<vmem>>, vector<16xf32>,
        %parallel_loop3A_662 = arith.constant 16 : i32
        %parallel_loop3A_663 = vector.broadcast %parallel_loop3A_662 : i32 to vector<16xi32>
        %parallel_loop3A_664 = arith.addi %iota3A, %parallel_loop3A_663 : vector<16xi32>
        %parallel_loop3A_665 = arith.constant 16 : index
        %parallel_loop3A_666 = tpu.vector_load %arg9[%parallel_loop3A_665] {strides = array<i32>} : memref<128xi32, #tpu.memory_space<vmem>>, vector<16xi32>,
        %parallel_loop3A_667 = arith.addi %parallel_loop3A_666, %parallel_loop3A_642 : vector<16xi32>
        %parallel_loop3A_668 = arith.constant 0 : i32
        %parallel_loop3A_669 = arith.constant 0 : i32
        %parallel_loop3A_670 = arith.constant 0 : i32
        %parallel_loop3A_671 = tpu.memref_slice %arg10[%parallel_loop3A_668, %parallel_loop3A_669, %parallel_loop3A_670] : memref<2x128x128xf32, #tpu.memory_space<vmem>> -> memref<1x128x128xf32, #tpu.memory_space<vmem>>
        %parallel_loop3A_672 = tpu.memref_squeeze %parallel_loop3A_671 : memref<1x128x128xf32, #tpu.memory_space<vmem>> -> memref<128x128xf32, #tpu.memory_space<vmem>>
        %parallel_loop3A_673 = tpu.vector_load_idx %parallel_loop3A_672[%parallel_loop3A_664, %parallel_loop3A_667] : memref<128x128xf32, #tpu.memory_space<vmem>>[vector<16xi32>, vector<16xi32>], vector<16xf32>,
        %parallel_loop3A_674 = arith.addf %parallel_loop3A_673, %parallel_loop3A_643 : vector<16xf32>
        %parallel_loop3A_675 = arith.constant 0 : i32
        %parallel_loop3A_676 = arith.index_cast %parallel_loop3A_675 : i32 to index
        %parallel_loop3A_677 = arith.index_cast %parallel_loop3A_641 : i32 to index
        %parallel_loop3A_678 = arith.constant 16 : index
        %parallel_loop3A_679 = tpu.vector_load %arg11[%parallel_loop3A_676, %parallel_loop3A_677, %parallel_loop3A_678] {strides = array<i32>} : memref<2x32x128xf32, #tpu.memory_space<vmem>>, vector<16xf32>,
        tpu.vector_store %arg11[%parallel_loop3A_676, %parallel_loop3A_677, %parallel_loop3A_678], %parallel_loop3A_674 {strides = array<i32>} : memref<2x32x128xf32, #tpu.memory_space<vmem>>, vector<16xf32>,
        %parallel_loop3A_680 = arith.constant 32 : i32
        %parallel_loop3A_681 = vector.broadcast %parallel_loop3A_680 : i32 to vector<16xi32>
        %parallel_loop3A_682 = arith.addi %iota3A, %parallel_loop3A_681 : vector<16xi32>
        %parallel_loop3A_683 = arith.constant 32 : index
        %parallel_loop3A_684 = tpu.vector_load %arg9[%parallel_loop3A_683] {strides = array<i32>} : memref<128xi32, #tpu.memory_space<vmem>>, vector<16xi32>,
        %parallel_loop3A_685 = arith.addi %parallel_loop3A_684, %parallel_loop3A_642 : vector<16xi32>
        %parallel_loop3A_686 = arith.constant 0 : i32
        %parallel_loop3A_687 = arith.constant 0 : i32
        %parallel_loop3A_688 = arith.constant 0 : i32
        %parallel_loop3A_689 = tpu.memref_slice %arg10[%parallel_loop3A_686, %parallel_loop3A_687, %parallel_loop3A_688] : memref<2x128x128xf32, #tpu.memory_space<vmem>> -> memref<1x128x128xf32, #tpu.memory_space<vmem>>
        %parallel_loop3A_690 = tpu.memref_squeeze %parallel_loop3A_689 : memref<1x128x128xf32, #tpu.memory_space<vmem>> -> memref<128x128xf32, #tpu.memory_space<vmem>>
        %parallel_loop3A_691 = tpu.vector_load_idx %parallel_loop3A_690[%parallel_loop3A_682, %parallel_loop3A_685] : memref<128x128xf32, #tpu.memory_space<vmem>>[vector<16xi32>, vector<16xi32>], vector<16xf32>,
        %parallel_loop3A_692 = arith.addf %parallel_loop3A_691, %parallel_loop3A_643 : vector<16xf32>
        %parallel_loop3A_693 = arith.constant 0 : i32
        %parallel_loop3A_694 = arith.index_cast %parallel_loop3A_693 : i32 to index
        %parallel_loop3A_695 = arith.index_cast %parallel_loop3A_641 : i32 to index
        %parallel_loop3A_696 = arith.constant 32 : index
        %parallel_loop3A_697 = tpu.vector_load %arg11[%parallel_loop3A_694, %parallel_loop3A_695, %parallel_loop3A_696] {strides = array<i32>} : memref<2x32x128xf32, #tpu.memory_space<vmem>>, vector<16xf32>,
        tpu.vector_store %arg11[%parallel_loop3A_694, %parallel_loop3A_695, %parallel_loop3A_696], %parallel_loop3A_692 {strides = array<i32>} : memref<2x32x128xf32, #tpu.memory_space<vmem>>, vector<16xf32>,
        %parallel_loop3A_698 = arith.constant 48 : i32
        %parallel_loop3A_699 = vector.broadcast %parallel_loop3A_698 : i32 to vector<16xi32>
        %parallel_loop3A_700 = arith.addi %iota3A, %parallel_loop3A_699 : vector<16xi32>
        %parallel_loop3A_701 = arith.constant 48 : index
        %parallel_loop3A_702 = tpu.vector_load %arg9[%parallel_loop3A_701] {strides = array<i32>} : memref<128xi32, #tpu.memory_space<vmem>>, vector<16xi32>,
        %parallel_loop3A_703 = arith.addi %parallel_loop3A_702, %parallel_loop3A_642 : vector<16xi32>
        %parallel_loop3A_704 = arith.constant 0 : i32
        %parallel_loop3A_705 = arith.constant 0 : i32
        %parallel_loop3A_706 = arith.constant 0 : i32
        %parallel_loop3A_707 = tpu.memref_slice %arg10[%parallel_loop3A_704, %parallel_loop3A_705, %parallel_loop3A_706] : memref<2x128x128xf32, #tpu.memory_space<vmem>> -> memref<1x128x128xf32, #tpu.memory_space<vmem>>
        %parallel_loop3A_708 = tpu.memref_squeeze %parallel_loop3A_707 : memref<1x128x128xf32, #tpu.memory_space<vmem>> -> memref<128x128xf32, #tpu.memory_space<vmem>>
        %parallel_loop3A_709 = tpu.vector_load_idx %parallel_loop3A_708[%parallel_loop3A_700, %parallel_loop3A_703] : memref<128x128xf32, #tpu.memory_space<vmem>>[vector<16xi32>, vector<16xi32>], vector<16xf32>,
        %parallel_loop3A_710 = arith.addf %parallel_loop3A_709, %parallel_loop3A_643 : vector<16xf32>
        %parallel_loop3A_711 = arith.constant 0 : i32
        %parallel_loop3A_712 = arith.index_cast %parallel_loop3A_711 : i32 to index
        %parallel_loop3A_713 = arith.index_cast %parallel_loop3A_641 : i32 to index
        %parallel_loop3A_714 = arith.constant 48 : index
        %parallel_loop3A_715 = tpu.vector_load %arg11[%parallel_loop3A_712, %parallel_loop3A_713, %parallel_loop3A_714] {strides = array<i32>} : memref<2x32x128xf32, #tpu.memory_space<vmem>>, vector<16xf32>,
        tpu.vector_store %arg11[%parallel_loop3A_712, %parallel_loop3A_713, %parallel_loop3A_714], %parallel_loop3A_710 {strides = array<i32>} : memref<2x32x128xf32, #tpu.memory_space<vmem>>, vector<16xf32>,
        %parallel_loop3A_716 = arith.constant 64 : i32
        %parallel_loop3A_717 = vector.broadcast %parallel_loop3A_716 : i32 to vector<16xi32>
        %parallel_loop3A_718 = arith.addi %iota3A, %parallel_loop3A_717 : vector<16xi32>
        %parallel_loop3A_719 = arith.constant 64 : index
        %parallel_loop3A_720 = tpu.vector_load %arg9[%parallel_loop3A_719] {strides = array<i32>} : memref<128xi32, #tpu.memory_space<vmem>>, vector<16xi32>,
        %parallel_loop3A_721 = arith.addi %parallel_loop3A_720, %parallel_loop3A_642 : vector<16xi32>
        %parallel_loop3A_722 = arith.constant 0 : i32
        %parallel_loop3A_723 = arith.constant 0 : i32
        %parallel_loop3A_724 = arith.constant 0 : i32
        %parallel_loop3A_725 = tpu.memref_slice %arg10[%parallel_loop3A_722, %parallel_loop3A_723, %parallel_loop3A_724] : memref<2x128x128xf32, #tpu.memory_space<vmem>> -> memref<1x128x128xf32, #tpu.memory_space<vmem>>
        %parallel_loop3A_726 = tpu.memref_squeeze %parallel_loop3A_725 : memref<1x128x128xf32, #tpu.memory_space<vmem>> -> memref<128x128xf32, #tpu.memory_space<vmem>>
        %parallel_loop3A_727 = tpu.vector_load_idx %parallel_loop3A_726[%parallel_loop3A_718, %parallel_loop3A_721] : memref<128x128xf32, #tpu.memory_space<vmem>>[vector<16xi32>, vector<16xi32>], vector<16xf32>,
        %parallel_loop3A_728 = arith.addf %parallel_loop3A_727, %parallel_loop3A_643 : vector<16xf32>
        %parallel_loop3A_729 = arith.constant 0 : i32
        %parallel_loop3A_730 = arith.index_cast %parallel_loop3A_729 : i32 to index
        %parallel_loop3A_731 = arith.index_cast %parallel_loop3A_641 : i32 to index
        %parallel_loop3A_732 = arith.constant 64 : index
        %parallel_loop3A_733 = tpu.vector_load %arg11[%parallel_loop3A_730, %parallel_loop3A_731, %parallel_loop3A_732] {strides = array<i32>} : memref<2x32x128xf32, #tpu.memory_space<vmem>>, vector<16xf32>,
        tpu.vector_store %arg11[%parallel_loop3A_730, %parallel_loop3A_731, %parallel_loop3A_732], %parallel_loop3A_728 {strides = array<i32>} : memref<2x32x128xf32, #tpu.memory_space<vmem>>, vector<16xf32>,
        %parallel_loop3A_734 = arith.constant 80 : i32
        %parallel_loop3A_735 = vector.broadcast %parallel_loop3A_734 : i32 to vector<16xi32>
        %parallel_loop3A_736 = arith.addi %iota3A, %parallel_loop3A_735 : vector<16xi32>
        %parallel_loop3A_737 = arith.constant 80 : index
        %parallel_loop3A_738 = tpu.vector_load %arg9[%parallel_loop3A_737] {strides = array<i32>} : memref<128xi32, #tpu.memory_space<vmem>>, vector<16xi32>,
        %parallel_loop3A_739 = arith.addi %parallel_loop3A_738, %parallel_loop3A_642 : vector<16xi32>
        %parallel_loop3A_740 = arith.constant 0 : i32
        %parallel_loop3A_741 = arith.constant 0 : i32
        %parallel_loop3A_742 = arith.constant 0 : i32
        %parallel_loop3A_743 = tpu.memref_slice %arg10[%parallel_loop3A_740, %parallel_loop3A_741, %parallel_loop3A_742] : memref<2x128x128xf32, #tpu.memory_space<vmem>> -> memref<1x128x128xf32, #tpu.memory_space<vmem>>
        %parallel_loop3A_744 = tpu.memref_squeeze %parallel_loop3A_743 : memref<1x128x128xf32, #tpu.memory_space<vmem>> -> memref<128x128xf32, #tpu.memory_space<vmem>>
        %parallel_loop3A_745 = tpu.vector_load_idx %parallel_loop3A_744[%parallel_loop3A_736, %parallel_loop3A_739] : memref<128x128xf32, #tpu.memory_space<vmem>>[vector<16xi32>, vector<16xi32>], vector<16xf32>,
        %parallel_loop3A_746 = arith.addf %parallel_loop3A_745, %parallel_loop3A_643 : vector<16xf32>
        %parallel_loop3A_747 = arith.constant 0 : i32
        %parallel_loop3A_748 = arith.index_cast %parallel_loop3A_747 : i32 to index
        %parallel_loop3A_749 = arith.index_cast %parallel_loop3A_641 : i32 to index
        %parallel_loop3A_750 = arith.constant 80 : index
        %parallel_loop3A_751 = tpu.vector_load %arg11[%parallel_loop3A_748, %parallel_loop3A_749, %parallel_loop3A_750] {strides = array<i32>} : memref<2x32x128xf32, #tpu.memory_space<vmem>>, vector<16xf32>,
        tpu.vector_store %arg11[%parallel_loop3A_748, %parallel_loop3A_749, %parallel_loop3A_750], %parallel_loop3A_746 {strides = array<i32>} : memref<2x32x128xf32, #tpu.memory_space<vmem>>, vector<16xf32>,
        %parallel_loop3A_752 = arith.constant 96 : i32
        %parallel_loop3A_753 = vector.broadcast %parallel_loop3A_752 : i32 to vector<16xi32>
        %parallel_loop3A_754 = arith.addi %iota3A, %parallel_loop3A_753 : vector<16xi32>
        %parallel_loop3A_755 = arith.constant 96 : index
        %parallel_loop3A_756 = tpu.vector_load %arg9[%parallel_loop3A_755] {strides = array<i32>} : memref<128xi32, #tpu.memory_space<vmem>>, vector<16xi32>,
        %parallel_loop3A_757 = arith.addi %parallel_loop3A_756, %parallel_loop3A_642 : vector<16xi32>
        %parallel_loop3A_758 = arith.constant 0 : i32
        %parallel_loop3A_759 = arith.constant 0 : i32
        %parallel_loop3A_760 = arith.constant 0 : i32
        %parallel_loop3A_761 = tpu.memref_slice %arg10[%parallel_loop3A_758, %parallel_loop3A_759, %parallel_loop3A_760] : memref<2x128x128xf32, #tpu.memory_space<vmem>> -> memref<1x128x128xf32, #tpu.memory_space<vmem>>
        %parallel_loop3A_762 = tpu.memref_squeeze %parallel_loop3A_761 : memref<1x128x128xf32, #tpu.memory_space<vmem>> -> memref<128x128xf32, #tpu.memory_space<vmem>>
        %parallel_loop3A_763 = tpu.vector_load_idx %parallel_loop3A_762[%parallel_loop3A_754, %parallel_loop3A_757] : memref<128x128xf32, #tpu.memory_space<vmem>>[vector<16xi32>, vector<16xi32>], vector<16xf32>,
        %parallel_loop3A_764 = arith.addf %parallel_loop3A_763, %parallel_loop3A_643 : vector<16xf32>
        %parallel_loop3A_765 = arith.constant 0 : i32
        %parallel_loop3A_766 = arith.index_cast %parallel_loop3A_765 : i32 to index
        %parallel_loop3A_767 = arith.index_cast %parallel_loop3A_641 : i32 to index
        %parallel_loop3A_768 = arith.constant 96 : index
        %parallel_loop3A_769 = tpu.vector_load %arg11[%parallel_loop3A_766, %parallel_loop3A_767, %parallel_loop3A_768] {strides = array<i32>} : memref<2x32x128xf32, #tpu.memory_space<vmem>>, vector<16xf32>,
        tpu.vector_store %arg11[%parallel_loop3A_766, %parallel_loop3A_767, %parallel_loop3A_768], %parallel_loop3A_764 {strides = array<i32>} : memref<2x32x128xf32, #tpu.memory_space<vmem>>, vector<16xf32>,
        %parallel_loop3A_770 = arith.constant 112 : i32
        %parallel_loop3A_771 = vector.broadcast %parallel_loop3A_770 : i32 to vector<16xi32>
        %parallel_loop3A_772 = arith.addi %iota3A, %parallel_loop3A_771 : vector<16xi32>
        %parallel_loop3A_773 = arith.constant 112 : index
        %parallel_loop3A_774 = tpu.vector_load %arg9[%parallel_loop3A_773] {strides = array<i32>} : memref<128xi32, #tpu.memory_space<vmem>>, vector<16xi32>,
        %parallel_loop3A_775 = arith.addi %parallel_loop3A_774, %parallel_loop3A_642 : vector<16xi32>
        %parallel_loop3A_776 = arith.constant 0 : i32
        %parallel_loop3A_777 = arith.constant 0 : i32
        %parallel_loop3A_778 = arith.constant 0 : i32
        %parallel_loop3A_779 = tpu.memref_slice %arg10[%parallel_loop3A_776, %parallel_loop3A_777, %parallel_loop3A_778] : memref<2x128x128xf32, #tpu.memory_space<vmem>> -> memref<1x128x128xf32, #tpu.memory_space<vmem>>
        %parallel_loop3A_780 = tpu.memref_squeeze %parallel_loop3A_779 : memref<1x128x128xf32, #tpu.memory_space<vmem>> -> memref<128x128xf32, #tpu.memory_space<vmem>>
        %parallel_loop3A_781 = tpu.vector_load_idx %parallel_loop3A_780[%parallel_loop3A_772, %parallel_loop3A_775] : memref<128x128xf32, #tpu.memory_space<vmem>>[vector<16xi32>, vector<16xi32>], vector<16xf32>,
        %parallel_loop3A_782 = arith.addf %parallel_loop3A_781, %parallel_loop3A_643 : vector<16xf32>
        %parallel_loop3A_783 = arith.constant 0 : i32
        %parallel_loop3A_784 = arith.index_cast %parallel_loop3A_783 : i32 to index
        %parallel_loop3A_785 = arith.index_cast %parallel_loop3A_641 : i32 to index
        %parallel_loop3A_786 = arith.constant 112 : index
        %parallel_loop3A_787 = tpu.vector_load %arg11[%parallel_loop3A_784, %parallel_loop3A_785, %parallel_loop3A_786] {strides = array<i32>} : memref<2x32x128xf32, #tpu.memory_space<vmem>>, vector<16xf32>,
        tpu.vector_store %arg11[%parallel_loop3A_784, %parallel_loop3A_785, %parallel_loop3A_786], %parallel_loop3A_782 {strides = array<i32>} : memref<2x32x128xf32, #tpu.memory_space<vmem>>, vector<16xf32>,
      } {sc.loop_unroll_factor = 8 : i64, sc.parallel_access}
      %dma_start3A_379 = arith.constant 0 : i32
      %dma_start3A_380 = arith.constant 0 : i32
      %dma_start3A_381 = arith.constant 0 : i32
      %dma_start3A_382 = arith.constant 0 : i32
      %dma_start3A_383 = tpu.memref_slice %arg11[%dma_start3A_379, %dma_start3A_381, %dma_start3A_382] : memref<2x32x128xf32, #tpu.memory_space<vmem>> -> memref<1x8x128xf32, #tpu.memory_space<vmem>>
      %dma_start3A_384 = tpu.memref_squeeze %dma_start3A_383 : memref<1x8x128xf32, #tpu.memory_space<vmem>> -> memref<8x128xf32, #tpu.memory_space<vmem>>
      %dma_start3A_385 = arith.constant 0 : i32
      %dma_start3A_386 = arith.constant 0 : i32
      %dma_start3A_387 = tpu.memref_slice %arg5[%add3A_270, %dma_start3A_380, %add3A, %dma_start3A_385, %dma_start3A_386] : memref<200x4x32x8x128xf32, #tpu.memory_space<hbm>> -> memref<1x1x1x8x128xf32, #tpu.memory_space<hbm>>
      %dma_start3A_388 = tpu.memref_squeeze %dma_start3A_387 : memref<1x1x1x8x128xf32, #tpu.memory_space<hbm>> -> memref<8x128xf32, #tpu.memory_space<hbm>>
      %dma_start3A_389 = arith.constant 0 : i32
      %dma_start3A_390 = arith.constant 0 : i32
      %dma_start3A_391 = tpu.memref_slice %arg5[%add3A_270, %dma_start3A_380, %add3A, %dma_start3A_389, %dma_start3A_390] : memref<200x4x32x8x128xf32, #tpu.memory_space<hbm>> -> memref<1x1x1x8x128xf32, #tpu.memory_space<hbm>>
      %dma_start3A_392 = tpu.memref_squeeze %dma_start3A_391 : memref<1x1x1x8x128xf32, #tpu.memory_space<hbm>> -> memref<8x128xf32, #tpu.memory_space<hbm>>
      %dma_start3A_393 = arith.constant 0 : i32
      %dma_start3A_394 = arith.constant 0 : i32
      %dma_start3A_395 = tpu.memref_slice %arg11[%dma_start3A_379, %dma_start3A_393, %dma_start3A_394] : memref<2x32x128xf32, #tpu.memory_space<vmem>> -> memref<1x8x128xf32, #tpu.memory_space<vmem>>
      %dma_start3A_396 = tpu.memref_squeeze %dma_start3A_395 : memref<1x8x128xf32, #tpu.memory_space<vmem>> -> memref<8x128xf32, #tpu.memory_space<vmem>>
      tpu.enqueue_dma source(%dma_start3A_396 : memref<8x128xf32, #tpu.memory_space<vmem>>) target(%dma_start3A_392 : memref<8x128xf32, #tpu.memory_space<hbm>>) target_semaphore(%arg14 : memref<!tpu.dma_semaphore, #tpu.memory_space<semaphore_mem>>)
      %dma_start3A_397 = arith.constant 0 : i32
      %dma_start3A_398 = arith.constant 1 : i32
      %dma_start3A_399 = arith.constant 8 : i32
      %dma_start3A_400 = arith.constant 0 : i32
      %dma_start3A_401 = tpu.memref_slice %arg11[%dma_start3A_397, %dma_start3A_399, %dma_start3A_400] : memref<2x32x128xf32, #tpu.memory_space<vmem>> -> memref<1x8x128xf32, #tpu.memory_space<vmem>>
      %dma_start3A_402 = tpu.memref_squeeze %dma_start3A_401 : memref<1x8x128xf32, #tpu.memory_space<vmem>> -> memref<8x128xf32, #tpu.memory_space<vmem>>
      %dma_start3A_403 = arith.constant 0 : i32
      %dma_start3A_404 = arith.constant 0 : i32
      %dma_start3A_405 = tpu.memref_slice %arg5[%add3A_270, %dma_start3A_398, %add3A, %dma_start3A_403, %dma_start3A_404] : memref<200x4x32x8x128xf32, #tpu.memory_space<hbm>> -> memref<1x1x1x8x128xf32, #tpu.memory_space<hbm>>
      %dma_start3A_406 = tpu.memref_squeeze %dma_start3A_405 : memref<1x1x1x8x128xf32, #tpu.memory_space<hbm>> -> memref<8x128xf32, #tpu.memory_space<hbm>>
      %dma_start3A_407 = arith.constant 0 : i32
      %dma_start3A_408 = arith.constant 0 : i32
      %dma_start3A_409 = tpu.memref_slice %arg5[%add3A_270, %dma_start3A_398, %add3A, %dma_start3A_407, %dma_start3A_408] : memref<200x4x32x8x128xf32, #tpu.memory_space<hbm>> -> memref<1x1x1x8x128xf32, #tpu.memory_space<hbm>>
      %dma_start3A_410 = tpu.memref_squeeze %dma_start3A_409 : memref<1x1x1x8x128xf32, #tpu.memory_space<hbm>> -> memref<8x128xf32, #tpu.memory_space<hbm>>
      %dma_start3A_411 = arith.constant 8 : i32
      %dma_start3A_412 = arith.constant 0 : i32
      %dma_start3A_413 = tpu.memref_slice %arg11[%dma_start3A_397, %dma_start3A_411, %dma_start3A_412] : memref<2x32x128xf32, #tpu.memory_space<vmem>> -> memref<1x8x128xf32, #tpu.memory_space<vmem>>
      %dma_start3A_414 = tpu.memref_squeeze %dma_start3A_413 : memref<1x8x128xf32, #tpu.memory_space<vmem>> -> memref<8x128xf32, #tpu.memory_space<vmem>>
      tpu.enqueue_dma source(%dma_start3A_414 : memref<8x128xf32, #tpu.memory_space<vmem>>) target(%dma_start3A_410 : memref<8x128xf32, #tpu.memory_space<hbm>>) target_semaphore(%arg14 : memref<!tpu.dma_semaphore, #tpu.memory_space<semaphore_mem>>)
      %dma_start3A_415 = arith.constant 0 : i32
      %dma_start3A_416 = arith.constant 2 : i32
      %dma_start3A_417 = arith.constant 16 : i32
      %dma_start3A_418 = arith.constant 0 : i32
      %dma_start3A_419 = tpu.memref_slice %arg11[%dma_start3A_415, %dma_start3A_417, %dma_start3A_418] : memref<2x32x128xf32, #tpu.memory_space<vmem>> -> memref<1x8x128xf32, #tpu.memory_space<vmem>>
      %dma_start3A_420 = tpu.memref_squeeze %dma_start3A_419 : memref<1x8x128xf32, #tpu.memory_space<vmem>> -> memref<8x128xf32, #tpu.memory_space<vmem>>
      %dma_start3A_421 = arith.constant 0 : i32
      %dma_start3A_422 = arith.constant 0 : i32
      %dma_start3A_423 = tpu.memref_slice %arg5[%add3A_270, %dma_start3A_416, %add3A, %dma_start3A_421, %dma_start3A_422] : memref<200x4x32x8x128xf32, #tpu.memory_space<hbm>> -> memref<1x1x1x8x128xf32, #tpu.memory_space<hbm>>
      %dma_start3A_424 = tpu.memref_squeeze %dma_start3A_423 : memref<1x1x1x8x128xf32, #tpu.memory_space<hbm>> -> memref<8x128xf32, #tpu.memory_space<hbm>>
      %dma_start3A_425 = arith.constant 0 : i32
      %dma_start3A_426 = arith.constant 0 : i32
      %dma_start3A_427 = tpu.memref_slice %arg5[%add3A_270, %dma_start3A_416, %add3A, %dma_start3A_425, %dma_start3A_426] : memref<200x4x32x8x128xf32, #tpu.memory_space<hbm>> -> memref<1x1x1x8x128xf32, #tpu.memory_space<hbm>>
      %dma_start3A_428 = tpu.memref_squeeze %dma_start3A_427 : memref<1x1x1x8x128xf32, #tpu.memory_space<hbm>> -> memref<8x128xf32, #tpu.memory_space<hbm>>
      %dma_start3A_429 = arith.constant 16 : i32
      %dma_start3A_430 = arith.constant 0 : i32
      %dma_start3A_431 = tpu.memref_slice %arg11[%dma_start3A_415, %dma_start3A_429, %dma_start3A_430] : memref<2x32x128xf32, #tpu.memory_space<vmem>> -> memref<1x8x128xf32, #tpu.memory_space<vmem>>
      %dma_start3A_432 = tpu.memref_squeeze %dma_start3A_431 : memref<1x8x128xf32, #tpu.memory_space<vmem>> -> memref<8x128xf32, #tpu.memory_space<vmem>>
      tpu.enqueue_dma source(%dma_start3A_432 : memref<8x128xf32, #tpu.memory_space<vmem>>) target(%dma_start3A_428 : memref<8x128xf32, #tpu.memory_space<hbm>>) target_semaphore(%arg14 : memref<!tpu.dma_semaphore, #tpu.memory_space<semaphore_mem>>)
      %dma_start3A_433 = arith.constant 0 : i32
      %dma_start3A_434 = arith.constant 3 : i32
      %dma_start3A_435 = arith.constant 24 : i32
      %dma_start3A_436 = arith.constant 0 : i32
      %dma_start3A_437 = tpu.memref_slice %arg11[%dma_start3A_433, %dma_start3A_435, %dma_start3A_436] : memref<2x32x128xf32, #tpu.memory_space<vmem>> -> memref<1x8x128xf32, #tpu.memory_space<vmem>>
      %dma_start3A_438 = tpu.memref_squeeze %dma_start3A_437 : memref<1x8x128xf32, #tpu.memory_space<vmem>> -> memref<8x128xf32, #tpu.memory_space<vmem>>
      %dma_start3A_439 = arith.constant 0 : i32
      %dma_start3A_440 = arith.constant 0 : i32
      %dma_start3A_441 = tpu.memref_slice %arg5[%add3A_270, %dma_start3A_434, %add3A, %dma_start3A_439, %dma_start3A_440] : memref<200x4x32x8x128xf32, #tpu.memory_space<hbm>> -> memref<1x1x1x8x128xf32, #tpu.memory_space<hbm>>
      %dma_start3A_442 = tpu.memref_squeeze %dma_start3A_441 : memref<1x1x1x8x128xf32, #tpu.memory_space<hbm>> -> memref<8x128xf32, #tpu.memory_space<hbm>>
      %dma_start3A_443 = arith.constant 0 : i32
      %dma_start3A_444 = arith.constant 0 : i32
      %dma_start3A_445 = tpu.memref_slice %arg5[%add3A_270, %dma_start3A_434, %add3A, %dma_start3A_443, %dma_start3A_444] : memref<200x4x32x8x128xf32, #tpu.memory_space<hbm>> -> memref<1x1x1x8x128xf32, #tpu.memory_space<hbm>>
      %dma_start3A_446 = tpu.memref_squeeze %dma_start3A_445 : memref<1x1x1x8x128xf32, #tpu.memory_space<hbm>> -> memref<8x128xf32, #tpu.memory_space<hbm>>
      %dma_start3A_447 = arith.constant 24 : i32
      %dma_start3A_448 = arith.constant 0 : i32
      %dma_start3A_449 = tpu.memref_slice %arg11[%dma_start3A_433, %dma_start3A_447, %dma_start3A_448] : memref<2x32x128xf32, #tpu.memory_space<vmem>> -> memref<1x8x128xf32, #tpu.memory_space<vmem>>
      %dma_start3A_450 = tpu.memref_squeeze %dma_start3A_449 : memref<1x8x128xf32, #tpu.memory_space<vmem>> -> memref<8x128xf32, #tpu.memory_space<vmem>>
      tpu.enqueue_dma source(%dma_start3A_450 : memref<8x128xf32, #tpu.memory_space<vmem>>) target(%dma_start3A_446 : memref<8x128xf32, #tpu.memory_space<hbm>>) target_semaphore(%arg14 : memref<!tpu.dma_semaphore, #tpu.memory_space<semaphore_mem>>)
      %add3A_451 = arith.constant 1 : i32
      %add3A_452 = arith.addi %add3A_268, %add3A_451 : i32
      %add3A_453 = arith.constant 1 : i32
      %add3A_454 = arith.addi %add3A_452, %add3A_453 : i32
      %lt3A_455 = arith.constant 200 : i32
      %lt3A_456 = arith.cmpi slt, %add3A_454, %lt3A_455 : i32
      %convert_element_type3A_457 = arith.extui %lt3A_456 : i1 to i32
      %cond3A_458 = arith.constant 0 : i32
      %cond3A_459 = arith.cmpi ne, %convert_element_type3A_457, %cond3A_458 : i32
      scf.if %cond3A_459 {
        %add3A_641 = arith.constant 1 : i32
        %add3A_642 = arith.addi %add3A_452, %add3A_641 : i32
        %get3A_643 = arith.index_cast %add3A_642 : i32 to index
        %get3A_644 = arith.constant 0 : index
        %get3A_645 = tpu.vector_load %arg6[%get3A_643, %get3A_644] {strides = array<i32>} : memref<200x128xi32, #tpu.memory_space<vmem>>, vector<16xi32>,
        %shift_right_arithmetic3A_646 = arith.constant 2 : i32
        %shift_right_arithmetic3A_647 = vector.broadcast %shift_right_arithmetic3A_646 : i32 to vector<16xi32>
        %shift_right_arithmetic3A_648 = arith.shrsi %get3A_645, %shift_right_arithmetic3A_647 : vector<16xi32>
        %swap3A_649 = arith.constant 0 : i32
        %swap3A_650 = arith.index_cast %swap3A_649 : i32 to index
        %swap3A_651 = arith.constant 0 : index
        %swap3A_652 = tpu.vector_load %arg8[%swap3A_650, %swap3A_651] {strides = array<i32>} : memref<2x128xi32, #tpu.memory_space<vmem>>, vector<16xi32>,
        tpu.vector_store %arg8[%swap3A_650, %swap3A_651], %shift_right_arithmetic3A_648 {strides = array<i32>} : memref<2x128xi32, #tpu.memory_space<vmem>>, vector<16xi32>,
        %get3A_653 = arith.index_cast %add3A_642 : i32 to index
        %get3A_654 = arith.constant 16 : index
        %get3A_655 = tpu.vector_load %arg6[%get3A_653, %get3A_654] {strides = array<i32>} : memref<200x128xi32, #tpu.memory_space<vmem>>, vector<16xi32>,
        %shift_right_arithmetic3A_656 = arith.constant 2 : i32
        %shift_right_arithmetic3A_657 = vector.broadcast %shift_right_arithmetic3A_656 : i32 to vector<16xi32>
        %shift_right_arithmetic3A_658 = arith.shrsi %get3A_655, %shift_right_arithmetic3A_657 : vector<16xi32>
        %swap3A_659 = arith.constant 0 : i32
        %swap3A_660 = arith.index_cast %swap3A_659 : i32 to index
        %swap3A_661 = arith.constant 16 : index
        %swap3A_662 = tpu.vector_load %arg8[%swap3A_660, %swap3A_661] {strides = array<i32>} : memref<2x128xi32, #tpu.memory_space<vmem>>, vector<16xi32>,
        tpu.vector_store %arg8[%swap3A_660, %swap3A_661], %shift_right_arithmetic3A_658 {strides = array<i32>} : memref<2x128xi32, #tpu.memory_space<vmem>>, vector<16xi32>,
        %get3A_663 = arith.index_cast %add3A_642 : i32 to index
        %get3A_664 = arith.constant 32 : index
        %get3A_665 = tpu.vector_load %arg6[%get3A_663, %get3A_664] {strides = array<i32>} : memref<200x128xi32, #tpu.memory_space<vmem>>, vector<16xi32>,
        %shift_right_arithmetic3A_666 = arith.constant 2 : i32
        %shift_right_arithmetic3A_667 = vector.broadcast %shift_right_arithmetic3A_666 : i32 to vector<16xi32>
        %shift_right_arithmetic3A_668 = arith.shrsi %get3A_665, %shift_right_arithmetic3A_667 : vector<16xi32>
        %swap3A_669 = arith.constant 0 : i32
        %swap3A_670 = arith.index_cast %swap3A_669 : i32 to index
        %swap3A_671 = arith.constant 32 : index
        %swap3A_672 = tpu.vector_load %arg8[%swap3A_670, %swap3A_671] {strides = array<i32>} : memref<2x128xi32, #tpu.memory_space<vmem>>, vector<16xi32>,
        tpu.vector_store %arg8[%swap3A_670, %swap3A_671], %shift_right_arithmetic3A_668 {strides = array<i32>} : memref<2x128xi32, #tpu.memory_space<vmem>>, vector<16xi32>,
        %get3A_673 = arith.index_cast %add3A_642 : i32 to index
        %get3A_674 = arith.constant 48 : index
        %get3A_675 = tpu.vector_load %arg6[%get3A_673, %get3A_674] {strides = array<i32>} : memref<200x128xi32, #tpu.memory_space<vmem>>, vector<16xi32>,
        %shift_right_arithmetic3A_676 = arith.constant 2 : i32
        %shift_right_arithmetic3A_677 = vector.broadcast %shift_right_arithmetic3A_676 : i32 to vector<16xi32>
        %shift_right_arithmetic3A_678 = arith.shrsi %get3A_675, %shift_right_arithmetic3A_677 : vector<16xi32>
        %swap3A_679 = arith.constant 0 : i32
        %swap3A_680 = arith.index_cast %swap3A_679 : i32 to index
        %swap3A_681 = arith.constant 48 : index
        %swap3A_682 = tpu.vector_load %arg8[%swap3A_680, %swap3A_681] {strides = array<i32>} : memref<2x128xi32, #tpu.memory_space<vmem>>, vector<16xi32>,
        tpu.vector_store %arg8[%swap3A_680, %swap3A_681], %shift_right_arithmetic3A_678 {strides = array<i32>} : memref<2x128xi32, #tpu.memory_space<vmem>>, vector<16xi32>,
        %get3A_683 = arith.index_cast %add3A_642 : i32 to index
        %get3A_684 = arith.constant 64 : index
        %get3A_685 = tpu.vector_load %arg6[%get3A_683, %get3A_684] {strides = array<i32>} : memref<200x128xi32, #tpu.memory_space<vmem>>, vector<16xi32>,
        %shift_right_arithmetic3A_686 = arith.constant 2 : i32
        %shift_right_arithmetic3A_687 = vector.broadcast %shift_right_arithmetic3A_686 : i32 to vector<16xi32>
        %shift_right_arithmetic3A_688 = arith.shrsi %get3A_685, %shift_right_arithmetic3A_687 : vector<16xi32>
        %swap3A_689 = arith.constant 0 : i32
        %swap3A_690 = arith.index_cast %swap3A_689 : i32 to index
        %swap3A_691 = arith.constant 64 : index
        %swap3A_692 = tpu.vector_load %arg8[%swap3A_690, %swap3A_691] {strides = array<i32>} : memref<2x128xi32, #tpu.memory_space<vmem>>, vector<16xi32>,
        tpu.vector_store %arg8[%swap3A_690, %swap3A_691], %shift_right_arithmetic3A_688 {strides = array<i32>} : memref<2x128xi32, #tpu.memory_space<vmem>>, vector<16xi32>,
        %get3A_693 = arith.index_cast %add3A_642 : i32 to index
        %get3A_694 = arith.constant 80 : index
        %get3A_695 = tpu.vector_load %arg6[%get3A_693, %get3A_694] {strides = array<i32>} : memref<200x128xi32, #tpu.memory_space<vmem>>, vector<16xi32>,
        %shift_right_arithmetic3A_696 = arith.constant 2 : i32
        %shift_right_arithmetic3A_697 = vector.broadcast %shift_right_arithmetic3A_696 : i32 to vector<16xi32>
        %shift_right_arithmetic3A_698 = arith.shrsi %get3A_695, %shift_right_arithmetic3A_697 : vector<16xi32>
        %swap3A_699 = arith.constant 0 : i32
        %swap3A_700 = arith.index_cast %swap3A_699 : i32 to index
        %swap3A_701 = arith.constant 80 : index
        %swap3A_702 = tpu.vector_load %arg8[%swap3A_700, %swap3A_701] {strides = array<i32>} : memref<2x128xi32, #tpu.memory_space<vmem>>, vector<16xi32>,
        tpu.vector_store %arg8[%swap3A_700, %swap3A_701], %shift_right_arithmetic3A_698 {strides = array<i32>} : memref<2x128xi32, #tpu.memory_space<vmem>>, vector<16xi32>,
        %get3A_703 = arith.index_cast %add3A_642 : i32 to index
        %get3A_704 = arith.constant 96 : index
        %get3A_705 = tpu.vector_load %arg6[%get3A_703, %get3A_704] {strides = array<i32>} : memref<200x128xi32, #tpu.memory_space<vmem>>, vector<16xi32>,
        %shift_right_arithmetic3A_706 = arith.constant 2 : i32
        %shift_right_arithmetic3A_707 = vector.broadcast %shift_right_arithmetic3A_706 : i32 to vector<16xi32>
        %shift_right_arithmetic3A_708 = arith.shrsi %get3A_705, %shift_right_arithmetic3A_707 : vector<16xi32>
        %swap3A_709 = arith.constant 0 : i32
        %swap3A_710 = arith.index_cast %swap3A_709 : i32 to index
        %swap3A_711 = arith.constant 96 : index
        %swap3A_712 = tpu.vector_load %arg8[%swap3A_710, %swap3A_711] {strides = array<i32>} : memref<2x128xi32, #tpu.memory_space<vmem>>, vector<16xi32>,
        tpu.vector_store %arg8[%swap3A_710, %swap3A_711], %shift_right_arithmetic3A_708 {strides = array<i32>} : memref<2x128xi32, #tpu.memory_space<vmem>>, vector<16xi32>,
        %get3A_713 = arith.index_cast %add3A_642 : i32 to index
        %get3A_714 = arith.constant 112 : index
        %get3A_715 = tpu.vector_load %arg6[%get3A_713, %get3A_714] {strides = array<i32>} : memref<200x128xi32, #tpu.memory_space<vmem>>, vector<16xi32>,
        %shift_right_arithmetic3A_716 = arith.constant 2 : i32
        %shift_right_arithmetic3A_717 = vector.broadcast %shift_right_arithmetic3A_716 : i32 to vector<16xi32>
        %shift_right_arithmetic3A_718 = arith.shrsi %get3A_715, %shift_right_arithmetic3A_717 : vector<16xi32>
        %swap3A_719 = arith.constant 0 : i32
        %swap3A_720 = arith.index_cast %swap3A_719 : i32 to index
        %swap3A_721 = arith.constant 112 : index
        %swap3A_722 = tpu.vector_load %arg8[%swap3A_720, %swap3A_721] {strides = array<i32>} : memref<2x128xi32, #tpu.memory_space<vmem>>, vector<16xi32>,
        tpu.vector_store %arg8[%swap3A_720, %swap3A_721], %shift_right_arithmetic3A_718 {strides = array<i32>} : memref<2x128xi32, #tpu.memory_space<vmem>>, vector<16xi32>,
        %dma_start3A_723 = arith.constant 0 : i32
        %dma_start3A_724 = arith.constant 0 : i32
        %dma_start3A_725 = arith.constant 0 : i32
        %dma_start3A_726 = arith.constant 0 : i32
        %dma_start3A_727 = tpu.memref_slice %arg10[%dma_start3A_724, %dma_start3A_725, %dma_start3A_726] : memref<2x128x128xf32, #tpu.memory_space<vmem>> -> memref<1x64x128xf32, #tpu.memory_space<vmem>>
        %dma_start3A_728 = tpu.memref_squeeze %dma_start3A_727 : memref<1x64x128xf32, #tpu.memory_space<vmem>> -> memref<64x128xf32, #tpu.memory_space<vmem>>
        %dma_start3A_729 = arith.constant 0 : i32
        %dma_start3A_730 = tpu.memref_slice %arg8[%dma_start3A_723, %dma_start3A_729] : memref<2x128xi32, #tpu.memory_space<vmem>> -> memref<1x64xi32, #tpu.memory_space<vmem>>
        %dma_start3A_731 = tpu.memref_squeeze %dma_start3A_730 : memref<1x64xi32, #tpu.memory_space<vmem>> -> memref<64xi32, #tpu.memory_space<vmem>>
        %dma_start3A_732 = arith.constant 0 : i32
        %dma_start3A_733 = arith.constant 0 : i32
        %dma_start3A_734 = tpu.memref_slice %arg3[%dma_start3A_732, %dma_start3A_733] : memref<250000x128xf32, #tpu.memory_space<hbm>> -> memref<250000x128xf32, #tpu.memory_space<hbm>>
        tpu.enqueue_indirect_dma source(%dma_start3A_734 : memref<250000x128xf32, #tpu.memory_space<hbm>>) target(%dma_start3A_728 : memref<64x128xf32, #tpu.memory_space<vmem>>) offsets(%dma_start3A_731 : memref<64xi32, #tpu.memory_space<vmem>>) semaphore(%arg12 : memref<!tpu.dma_semaphore, #tpu.memory_space<semaphore_mem>>)
        %dma_start3A_735 = arith.constant 0 : i32
        %dma_start3A_736 = arith.constant 0 : i32
        %dma_start3A_737 = arith.constant 64 : i32
        %dma_start3A_738 = arith.constant 0 : i32
        %dma_start3A_739 = tpu.memref_slice %arg10[%dma_start3A_736, %dma_start3A_737, %dma_start3A_738] : memref<2x128x128xf32, #tpu.memory_space<vmem>> -> memref<1x64x128xf32, #tpu.memory_space<vmem>>
        %dma_start3A_740 = tpu.memref_squeeze %dma_start3A_739 : memref<1x64x128xf32, #tpu.memory_space<vmem>> -> memref<64x128xf32, #tpu.memory_space<vmem>>
        %dma_start3A_741 = arith.constant 64 : i32
        %dma_start3A_742 = tpu.memref_slice %arg8[%dma_start3A_735, %dma_start3A_741] : memref<2x128xi32, #tpu.memory_space<vmem>> -> memref<1x64xi32, #tpu.memory_space<vmem>>
        %dma_start3A_743 = tpu.memref_squeeze %dma_start3A_742 : memref<1x64xi32, #tpu.memory_space<vmem>> -> memref<64xi32, #tpu.memory_space<vmem>>
        %dma_start3A_744 = arith.constant 0 : i32
        %dma_start3A_745 = arith.constant 0 : i32
        %dma_start3A_746 = tpu.memref_slice %arg3[%dma_start3A_744, %dma_start3A_745] : memref<250000x128xf32, #tpu.memory_space<hbm>> -> memref<250000x128xf32, #tpu.memory_space<hbm>>
        tpu.enqueue_indirect_dma source(%dma_start3A_746 : memref<250000x128xf32, #tpu.memory_space<hbm>>) target(%dma_start3A_740 : memref<64x128xf32, #tpu.memory_space<vmem>>) offsets(%dma_start3A_743 : memref<64xi32, #tpu.memory_space<vmem>>) semaphore(%arg12 : memref<!tpu.dma_semaphore, #tpu.memory_space<semaphore_mem>>)
      } else {
      }
      %dma_wait3A_460 = arith.constant 1 : i32
      %dma_wait3A_461 = arith.constant 1 : i32
      %dma_wait3A_462 = arith.constant 0 : i32
      %dma_wait3A_463 = arith.constant 0 : i32
      %dma_wait3A_464 = tpu.memref_slice %arg10[%dma_wait3A_461, %dma_wait3A_462, %dma_wait3A_463] : memref<2x128x128xf32, #tpu.memory_space<vmem>> -> memref<1x128x128xf32, #tpu.memory_space<vmem>>
      %dma_wait3A_465 = tpu.memref_squeeze %dma_wait3A_464 : memref<1x128x128xf32, #tpu.memory_space<vmem>> -> memref<128x128xf32, #tpu.memory_space<vmem>>
      %dma_wait3A_466 = arith.constant 0 : i32
      %dma_wait3A_467 = tpu.memref_slice %arg8[%dma_wait3A_460, %dma_wait3A_466] : memref<2x128xi32, #tpu.memory_space<vmem>> -> memref<1x128xi32, #tpu.memory_space<vmem>>
      %dma_wait3A_468 = tpu.memref_squeeze %dma_wait3A_467 : memref<1x128xi32, #tpu.memory_space<vmem>> -> memref<128xi32, #tpu.memory_space<vmem>>
      %dma_wait3A_469 = arith.constant 0 : i32
      %dma_wait3A_470 = arith.constant 0 : i32
      %dma_wait3A_471 = tpu.memref_slice %arg3[%dma_wait3A_469, %dma_wait3A_470] : memref<250000x128xf32, #tpu.memory_space<hbm>> -> memref<250000x128xf32, #tpu.memory_space<hbm>>
      tpu.wait_indirect_dma semaphore(%arg13 : memref<!tpu.dma_semaphore, #tpu.memory_space<semaphore_mem>>) src(%dma_wait3A_471 : memref<250000x128xf32, #tpu.memory_space<hbm>>) dst(%dma_wait3A_465 : memref<128x128xf32, #tpu.memory_space<vmem>>)
      %ge3A_472 = arith.constant 2 : i32
      %ge3A_473 = arith.cmpi sge, %add3A_452, %ge3A_472 : i32
      %convert_element_type3A_474 = arith.extui %ge3A_473 : i1 to i32
      %cond3A_475 = arith.constant 0 : i32
      %cond3A_476 = arith.cmpi ne, %convert_element_type3A_474, %cond3A_475 : i32
      scf.if %cond3A_476 {
        %sub3A = arith.constant 2 : i32
        %sub3A_641 = arith.subi %add3A_452, %sub3A : i32
        %dma_wait3A_642 = arith.constant 1 : i32
        %dma_wait3A_643 = arith.constant 0 : i32
        %dma_wait3A_644 = arith.constant 0 : i32
        %dma_wait3A_645 = arith.constant 0 : i32
        %dma_wait3A_646 = tpu.memref_slice %arg11[%dma_wait3A_642, %dma_wait3A_644, %dma_wait3A_645] : memref<2x32x128xf32, #tpu.memory_space<vmem>> -> memref<1x8x128xf32, #tpu.memory_space<vmem>>
        %dma_wait3A_647 = tpu.memref_squeeze %dma_wait3A_646 : memref<1x8x128xf32, #tpu.memory_space<vmem>> -> memref<8x128xf32, #tpu.memory_space<vmem>>
        %dma_wait3A_648 = arith.constant 0 : i32
        %dma_wait3A_649 = arith.constant 0 : i32
        %dma_wait3A_650 = tpu.memref_slice %arg5[%sub3A_641, %dma_wait3A_643, %add3A, %dma_wait3A_648, %dma_wait3A_649] : memref<200x4x32x8x128xf32, #tpu.memory_space<hbm>> -> memref<1x1x1x8x128xf32, #tpu.memory_space<hbm>>
        %dma_wait3A_651 = tpu.memref_squeeze %dma_wait3A_650 : memref<1x1x1x8x128xf32, #tpu.memory_space<hbm>> -> memref<8x128xf32, #tpu.memory_space<hbm>>
        %dma_wait3A_652 = arith.constant 0 : i32
        %dma_wait3A_653 = arith.constant 0 : i32
        %dma_wait3A_654 = tpu.memref_slice %arg5[%sub3A_641, %dma_wait3A_643, %add3A, %dma_wait3A_652, %dma_wait3A_653] : memref<200x4x32x8x128xf32, #tpu.memory_space<hbm>> -> memref<1x1x1x8x128xf32, #tpu.memory_space<hbm>>
        %dma_wait3A_655 = tpu.memref_squeeze %dma_wait3A_654 : memref<1x1x1x8x128xf32, #tpu.memory_space<hbm>> -> memref<8x128xf32, #tpu.memory_space<hbm>>
        %dma_wait3A_656 = arith.constant 0 : i32
        %dma_wait3A_657 = arith.constant 0 : i32
        %dma_wait3A_658 = tpu.memref_slice %arg11[%dma_wait3A_642, %dma_wait3A_656, %dma_wait3A_657] : memref<2x32x128xf32, #tpu.memory_space<vmem>> -> memref<1x8x128xf32, #tpu.memory_space<vmem>>
        %dma_wait3A_659 = tpu.memref_squeeze %dma_wait3A_658 : memref<1x8x128xf32, #tpu.memory_space<vmem>> -> memref<8x128xf32, #tpu.memory_space<vmem>>
        tpu.wait_dma2 semaphore(%arg15 : memref<!tpu.dma_semaphore, #tpu.memory_space<semaphore_mem>>) src(%dma_wait3A_659 : memref<8x128xf32, #tpu.memory_space<vmem>>) dst(%dma_wait3A_655 : memref<8x128xf32, #tpu.memory_space<hbm>>)
        %sub3A_660 = arith.constant 2 : i32
        %sub3A_661 = arith.subi %add3A_452, %sub3A_660 : i32
        %dma_wait3A_662 = arith.constant 1 : i32
        %dma_wait3A_663 = arith.constant 1 : i32
        %dma_wait3A_664 = arith.constant 8 : i32
        %dma_wait3A_665 = arith.constant 0 : i32
        %dma_wait3A_666 = tpu.memref_slice %arg11[%dma_wait3A_662, %dma_wait3A_664, %dma_wait3A_665] : memref<2x32x128xf32, #tpu.memory_space<vmem>> -> memref<1x8x128xf32, #tpu.memory_space<vmem>>
        %dma_wait3A_667 = tpu.memref_squeeze %dma_wait3A_666 : memref<1x8x128xf32, #tpu.memory_space<vmem>> -> memref<8x128xf32, #tpu.memory_space<vmem>>
        %dma_wait3A_668 = arith.constant 0 : i32
        %dma_wait3A_669 = arith.constant 0 : i32
        %dma_wait3A_670 = tpu.memref_slice %arg5[%sub3A_661, %dma_wait3A_663, %add3A, %dma_wait3A_668, %dma_wait3A_669] : memref<200x4x32x8x128xf32, #tpu.memory_space<hbm>> -> memref<1x1x1x8x128xf32, #tpu.memory_space<hbm>>
        %dma_wait3A_671 = tpu.memref_squeeze %dma_wait3A_670 : memref<1x1x1x8x128xf32, #tpu.memory_space<hbm>> -> memref<8x128xf32, #tpu.memory_space<hbm>>
        %dma_wait3A_672 = arith.constant 0 : i32
        %dma_wait3A_673 = arith.constant 0 : i32
        %dma_wait3A_674 = tpu.memref_slice %arg5[%sub3A_661, %dma_wait3A_663, %add3A, %dma_wait3A_672, %dma_wait3A_673] : memref<200x4x32x8x128xf32, #tpu.memory_space<hbm>> -> memref<1x1x1x8x128xf32, #tpu.memory_space<hbm>>
        %dma_wait3A_675 = tpu.memref_squeeze %dma_wait3A_674 : memref<1x1x1x8x128xf32, #tpu.memory_space<hbm>> -> memref<8x128xf32, #tpu.memory_space<hbm>>
        %dma_wait3A_676 = arith.constant 8 : i32
        %dma_wait3A_677 = arith.constant 0 : i32
        %dma_wait3A_678 = tpu.memref_slice %arg11[%dma_wait3A_662, %dma_wait3A_676, %dma_wait3A_677] : memref<2x32x128xf32, #tpu.memory_space<vmem>> -> memref<1x8x128xf32, #tpu.memory_space<vmem>>
        %dma_wait3A_679 = tpu.memref_squeeze %dma_wait3A_678 : memref<1x8x128xf32, #tpu.memory_space<vmem>> -> memref<8x128xf32, #tpu.memory_space<vmem>>
        tpu.wait_dma2 semaphore(%arg15 : memref<!tpu.dma_semaphore, #tpu.memory_space<semaphore_mem>>) src(%dma_wait3A_679 : memref<8x128xf32, #tpu.memory_space<vmem>>) dst(%dma_wait3A_675 : memref<8x128xf32, #tpu.memory_space<hbm>>)
        %sub3A_680 = arith.constant 2 : i32
        %sub3A_681 = arith.subi %add3A_452, %sub3A_680 : i32
        %dma_wait3A_682 = arith.constant 1 : i32
        %dma_wait3A_683 = arith.constant 2 : i32
        %dma_wait3A_684 = arith.constant 16 : i32
        %dma_wait3A_685 = arith.constant 0 : i32
        %dma_wait3A_686 = tpu.memref_slice %arg11[%dma_wait3A_682, %dma_wait3A_684, %dma_wait3A_685] : memref<2x32x128xf32, #tpu.memory_space<vmem>> -> memref<1x8x128xf32, #tpu.memory_space<vmem>>
        %dma_wait3A_687 = tpu.memref_squeeze %dma_wait3A_686 : memref<1x8x128xf32, #tpu.memory_space<vmem>> -> memref<8x128xf32, #tpu.memory_space<vmem>>
        %dma_wait3A_688 = arith.constant 0 : i32
        %dma_wait3A_689 = arith.constant 0 : i32
        %dma_wait3A_690 = tpu.memref_slice %arg5[%sub3A_681, %dma_wait3A_683, %add3A, %dma_wait3A_688, %dma_wait3A_689] : memref<200x4x32x8x128xf32, #tpu.memory_space<hbm>> -> memref<1x1x1x8x128xf32, #tpu.memory_space<hbm>>
        %dma_wait3A_691 = tpu.memref_squeeze %dma_wait3A_690 : memref<1x1x1x8x128xf32, #tpu.memory_space<hbm>> -> memref<8x128xf32, #tpu.memory_space<hbm>>
        %dma_wait3A_692 = arith.constant 0 : i32
        %dma_wait3A_693 = arith.constant 0 : i32
        %dma_wait3A_694 = tpu.memref_slice %arg5[%sub3A_681, %dma_wait3A_683, %add3A, %dma_wait3A_692, %dma_wait3A_693] : memref<200x4x32x8x128xf32, #tpu.memory_space<hbm>> -> memref<1x1x1x8x128xf32, #tpu.memory_space<hbm>>
        %dma_wait3A_695 = tpu.memref_squeeze %dma_wait3A_694 : memref<1x1x1x8x128xf32, #tpu.memory_space<hbm>> -> memref<8x128xf32, #tpu.memory_space<hbm>>
        %dma_wait3A_696 = arith.constant 16 : i32
        %dma_wait3A_697 = arith.constant 0 : i32
        %dma_wait3A_698 = tpu.memref_slice %arg11[%dma_wait3A_682, %dma_wait3A_696, %dma_wait3A_697] : memref<2x32x128xf32, #tpu.memory_space<vmem>> -> memref<1x8x128xf32, #tpu.memory_space<vmem>>
        %dma_wait3A_699 = tpu.memref_squeeze %dma_wait3A_698 : memref<1x8x128xf32, #tpu.memory_space<vmem>> -> memref<8x128xf32, #tpu.memory_space<vmem>>
        tpu.wait_dma2 semaphore(%arg15 : memref<!tpu.dma_semaphore, #tpu.memory_space<semaphore_mem>>) src(%dma_wait3A_699 : memref<8x128xf32, #tpu.memory_space<vmem>>) dst(%dma_wait3A_695 : memref<8x128xf32, #tpu.memory_space<hbm>>)
        %sub3A_700 = arith.constant 2 : i32
        %sub3A_701 = arith.subi %add3A_452, %sub3A_700 : i32
        %dma_wait3A_702 = arith.constant 1 : i32
        %dma_wait3A_703 = arith.constant 3 : i32
        %dma_wait3A_704 = arith.constant 24 : i32
        %dma_wait3A_705 = arith.constant 0 : i32
        %dma_wait3A_706 = tpu.memref_slice %arg11[%dma_wait3A_702, %dma_wait3A_704, %dma_wait3A_705] : memref<2x32x128xf32, #tpu.memory_space<vmem>> -> memref<1x8x128xf32, #tpu.memory_space<vmem>>
        %dma_wait3A_707 = tpu.memref_squeeze %dma_wait3A_706 : memref<1x8x128xf32, #tpu.memory_space<vmem>> -> memref<8x128xf32, #tpu.memory_space<vmem>>
        %dma_wait3A_708 = arith.constant 0 : i32
        %dma_wait3A_709 = arith.constant 0 : i32
        %dma_wait3A_710 = tpu.memref_slice %arg5[%sub3A_701, %dma_wait3A_703, %add3A, %dma_wait3A_708, %dma_wait3A_709] : memref<200x4x32x8x128xf32, #tpu.memory_space<hbm>> -> memref<1x1x1x8x128xf32, #tpu.memory_space<hbm>>
        %dma_wait3A_711 = tpu.memref_squeeze %dma_wait3A_710 : memref<1x1x1x8x128xf32, #tpu.memory_space<hbm>> -> memref<8x128xf32, #tpu.memory_space<hbm>>
        %dma_wait3A_712 = arith.constant 0 : i32
        %dma_wait3A_713 = arith.constant 0 : i32
        %dma_wait3A_714 = tpu.memref_slice %arg5[%sub3A_701, %dma_wait3A_703, %add3A, %dma_wait3A_712, %dma_wait3A_713] : memref<200x4x32x8x128xf32, #tpu.memory_space<hbm>> -> memref<1x1x1x8x128xf32, #tpu.memory_space<hbm>>
        %dma_wait3A_715 = tpu.memref_squeeze %dma_wait3A_714 : memref<1x1x1x8x128xf32, #tpu.memory_space<hbm>> -> memref<8x128xf32, #tpu.memory_space<hbm>>
        %dma_wait3A_716 = arith.constant 24 : i32
        %dma_wait3A_717 = arith.constant 0 : i32
        %dma_wait3A_718 = tpu.memref_slice %arg11[%dma_wait3A_702, %dma_wait3A_716, %dma_wait3A_717] : memref<2x32x128xf32, #tpu.memory_space<vmem>> -> memref<1x8x128xf32, #tpu.memory_space<vmem>>
        %dma_wait3A_719 = tpu.memref_squeeze %dma_wait3A_718 : memref<1x8x128xf32, #tpu.memory_space<vmem>> -> memref<8x128xf32, #tpu.memory_space<vmem>>
        tpu.wait_dma2 semaphore(%arg15 : memref<!tpu.dma_semaphore, #tpu.memory_space<semaphore_mem>>) src(%dma_wait3A_719 : memref<8x128xf32, #tpu.memory_space<vmem>>) dst(%dma_wait3A_715 : memref<8x128xf32, #tpu.memory_space<hbm>>)
      } else {
      }
      %get3A_477 = arith.index_cast %add3A_452 : i32 to index
      %get3A_478 = arith.constant 0 : index
      %get3A_479 = tpu.vector_load %arg6[%get3A_477, %get3A_478] {strides = array<i32>} : memref<200x128xi32, #tpu.memory_space<vmem>>, vector<16xi32>,
      %and3A_480 = arith.constant 3 : i32
      %and3A_481 = vector.broadcast %and3A_480 : i32 to vector<16xi32>
      %and3A_482 = arith.andi %get3A_479, %and3A_481 : vector<16xi32>
      %shift_left3A_483 = arith.constant 5 : i32
      %shift_left3A_484 = vector.broadcast %shift_left3A_483 : i32 to vector<16xi32>
      %shift_left3A_485 = arith.shli %and3A_482, %shift_left3A_484 : vector<16xi32>
      %swap3A_486 = arith.constant 0 : index
      %swap3A_487 = tpu.vector_load %arg9[%swap3A_486] {strides = array<i32>} : memref<128xi32, #tpu.memory_space<vmem>>, vector<16xi32>,
      tpu.vector_store %arg9[%swap3A_486], %shift_left3A_485 {strides = array<i32>} : memref<128xi32, #tpu.memory_space<vmem>>, vector<16xi32>,
      %get3A_488 = arith.index_cast %add3A_452 : i32 to index
      %get3A_489 = arith.constant 16 : index
      %get3A_490 = tpu.vector_load %arg6[%get3A_488, %get3A_489] {strides = array<i32>} : memref<200x128xi32, #tpu.memory_space<vmem>>, vector<16xi32>,
      %and3A_491 = arith.constant 3 : i32
      %and3A_492 = vector.broadcast %and3A_491 : i32 to vector<16xi32>
      %and3A_493 = arith.andi %get3A_490, %and3A_492 : vector<16xi32>
      %shift_left3A_494 = arith.constant 5 : i32
      %shift_left3A_495 = vector.broadcast %shift_left3A_494 : i32 to vector<16xi32>
      %shift_left3A_496 = arith.shli %and3A_493, %shift_left3A_495 : vector<16xi32>
      %swap3A_497 = arith.constant 16 : index
      %swap3A_498 = tpu.vector_load %arg9[%swap3A_497] {strides = array<i32>} : memref<128xi32, #tpu.memory_space<vmem>>, vector<16xi32>,
      tpu.vector_store %arg9[%swap3A_497], %shift_left3A_496 {strides = array<i32>} : memref<128xi32, #tpu.memory_space<vmem>>, vector<16xi32>,
      %get3A_499 = arith.index_cast %add3A_452 : i32 to index
      %get3A_500 = arith.constant 32 : index
      %get3A_501 = tpu.vector_load %arg6[%get3A_499, %get3A_500] {strides = array<i32>} : memref<200x128xi32, #tpu.memory_space<vmem>>, vector<16xi32>,
      %and3A_502 = arith.constant 3 : i32
      %and3A_503 = vector.broadcast %and3A_502 : i32 to vector<16xi32>
      %and3A_504 = arith.andi %get3A_501, %and3A_503 : vector<16xi32>
      %shift_left3A_505 = arith.constant 5 : i32
      %shift_left3A_506 = vector.broadcast %shift_left3A_505 : i32 to vector<16xi32>
      %shift_left3A_507 = arith.shli %and3A_504, %shift_left3A_506 : vector<16xi32>
      %swap3A_508 = arith.constant 32 : index
      %swap3A_509 = tpu.vector_load %arg9[%swap3A_508] {strides = array<i32>} : memref<128xi32, #tpu.memory_space<vmem>>, vector<16xi32>,
      tpu.vector_store %arg9[%swap3A_508], %shift_left3A_507 {strides = array<i32>} : memref<128xi32, #tpu.memory_space<vmem>>, vector<16xi32>,
      %get3A_510 = arith.index_cast %add3A_452 : i32 to index
      %get3A_511 = arith.constant 48 : index
      %get3A_512 = tpu.vector_load %arg6[%get3A_510, %get3A_511] {strides = array<i32>} : memref<200x128xi32, #tpu.memory_space<vmem>>, vector<16xi32>,
      %and3A_513 = arith.constant 3 : i32
      %and3A_514 = vector.broadcast %and3A_513 : i32 to vector<16xi32>
      %and3A_515 = arith.andi %get3A_512, %and3A_514 : vector<16xi32>
      %shift_left3A_516 = arith.constant 5 : i32
      %shift_left3A_517 = vector.broadcast %shift_left3A_516 : i32 to vector<16xi32>
      %shift_left3A_518 = arith.shli %and3A_515, %shift_left3A_517 : vector<16xi32>
      %swap3A_519 = arith.constant 48 : index
      %swap3A_520 = tpu.vector_load %arg9[%swap3A_519] {strides = array<i32>} : memref<128xi32, #tpu.memory_space<vmem>>, vector<16xi32>,
      tpu.vector_store %arg9[%swap3A_519], %shift_left3A_518 {strides = array<i32>} : memref<128xi32, #tpu.memory_space<vmem>>, vector<16xi32>,
      %get3A_521 = arith.index_cast %add3A_452 : i32 to index
      %get3A_522 = arith.constant 64 : index
      %get3A_523 = tpu.vector_load %arg6[%get3A_521, %get3A_522] {strides = array<i32>} : memref<200x128xi32, #tpu.memory_space<vmem>>, vector<16xi32>,
      %and3A_524 = arith.constant 3 : i32
      %and3A_525 = vector.broadcast %and3A_524 : i32 to vector<16xi32>
      %and3A_526 = arith.andi %get3A_523, %and3A_525 : vector<16xi32>
      %shift_left3A_527 = arith.constant 5 : i32
      %shift_left3A_528 = vector.broadcast %shift_left3A_527 : i32 to vector<16xi32>
      %shift_left3A_529 = arith.shli %and3A_526, %shift_left3A_528 : vector<16xi32>
      %swap3A_530 = arith.constant 64 : index
      %swap3A_531 = tpu.vector_load %arg9[%swap3A_530] {strides = array<i32>} : memref<128xi32, #tpu.memory_space<vmem>>, vector<16xi32>,
      tpu.vector_store %arg9[%swap3A_530], %shift_left3A_529 {strides = array<i32>} : memref<128xi32, #tpu.memory_space<vmem>>, vector<16xi32>,
      %get3A_532 = arith.index_cast %add3A_452 : i32 to index
      %get3A_533 = arith.constant 80 : index
      %get3A_534 = tpu.vector_load %arg6[%get3A_532, %get3A_533] {strides = array<i32>} : memref<200x128xi32, #tpu.memory_space<vmem>>, vector<16xi32>,
      %and3A_535 = arith.constant 3 : i32
      %and3A_536 = vector.broadcast %and3A_535 : i32 to vector<16xi32>
      %and3A_537 = arith.andi %get3A_534, %and3A_536 : vector<16xi32>
      %shift_left3A_538 = arith.constant 5 : i32
      %shift_left3A_539 = vector.broadcast %shift_left3A_538 : i32 to vector<16xi32>
      %shift_left3A_540 = arith.shli %and3A_537, %shift_left3A_539 : vector<16xi32>
      %swap3A_541 = arith.constant 80 : index
      %swap3A_542 = tpu.vector_load %arg9[%swap3A_541] {strides = array<i32>} : memref<128xi32, #tpu.memory_space<vmem>>, vector<16xi32>,
      tpu.vector_store %arg9[%swap3A_541], %shift_left3A_540 {strides = array<i32>} : memref<128xi32, #tpu.memory_space<vmem>>, vector<16xi32>,
      %get3A_543 = arith.index_cast %add3A_452 : i32 to index
      %get3A_544 = arith.constant 96 : index
      %get3A_545 = tpu.vector_load %arg6[%get3A_543, %get3A_544] {strides = array<i32>} : memref<200x128xi32, #tpu.memory_space<vmem>>, vector<16xi32>,
      %and3A_546 = arith.constant 3 : i32
      %and3A_547 = vector.broadcast %and3A_546 : i32 to vector<16xi32>
      %and3A_548 = arith.andi %get3A_545, %and3A_547 : vector<16xi32>
      %shift_left3A_549 = arith.constant 5 : i32
      %shift_left3A_550 = vector.broadcast %shift_left3A_549 : i32 to vector<16xi32>
      %shift_left3A_551 = arith.shli %and3A_548, %shift_left3A_550 : vector<16xi32>
      %swap3A_552 = arith.constant 96 : index
      %swap3A_553 = tpu.vector_load %arg9[%swap3A_552] {strides = array<i32>} : memref<128xi32, #tpu.memory_space<vmem>>, vector<16xi32>,
      tpu.vector_store %arg9[%swap3A_552], %shift_left3A_551 {strides = array<i32>} : memref<128xi32, #tpu.memory_space<vmem>>, vector<16xi32>,
      %get3A_554 = arith.index_cast %add3A_452 : i32 to index
      %get3A_555 = arith.constant 112 : index
      %get3A_556 = tpu.vector_load %arg6[%get3A_554, %get3A_555] {strides = array<i32>} : memref<200x128xi32, #tpu.memory_space<vmem>>, vector<16xi32>,
      %and3A_557 = arith.constant 3 : i32
      %and3A_558 = vector.broadcast %and3A_557 : i32 to vector<16xi32>
      %and3A_559 = arith.andi %get3A_556, %and3A_558 : vector<16xi32>
      %shift_left3A_560 = arith.constant 5 : i32
      %shift_left3A_561 = vector.broadcast %shift_left3A_560 : i32 to vector<16xi32>
      %shift_left3A_562 = arith.shli %and3A_559, %shift_left3A_561 : vector<16xi32>
      %swap3A_563 = arith.constant 112 : index
      %swap3A_564 = tpu.vector_load %arg9[%swap3A_563] {strides = array<i32>} : memref<128xi32, #tpu.memory_space<vmem>>, vector<16xi32>,
      tpu.vector_store %arg9[%swap3A_563], %shift_left3A_562 {strides = array<i32>} : memref<128xi32, #tpu.memory_space<vmem>>, vector<16xi32>,
      %broadcast_in_dim3A_565 = vector.broadcast %add3A_452 : i32 to vector<16xi32>
      %parallel_loop3A_566 = arith.constant 0 : i32
      %parallel_loop3A_567 = arith.constant 32 : i32
      %parallel_loop3A_568 = arith.constant 1 : i32
      scf.for %parallel_loop3A_641 = %parallel_loop3A_566 to %parallel_loop3A_567 step %parallel_loop3A_568  : i32 {
        %parallel_loop3A_642 = vector.broadcast %parallel_loop3A_641 : i32 to vector<16xi32>
        %parallel_loop3A_643 = tpu.vector_load_idx %arg7[%parallel_loop3A_642, %broadcast_in_dim3A_565] : memref<32x200xf32, #tpu.memory_space<vmem>>[vector<16xi32>, vector<16xi32>], vector<16xf32>,
        %parallel_loop3A_644 = arith.constant 0 : i32
        %parallel_loop3A_645 = vector.broadcast %parallel_loop3A_644 : i32 to vector<16xi32>
        %parallel_loop3A_646 = arith.addi %iota3A, %parallel_loop3A_645 : vector<16xi32>
        %parallel_loop3A_647 = arith.constant 0 : index
        %parallel_loop3A_648 = tpu.vector_load %arg9[%parallel_loop3A_647] {strides = array<i32>} : memref<128xi32, #tpu.memory_space<vmem>>, vector<16xi32>,
        %parallel_loop3A_649 = arith.addi %parallel_loop3A_648, %parallel_loop3A_642 : vector<16xi32>
        %parallel_loop3A_650 = arith.constant 1 : i32
        %parallel_loop3A_651 = arith.constant 0 : i32
        %parallel_loop3A_652 = arith.constant 0 : i32
        %parallel_loop3A_653 = tpu.memref_slice %arg10[%parallel_loop3A_650, %parallel_loop3A_651, %parallel_loop3A_652] : memref<2x128x128xf32, #tpu.memory_space<vmem>> -> memref<1x128x128xf32, #tpu.memory_space<vmem>>
        %parallel_loop3A_654 = tpu.memref_squeeze %parallel_loop3A_653 : memref<1x128x128xf32, #tpu.memory_space<vmem>> -> memref<128x128xf32, #tpu.memory_space<vmem>>
        %parallel_loop3A_655 = tpu.vector_load_idx %parallel_loop3A_654[%parallel_loop3A_646, %parallel_loop3A_649] : memref<128x128xf32, #tpu.memory_space<vmem>>[vector<16xi32>, vector<16xi32>], vector<16xf32>,
        %parallel_loop3A_656 = arith.addf %parallel_loop3A_655, %parallel_loop3A_643 : vector<16xf32>
        %parallel_loop3A_657 = arith.constant 1 : i32
        %parallel_loop3A_658 = arith.index_cast %parallel_loop3A_657 : i32 to index
        %parallel_loop3A_659 = arith.index_cast %parallel_loop3A_641 : i32 to index
        %parallel_loop3A_660 = arith.constant 0 : index
        %parallel_loop3A_661 = tpu.vector_load %arg11[%parallel_loop3A_658, %parallel_loop3A_659, %parallel_loop3A_660] {strides = array<i32>} : memref<2x32x128xf32, #tpu.memory_space<vmem>>, vector<16xf32>,
        tpu.vector_store %arg11[%parallel_loop3A_658, %parallel_loop3A_659, %parallel_loop3A_660], %parallel_loop3A_656 {strides = array<i32>} : memref<2x32x128xf32, #tpu.memory_space<vmem>>, vector<16xf32>,
        %parallel_loop3A_662 = arith.constant 16 : i32
        %parallel_loop3A_663 = vector.broadcast %parallel_loop3A_662 : i32 to vector<16xi32>
        %parallel_loop3A_664 = arith.addi %iota3A, %parallel_loop3A_663 : vector<16xi32>
        %parallel_loop3A_665 = arith.constant 16 : index
        %parallel_loop3A_666 = tpu.vector_load %arg9[%parallel_loop3A_665] {strides = array<i32>} : memref<128xi32, #tpu.memory_space<vmem>>, vector<16xi32>,
        %parallel_loop3A_667 = arith.addi %parallel_loop3A_666, %parallel_loop3A_642 : vector<16xi32>
        %parallel_loop3A_668 = arith.constant 1 : i32
        %parallel_loop3A_669 = arith.constant 0 : i32
        %parallel_loop3A_670 = arith.constant 0 : i32
        %parallel_loop3A_671 = tpu.memref_slice %arg10[%parallel_loop3A_668, %parallel_loop3A_669, %parallel_loop3A_670] : memref<2x128x128xf32, #tpu.memory_space<vmem>> -> memref<1x128x128xf32, #tpu.memory_space<vmem>>
        %parallel_loop3A_672 = tpu.memref_squeeze %parallel_loop3A_671 : memref<1x128x128xf32, #tpu.memory_space<vmem>> -> memref<128x128xf32, #tpu.memory_space<vmem>>
        %parallel_loop3A_673 = tpu.vector_load_idx %parallel_loop3A_672[%parallel_loop3A_664, %parallel_loop3A_667] : memref<128x128xf32, #tpu.memory_space<vmem>>[vector<16xi32>, vector<16xi32>], vector<16xf32>,
        %parallel_loop3A_674 = arith.addf %parallel_loop3A_673, %parallel_loop3A_643 : vector<16xf32>
        %parallel_loop3A_675 = arith.constant 1 : i32
        %parallel_loop3A_676 = arith.index_cast %parallel_loop3A_675 : i32 to index
        %parallel_loop3A_677 = arith.index_cast %parallel_loop3A_641 : i32 to index
        %parallel_loop3A_678 = arith.constant 16 : index
        %parallel_loop3A_679 = tpu.vector_load %arg11[%parallel_loop3A_676, %parallel_loop3A_677, %parallel_loop3A_678] {strides = array<i32>} : memref<2x32x128xf32, #tpu.memory_space<vmem>>, vector<16xf32>,
        tpu.vector_store %arg11[%parallel_loop3A_676, %parallel_loop3A_677, %parallel_loop3A_678], %parallel_loop3A_674 {strides = array<i32>} : memref<2x32x128xf32, #tpu.memory_space<vmem>>, vector<16xf32>,
        %parallel_loop3A_680 = arith.constant 32 : i32
        %parallel_loop3A_681 = vector.broadcast %parallel_loop3A_680 : i32 to vector<16xi32>
        %parallel_loop3A_682 = arith.addi %iota3A, %parallel_loop3A_681 : vector<16xi32>
        %parallel_loop3A_683 = arith.constant 32 : index
        %parallel_loop3A_684 = tpu.vector_load %arg9[%parallel_loop3A_683] {strides = array<i32>} : memref<128xi32, #tpu.memory_space<vmem>>, vector<16xi32>,
        %parallel_loop3A_685 = arith.addi %parallel_loop3A_684, %parallel_loop3A_642 : vector<16xi32>
        %parallel_loop3A_686 = arith.constant 1 : i32
        %parallel_loop3A_687 = arith.constant 0 : i32
        %parallel_loop3A_688 = arith.constant 0 : i32
        %parallel_loop3A_689 = tpu.memref_slice %arg10[%parallel_loop3A_686, %parallel_loop3A_687, %parallel_loop3A_688] : memref<2x128x128xf32, #tpu.memory_space<vmem>> -> memref<1x128x128xf32, #tpu.memory_space<vmem>>
        %parallel_loop3A_690 = tpu.memref_squeeze %parallel_loop3A_689 : memref<1x128x128xf32, #tpu.memory_space<vmem>> -> memref<128x128xf32, #tpu.memory_space<vmem>>
        %parallel_loop3A_691 = tpu.vector_load_idx %parallel_loop3A_690[%parallel_loop3A_682, %parallel_loop3A_685] : memref<128x128xf32, #tpu.memory_space<vmem>>[vector<16xi32>, vector<16xi32>], vector<16xf32>,
        %parallel_loop3A_692 = arith.addf %parallel_loop3A_691, %parallel_loop3A_643 : vector<16xf32>
        %parallel_loop3A_693 = arith.constant 1 : i32
        %parallel_loop3A_694 = arith.index_cast %parallel_loop3A_693 : i32 to index
        %parallel_loop3A_695 = arith.index_cast %parallel_loop3A_641 : i32 to index
        %parallel_loop3A_696 = arith.constant 32 : index
        %parallel_loop3A_697 = tpu.vector_load %arg11[%parallel_loop3A_694, %parallel_loop3A_695, %parallel_loop3A_696] {strides = array<i32>} : memref<2x32x128xf32, #tpu.memory_space<vmem>>, vector<16xf32>,
        tpu.vector_store %arg11[%parallel_loop3A_694, %parallel_loop3A_695, %parallel_loop3A_696], %parallel_loop3A_692 {strides = array<i32>} : memref<2x32x128xf32, #tpu.memory_space<vmem>>, vector<16xf32>,
        %parallel_loop3A_698 = arith.constant 48 : i32
        %parallel_loop3A_699 = vector.broadcast %parallel_loop3A_698 : i32 to vector<16xi32>
        %parallel_loop3A_700 = arith.addi %iota3A, %parallel_loop3A_699 : vector<16xi32>
        %parallel_loop3A_701 = arith.constant 48 : index
        %parallel_loop3A_702 = tpu.vector_load %arg9[%parallel_loop3A_701] {strides = array<i32>} : memref<128xi32, #tpu.memory_space<vmem>>, vector<16xi32>,
        %parallel_loop3A_703 = arith.addi %parallel_loop3A_702, %parallel_loop3A_642 : vector<16xi32>
        %parallel_loop3A_704 = arith.constant 1 : i32
        %parallel_loop3A_705 = arith.constant 0 : i32
        %parallel_loop3A_706 = arith.constant 0 : i32
        %parallel_loop3A_707 = tpu.memref_slice %arg10[%parallel_loop3A_704, %parallel_loop3A_705, %parallel_loop3A_706] : memref<2x128x128xf32, #tpu.memory_space<vmem>> -> memref<1x128x128xf32, #tpu.memory_space<vmem>>
        %parallel_loop3A_708 = tpu.memref_squeeze %parallel_loop3A_707 : memref<1x128x128xf32, #tpu.memory_space<vmem>> -> memref<128x128xf32, #tpu.memory_space<vmem>>
        %parallel_loop3A_709 = tpu.vector_load_idx %parallel_loop3A_708[%parallel_loop3A_700, %parallel_loop3A_703] : memref<128x128xf32, #tpu.memory_space<vmem>>[vector<16xi32>, vector<16xi32>], vector<16xf32>,
        %parallel_loop3A_710 = arith.addf %parallel_loop3A_709, %parallel_loop3A_643 : vector<16xf32>
        %parallel_loop3A_711 = arith.constant 1 : i32
        %parallel_loop3A_712 = arith.index_cast %parallel_loop3A_711 : i32 to index
        %parallel_loop3A_713 = arith.index_cast %parallel_loop3A_641 : i32 to index
        %parallel_loop3A_714 = arith.constant 48 : index
        %parallel_loop3A_715 = tpu.vector_load %arg11[%parallel_loop3A_712, %parallel_loop3A_713, %parallel_loop3A_714] {strides = array<i32>} : memref<2x32x128xf32, #tpu.memory_space<vmem>>, vector<16xf32>,
        tpu.vector_store %arg11[%parallel_loop3A_712, %parallel_loop3A_713, %parallel_loop3A_714], %parallel_loop3A_710 {strides = array<i32>} : memref<2x32x128xf32, #tpu.memory_space<vmem>>, vector<16xf32>,
        %parallel_loop3A_716 = arith.constant 64 : i32
        %parallel_loop3A_717 = vector.broadcast %parallel_loop3A_716 : i32 to vector<16xi32>
        %parallel_loop3A_718 = arith.addi %iota3A, %parallel_loop3A_717 : vector<16xi32>
        %parallel_loop3A_719 = arith.constant 64 : index
        %parallel_loop3A_720 = tpu.vector_load %arg9[%parallel_loop3A_719] {strides = array<i32>} : memref<128xi32, #tpu.memory_space<vmem>>, vector<16xi32>,
        %parallel_loop3A_721 = arith.addi %parallel_loop3A_720, %parallel_loop3A_642 : vector<16xi32>
        %parallel_loop3A_722 = arith.constant 1 : i32
        %parallel_loop3A_723 = arith.constant 0 : i32
        %parallel_loop3A_724 = arith.constant 0 : i32
        %parallel_loop3A_725 = tpu.memref_slice %arg10[%parallel_loop3A_722, %parallel_loop3A_723, %parallel_loop3A_724] : memref<2x128x128xf32, #tpu.memory_space<vmem>> -> memref<1x128x128xf32, #tpu.memory_space<vmem>>
        %parallel_loop3A_726 = tpu.memref_squeeze %parallel_loop3A_725 : memref<1x128x128xf32, #tpu.memory_space<vmem>> -> memref<128x128xf32, #tpu.memory_space<vmem>>
        %parallel_loop3A_727 = tpu.vector_load_idx %parallel_loop3A_726[%parallel_loop3A_718, %parallel_loop3A_721] : memref<128x128xf32, #tpu.memory_space<vmem>>[vector<16xi32>, vector<16xi32>], vector<16xf32>,
        %parallel_loop3A_728 = arith.addf %parallel_loop3A_727, %parallel_loop3A_643 : vector<16xf32>
        %parallel_loop3A_729 = arith.constant 1 : i32
        %parallel_loop3A_730 = arith.index_cast %parallel_loop3A_729 : i32 to index
        %parallel_loop3A_731 = arith.index_cast %parallel_loop3A_641 : i32 to index
        %parallel_loop3A_732 = arith.constant 64 : index
        %parallel_loop3A_733 = tpu.vector_load %arg11[%parallel_loop3A_730, %parallel_loop3A_731, %parallel_loop3A_732] {strides = array<i32>} : memref<2x32x128xf32, #tpu.memory_space<vmem>>, vector<16xf32>,
        tpu.vector_store %arg11[%parallel_loop3A_730, %parallel_loop3A_731, %parallel_loop3A_732], %parallel_loop3A_728 {strides = array<i32>} : memref<2x32x128xf32, #tpu.memory_space<vmem>>, vector<16xf32>,
        %parallel_loop3A_734 = arith.constant 80 : i32
        %parallel_loop3A_735 = vector.broadcast %parallel_loop3A_734 : i32 to vector<16xi32>
        %parallel_loop3A_736 = arith.addi %iota3A, %parallel_loop3A_735 : vector<16xi32>
        %parallel_loop3A_737 = arith.constant 80 : index
        %parallel_loop3A_738 = tpu.vector_load %arg9[%parallel_loop3A_737] {strides = array<i32>} : memref<128xi32, #tpu.memory_space<vmem>>, vector<16xi32>,
        %parallel_loop3A_739 = arith.addi %parallel_loop3A_738, %parallel_loop3A_642 : vector<16xi32>
        %parallel_loop3A_740 = arith.constant 1 : i32
        %parallel_loop3A_741 = arith.constant 0 : i32
        %parallel_loop3A_742 = arith.constant 0 : i32
        %parallel_loop3A_743 = tpu.memref_slice %arg10[%parallel_loop3A_740, %parallel_loop3A_741, %parallel_loop3A_742] : memref<2x128x128xf32, #tpu.memory_space<vmem>> -> memref<1x128x128xf32, #tpu.memory_space<vmem>>
        %parallel_loop3A_744 = tpu.memref_squeeze %parallel_loop3A_743 : memref<1x128x128xf32, #tpu.memory_space<vmem>> -> memref<128x128xf32, #tpu.memory_space<vmem>>
        %parallel_loop3A_745 = tpu.vector_load_idx %parallel_loop3A_744[%parallel_loop3A_736, %parallel_loop3A_739] : memref<128x128xf32, #tpu.memory_space<vmem>>[vector<16xi32>, vector<16xi32>], vector<16xf32>,
        %parallel_loop3A_746 = arith.addf %parallel_loop3A_745, %parallel_loop3A_643 : vector<16xf32>
        %parallel_loop3A_747 = arith.constant 1 : i32
        %parallel_loop3A_748 = arith.index_cast %parallel_loop3A_747 : i32 to index
        %parallel_loop3A_749 = arith.index_cast %parallel_loop3A_641 : i32 to index
        %parallel_loop3A_750 = arith.constant 80 : index
        %parallel_loop3A_751 = tpu.vector_load %arg11[%parallel_loop3A_748, %parallel_loop3A_749, %parallel_loop3A_750] {strides = array<i32>} : memref<2x32x128xf32, #tpu.memory_space<vmem>>, vector<16xf32>,
        tpu.vector_store %arg11[%parallel_loop3A_748, %parallel_loop3A_749, %parallel_loop3A_750], %parallel_loop3A_746 {strides = array<i32>} : memref<2x32x128xf32, #tpu.memory_space<vmem>>, vector<16xf32>,
        %parallel_loop3A_752 = arith.constant 96 : i32
        %parallel_loop3A_753 = vector.broadcast %parallel_loop3A_752 : i32 to vector<16xi32>
        %parallel_loop3A_754 = arith.addi %iota3A, %parallel_loop3A_753 : vector<16xi32>
        %parallel_loop3A_755 = arith.constant 96 : index
        %parallel_loop3A_756 = tpu.vector_load %arg9[%parallel_loop3A_755] {strides = array<i32>} : memref<128xi32, #tpu.memory_space<vmem>>, vector<16xi32>,
        %parallel_loop3A_757 = arith.addi %parallel_loop3A_756, %parallel_loop3A_642 : vector<16xi32>
        %parallel_loop3A_758 = arith.constant 1 : i32
        %parallel_loop3A_759 = arith.constant 0 : i32
        %parallel_loop3A_760 = arith.constant 0 : i32
        %parallel_loop3A_761 = tpu.memref_slice %arg10[%parallel_loop3A_758, %parallel_loop3A_759, %parallel_loop3A_760] : memref<2x128x128xf32, #tpu.memory_space<vmem>> -> memref<1x128x128xf32, #tpu.memory_space<vmem>>
        %parallel_loop3A_762 = tpu.memref_squeeze %parallel_loop3A_761 : memref<1x128x128xf32, #tpu.memory_space<vmem>> -> memref<128x128xf32, #tpu.memory_space<vmem>>
        %parallel_loop3A_763 = tpu.vector_load_idx %parallel_loop3A_762[%parallel_loop3A_754, %parallel_loop3A_757] : memref<128x128xf32, #tpu.memory_space<vmem>>[vector<16xi32>, vector<16xi32>], vector<16xf32>,
        %parallel_loop3A_764 = arith.addf %parallel_loop3A_763, %parallel_loop3A_643 : vector<16xf32>
        %parallel_loop3A_765 = arith.constant 1 : i32
        %parallel_loop3A_766 = arith.index_cast %parallel_loop3A_765 : i32 to index
        %parallel_loop3A_767 = arith.index_cast %parallel_loop3A_641 : i32 to index
        %parallel_loop3A_768 = arith.constant 96 : index
        %parallel_loop3A_769 = tpu.vector_load %arg11[%parallel_loop3A_766, %parallel_loop3A_767, %parallel_loop3A_768] {strides = array<i32>} : memref<2x32x128xf32, #tpu.memory_space<vmem>>, vector<16xf32>,
        tpu.vector_store %arg11[%parallel_loop3A_766, %parallel_loop3A_767, %parallel_loop3A_768], %parallel_loop3A_764 {strides = array<i32>} : memref<2x32x128xf32, #tpu.memory_space<vmem>>, vector<16xf32>,
        %parallel_loop3A_770 = arith.constant 112 : i32
        %parallel_loop3A_771 = vector.broadcast %parallel_loop3A_770 : i32 to vector<16xi32>
        %parallel_loop3A_772 = arith.addi %iota3A, %parallel_loop3A_771 : vector<16xi32>
        %parallel_loop3A_773 = arith.constant 112 : index
        %parallel_loop3A_774 = tpu.vector_load %arg9[%parallel_loop3A_773] {strides = array<i32>} : memref<128xi32, #tpu.memory_space<vmem>>, vector<16xi32>,
        %parallel_loop3A_775 = arith.addi %parallel_loop3A_774, %parallel_loop3A_642 : vector<16xi32>
        %parallel_loop3A_776 = arith.constant 1 : i32
        %parallel_loop3A_777 = arith.constant 0 : i32
        %parallel_loop3A_778 = arith.constant 0 : i32
        %parallel_loop3A_779 = tpu.memref_slice %arg10[%parallel_loop3A_776, %parallel_loop3A_777, %parallel_loop3A_778] : memref<2x128x128xf32, #tpu.memory_space<vmem>> -> memref<1x128x128xf32, #tpu.memory_space<vmem>>
        %parallel_loop3A_780 = tpu.memref_squeeze %parallel_loop3A_779 : memref<1x128x128xf32, #tpu.memory_space<vmem>> -> memref<128x128xf32, #tpu.memory_space<vmem>>
        %parallel_loop3A_781 = tpu.vector_load_idx %parallel_loop3A_780[%parallel_loop3A_772, %parallel_loop3A_775] : memref<128x128xf32, #tpu.memory_space<vmem>>[vector<16xi32>, vector<16xi32>], vector<16xf32>,
        %parallel_loop3A_782 = arith.addf %parallel_loop3A_781, %parallel_loop3A_643 : vector<16xf32>
        %parallel_loop3A_783 = arith.constant 1 : i32
        %parallel_loop3A_784 = arith.index_cast %parallel_loop3A_783 : i32 to index
        %parallel_loop3A_785 = arith.index_cast %parallel_loop3A_641 : i32 to index
        %parallel_loop3A_786 = arith.constant 112 : index
        %parallel_loop3A_787 = tpu.vector_load %arg11[%parallel_loop3A_784, %parallel_loop3A_785, %parallel_loop3A_786] {strides = array<i32>} : memref<2x32x128xf32, #tpu.memory_space<vmem>>, vector<16xf32>,
        tpu.vector_store %arg11[%parallel_loop3A_784, %parallel_loop3A_785, %parallel_loop3A_786], %parallel_loop3A_782 {strides = array<i32>} : memref<2x32x128xf32, #tpu.memory_space<vmem>>, vector<16xf32>,
      } {sc.loop_unroll_factor = 8 : i64, sc.parallel_access}
      %dma_start3A_569 = arith.constant 1 : i32
      %dma_start3A_570 = arith.constant 0 : i32
      %dma_start3A_571 = arith.constant 0 : i32
      %dma_start3A_572 = arith.constant 0 : i32
      %dma_start3A_573 = tpu.memref_slice %arg11[%dma_start3A_569, %dma_start3A_571, %dma_start3A_572] : memref<2x32x128xf32, #tpu.memory_space<vmem>> -> memref<1x8x128xf32, #tpu.memory_space<vmem>>
      %dma_start3A_574 = tpu.memref_squeeze %dma_start3A_573 : memref<1x8x128xf32, #tpu.memory_space<vmem>> -> memref<8x128xf32, #tpu.memory_space<vmem>>
      %dma_start3A_575 = arith.constant 0 : i32
      %dma_start3A_576 = arith.constant 0 : i32
      %dma_start3A_577 = tpu.memref_slice %arg5[%add3A_452, %dma_start3A_570, %add3A, %dma_start3A_575, %dma_start3A_576] : memref<200x4x32x8x128xf32, #tpu.memory_space<hbm>> -> memref<1x1x1x8x128xf32, #tpu.memory_space<hbm>>
      %dma_start3A_578 = tpu.memref_squeeze %dma_start3A_577 : memref<1x1x1x8x128xf32, #tpu.memory_space<hbm>> -> memref<8x128xf32, #tpu.memory_space<hbm>>
      %dma_start3A_579 = arith.constant 0 : i32
      %dma_start3A_580 = arith.constant 0 : i32
      %dma_start3A_581 = tpu.memref_slice %arg5[%add3A_452, %dma_start3A_570, %add3A, %dma_start3A_579, %dma_start3A_580] : memref<200x4x32x8x128xf32, #tpu.memory_space<hbm>> -> memref<1x1x1x8x128xf32, #tpu.memory_space<hbm>>
      %dma_start3A_582 = tpu.memref_squeeze %dma_start3A_581 : memref<1x1x1x8x128xf32, #tpu.memory_space<hbm>> -> memref<8x128xf32, #tpu.memory_space<hbm>>
      %dma_start3A_583 = arith.constant 0 : i32
      %dma_start3A_584 = arith.constant 0 : i32
      %dma_start3A_585 = tpu.memref_slice %arg11[%dma_start3A_569, %dma_start3A_583, %dma_start3A_584] : memref<2x32x128xf32, #tpu.memory_space<vmem>> -> memref<1x8x128xf32, #tpu.memory_space<vmem>>
      %dma_start3A_586 = tpu.memref_squeeze %dma_start3A_585 : memref<1x8x128xf32, #tpu.memory_space<vmem>> -> memref<8x128xf32, #tpu.memory_space<vmem>>
      tpu.enqueue_dma source(%dma_start3A_586 : memref<8x128xf32, #tpu.memory_space<vmem>>) target(%dma_start3A_582 : memref<8x128xf32, #tpu.memory_space<hbm>>) target_semaphore(%arg15 : memref<!tpu.dma_semaphore, #tpu.memory_space<semaphore_mem>>)
      %dma_start3A_587 = arith.constant 1 : i32
      %dma_start3A_588 = arith.constant 1 : i32
      %dma_start3A_589 = arith.constant 8 : i32
      %dma_start3A_590 = arith.constant 0 : i32
      %dma_start3A_591 = tpu.memref_slice %arg11[%dma_start3A_587, %dma_start3A_589, %dma_start3A_590] : memref<2x32x128xf32, #tpu.memory_space<vmem>> -> memref<1x8x128xf32, #tpu.memory_space<vmem>>
      %dma_start3A_592 = tpu.memref_squeeze %dma_start3A_591 : memref<1x8x128xf32, #tpu.memory_space<vmem>> -> memref<8x128xf32, #tpu.memory_space<vmem>>
      %dma_start3A_593 = arith.constant 0 : i32
      %dma_start3A_594 = arith.constant 0 : i32
      %dma_start3A_595 = tpu.memref_slice %arg5[%add3A_452, %dma_start3A_588, %add3A, %dma_start3A_593, %dma_start3A_594] : memref<200x4x32x8x128xf32, #tpu.memory_space<hbm>> -> memref<1x1x1x8x128xf32, #tpu.memory_space<hbm>>
      %dma_start3A_596 = tpu.memref_squeeze %dma_start3A_595 : memref<1x1x1x8x128xf32, #tpu.memory_space<hbm>> -> memref<8x128xf32, #tpu.memory_space<hbm>>
      %dma_start3A_597 = arith.constant 0 : i32
      %dma_start3A_598 = arith.constant 0 : i32
      %dma_start3A_599 = tpu.memref_slice %arg5[%add3A_452, %dma_start3A_588, %add3A, %dma_start3A_597, %dma_start3A_598] : memref<200x4x32x8x128xf32, #tpu.memory_space<hbm>> -> memref<1x1x1x8x128xf32, #tpu.memory_space<hbm>>
      %dma_start3A_600 = tpu.memref_squeeze %dma_start3A_599 : memref<1x1x1x8x128xf32, #tpu.memory_space<hbm>> -> memref<8x128xf32, #tpu.memory_space<hbm>>
      %dma_start3A_601 = arith.constant 8 : i32
      %dma_start3A_602 = arith.constant 0 : i32
      %dma_start3A_603 = tpu.memref_slice %arg11[%dma_start3A_587, %dma_start3A_601, %dma_start3A_602] : memref<2x32x128xf32, #tpu.memory_space<vmem>> -> memref<1x8x128xf32, #tpu.memory_space<vmem>>
      %dma_start3A_604 = tpu.memref_squeeze %dma_start3A_603 : memref<1x8x128xf32, #tpu.memory_space<vmem>> -> memref<8x128xf32, #tpu.memory_space<vmem>>
      tpu.enqueue_dma source(%dma_start3A_604 : memref<8x128xf32, #tpu.memory_space<vmem>>) target(%dma_start3A_600 : memref<8x128xf32, #tpu.memory_space<hbm>>) target_semaphore(%arg15 : memref<!tpu.dma_semaphore, #tpu.memory_space<semaphore_mem>>)
      %dma_start3A_605 = arith.constant 1 : i32
      %dma_start3A_606 = arith.constant 2 : i32
      %dma_start3A_607 = arith.constant 16 : i32
      %dma_start3A_608 = arith.constant 0 : i32
      %dma_start3A_609 = tpu.memref_slice %arg11[%dma_start3A_605, %dma_start3A_607, %dma_start3A_608] : memref<2x32x128xf32, #tpu.memory_space<vmem>> -> memref<1x8x128xf32, #tpu.memory_space<vmem>>
      %dma_start3A_610 = tpu.memref_squeeze %dma_start3A_609 : memref<1x8x128xf32, #tpu.memory_space<vmem>> -> memref<8x128xf32, #tpu.memory_space<vmem>>
      %dma_start3A_611 = arith.constant 0 : i32
      %dma_start3A_612 = arith.constant 0 : i32
      %dma_start3A_613 = tpu.memref_slice %arg5[%add3A_452, %dma_start3A_606, %add3A, %dma_start3A_611, %dma_start3A_612] : memref<200x4x32x8x128xf32, #tpu.memory_space<hbm>> -> memref<1x1x1x8x128xf32, #tpu.memory_space<hbm>>
      %dma_start3A_614 = tpu.memref_squeeze %dma_start3A_613 : memref<1x1x1x8x128xf32, #tpu.memory_space<hbm>> -> memref<8x128xf32, #tpu.memory_space<hbm>>
      %dma_start3A_615 = arith.constant 0 : i32
      %dma_start3A_616 = arith.constant 0 : i32
      %dma_start3A_617 = tpu.memref_slice %arg5[%add3A_452, %dma_start3A_606, %add3A, %dma_start3A_615, %dma_start3A_616] : memref<200x4x32x8x128xf32, #tpu.memory_space<hbm>> -> memref<1x1x1x8x128xf32, #tpu.memory_space<hbm>>
      %dma_start3A_618 = tpu.memref_squeeze %dma_start3A_617 : memref<1x1x1x8x128xf32, #tpu.memory_space<hbm>> -> memref<8x128xf32, #tpu.memory_space<hbm>>
      %dma_start3A_619 = arith.constant 16 : i32
      %dma_start3A_620 = arith.constant 0 : i32
      %dma_start3A_621 = tpu.memref_slice %arg11[%dma_start3A_605, %dma_start3A_619, %dma_start3A_620] : memref<2x32x128xf32, #tpu.memory_space<vmem>> -> memref<1x8x128xf32, #tpu.memory_space<vmem>>
      %dma_start3A_622 = tpu.memref_squeeze %dma_start3A_621 : memref<1x8x128xf32, #tpu.memory_space<vmem>> -> memref<8x128xf32, #tpu.memory_space<vmem>>
      tpu.enqueue_dma source(%dma_start3A_622 : memref<8x128xf32, #tpu.memory_space<vmem>>) target(%dma_start3A_618 : memref<8x128xf32, #tpu.memory_space<hbm>>) target_semaphore(%arg15 : memref<!tpu.dma_semaphore, #tpu.memory_space<semaphore_mem>>)
      %dma_start3A_623 = arith.constant 1 : i32
      %dma_start3A_624 = arith.constant 3 : i32
      %dma_start3A_625 = arith.constant 24 : i32
      %dma_start3A_626 = arith.constant 0 : i32
      %dma_start3A_627 = tpu.memref_slice %arg11[%dma_start3A_623, %dma_start3A_625, %dma_start3A_626] : memref<2x32x128xf32, #tpu.memory_space<vmem>> -> memref<1x8x128xf32, #tpu.memory_space<vmem>>
      %dma_start3A_628 = tpu.memref_squeeze %dma_start3A_627 : memref<1x8x128xf32, #tpu.memory_space<vmem>> -> memref<8x128xf32, #tpu.memory_space<vmem>>
      %dma_start3A_629 = arith.constant 0 : i32
      %dma_start3A_630 = arith.constant 0 : i32
      %dma_start3A_631 = tpu.memref_slice %arg5[%add3A_452, %dma_start3A_624, %add3A, %dma_start3A_629, %dma_start3A_630] : memref<200x4x32x8x128xf32, #tpu.memory_space<hbm>> -> memref<1x1x1x8x128xf32, #tpu.memory_space<hbm>>
      %dma_start3A_632 = tpu.memref_squeeze %dma_start3A_631 : memref<1x1x1x8x128xf32, #tpu.memory_space<hbm>> -> memref<8x128xf32, #tpu.memory_space<hbm>>
      %dma_start3A_633 = arith.constant 0 : i32
      %dma_start3A_634 = arith.constant 0 : i32
      %dma_start3A_635 = tpu.memref_slice %arg5[%add3A_452, %dma_start3A_624, %add3A, %dma_start3A_633, %dma_start3A_634] : memref<200x4x32x8x128xf32, #tpu.memory_space<hbm>> -> memref<1x1x1x8x128xf32, #tpu.memory_space<hbm>>
      %dma_start3A_636 = tpu.memref_squeeze %dma_start3A_635 : memref<1x1x1x8x128xf32, #tpu.memory_space<hbm>> -> memref<8x128xf32, #tpu.memory_space<hbm>>
      %dma_start3A_637 = arith.constant 24 : i32
      %dma_start3A_638 = arith.constant 0 : i32
      %dma_start3A_639 = tpu.memref_slice %arg11[%dma_start3A_623, %dma_start3A_637, %dma_start3A_638] : memref<2x32x128xf32, #tpu.memory_space<vmem>> -> memref<1x8x128xf32, #tpu.memory_space<vmem>>
      %dma_start3A_640 = tpu.memref_squeeze %dma_start3A_639 : memref<1x8x128xf32, #tpu.memory_space<vmem>> -> memref<8x128xf32, #tpu.memory_space<vmem>>
      tpu.enqueue_dma source(%dma_start3A_640 : memref<8x128xf32, #tpu.memory_space<vmem>>) target(%dma_start3A_636 : memref<8x128xf32, #tpu.memory_space<hbm>>) target_semaphore(%arg15 : memref<!tpu.dma_semaphore, #tpu.memory_space<semaphore_mem>>)
    }
    %scan3A_112 = arith.constant 100 : i32
    %dma_wait3A = arith.constant 0 : i32
    %dma_wait3A_113 = arith.constant 198 : i32
    %dma_wait3A_114 = arith.constant 0 : i32
    %dma_wait3A_115 = arith.constant 0 : i32
    %dma_wait3A_116 = arith.constant 0 : i32
    %dma_wait3A_117 = tpu.memref_slice %arg11[%dma_wait3A, %dma_wait3A_115, %dma_wait3A_116] : memref<2x32x128xf32, #tpu.memory_space<vmem>> -> memref<1x8x128xf32, #tpu.memory_space<vmem>>
    %dma_wait3A_118 = tpu.memref_squeeze %dma_wait3A_117 : memref<1x8x128xf32, #tpu.memory_space<vmem>> -> memref<8x128xf32, #tpu.memory_space<vmem>>
    %dma_wait3A_119 = arith.constant 0 : i32
    %dma_wait3A_120 = arith.constant 0 : i32
    %dma_wait3A_121 = tpu.memref_slice %arg5[%dma_wait3A_113, %dma_wait3A_114, %add3A, %dma_wait3A_119, %dma_wait3A_120] : memref<200x4x32x8x128xf32, #tpu.memory_space<hbm>> -> memref<1x1x1x8x128xf32, #tpu.memory_space<hbm>>
    %dma_wait3A_122 = tpu.memref_squeeze %dma_wait3A_121 : memref<1x1x1x8x128xf32, #tpu.memory_space<hbm>> -> memref<8x128xf32, #tpu.memory_space<hbm>>
    %dma_wait3A_123 = arith.constant 0 : i32
    %dma_wait3A_124 = arith.constant 0 : i32
    %dma_wait3A_125 = tpu.memref_slice %arg5[%dma_wait3A_113, %dma_wait3A_114, %add3A, %dma_wait3A_123, %dma_wait3A_124] : memref<200x4x32x8x128xf32, #tpu.memory_space<hbm>> -> memref<1x1x1x8x128xf32, #tpu.memory_space<hbm>>
    %dma_wait3A_126 = tpu.memref_squeeze %dma_wait3A_125 : memref<1x1x1x8x128xf32, #tpu.memory_space<hbm>> -> memref<8x128xf32, #tpu.memory_space<hbm>>
    %dma_wait3A_127 = arith.constant 0 : i32
    %dma_wait3A_128 = arith.constant 0 : i32
    %dma_wait3A_129 = tpu.memref_slice %arg11[%dma_wait3A, %dma_wait3A_127, %dma_wait3A_128] : memref<2x32x128xf32, #tpu.memory_space<vmem>> -> memref<1x8x128xf32, #tpu.memory_space<vmem>>
    %dma_wait3A_130 = tpu.memref_squeeze %dma_wait3A_129 : memref<1x8x128xf32, #tpu.memory_space<vmem>> -> memref<8x128xf32, #tpu.memory_space<vmem>>
    tpu.wait_dma2 semaphore(%arg14 : memref<!tpu.dma_semaphore, #tpu.memory_space<semaphore_mem>>) src(%dma_wait3A_130 : memref<8x128xf32, #tpu.memory_space<vmem>>) dst(%dma_wait3A_126 : memref<8x128xf32, #tpu.memory_space<hbm>>)
    %dma_wait3A_131 = arith.constant 0 : i32
    %dma_wait3A_132 = arith.constant 198 : i32
    %dma_wait3A_133 = arith.constant 1 : i32
    %dma_wait3A_134 = arith.constant 8 : i32
    %dma_wait3A_135 = arith.constant 0 : i32
    %dma_wait3A_136 = tpu.memref_slice %arg11[%dma_wait3A_131, %dma_wait3A_134, %dma_wait3A_135] : memref<2x32x128xf32, #tpu.memory_space<vmem>> -> memref<1x8x128xf32, #tpu.memory_space<vmem>>
    %dma_wait3A_137 = tpu.memref_squeeze %dma_wait3A_136 : memref<1x8x128xf32, #tpu.memory_space<vmem>> -> memref<8x128xf32, #tpu.memory_space<vmem>>
    %dma_wait3A_138 = arith.constant 0 : i32
    %dma_wait3A_139 = arith.constant 0 : i32
    %dma_wait3A_140 = tpu.memref_slice %arg5[%dma_wait3A_132, %dma_wait3A_133, %add3A, %dma_wait3A_138, %dma_wait3A_139] : memref<200x4x32x8x128xf32, #tpu.memory_space<hbm>> -> memref<1x1x1x8x128xf32, #tpu.memory_space<hbm>>
    %dma_wait3A_141 = tpu.memref_squeeze %dma_wait3A_140 : memref<1x1x1x8x128xf32, #tpu.memory_space<hbm>> -> memref<8x128xf32, #tpu.memory_space<hbm>>
    %dma_wait3A_142 = arith.constant 0 : i32
    %dma_wait3A_143 = arith.constant 0 : i32
    %dma_wait3A_144 = tpu.memref_slice %arg5[%dma_wait3A_132, %dma_wait3A_133, %add3A, %dma_wait3A_142, %dma_wait3A_143] : memref<200x4x32x8x128xf32, #tpu.memory_space<hbm>> -> memref<1x1x1x8x128xf32, #tpu.memory_space<hbm>>
    %dma_wait3A_145 = tpu.memref_squeeze %dma_wait3A_144 : memref<1x1x1x8x128xf32, #tpu.memory_space<hbm>> -> memref<8x128xf32, #tpu.memory_space<hbm>>
    %dma_wait3A_146 = arith.constant 8 : i32
    %dma_wait3A_147 = arith.constant 0 : i32
    %dma_wait3A_148 = tpu.memref_slice %arg11[%dma_wait3A_131, %dma_wait3A_146, %dma_wait3A_147] : memref<2x32x128xf32, #tpu.memory_space<vmem>> -> memref<1x8x128xf32, #tpu.memory_space<vmem>>
    %dma_wait3A_149 = tpu.memref_squeeze %dma_wait3A_148 : memref<1x8x128xf32, #tpu.memory_space<vmem>> -> memref<8x128xf32, #tpu.memory_space<vmem>>
    tpu.wait_dma2 semaphore(%arg14 : memref<!tpu.dma_semaphore, #tpu.memory_space<semaphore_mem>>) src(%dma_wait3A_149 : memref<8x128xf32, #tpu.memory_space<vmem>>) dst(%dma_wait3A_145 : memref<8x128xf32, #tpu.memory_space<hbm>>)
    %dma_wait3A_150 = arith.constant 0 : i32
    %dma_wait3A_151 = arith.constant 198 : i32
    %dma_wait3A_152 = arith.constant 2 : i32
    %dma_wait3A_153 = arith.constant 16 : i32
    %dma_wait3A_154 = arith.constant 0 : i32
    %dma_wait3A_155 = tpu.memref_slice %arg11[%dma_wait3A_150, %dma_wait3A_153, %dma_wait3A_154] : memref<2x32x128xf32, #tpu.memory_space<vmem>> -> memref<1x8x128xf32, #tpu.memory_space<vmem>>
    %dma_wait3A_156 = tpu.memref_squeeze %dma_wait3A_155 : memref<1x8x128xf32, #tpu.memory_space<vmem>> -> memref<8x128xf32, #tpu.memory_space<vmem>>
    %dma_wait3A_157 = arith.constant 0 : i32
    %dma_wait3A_158 = arith.constant 0 : i32
    %dma_wait3A_159 = tpu.memref_slice %arg5[%dma_wait3A_151, %dma_wait3A_152, %add3A, %dma_wait3A_157, %dma_wait3A_158] : memref<200x4x32x8x128xf32, #tpu.memory_space<hbm>> -> memref<1x1x1x8x128xf32, #tpu.memory_space<hbm>>
    %dma_wait3A_160 = tpu.memref_squeeze %dma_wait3A_159 : memref<1x1x1x8x128xf32, #tpu.memory_space<hbm>> -> memref<8x128xf32, #tpu.memory_space<hbm>>
    %dma_wait3A_161 = arith.constant 0 : i32
    %dma_wait3A_162 = arith.constant 0 : i32
    %dma_wait3A_163 = tpu.memref_slice %arg5[%dma_wait3A_151, %dma_wait3A_152, %add3A, %dma_wait3A_161, %dma_wait3A_162] : memref<200x4x32x8x128xf32, #tpu.memory_space<hbm>> -> memref<1x1x1x8x128xf32, #tpu.memory_space<hbm>>
    %dma_wait3A_164 = tpu.memref_squeeze %dma_wait3A_163 : memref<1x1x1x8x128xf32, #tpu.memory_space<hbm>> -> memref<8x128xf32, #tpu.memory_space<hbm>>
    %dma_wait3A_165 = arith.constant 16 : i32
    %dma_wait3A_166 = arith.constant 0 : i32
    %dma_wait3A_167 = tpu.memref_slice %arg11[%dma_wait3A_150, %dma_wait3A_165, %dma_wait3A_166] : memref<2x32x128xf32, #tpu.memory_space<vmem>> -> memref<1x8x128xf32, #tpu.memory_space<vmem>>
    %dma_wait3A_168 = tpu.memref_squeeze %dma_wait3A_167 : memref<1x8x128xf32, #tpu.memory_space<vmem>> -> memref<8x128xf32, #tpu.memory_space<vmem>>
    tpu.wait_dma2 semaphore(%arg14 : memref<!tpu.dma_semaphore, #tpu.memory_space<semaphore_mem>>) src(%dma_wait3A_168 : memref<8x128xf32, #tpu.memory_space<vmem>>) dst(%dma_wait3A_164 : memref<8x128xf32, #tpu.memory_space<hbm>>)
    %dma_wait3A_169 = arith.constant 0 : i32
    %dma_wait3A_170 = arith.constant 198 : i32
    %dma_wait3A_171 = arith.constant 3 : i32
    %dma_wait3A_172 = arith.constant 24 : i32
    %dma_wait3A_173 = arith.constant 0 : i32
    %dma_wait3A_174 = tpu.memref_slice %arg11[%dma_wait3A_169, %dma_wait3A_172, %dma_wait3A_173] : memref<2x32x128xf32, #tpu.memory_space<vmem>> -> memref<1x8x128xf32, #tpu.memory_space<vmem>>
    %dma_wait3A_175 = tpu.memref_squeeze %dma_wait3A_174 : memref<1x8x128xf32, #tpu.memory_space<vmem>> -> memref<8x128xf32, #tpu.memory_space<vmem>>
    %dma_wait3A_176 = arith.constant 0 : i32
    %dma_wait3A_177 = arith.constant 0 : i32
    %dma_wait3A_178 = tpu.memref_slice %arg5[%dma_wait3A_170, %dma_wait3A_171, %add3A, %dma_wait3A_176, %dma_wait3A_177] : memref<200x4x32x8x128xf32, #tpu.memory_space<hbm>> -> memref<1x1x1x8x128xf32, #tpu.memory_space<hbm>>
    %dma_wait3A_179 = tpu.memref_squeeze %dma_wait3A_178 : memref<1x1x1x8x128xf32, #tpu.memory_space<hbm>> -> memref<8x128xf32, #tpu.memory_space<hbm>>
    %dma_wait3A_180 = arith.constant 0 : i32
    %dma_wait3A_181 = arith.constant 0 : i32
    %dma_wait3A_182 = tpu.memref_slice %arg5[%dma_wait3A_170, %dma_wait3A_171, %add3A, %dma_wait3A_180, %dma_wait3A_181] : memref<200x4x32x8x128xf32, #tpu.memory_space<hbm>> -> memref<1x1x1x8x128xf32, #tpu.memory_space<hbm>>
    %dma_wait3A_183 = tpu.memref_squeeze %dma_wait3A_182 : memref<1x1x1x8x128xf32, #tpu.memory_space<hbm>> -> memref<8x128xf32, #tpu.memory_space<hbm>>
    %dma_wait3A_184 = arith.constant 24 : i32
    %dma_wait3A_185 = arith.constant 0 : i32
    %dma_wait3A_186 = tpu.memref_slice %arg11[%dma_wait3A_169, %dma_wait3A_184, %dma_wait3A_185] : memref<2x32x128xf32, #tpu.memory_space<vmem>> -> memref<1x8x128xf32, #tpu.memory_space<vmem>>
    %dma_wait3A_187 = tpu.memref_squeeze %dma_wait3A_186 : memref<1x8x128xf32, #tpu.memory_space<vmem>> -> memref<8x128xf32, #tpu.memory_space<vmem>>
    tpu.wait_dma2 semaphore(%arg14 : memref<!tpu.dma_semaphore, #tpu.memory_space<semaphore_mem>>) src(%dma_wait3A_187 : memref<8x128xf32, #tpu.memory_space<vmem>>) dst(%dma_wait3A_183 : memref<8x128xf32, #tpu.memory_space<hbm>>)
    %dma_wait3A_188 = arith.constant 1 : i32
    %dma_wait3A_189 = arith.constant 199 : i32
    %dma_wait3A_190 = arith.constant 0 : i32
    %dma_wait3A_191 = arith.constant 0 : i32
    %dma_wait3A_192 = arith.constant 0 : i32
    %dma_wait3A_193 = tpu.memref_slice %arg11[%dma_wait3A_188, %dma_wait3A_191, %dma_wait3A_192] : memref<2x32x128xf32, #tpu.memory_space<vmem>> -> memref<1x8x128xf32, #tpu.memory_space<vmem>>
    %dma_wait3A_194 = tpu.memref_squeeze %dma_wait3A_193 : memref<1x8x128xf32, #tpu.memory_space<vmem>> -> memref<8x128xf32, #tpu.memory_space<vmem>>
    %dma_wait3A_195 = arith.constant 0 : i32
    %dma_wait3A_196 = arith.constant 0 : i32
    %dma_wait3A_197 = tpu.memref_slice %arg5[%dma_wait3A_189, %dma_wait3A_190, %add3A, %dma_wait3A_195, %dma_wait3A_196] : memref<200x4x32x8x128xf32, #tpu.memory_space<hbm>> -> memref<1x1x1x8x128xf32, #tpu.memory_space<hbm>>
    %dma_wait3A_198 = tpu.memref_squeeze %dma_wait3A_197 : memref<1x1x1x8x128xf32, #tpu.memory_space<hbm>> -> memref<8x128xf32, #tpu.memory_space<hbm>>
    %dma_wait3A_199 = arith.constant 0 : i32
    %dma_wait3A_200 = arith.constant 0 : i32
    %dma_wait3A_201 = tpu.memref_slice %arg5[%dma_wait3A_189, %dma_wait3A_190, %add3A, %dma_wait3A_199, %dma_wait3A_200] : memref<200x4x32x8x128xf32, #tpu.memory_space<hbm>> -> memref<1x1x1x8x128xf32, #tpu.memory_space<hbm>>
    %dma_wait3A_202 = tpu.memref_squeeze %dma_wait3A_201 : memref<1x1x1x8x128xf32, #tpu.memory_space<hbm>> -> memref<8x128xf32, #tpu.memory_space<hbm>>
    %dma_wait3A_203 = arith.constant 0 : i32
    %dma_wait3A_204 = arith.constant 0 : i32
    %dma_wait3A_205 = tpu.memref_slice %arg11[%dma_wait3A_188, %dma_wait3A_203, %dma_wait3A_204] : memref<2x32x128xf32, #tpu.memory_space<vmem>> -> memref<1x8x128xf32, #tpu.memory_space<vmem>>
    %dma_wait3A_206 = tpu.memref_squeeze %dma_wait3A_205 : memref<1x8x128xf32, #tpu.memory_space<vmem>> -> memref<8x128xf32, #tpu.memory_space<vmem>>
    tpu.wait_dma2 semaphore(%arg15 : memref<!tpu.dma_semaphore, #tpu.memory_space<semaphore_mem>>) src(%dma_wait3A_206 : memref<8x128xf32, #tpu.memory_space<vmem>>) dst(%dma_wait3A_202 : memref<8x128xf32, #tpu.memory_space<hbm>>)
    %dma_wait3A_207 = arith.constant 1 : i32
    %dma_wait3A_208 = arith.constant 199 : i32
    %dma_wait3A_209 = arith.constant 1 : i32
    %dma_wait3A_210 = arith.constant 8 : i32
    %dma_wait3A_211 = arith.constant 0 : i32
    %dma_wait3A_212 = tpu.memref_slice %arg11[%dma_wait3A_207, %dma_wait3A_210, %dma_wait3A_211] : memref<2x32x128xf32, #tpu.memory_space<vmem>> -> memref<1x8x128xf32, #tpu.memory_space<vmem>>
    %dma_wait3A_213 = tpu.memref_squeeze %dma_wait3A_212 : memref<1x8x128xf32, #tpu.memory_space<vmem>> -> memref<8x128xf32, #tpu.memory_space<vmem>>
    %dma_wait3A_214 = arith.constant 0 : i32
    %dma_wait3A_215 = arith.constant 0 : i32
    %dma_wait3A_216 = tpu.memref_slice %arg5[%dma_wait3A_208, %dma_wait3A_209, %add3A, %dma_wait3A_214, %dma_wait3A_215] : memref<200x4x32x8x128xf32, #tpu.memory_space<hbm>> -> memref<1x1x1x8x128xf32, #tpu.memory_space<hbm>>
    %dma_wait3A_217 = tpu.memref_squeeze %dma_wait3A_216 : memref<1x1x1x8x128xf32, #tpu.memory_space<hbm>> -> memref<8x128xf32, #tpu.memory_space<hbm>>
    %dma_wait3A_218 = arith.constant 0 : i32
    %dma_wait3A_219 = arith.constant 0 : i32
    %dma_wait3A_220 = tpu.memref_slice %arg5[%dma_wait3A_208, %dma_wait3A_209, %add3A, %dma_wait3A_218, %dma_wait3A_219] : memref<200x4x32x8x128xf32, #tpu.memory_space<hbm>> -> memref<1x1x1x8x128xf32, #tpu.memory_space<hbm>>
    %dma_wait3A_221 = tpu.memref_squeeze %dma_wait3A_220 : memref<1x1x1x8x128xf32, #tpu.memory_space<hbm>> -> memref<8x128xf32, #tpu.memory_space<hbm>>
    %dma_wait3A_222 = arith.constant 8 : i32
    %dma_wait3A_223 = arith.constant 0 : i32
    %dma_wait3A_224 = tpu.memref_slice %arg11[%dma_wait3A_207, %dma_wait3A_222, %dma_wait3A_223] : memref<2x32x128xf32, #tpu.memory_space<vmem>> -> memref<1x8x128xf32, #tpu.memory_space<vmem>>
    %dma_wait3A_225 = tpu.memref_squeeze %dma_wait3A_224 : memref<1x8x128xf32, #tpu.memory_space<vmem>> -> memref<8x128xf32, #tpu.memory_space<vmem>>
    tpu.wait_dma2 semaphore(%arg15 : memref<!tpu.dma_semaphore, #tpu.memory_space<semaphore_mem>>) src(%dma_wait3A_225 : memref<8x128xf32, #tpu.memory_space<vmem>>) dst(%dma_wait3A_221 : memref<8x128xf32, #tpu.memory_space<hbm>>)
    %dma_wait3A_226 = arith.constant 1 : i32
    %dma_wait3A_227 = arith.constant 199 : i32
    %dma_wait3A_228 = arith.constant 2 : i32
    %dma_wait3A_229 = arith.constant 16 : i32
    %dma_wait3A_230 = arith.constant 0 : i32
    %dma_wait3A_231 = tpu.memref_slice %arg11[%dma_wait3A_226, %dma_wait3A_229, %dma_wait3A_230] : memref<2x32x128xf32, #tpu.memory_space<vmem>> -> memref<1x8x128xf32, #tpu.memory_space<vmem>>
    %dma_wait3A_232 = tpu.memref_squeeze %dma_wait3A_231 : memref<1x8x128xf32, #tpu.memory_space<vmem>> -> memref<8x128xf32, #tpu.memory_space<vmem>>
    %dma_wait3A_233 = arith.constant 0 : i32
    %dma_wait3A_234 = arith.constant 0 : i32
    %dma_wait3A_235 = tpu.memref_slice %arg5[%dma_wait3A_227, %dma_wait3A_228, %add3A, %dma_wait3A_233, %dma_wait3A_234] : memref<200x4x32x8x128xf32, #tpu.memory_space<hbm>> -> memref<1x1x1x8x128xf32, #tpu.memory_space<hbm>>
    %dma_wait3A_236 = tpu.memref_squeeze %dma_wait3A_235 : memref<1x1x1x8x128xf32, #tpu.memory_space<hbm>> -> memref<8x128xf32, #tpu.memory_space<hbm>>
    %dma_wait3A_237 = arith.constant 0 : i32
    %dma_wait3A_238 = arith.constant 0 : i32
    %dma_wait3A_239 = tpu.memref_slice %arg5[%dma_wait3A_227, %dma_wait3A_228, %add3A, %dma_wait3A_237, %dma_wait3A_238] : memref<200x4x32x8x128xf32, #tpu.memory_space<hbm>> -> memref<1x1x1x8x128xf32, #tpu.memory_space<hbm>>
    %dma_wait3A_240 = tpu.memref_squeeze %dma_wait3A_239 : memref<1x1x1x8x128xf32, #tpu.memory_space<hbm>> -> memref<8x128xf32, #tpu.memory_space<hbm>>
    %dma_wait3A_241 = arith.constant 16 : i32
    %dma_wait3A_242 = arith.constant 0 : i32
    %dma_wait3A_243 = tpu.memref_slice %arg11[%dma_wait3A_226, %dma_wait3A_241, %dma_wait3A_242] : memref<2x32x128xf32, #tpu.memory_space<vmem>> -> memref<1x8x128xf32, #tpu.memory_space<vmem>>
    %dma_wait3A_244 = tpu.memref_squeeze %dma_wait3A_243 : memref<1x8x128xf32, #tpu.memory_space<vmem>> -> memref<8x128xf32, #tpu.memory_space<vmem>>
    tpu.wait_dma2 semaphore(%arg15 : memref<!tpu.dma_semaphore, #tpu.memory_space<semaphore_mem>>) src(%dma_wait3A_244 : memref<8x128xf32, #tpu.memory_space<vmem>>) dst(%dma_wait3A_240 : memref<8x128xf32, #tpu.memory_space<hbm>>)
    %dma_wait3A_245 = arith.constant 1 : i32
    %dma_wait3A_246 = arith.constant 199 : i32
    %dma_wait3A_247 = arith.constant 3 : i32
    %dma_wait3A_248 = arith.constant 24 : i32
    %dma_wait3A_249 = arith.constant 0 : i32
    %dma_wait3A_250 = tpu.memref_slice %arg11[%dma_wait3A_245, %dma_wait3A_248, %dma_wait3A_249] : memref<2x32x128xf32, #tpu.memory_space<vmem>> -> memref<1x8x128xf32, #tpu.memory_space<vmem>>
    %dma_wait3A_251 = tpu.memref_squeeze %dma_wait3A_250 : memref<1x8x128xf32, #tpu.memory_space<vmem>> -> memref<8x128xf32, #tpu.memory_space<vmem>>
    %dma_wait3A_252 = arith.constant 0 : i32
    %dma_wait3A_253 = arith.constant 0 : i32
    %dma_wait3A_254 = tpu.memref_slice %arg5[%dma_wait3A_246, %dma_wait3A_247, %add3A, %dma_wait3A_252, %dma_wait3A_253] : memref<200x4x32x8x128xf32, #tpu.memory_space<hbm>> -> memref<1x1x1x8x128xf32, #tpu.memory_space<hbm>>
    %dma_wait3A_255 = tpu.memref_squeeze %dma_wait3A_254 : memref<1x1x1x8x128xf32, #tpu.memory_space<hbm>> -> memref<8x128xf32, #tpu.memory_space<hbm>>
    %dma_wait3A_256 = arith.constant 0 : i32
    %dma_wait3A_257 = arith.constant 0 : i32
    %dma_wait3A_258 = tpu.memref_slice %arg5[%dma_wait3A_246, %dma_wait3A_247, %add3A, %dma_wait3A_256, %dma_wait3A_257] : memref<200x4x32x8x128xf32, #tpu.memory_space<hbm>> -> memref<1x1x1x8x128xf32, #tpu.memory_space<hbm>>
    %dma_wait3A_259 = tpu.memref_squeeze %dma_wait3A_258 : memref<1x1x1x8x128xf32, #tpu.memory_space<hbm>> -> memref<8x128xf32, #tpu.memory_space<hbm>>
    %dma_wait3A_260 = arith.constant 24 : i32
    %dma_wait3A_261 = arith.constant 0 : i32
    %dma_wait3A_262 = tpu.memref_slice %arg11[%dma_wait3A_245, %dma_wait3A_260, %dma_wait3A_261] : memref<2x32x128xf32, #tpu.memory_space<vmem>> -> memref<1x8x128xf32, #tpu.memory_space<vmem>>
    %dma_wait3A_263 = tpu.memref_squeeze %dma_wait3A_262 : memref<1x8x128xf32, #tpu.memory_space<vmem>> -> memref<8x128xf32, #tpu.memory_space<vmem>>
    tpu.wait_dma2 semaphore(%arg15 : memref<!tpu.dma_semaphore, #tpu.memory_space<semaphore_mem>>) src(%dma_wait3A_263 : memref<8x128xf32, #tpu.memory_space<vmem>>) dst(%dma_wait3A_259 : memref<8x128xf32, #tpu.memory_space<hbm>>)
    return
  }
}

#map = affine_map<(d0, d1) -> (0, 0)>
module attributes {stable_mosaic.version = 14 : i64} {
  func.func @_tbody(%arg0: i32, %arg1: i32, %arg2: memref<32x1000000xf32, #tpu.memory_space<hbm>>, %arg3: memref<16x128xf32, #tpu.memory_space<hbm>>, %arg4: memref<250000x128xf32, #tpu.memory_space<hbm>>, %arg5: memref<2x32x128xf32, #tpu.memory_space<vmem>>, %arg6: memref<2x32x128xf32, #tpu.memory_space<vmem>>, %arg7: memref<!tpu.dma_semaphore, #tpu.memory_space<semaphore_mem>>, %arg8: memref<!tpu.dma_semaphore, #tpu.memory_space<semaphore_mem>>, %arg9: memref<!tpu.dma_semaphore, #tpu.memory_space<semaphore_mem>>, %arg10: memref<!tpu.dma_semaphore, #tpu.memory_space<semaphore_mem>>) attributes {dimension_semantics = [#tpu.dimension_semantics<core_parallel>, #tpu.dimension_semantics<subcore_parallel>], iteration_bounds = array<i64: 2, 16>, scalar_prefetch = 0 : i64, scratch_operands = 6 : i64, tpu.core_type = #tpu.core_type<sc_vector_subcore>, window_params = [{transform_indices = #map}, {transform_indices = #map}, {transform_indices = #map}]} {
    %mul3A = arith.constant 2 : i32
    %mul3A_0 = arith.muli %arg1, %mul3A : i32
    %add3A = arith.addi %mul3A_0, %arg0 : i32
    %iota3A = tpu.iota {dimensions = array<i32: 0>} : vector<16xi32>
    %mul3A_1 = arith.constant 128 : i32
    %mul3A_2 = arith.muli %add3A, %mul3A_1 : i32
    %dma_start3A = arith.constant 0 : i32
    %dma_start3A_3 = arith.constant 0 : i32
    %dma_start3A_4 = arith.constant 0 : i32
    %dma_start3A_5 = tpu.memref_slice %arg5[%dma_start3A, %dma_start3A_3, %dma_start3A_4] : memref<2x32x128xf32, #tpu.memory_space<vmem>> -> memref<1x32x128xf32, #tpu.memory_space<vmem>>
    %dma_start3A_6 = tpu.memref_squeeze %dma_start3A_5 : memref<1x32x128xf32, #tpu.memory_space<vmem>> -> memref<32x128xf32, #tpu.memory_space<vmem>>
    %dma_start3A_7 = arith.constant 0 : i32
    %dma_start3A_8 = tpu.memref_slice %arg2[%dma_start3A_7, %mul3A_2] : memref<32x1000000xf32, #tpu.memory_space<hbm>> -> memref<32x128xf32, #tpu.memory_space<hbm>>
    %dma_start3A_9 = arith.constant 0 : i32
    %dma_start3A_10 = arith.constant 0 : i32
    %dma_start3A_11 = tpu.memref_slice %arg5[%dma_start3A, %dma_start3A_9, %dma_start3A_10] : memref<2x32x128xf32, #tpu.memory_space<vmem>> -> memref<1x32x128xf32, #tpu.memory_space<vmem>>
    %dma_start3A_12 = tpu.memref_squeeze %dma_start3A_11 : memref<1x32x128xf32, #tpu.memory_space<vmem>> -> memref<32x128xf32, #tpu.memory_space<vmem>>
    %dma_start3A_13 = arith.constant 0 : i32
    %dma_start3A_14 = tpu.memref_slice %arg2[%dma_start3A_13, %mul3A_2] : memref<32x1000000xf32, #tpu.memory_space<hbm>> -> memref<32x128xf32, #tpu.memory_space<hbm>>
    tpu.enqueue_dma source(%dma_start3A_14 : memref<32x128xf32, #tpu.memory_space<hbm>>) target(%dma_start3A_12 : memref<32x128xf32, #tpu.memory_space<vmem>>) target_semaphore(%arg7 : memref<!tpu.dma_semaphore, #tpu.memory_space<semaphore_mem>>)
    %scan3A = arith.constant 0 : i32
    %scan3A_15 = arith.constant 122 : i32
    %scan3A_16 = arith.addi %scan3A, %scan3A_15 : i32
    %scan3A_17 = arith.constant 1 : i32
    scf.for %scan3A_29 = %scan3A to %scan3A_16 step %scan3A_17  : i32 {
      %mul3A_30 = arith.constant 2 : i32
      %mul3A_31 = arith.muli %scan3A_29, %mul3A_30 : i32
      %add3A_32 = arith.constant 0 : i32
      %add3A_33 = arith.addi %add3A_32, %mul3A_31 : i32
      %add3A_34 = arith.constant 0 : i32
      %add3A_35 = arith.addi %add3A_33, %add3A_34 : i32
      %mul3A_36 = arith.constant 32 : i32
      %mul3A_37 = arith.muli %mul3A_36, %add3A_35 : i32
      %add3A_38 = arith.addi %add3A, %mul3A_37 : i32
      %lt3A_39 = arith.constant 243 : i32
      %lt3A_40 = arith.cmpi slt, %add3A_35, %lt3A_39 : i32
      %lt3A_41 = arith.constant 4 : i32
      %lt3A_42 = arith.cmpi slt, %add3A, %lt3A_41 : i32
      %or3A = arith.ori %lt3A_40, %lt3A_42 : i1
      %convert_element_type3A_43 = arith.extui %or3A : i1 to i32
      %cond3A_44 = arith.constant 0 : i32
      %cond3A_45 = arith.cmpi ne, %convert_element_type3A_43, %cond3A_44 : i32
      scf.if %cond3A_45 {
        %add3A_139 = arith.constant 32 : i32
        %add3A_140 = arith.addi %add3A_38, %add3A_139 : i32
        %mul3A_141 = arith.constant 128 : i32
        %mul3A_142 = arith.muli %add3A_140, %mul3A_141 : i32
        %dma_start3A_143 = arith.constant 1 : i32
        %dma_start3A_144 = arith.constant 0 : i32
        %dma_start3A_145 = arith.constant 0 : i32
        %dma_start3A_146 = tpu.memref_slice %arg5[%dma_start3A_143, %dma_start3A_144, %dma_start3A_145] : memref<2x32x128xf32, #tpu.memory_space<vmem>> -> memref<1x32x128xf32, #tpu.memory_space<vmem>>
        %dma_start3A_147 = tpu.memref_squeeze %dma_start3A_146 : memref<1x32x128xf32, #tpu.memory_space<vmem>> -> memref<32x128xf32, #tpu.memory_space<vmem>>
        %dma_start3A_148 = arith.constant 0 : i32
        %dma_start3A_149 = tpu.memref_slice %arg2[%dma_start3A_148, %mul3A_142] : memref<32x1000000xf32, #tpu.memory_space<hbm>> -> memref<32x128xf32, #tpu.memory_space<hbm>>
        %dma_start3A_150 = arith.constant 0 : i32
        %dma_start3A_151 = arith.constant 0 : i32
        %dma_start3A_152 = tpu.memref_slice %arg5[%dma_start3A_143, %dma_start3A_150, %dma_start3A_151] : memref<2x32x128xf32, #tpu.memory_space<vmem>> -> memref<1x32x128xf32, #tpu.memory_space<vmem>>
        %dma_start3A_153 = tpu.memref_squeeze %dma_start3A_152 : memref<1x32x128xf32, #tpu.memory_space<vmem>> -> memref<32x128xf32, #tpu.memory_space<vmem>>
        %dma_start3A_154 = arith.constant 0 : i32
        %dma_start3A_155 = tpu.memref_slice %arg2[%dma_start3A_154, %mul3A_142] : memref<32x1000000xf32, #tpu.memory_space<hbm>> -> memref<32x128xf32, #tpu.memory_space<hbm>>
        tpu.enqueue_dma source(%dma_start3A_155 : memref<32x128xf32, #tpu.memory_space<hbm>>) target(%dma_start3A_153 : memref<32x128xf32, #tpu.memory_space<vmem>>) target_semaphore(%arg8 : memref<!tpu.dma_semaphore, #tpu.memory_space<semaphore_mem>>)
      } else {
      }
      %mul3A_46 = arith.constant 128 : i32
      %mul3A_47 = arith.muli %add3A_38, %mul3A_46 : i32
      %dma_wait3A = arith.constant 0 : i32
      %dma_wait3A_48 = arith.constant 0 : i32
      %dma_wait3A_49 = arith.constant 0 : i32
      %dma_wait3A_50 = tpu.memref_slice %arg5[%dma_wait3A, %dma_wait3A_48, %dma_wait3A_49] : memref<2x32x128xf32, #tpu.memory_space<vmem>> -> memref<1x32x128xf32, #tpu.memory_space<vmem>>
      %dma_wait3A_51 = tpu.memref_squeeze %dma_wait3A_50 : memref<1x32x128xf32, #tpu.memory_space<vmem>> -> memref<32x128xf32, #tpu.memory_space<vmem>>
      %dma_wait3A_52 = arith.constant 0 : i32
      %dma_wait3A_53 = tpu.memref_slice %arg2[%dma_wait3A_52, %mul3A_47] : memref<32x1000000xf32, #tpu.memory_space<hbm>> -> memref<32x128xf32, #tpu.memory_space<hbm>>
      %dma_wait3A_54 = arith.constant 0 : i32
      %dma_wait3A_55 = arith.constant 0 : i32
      %dma_wait3A_56 = tpu.memref_slice %arg5[%dma_wait3A, %dma_wait3A_54, %dma_wait3A_55] : memref<2x32x128xf32, #tpu.memory_space<vmem>> -> memref<1x32x128xf32, #tpu.memory_space<vmem>>
      %dma_wait3A_57 = tpu.memref_squeeze %dma_wait3A_56 : memref<1x32x128xf32, #tpu.memory_space<vmem>> -> memref<32x128xf32, #tpu.memory_space<vmem>>
      %dma_wait3A_58 = arith.constant 0 : i32
      %dma_wait3A_59 = tpu.memref_slice %arg2[%dma_wait3A_58, %mul3A_47] : memref<32x1000000xf32, #tpu.memory_space<hbm>> -> memref<32x128xf32, #tpu.memory_space<hbm>>
      tpu.wait_dma2 semaphore(%arg7 : memref<!tpu.dma_semaphore, #tpu.memory_space<semaphore_mem>>) src(%dma_wait3A_59 : memref<32x128xf32, #tpu.memory_space<hbm>>) dst(%dma_wait3A_57 : memref<32x128xf32, #tpu.memory_space<vmem>>)
      %ge3A_60 = arith.constant 2 : i32
      %ge3A_61 = arith.cmpi sge, %add3A_35, %ge3A_60 : i32
      %convert_element_type3A_62 = arith.extui %ge3A_61 : i1 to i32
      %cond3A_63 = arith.constant 0 : i32
      %cond3A_64 = arith.cmpi ne, %convert_element_type3A_62, %cond3A_63 : i32
      scf.if %cond3A_64 {
        %sub3A = arith.constant 64 : i32
        %sub3A_139 = arith.subi %add3A_38, %sub3A : i32
        %mul3A_140 = arith.constant 32 : i32
        %mul3A_141 = arith.muli %sub3A_139, %mul3A_140 : i32
        %dma_wait3A_142 = arith.constant 0 : i32
        %dma_wait3A_143 = arith.constant 0 : i32
        %dma_wait3A_144 = arith.constant 0 : i32
        %dma_wait3A_145 = tpu.memref_slice %arg6[%dma_wait3A_142, %dma_wait3A_143, %dma_wait3A_144] : memref<2x32x128xf32, #tpu.memory_space<vmem>> -> memref<1x32x128xf32, #tpu.memory_space<vmem>>
        %dma_wait3A_146 = tpu.memref_squeeze %dma_wait3A_145 : memref<1x32x128xf32, #tpu.memory_space<vmem>> -> memref<32x128xf32, #tpu.memory_space<vmem>>
        %dma_wait3A_147 = arith.constant 0 : i32
        %dma_wait3A_148 = tpu.memref_slice %arg4[%mul3A_141, %dma_wait3A_147] : memref<250000x128xf32, #tpu.memory_space<hbm>> -> memref<32x128xf32, #tpu.memory_space<hbm>>
        %dma_wait3A_149 = arith.constant 0 : i32
        %dma_wait3A_150 = tpu.memref_slice %arg4[%mul3A_141, %dma_wait3A_149] : memref<250000x128xf32, #tpu.memory_space<hbm>> -> memref<32x128xf32, #tpu.memory_space<hbm>>
        %dma_wait3A_151 = arith.constant 0 : i32
        %dma_wait3A_152 = arith.constant 0 : i32
        %dma_wait3A_153 = tpu.memref_slice %arg6[%dma_wait3A_142, %dma_wait3A_151, %dma_wait3A_152] : memref<2x32x128xf32, #tpu.memory_space<vmem>> -> memref<1x32x128xf32, #tpu.memory_space<vmem>>
        %dma_wait3A_154 = tpu.memref_squeeze %dma_wait3A_153 : memref<1x32x128xf32, #tpu.memory_space<vmem>> -> memref<32x128xf32, #tpu.memory_space<vmem>>
        tpu.wait_dma2 semaphore(%arg9 : memref<!tpu.dma_semaphore, #tpu.memory_space<semaphore_mem>>) src(%dma_wait3A_154 : memref<32x128xf32, #tpu.memory_space<vmem>>) dst(%dma_wait3A_150 : memref<32x128xf32, #tpu.memory_space<hbm>>)
      } else {
      }
      %add3A_65 = arith.constant 16 : i32
      %add3A_66 = vector.broadcast %add3A_65 : i32 to vector<16xi32>
      %add3A_67 = arith.addi %iota3A, %add3A_66 : vector<16xi32>
      %parallel_loop3A = arith.constant 0 : i32
      %parallel_loop3A_68 = arith.constant 32 : i32
      %parallel_loop3A_69 = arith.constant 1 : i32
      scf.for %parallel_loop3A_139 = %parallel_loop3A to %parallel_loop3A_68 step %parallel_loop3A_69  : i32 {
        %parallel_loop3A_140 = arith.constant 4 : i32
        %parallel_loop3A_141 = arith.muli %parallel_loop3A_140, %parallel_loop3A_139 : i32
        %parallel_loop3A_142 = vector.broadcast %parallel_loop3A_141 : i32 to vector<16xi32>
        %parallel_loop3A_143 = arith.constant 0 : i32
        %parallel_loop3A_144 = arith.constant 0 : i32
        %parallel_loop3A_145 = arith.constant 0 : i32
        %parallel_loop3A_146 = tpu.memref_slice %arg5[%parallel_loop3A_143, %parallel_loop3A_144, %parallel_loop3A_145] : memref<2x32x128xf32, #tpu.memory_space<vmem>> -> memref<1x32x128xf32, #tpu.memory_space<vmem>>
        %parallel_loop3A_147 = tpu.memref_squeeze %parallel_loop3A_146 : memref<1x32x128xf32, #tpu.memory_space<vmem>> -> memref<32x128xf32, #tpu.memory_space<vmem>>
        %parallel_loop3A_148 = tpu.vector_load_idx %parallel_loop3A_147[%iota3A, %parallel_loop3A_142] : memref<32x128xf32, #tpu.memory_space<vmem>>[vector<16xi32>, vector<16xi32>], vector<16xf32>,
        %parallel_loop3A_149 = arith.constant 0 : i32
        %parallel_loop3A_150 = arith.index_cast %parallel_loop3A_149 : i32 to index
        %parallel_loop3A_151 = arith.index_cast %parallel_loop3A_139 : i32 to index
        %parallel_loop3A_152 = arith.constant 0 : index
        %parallel_loop3A_153 = tpu.vector_load %arg6[%parallel_loop3A_150, %parallel_loop3A_151, %parallel_loop3A_152] {strides = array<i32>} : memref<2x32x128xf32, #tpu.memory_space<vmem>>, vector<16xf32>,
        tpu.vector_store %arg6[%parallel_loop3A_150, %parallel_loop3A_151, %parallel_loop3A_152], %parallel_loop3A_148 {strides = array<i32>} : memref<2x32x128xf32, #tpu.memory_space<vmem>>, vector<16xf32>,
        %parallel_loop3A_154 = arith.constant 0 : i32
        %parallel_loop3A_155 = arith.constant 0 : i32
        %parallel_loop3A_156 = arith.constant 0 : i32
        %parallel_loop3A_157 = tpu.memref_slice %arg5[%parallel_loop3A_154, %parallel_loop3A_155, %parallel_loop3A_156] : memref<2x32x128xf32, #tpu.memory_space<vmem>> -> memref<1x32x128xf32, #tpu.memory_space<vmem>>
        %parallel_loop3A_158 = tpu.memref_squeeze %parallel_loop3A_157 : memref<1x32x128xf32, #tpu.memory_space<vmem>> -> memref<32x128xf32, #tpu.memory_space<vmem>>
        %parallel_loop3A_159 = tpu.vector_load_idx %parallel_loop3A_158[%add3A_67, %parallel_loop3A_142] : memref<32x128xf32, #tpu.memory_space<vmem>>[vector<16xi32>, vector<16xi32>], vector<16xf32>,
        %parallel_loop3A_160 = arith.constant 0 : i32
        %parallel_loop3A_161 = arith.index_cast %parallel_loop3A_160 : i32 to index
        %parallel_loop3A_162 = arith.index_cast %parallel_loop3A_139 : i32 to index
        %parallel_loop3A_163 = arith.constant 16 : index
        %parallel_loop3A_164 = tpu.vector_load %arg6[%parallel_loop3A_161, %parallel_loop3A_162, %parallel_loop3A_163] {strides = array<i32>} : memref<2x32x128xf32, #tpu.memory_space<vmem>>, vector<16xf32>,
        tpu.vector_store %arg6[%parallel_loop3A_161, %parallel_loop3A_162, %parallel_loop3A_163], %parallel_loop3A_159 {strides = array<i32>} : memref<2x32x128xf32, #tpu.memory_space<vmem>>, vector<16xf32>,
        %parallel_loop3A_165 = arith.constant 1 : i32
        %parallel_loop3A_166 = vector.broadcast %parallel_loop3A_165 : i32 to vector<16xi32>
        %parallel_loop3A_167 = arith.addi %parallel_loop3A_142, %parallel_loop3A_166 : vector<16xi32>
        %parallel_loop3A_168 = arith.constant 0 : i32
        %parallel_loop3A_169 = arith.constant 0 : i32
        %parallel_loop3A_170 = arith.constant 0 : i32
        %parallel_loop3A_171 = tpu.memref_slice %arg5[%parallel_loop3A_168, %parallel_loop3A_169, %parallel_loop3A_170] : memref<2x32x128xf32, #tpu.memory_space<vmem>> -> memref<1x32x128xf32, #tpu.memory_space<vmem>>
        %parallel_loop3A_172 = tpu.memref_squeeze %parallel_loop3A_171 : memref<1x32x128xf32, #tpu.memory_space<vmem>> -> memref<32x128xf32, #tpu.memory_space<vmem>>
        %parallel_loop3A_173 = tpu.vector_load_idx %parallel_loop3A_172[%iota3A, %parallel_loop3A_167] : memref<32x128xf32, #tpu.memory_space<vmem>>[vector<16xi32>, vector<16xi32>], vector<16xf32>,
        %parallel_loop3A_174 = arith.constant 0 : i32
        %parallel_loop3A_175 = arith.index_cast %parallel_loop3A_174 : i32 to index
        %parallel_loop3A_176 = arith.index_cast %parallel_loop3A_139 : i32 to index
        %parallel_loop3A_177 = arith.constant 32 : index
        %parallel_loop3A_178 = tpu.vector_load %arg6[%parallel_loop3A_175, %parallel_loop3A_176, %parallel_loop3A_177] {strides = array<i32>} : memref<2x32x128xf32, #tpu.memory_space<vmem>>, vector<16xf32>,
        tpu.vector_store %arg6[%parallel_loop3A_175, %parallel_loop3A_176, %parallel_loop3A_177], %parallel_loop3A_173 {strides = array<i32>} : memref<2x32x128xf32, #tpu.memory_space<vmem>>, vector<16xf32>,
        %parallel_loop3A_179 = arith.constant 0 : i32
        %parallel_loop3A_180 = arith.constant 0 : i32
        %parallel_loop3A_181 = arith.constant 0 : i32
        %parallel_loop3A_182 = tpu.memref_slice %arg5[%parallel_loop3A_179, %parallel_loop3A_180, %parallel_loop3A_181] : memref<2x32x128xf32, #tpu.memory_space<vmem>> -> memref<1x32x128xf32, #tpu.memory_space<vmem>>
        %parallel_loop3A_183 = tpu.memref_squeeze %parallel_loop3A_182 : memref<1x32x128xf32, #tpu.memory_space<vmem>> -> memref<32x128xf32, #tpu.memory_space<vmem>>
        %parallel_loop3A_184 = tpu.vector_load_idx %parallel_loop3A_183[%add3A_67, %parallel_loop3A_167] : memref<32x128xf32, #tpu.memory_space<vmem>>[vector<16xi32>, vector<16xi32>], vector<16xf32>,
        %parallel_loop3A_185 = arith.constant 0 : i32
        %parallel_loop3A_186 = arith.index_cast %parallel_loop3A_185 : i32 to index
        %parallel_loop3A_187 = arith.index_cast %parallel_loop3A_139 : i32 to index
        %parallel_loop3A_188 = arith.constant 48 : index
        %parallel_loop3A_189 = tpu.vector_load %arg6[%parallel_loop3A_186, %parallel_loop3A_187, %parallel_loop3A_188] {strides = array<i32>} : memref<2x32x128xf32, #tpu.memory_space<vmem>>, vector<16xf32>,
        tpu.vector_store %arg6[%parallel_loop3A_186, %parallel_loop3A_187, %parallel_loop3A_188], %parallel_loop3A_184 {strides = array<i32>} : memref<2x32x128xf32, #tpu.memory_space<vmem>>, vector<16xf32>,
        %parallel_loop3A_190 = arith.constant 2 : i32
        %parallel_loop3A_191 = vector.broadcast %parallel_loop3A_190 : i32 to vector<16xi32>
        %parallel_loop3A_192 = arith.addi %parallel_loop3A_142, %parallel_loop3A_191 : vector<16xi32>
        %parallel_loop3A_193 = arith.constant 0 : i32
        %parallel_loop3A_194 = arith.constant 0 : i32
        %parallel_loop3A_195 = arith.constant 0 : i32
        %parallel_loop3A_196 = tpu.memref_slice %arg5[%parallel_loop3A_193, %parallel_loop3A_194, %parallel_loop3A_195] : memref<2x32x128xf32, #tpu.memory_space<vmem>> -> memref<1x32x128xf32, #tpu.memory_space<vmem>>
        %parallel_loop3A_197 = tpu.memref_squeeze %parallel_loop3A_196 : memref<1x32x128xf32, #tpu.memory_space<vmem>> -> memref<32x128xf32, #tpu.memory_space<vmem>>
        %parallel_loop3A_198 = tpu.vector_load_idx %parallel_loop3A_197[%iota3A, %parallel_loop3A_192] : memref<32x128xf32, #tpu.memory_space<vmem>>[vector<16xi32>, vector<16xi32>], vector<16xf32>,
        %parallel_loop3A_199 = arith.constant 0 : i32
        %parallel_loop3A_200 = arith.index_cast %parallel_loop3A_199 : i32 to index
        %parallel_loop3A_201 = arith.index_cast %parallel_loop3A_139 : i32 to index
        %parallel_loop3A_202 = arith.constant 64 : index
        %parallel_loop3A_203 = tpu.vector_load %arg6[%parallel_loop3A_200, %parallel_loop3A_201, %parallel_loop3A_202] {strides = array<i32>} : memref<2x32x128xf32, #tpu.memory_space<vmem>>, vector<16xf32>,
        tpu.vector_store %arg6[%parallel_loop3A_200, %parallel_loop3A_201, %parallel_loop3A_202], %parallel_loop3A_198 {strides = array<i32>} : memref<2x32x128xf32, #tpu.memory_space<vmem>>, vector<16xf32>,
        %parallel_loop3A_204 = arith.constant 0 : i32
        %parallel_loop3A_205 = arith.constant 0 : i32
        %parallel_loop3A_206 = arith.constant 0 : i32
        %parallel_loop3A_207 = tpu.memref_slice %arg5[%parallel_loop3A_204, %parallel_loop3A_205, %parallel_loop3A_206] : memref<2x32x128xf32, #tpu.memory_space<vmem>> -> memref<1x32x128xf32, #tpu.memory_space<vmem>>
        %parallel_loop3A_208 = tpu.memref_squeeze %parallel_loop3A_207 : memref<1x32x128xf32, #tpu.memory_space<vmem>> -> memref<32x128xf32, #tpu.memory_space<vmem>>
        %parallel_loop3A_209 = tpu.vector_load_idx %parallel_loop3A_208[%add3A_67, %parallel_loop3A_192] : memref<32x128xf32, #tpu.memory_space<vmem>>[vector<16xi32>, vector<16xi32>], vector<16xf32>,
        %parallel_loop3A_210 = arith.constant 0 : i32
        %parallel_loop3A_211 = arith.index_cast %parallel_loop3A_210 : i32 to index
        %parallel_loop3A_212 = arith.index_cast %parallel_loop3A_139 : i32 to index
        %parallel_loop3A_213 = arith.constant 80 : index
        %parallel_loop3A_214 = tpu.vector_load %arg6[%parallel_loop3A_211, %parallel_loop3A_212, %parallel_loop3A_213] {strides = array<i32>} : memref<2x32x128xf32, #tpu.memory_space<vmem>>, vector<16xf32>,
        tpu.vector_store %arg6[%parallel_loop3A_211, %parallel_loop3A_212, %parallel_loop3A_213], %parallel_loop3A_209 {strides = array<i32>} : memref<2x32x128xf32, #tpu.memory_space<vmem>>, vector<16xf32>,
        %parallel_loop3A_215 = arith.constant 3 : i32
        %parallel_loop3A_216 = vector.broadcast %parallel_loop3A_215 : i32 to vector<16xi32>
        %parallel_loop3A_217 = arith.addi %parallel_loop3A_142, %parallel_loop3A_216 : vector<16xi32>
        %parallel_loop3A_218 = arith.constant 0 : i32
        %parallel_loop3A_219 = arith.constant 0 : i32
        %parallel_loop3A_220 = arith.constant 0 : i32
        %parallel_loop3A_221 = tpu.memref_slice %arg5[%parallel_loop3A_218, %parallel_loop3A_219, %parallel_loop3A_220] : memref<2x32x128xf32, #tpu.memory_space<vmem>> -> memref<1x32x128xf32, #tpu.memory_space<vmem>>
        %parallel_loop3A_222 = tpu.memref_squeeze %parallel_loop3A_221 : memref<1x32x128xf32, #tpu.memory_space<vmem>> -> memref<32x128xf32, #tpu.memory_space<vmem>>
        %parallel_loop3A_223 = tpu.vector_load_idx %parallel_loop3A_222[%iota3A, %parallel_loop3A_217] : memref<32x128xf32, #tpu.memory_space<vmem>>[vector<16xi32>, vector<16xi32>], vector<16xf32>,
        %parallel_loop3A_224 = arith.constant 0 : i32
        %parallel_loop3A_225 = arith.index_cast %parallel_loop3A_224 : i32 to index
        %parallel_loop3A_226 = arith.index_cast %parallel_loop3A_139 : i32 to index
        %parallel_loop3A_227 = arith.constant 96 : index
        %parallel_loop3A_228 = tpu.vector_load %arg6[%parallel_loop3A_225, %parallel_loop3A_226, %parallel_loop3A_227] {strides = array<i32>} : memref<2x32x128xf32, #tpu.memory_space<vmem>>, vector<16xf32>,
        tpu.vector_store %arg6[%parallel_loop3A_225, %parallel_loop3A_226, %parallel_loop3A_227], %parallel_loop3A_223 {strides = array<i32>} : memref<2x32x128xf32, #tpu.memory_space<vmem>>, vector<16xf32>,
        %parallel_loop3A_229 = arith.constant 0 : i32
        %parallel_loop3A_230 = arith.constant 0 : i32
        %parallel_loop3A_231 = arith.constant 0 : i32
        %parallel_loop3A_232 = tpu.memref_slice %arg5[%parallel_loop3A_229, %parallel_loop3A_230, %parallel_loop3A_231] : memref<2x32x128xf32, #tpu.memory_space<vmem>> -> memref<1x32x128xf32, #tpu.memory_space<vmem>>
        %parallel_loop3A_233 = tpu.memref_squeeze %parallel_loop3A_232 : memref<1x32x128xf32, #tpu.memory_space<vmem>> -> memref<32x128xf32, #tpu.memory_space<vmem>>
        %parallel_loop3A_234 = tpu.vector_load_idx %parallel_loop3A_233[%add3A_67, %parallel_loop3A_217] : memref<32x128xf32, #tpu.memory_space<vmem>>[vector<16xi32>, vector<16xi32>], vector<16xf32>,
        %parallel_loop3A_235 = arith.constant 0 : i32
        %parallel_loop3A_236 = arith.index_cast %parallel_loop3A_235 : i32 to index
        %parallel_loop3A_237 = arith.index_cast %parallel_loop3A_139 : i32 to index
        %parallel_loop3A_238 = arith.constant 112 : index
        %parallel_loop3A_239 = tpu.vector_load %arg6[%parallel_loop3A_236, %parallel_loop3A_237, %parallel_loop3A_238] {strides = array<i32>} : memref<2x32x128xf32, #tpu.memory_space<vmem>>, vector<16xf32>,
        tpu.vector_store %arg6[%parallel_loop3A_236, %parallel_loop3A_237, %parallel_loop3A_238], %parallel_loop3A_234 {strides = array<i32>} : memref<2x32x128xf32, #tpu.memory_space<vmem>>, vector<16xf32>,
      } {sc.loop_unroll_factor = 8 : i64, sc.parallel_access}
      %mul3A_70 = arith.constant 32 : i32
      %mul3A_71 = arith.muli %add3A_38, %mul3A_70 : i32
      %dma_start3A_72 = arith.constant 0 : i32
      %dma_start3A_73 = arith.constant 0 : i32
      %dma_start3A_74 = arith.constant 0 : i32
      %dma_start3A_75 = tpu.memref_slice %arg6[%dma_start3A_72, %dma_start3A_73, %dma_start3A_74] : memref<2x32x128xf32, #tpu.memory_space<vmem>> -> memref<1x32x128xf32, #tpu.memory_space<vmem>>
      %dma_start3A_76 = tpu.memref_squeeze %dma_start3A_75 : memref<1x32x128xf32, #tpu.memory_space<vmem>> -> memref<32x128xf32, #tpu.memory_space<vmem>>
      %dma_start3A_77 = arith.constant 0 : i32
      %dma_start3A_78 = tpu.memref_slice %arg4[%mul3A_71, %dma_start3A_77] : memref<250000x128xf32, #tpu.memory_space<hbm>> -> memref<32x128xf32, #tpu.memory_space<hbm>>
      %dma_start3A_79 = arith.constant 0 : i32
      %dma_start3A_80 = tpu.memref_slice %arg4[%mul3A_71, %dma_start3A_79] : memref<250000x128xf32, #tpu.memory_space<hbm>> -> memref<32x128xf32, #tpu.memory_space<hbm>>
      %dma_start3A_81 = arith.constant 0 : i32
      %dma_start3A_82 = arith.constant 0 : i32
      %dma_start3A_83 = tpu.memref_slice %arg6[%dma_start3A_72, %dma_start3A_81, %dma_start3A_82] : memref<2x32x128xf32, #tpu.memory_space<vmem>> -> memref<1x32x128xf32, #tpu.memory_space<vmem>>
      %dma_start3A_84 = tpu.memref_squeeze %dma_start3A_83 : memref<1x32x128xf32, #tpu.memory_space<vmem>> -> memref<32x128xf32, #tpu.memory_space<vmem>>
      tpu.enqueue_dma source(%dma_start3A_84 : memref<32x128xf32, #tpu.memory_space<vmem>>) target(%dma_start3A_80 : memref<32x128xf32, #tpu.memory_space<hbm>>) target_semaphore(%arg9 : memref<!tpu.dma_semaphore, #tpu.memory_space<semaphore_mem>>)
      %add3A_85 = arith.constant 1 : i32
      %add3A_86 = arith.addi %add3A_33, %add3A_85 : i32
      %mul3A_87 = arith.constant 32 : i32
      %mul3A_88 = arith.muli %mul3A_87, %add3A_86 : i32
      %add3A_89 = arith.addi %add3A, %mul3A_88 : i32
      %lt3A_90 = arith.constant 243 : i32
      %lt3A_91 = arith.cmpi slt, %add3A_86, %lt3A_90 : i32
      %lt3A_92 = arith.constant 4 : i32
      %lt3A_93 = arith.cmpi slt, %add3A, %lt3A_92 : i32
      %or3A_94 = arith.ori %lt3A_91, %lt3A_93 : i1
      %convert_element_type3A_95 = arith.extui %or3A_94 : i1 to i32
      %cond3A_96 = arith.constant 0 : i32
      %cond3A_97 = arith.cmpi ne, %convert_element_type3A_95, %cond3A_96 : i32
      scf.if %cond3A_97 {
        %add3A_139 = arith.constant 32 : i32
        %add3A_140 = arith.addi %add3A_89, %add3A_139 : i32
        %mul3A_141 = arith.constant 128 : i32
        %mul3A_142 = arith.muli %add3A_140, %mul3A_141 : i32
        %dma_start3A_143 = arith.constant 0 : i32
        %dma_start3A_144 = arith.constant 0 : i32
        %dma_start3A_145 = arith.constant 0 : i32
        %dma_start3A_146 = tpu.memref_slice %arg5[%dma_start3A_143, %dma_start3A_144, %dma_start3A_145] : memref<2x32x128xf32, #tpu.memory_space<vmem>> -> memref<1x32x128xf32, #tpu.memory_space<vmem>>
        %dma_start3A_147 = tpu.memref_squeeze %dma_start3A_146 : memref<1x32x128xf32, #tpu.memory_space<vmem>> -> memref<32x128xf32, #tpu.memory_space<vmem>>
        %dma_start3A_148 = arith.constant 0 : i32
        %dma_start3A_149 = tpu.memref_slice %arg2[%dma_start3A_148, %mul3A_142] : memref<32x1000000xf32, #tpu.memory_space<hbm>> -> memref<32x128xf32, #tpu.memory_space<hbm>>
        %dma_start3A_150 = arith.constant 0 : i32
        %dma_start3A_151 = arith.constant 0 : i32
        %dma_start3A_152 = tpu.memref_slice %arg5[%dma_start3A_143, %dma_start3A_150, %dma_start3A_151] : memref<2x32x128xf32, #tpu.memory_space<vmem>> -> memref<1x32x128xf32, #tpu.memory_space<vmem>>
        %dma_start3A_153 = tpu.memref_squeeze %dma_start3A_152 : memref<1x32x128xf32, #tpu.memory_space<vmem>> -> memref<32x128xf32, #tpu.memory_space<vmem>>
        %dma_start3A_154 = arith.constant 0 : i32
        %dma_start3A_155 = tpu.memref_slice %arg2[%dma_start3A_154, %mul3A_142] : memref<32x1000000xf32, #tpu.memory_space<hbm>> -> memref<32x128xf32, #tpu.memory_space<hbm>>
        tpu.enqueue_dma source(%dma_start3A_155 : memref<32x128xf32, #tpu.memory_space<hbm>>) target(%dma_start3A_153 : memref<32x128xf32, #tpu.memory_space<vmem>>) target_semaphore(%arg7 : memref<!tpu.dma_semaphore, #tpu.memory_space<semaphore_mem>>)
      } else {
      }
      %mul3A_98 = arith.constant 128 : i32
      %mul3A_99 = arith.muli %add3A_89, %mul3A_98 : i32
      %dma_wait3A_100 = arith.constant 1 : i32
      %dma_wait3A_101 = arith.constant 0 : i32
      %dma_wait3A_102 = arith.constant 0 : i32
      %dma_wait3A_103 = tpu.memref_slice %arg5[%dma_wait3A_100, %dma_wait3A_101, %dma_wait3A_102] : memref<2x32x128xf32, #tpu.memory_space<vmem>> -> memref<1x32x128xf32, #tpu.memory_space<vmem>>
      %dma_wait3A_104 = tpu.memref_squeeze %dma_wait3A_103 : memref<1x32x128xf32, #tpu.memory_space<vmem>> -> memref<32x128xf32, #tpu.memory_space<vmem>>
      %dma_wait3A_105 = arith.constant 0 : i32
      %dma_wait3A_106 = tpu.memref_slice %arg2[%dma_wait3A_105, %mul3A_99] : memref<32x1000000xf32, #tpu.memory_space<hbm>> -> memref<32x128xf32, #tpu.memory_space<hbm>>
      %dma_wait3A_107 = arith.constant 0 : i32
      %dma_wait3A_108 = arith.constant 0 : i32
      %dma_wait3A_109 = tpu.memref_slice %arg5[%dma_wait3A_100, %dma_wait3A_107, %dma_wait3A_108] : memref<2x32x128xf32, #tpu.memory_space<vmem>> -> memref<1x32x128xf32, #tpu.memory_space<vmem>>
      %dma_wait3A_110 = tpu.memref_squeeze %dma_wait3A_109 : memref<1x32x128xf32, #tpu.memory_space<vmem>> -> memref<32x128xf32, #tpu.memory_space<vmem>>
      %dma_wait3A_111 = arith.constant 0 : i32
      %dma_wait3A_112 = tpu.memref_slice %arg2[%dma_wait3A_111, %mul3A_99] : memref<32x1000000xf32, #tpu.memory_space<hbm>> -> memref<32x128xf32, #tpu.memory_space<hbm>>
      tpu.wait_dma2 semaphore(%arg8 : memref<!tpu.dma_semaphore, #tpu.memory_space<semaphore_mem>>) src(%dma_wait3A_112 : memref<32x128xf32, #tpu.memory_space<hbm>>) dst(%dma_wait3A_110 : memref<32x128xf32, #tpu.memory_space<vmem>>)
      %ge3A_113 = arith.constant 2 : i32
      %ge3A_114 = arith.cmpi sge, %add3A_86, %ge3A_113 : i32
      %convert_element_type3A_115 = arith.extui %ge3A_114 : i1 to i32
      %cond3A_116 = arith.constant 0 : i32
      %cond3A_117 = arith.cmpi ne, %convert_element_type3A_115, %cond3A_116 : i32
      scf.if %cond3A_117 {
        %sub3A = arith.constant 64 : i32
        %sub3A_139 = arith.subi %add3A_89, %sub3A : i32
        %mul3A_140 = arith.constant 32 : i32
        %mul3A_141 = arith.muli %sub3A_139, %mul3A_140 : i32
        %dma_wait3A_142 = arith.constant 1 : i32
        %dma_wait3A_143 = arith.constant 0 : i32
        %dma_wait3A_144 = arith.constant 0 : i32
        %dma_wait3A_145 = tpu.memref_slice %arg6[%dma_wait3A_142, %dma_wait3A_143, %dma_wait3A_144] : memref<2x32x128xf32, #tpu.memory_space<vmem>> -> memref<1x32x128xf32, #tpu.memory_space<vmem>>
        %dma_wait3A_146 = tpu.memref_squeeze %dma_wait3A_145 : memref<1x32x128xf32, #tpu.memory_space<vmem>> -> memref<32x128xf32, #tpu.memory_space<vmem>>
        %dma_wait3A_147 = arith.constant 0 : i32
        %dma_wait3A_148 = tpu.memref_slice %arg4[%mul3A_141, %dma_wait3A_147] : memref<250000x128xf32, #tpu.memory_space<hbm>> -> memref<32x128xf32, #tpu.memory_space<hbm>>
        %dma_wait3A_149 = arith.constant 0 : i32
        %dma_wait3A_150 = tpu.memref_slice %arg4[%mul3A_141, %dma_wait3A_149] : memref<250000x128xf32, #tpu.memory_space<hbm>> -> memref<32x128xf32, #tpu.memory_space<hbm>>
        %dma_wait3A_151 = arith.constant 0 : i32
        %dma_wait3A_152 = arith.constant 0 : i32
        %dma_wait3A_153 = tpu.memref_slice %arg6[%dma_wait3A_142, %dma_wait3A_151, %dma_wait3A_152] : memref<2x32x128xf32, #tpu.memory_space<vmem>> -> memref<1x32x128xf32, #tpu.memory_space<vmem>>
        %dma_wait3A_154 = tpu.memref_squeeze %dma_wait3A_153 : memref<1x32x128xf32, #tpu.memory_space<vmem>> -> memref<32x128xf32, #tpu.memory_space<vmem>>
        tpu.wait_dma2 semaphore(%arg10 : memref<!tpu.dma_semaphore, #tpu.memory_space<semaphore_mem>>) src(%dma_wait3A_154 : memref<32x128xf32, #tpu.memory_space<vmem>>) dst(%dma_wait3A_150 : memref<32x128xf32, #tpu.memory_space<hbm>>)
      } else {
      }
      %add3A_118 = arith.constant 16 : i32
      %add3A_119 = vector.broadcast %add3A_118 : i32 to vector<16xi32>
      %add3A_120 = arith.addi %iota3A, %add3A_119 : vector<16xi32>
      %parallel_loop3A_121 = arith.constant 0 : i32
      %parallel_loop3A_122 = arith.constant 32 : i32
      %parallel_loop3A_123 = arith.constant 1 : i32
      scf.for %parallel_loop3A_139 = %parallel_loop3A_121 to %parallel_loop3A_122 step %parallel_loop3A_123  : i32 {
        %parallel_loop3A_140 = arith.constant 4 : i32
        %parallel_loop3A_141 = arith.muli %parallel_loop3A_140, %parallel_loop3A_139 : i32
        %parallel_loop3A_142 = vector.broadcast %parallel_loop3A_141 : i32 to vector<16xi32>
        %parallel_loop3A_143 = arith.constant 1 : i32
        %parallel_loop3A_144 = arith.constant 0 : i32
        %parallel_loop3A_145 = arith.constant 0 : i32
        %parallel_loop3A_146 = tpu.memref_slice %arg5[%parallel_loop3A_143, %parallel_loop3A_144, %parallel_loop3A_145] : memref<2x32x128xf32, #tpu.memory_space<vmem>> -> memref<1x32x128xf32, #tpu.memory_space<vmem>>
        %parallel_loop3A_147 = tpu.memref_squeeze %parallel_loop3A_146 : memref<1x32x128xf32, #tpu.memory_space<vmem>> -> memref<32x128xf32, #tpu.memory_space<vmem>>
        %parallel_loop3A_148 = tpu.vector_load_idx %parallel_loop3A_147[%iota3A, %parallel_loop3A_142] : memref<32x128xf32, #tpu.memory_space<vmem>>[vector<16xi32>, vector<16xi32>], vector<16xf32>,
        %parallel_loop3A_149 = arith.constant 1 : i32
        %parallel_loop3A_150 = arith.index_cast %parallel_loop3A_149 : i32 to index
        %parallel_loop3A_151 = arith.index_cast %parallel_loop3A_139 : i32 to index
        %parallel_loop3A_152 = arith.constant 0 : index
        %parallel_loop3A_153 = tpu.vector_load %arg6[%parallel_loop3A_150, %parallel_loop3A_151, %parallel_loop3A_152] {strides = array<i32>} : memref<2x32x128xf32, #tpu.memory_space<vmem>>, vector<16xf32>,
        tpu.vector_store %arg6[%parallel_loop3A_150, %parallel_loop3A_151, %parallel_loop3A_152], %parallel_loop3A_148 {strides = array<i32>} : memref<2x32x128xf32, #tpu.memory_space<vmem>>, vector<16xf32>,
        %parallel_loop3A_154 = arith.constant 1 : i32
        %parallel_loop3A_155 = arith.constant 0 : i32
        %parallel_loop3A_156 = arith.constant 0 : i32
        %parallel_loop3A_157 = tpu.memref_slice %arg5[%parallel_loop3A_154, %parallel_loop3A_155, %parallel_loop3A_156] : memref<2x32x128xf32, #tpu.memory_space<vmem>> -> memref<1x32x128xf32, #tpu.memory_space<vmem>>
        %parallel_loop3A_158 = tpu.memref_squeeze %parallel_loop3A_157 : memref<1x32x128xf32, #tpu.memory_space<vmem>> -> memref<32x128xf32, #tpu.memory_space<vmem>>
        %parallel_loop3A_159 = tpu.vector_load_idx %parallel_loop3A_158[%add3A_120, %parallel_loop3A_142] : memref<32x128xf32, #tpu.memory_space<vmem>>[vector<16xi32>, vector<16xi32>], vector<16xf32>,
        %parallel_loop3A_160 = arith.constant 1 : i32
        %parallel_loop3A_161 = arith.index_cast %parallel_loop3A_160 : i32 to index
        %parallel_loop3A_162 = arith.index_cast %parallel_loop3A_139 : i32 to index
        %parallel_loop3A_163 = arith.constant 16 : index
        %parallel_loop3A_164 = tpu.vector_load %arg6[%parallel_loop3A_161, %parallel_loop3A_162, %parallel_loop3A_163] {strides = array<i32>} : memref<2x32x128xf32, #tpu.memory_space<vmem>>, vector<16xf32>,
        tpu.vector_store %arg6[%parallel_loop3A_161, %parallel_loop3A_162, %parallel_loop3A_163], %parallel_loop3A_159 {strides = array<i32>} : memref<2x32x128xf32, #tpu.memory_space<vmem>>, vector<16xf32>,
        %parallel_loop3A_165 = arith.constant 1 : i32
        %parallel_loop3A_166 = vector.broadcast %parallel_loop3A_165 : i32 to vector<16xi32>
        %parallel_loop3A_167 = arith.addi %parallel_loop3A_142, %parallel_loop3A_166 : vector<16xi32>
        %parallel_loop3A_168 = arith.constant 1 : i32
        %parallel_loop3A_169 = arith.constant 0 : i32
        %parallel_loop3A_170 = arith.constant 0 : i32
        %parallel_loop3A_171 = tpu.memref_slice %arg5[%parallel_loop3A_168, %parallel_loop3A_169, %parallel_loop3A_170] : memref<2x32x128xf32, #tpu.memory_space<vmem>> -> memref<1x32x128xf32, #tpu.memory_space<vmem>>
        %parallel_loop3A_172 = tpu.memref_squeeze %parallel_loop3A_171 : memref<1x32x128xf32, #tpu.memory_space<vmem>> -> memref<32x128xf32, #tpu.memory_space<vmem>>
        %parallel_loop3A_173 = tpu.vector_load_idx %parallel_loop3A_172[%iota3A, %parallel_loop3A_167] : memref<32x128xf32, #tpu.memory_space<vmem>>[vector<16xi32>, vector<16xi32>], vector<16xf32>,
        %parallel_loop3A_174 = arith.constant 1 : i32
        %parallel_loop3A_175 = arith.index_cast %parallel_loop3A_174 : i32 to index
        %parallel_loop3A_176 = arith.index_cast %parallel_loop3A_139 : i32 to index
        %parallel_loop3A_177 = arith.constant 32 : index
        %parallel_loop3A_178 = tpu.vector_load %arg6[%parallel_loop3A_175, %parallel_loop3A_176, %parallel_loop3A_177] {strides = array<i32>} : memref<2x32x128xf32, #tpu.memory_space<vmem>>, vector<16xf32>,
        tpu.vector_store %arg6[%parallel_loop3A_175, %parallel_loop3A_176, %parallel_loop3A_177], %parallel_loop3A_173 {strides = array<i32>} : memref<2x32x128xf32, #tpu.memory_space<vmem>>, vector<16xf32>,
        %parallel_loop3A_179 = arith.constant 1 : i32
        %parallel_loop3A_180 = arith.constant 0 : i32
        %parallel_loop3A_181 = arith.constant 0 : i32
        %parallel_loop3A_182 = tpu.memref_slice %arg5[%parallel_loop3A_179, %parallel_loop3A_180, %parallel_loop3A_181] : memref<2x32x128xf32, #tpu.memory_space<vmem>> -> memref<1x32x128xf32, #tpu.memory_space<vmem>>
        %parallel_loop3A_183 = tpu.memref_squeeze %parallel_loop3A_182 : memref<1x32x128xf32, #tpu.memory_space<vmem>> -> memref<32x128xf32, #tpu.memory_space<vmem>>
        %parallel_loop3A_184 = tpu.vector_load_idx %parallel_loop3A_183[%add3A_120, %parallel_loop3A_167] : memref<32x128xf32, #tpu.memory_space<vmem>>[vector<16xi32>, vector<16xi32>], vector<16xf32>,
        %parallel_loop3A_185 = arith.constant 1 : i32
        %parallel_loop3A_186 = arith.index_cast %parallel_loop3A_185 : i32 to index
        %parallel_loop3A_187 = arith.index_cast %parallel_loop3A_139 : i32 to index
        %parallel_loop3A_188 = arith.constant 48 : index
        %parallel_loop3A_189 = tpu.vector_load %arg6[%parallel_loop3A_186, %parallel_loop3A_187, %parallel_loop3A_188] {strides = array<i32>} : memref<2x32x128xf32, #tpu.memory_space<vmem>>, vector<16xf32>,
        tpu.vector_store %arg6[%parallel_loop3A_186, %parallel_loop3A_187, %parallel_loop3A_188], %parallel_loop3A_184 {strides = array<i32>} : memref<2x32x128xf32, #tpu.memory_space<vmem>>, vector<16xf32>,
        %parallel_loop3A_190 = arith.constant 2 : i32
        %parallel_loop3A_191 = vector.broadcast %parallel_loop3A_190 : i32 to vector<16xi32>
        %parallel_loop3A_192 = arith.addi %parallel_loop3A_142, %parallel_loop3A_191 : vector<16xi32>
        %parallel_loop3A_193 = arith.constant 1 : i32
        %parallel_loop3A_194 = arith.constant 0 : i32
        %parallel_loop3A_195 = arith.constant 0 : i32
        %parallel_loop3A_196 = tpu.memref_slice %arg5[%parallel_loop3A_193, %parallel_loop3A_194, %parallel_loop3A_195] : memref<2x32x128xf32, #tpu.memory_space<vmem>> -> memref<1x32x128xf32, #tpu.memory_space<vmem>>
        %parallel_loop3A_197 = tpu.memref_squeeze %parallel_loop3A_196 : memref<1x32x128xf32, #tpu.memory_space<vmem>> -> memref<32x128xf32, #tpu.memory_space<vmem>>
        %parallel_loop3A_198 = tpu.vector_load_idx %parallel_loop3A_197[%iota3A, %parallel_loop3A_192] : memref<32x128xf32, #tpu.memory_space<vmem>>[vector<16xi32>, vector<16xi32>], vector<16xf32>,
        %parallel_loop3A_199 = arith.constant 1 : i32
        %parallel_loop3A_200 = arith.index_cast %parallel_loop3A_199 : i32 to index
        %parallel_loop3A_201 = arith.index_cast %parallel_loop3A_139 : i32 to index
        %parallel_loop3A_202 = arith.constant 64 : index
        %parallel_loop3A_203 = tpu.vector_load %arg6[%parallel_loop3A_200, %parallel_loop3A_201, %parallel_loop3A_202] {strides = array<i32>} : memref<2x32x128xf32, #tpu.memory_space<vmem>>, vector<16xf32>,
        tpu.vector_store %arg6[%parallel_loop3A_200, %parallel_loop3A_201, %parallel_loop3A_202], %parallel_loop3A_198 {strides = array<i32>} : memref<2x32x128xf32, #tpu.memory_space<vmem>>, vector<16xf32>,
        %parallel_loop3A_204 = arith.constant 1 : i32
        %parallel_loop3A_205 = arith.constant 0 : i32
        %parallel_loop3A_206 = arith.constant 0 : i32
        %parallel_loop3A_207 = tpu.memref_slice %arg5[%parallel_loop3A_204, %parallel_loop3A_205, %parallel_loop3A_206] : memref<2x32x128xf32, #tpu.memory_space<vmem>> -> memref<1x32x128xf32, #tpu.memory_space<vmem>>
        %parallel_loop3A_208 = tpu.memref_squeeze %parallel_loop3A_207 : memref<1x32x128xf32, #tpu.memory_space<vmem>> -> memref<32x128xf32, #tpu.memory_space<vmem>>
        %parallel_loop3A_209 = tpu.vector_load_idx %parallel_loop3A_208[%add3A_120, %parallel_loop3A_192] : memref<32x128xf32, #tpu.memory_space<vmem>>[vector<16xi32>, vector<16xi32>], vector<16xf32>,
        %parallel_loop3A_210 = arith.constant 1 : i32
        %parallel_loop3A_211 = arith.index_cast %parallel_loop3A_210 : i32 to index
        %parallel_loop3A_212 = arith.index_cast %parallel_loop3A_139 : i32 to index
        %parallel_loop3A_213 = arith.constant 80 : index
        %parallel_loop3A_214 = tpu.vector_load %arg6[%parallel_loop3A_211, %parallel_loop3A_212, %parallel_loop3A_213] {strides = array<i32>} : memref<2x32x128xf32, #tpu.memory_space<vmem>>, vector<16xf32>,
        tpu.vector_store %arg6[%parallel_loop3A_211, %parallel_loop3A_212, %parallel_loop3A_213], %parallel_loop3A_209 {strides = array<i32>} : memref<2x32x128xf32, #tpu.memory_space<vmem>>, vector<16xf32>,
        %parallel_loop3A_215 = arith.constant 3 : i32
        %parallel_loop3A_216 = vector.broadcast %parallel_loop3A_215 : i32 to vector<16xi32>
        %parallel_loop3A_217 = arith.addi %parallel_loop3A_142, %parallel_loop3A_216 : vector<16xi32>
        %parallel_loop3A_218 = arith.constant 1 : i32
        %parallel_loop3A_219 = arith.constant 0 : i32
        %parallel_loop3A_220 = arith.constant 0 : i32
        %parallel_loop3A_221 = tpu.memref_slice %arg5[%parallel_loop3A_218, %parallel_loop3A_219, %parallel_loop3A_220] : memref<2x32x128xf32, #tpu.memory_space<vmem>> -> memref<1x32x128xf32, #tpu.memory_space<vmem>>
        %parallel_loop3A_222 = tpu.memref_squeeze %parallel_loop3A_221 : memref<1x32x128xf32, #tpu.memory_space<vmem>> -> memref<32x128xf32, #tpu.memory_space<vmem>>
        %parallel_loop3A_223 = tpu.vector_load_idx %parallel_loop3A_222[%iota3A, %parallel_loop3A_217] : memref<32x128xf32, #tpu.memory_space<vmem>>[vector<16xi32>, vector<16xi32>], vector<16xf32>,
        %parallel_loop3A_224 = arith.constant 1 : i32
        %parallel_loop3A_225 = arith.index_cast %parallel_loop3A_224 : i32 to index
        %parallel_loop3A_226 = arith.index_cast %parallel_loop3A_139 : i32 to index
        %parallel_loop3A_227 = arith.constant 96 : index
        %parallel_loop3A_228 = tpu.vector_load %arg6[%parallel_loop3A_225, %parallel_loop3A_226, %parallel_loop3A_227] {strides = array<i32>} : memref<2x32x128xf32, #tpu.memory_space<vmem>>, vector<16xf32>,
        tpu.vector_store %arg6[%parallel_loop3A_225, %parallel_loop3A_226, %parallel_loop3A_227], %parallel_loop3A_223 {strides = array<i32>} : memref<2x32x128xf32, #tpu.memory_space<vmem>>, vector<16xf32>,
        %parallel_loop3A_229 = arith.constant 1 : i32
        %parallel_loop3A_230 = arith.constant 0 : i32
        %parallel_loop3A_231 = arith.constant 0 : i32
        %parallel_loop3A_232 = tpu.memref_slice %arg5[%parallel_loop3A_229, %parallel_loop3A_230, %parallel_loop3A_231] : memref<2x32x128xf32, #tpu.memory_space<vmem>> -> memref<1x32x128xf32, #tpu.memory_space<vmem>>
        %parallel_loop3A_233 = tpu.memref_squeeze %parallel_loop3A_232 : memref<1x32x128xf32, #tpu.memory_space<vmem>> -> memref<32x128xf32, #tpu.memory_space<vmem>>
        %parallel_loop3A_234 = tpu.vector_load_idx %parallel_loop3A_233[%add3A_120, %parallel_loop3A_217] : memref<32x128xf32, #tpu.memory_space<vmem>>[vector<16xi32>, vector<16xi32>], vector<16xf32>,
        %parallel_loop3A_235 = arith.constant 1 : i32
        %parallel_loop3A_236 = arith.index_cast %parallel_loop3A_235 : i32 to index
        %parallel_loop3A_237 = arith.index_cast %parallel_loop3A_139 : i32 to index
        %parallel_loop3A_238 = arith.constant 112 : index
        %parallel_loop3A_239 = tpu.vector_load %arg6[%parallel_loop3A_236, %parallel_loop3A_237, %parallel_loop3A_238] {strides = array<i32>} : memref<2x32x128xf32, #tpu.memory_space<vmem>>, vector<16xf32>,
        tpu.vector_store %arg6[%parallel_loop3A_236, %parallel_loop3A_237, %parallel_loop3A_238], %parallel_loop3A_234 {strides = array<i32>} : memref<2x32x128xf32, #tpu.memory_space<vmem>>, vector<16xf32>,
      } {sc.loop_unroll_factor = 8 : i64, sc.parallel_access}
      %mul3A_124 = arith.constant 32 : i32
      %mul3A_125 = arith.muli %add3A_89, %mul3A_124 : i32
      %dma_start3A_126 = arith.constant 1 : i32
      %dma_start3A_127 = arith.constant 0 : i32
      %dma_start3A_128 = arith.constant 0 : i32
      %dma_start3A_129 = tpu.memref_slice %arg6[%dma_start3A_126, %dma_start3A_127, %dma_start3A_128] : memref<2x32x128xf32, #tpu.memory_space<vmem>> -> memref<1x32x128xf32, #tpu.memory_space<vmem>>
      %dma_start3A_130 = tpu.memref_squeeze %dma_start3A_129 : memref<1x32x128xf32, #tpu.memory_space<vmem>> -> memref<32x128xf32, #tpu.memory_space<vmem>>
      %dma_start3A_131 = arith.constant 0 : i32
      %dma_start3A_132 = tpu.memref_slice %arg4[%mul3A_125, %dma_start3A_131] : memref<250000x128xf32, #tpu.memory_space<hbm>> -> memref<32x128xf32, #tpu.memory_space<hbm>>
      %dma_start3A_133 = arith.constant 0 : i32
      %dma_start3A_134 = tpu.memref_slice %arg4[%mul3A_125, %dma_start3A_133] : memref<250000x128xf32, #tpu.memory_space<hbm>> -> memref<32x128xf32, #tpu.memory_space<hbm>>
      %dma_start3A_135 = arith.constant 0 : i32
      %dma_start3A_136 = arith.constant 0 : i32
      %dma_start3A_137 = tpu.memref_slice %arg6[%dma_start3A_126, %dma_start3A_135, %dma_start3A_136] : memref<2x32x128xf32, #tpu.memory_space<vmem>> -> memref<1x32x128xf32, #tpu.memory_space<vmem>>
      %dma_start3A_138 = tpu.memref_squeeze %dma_start3A_137 : memref<1x32x128xf32, #tpu.memory_space<vmem>> -> memref<32x128xf32, #tpu.memory_space<vmem>>
      tpu.enqueue_dma source(%dma_start3A_138 : memref<32x128xf32, #tpu.memory_space<vmem>>) target(%dma_start3A_134 : memref<32x128xf32, #tpu.memory_space<hbm>>) target_semaphore(%arg10 : memref<!tpu.dma_semaphore, #tpu.memory_space<semaphore_mem>>)
    }
    %scan3A_18 = arith.constant 122 : i32
    %lt3A = arith.constant 4 : i32
    %lt3A_19 = arith.cmpi slt, %add3A, %lt3A : i32
    %convert_element_type3A = arith.extui %lt3A_19 : i1 to i32
    %cond3A = arith.constant 0 : i32
    %cond3A_20 = arith.cmpi ne, %convert_element_type3A, %cond3A : i32
    scf.if %cond3A_20 {
      %add3A_29 = arith.constant 7808 : i32
      %add3A_30 = arith.addi %add3A, %add3A_29 : i32
      %mul3A_31 = arith.constant 128 : i32
      %mul3A_32 = arith.muli %add3A_30, %mul3A_31 : i32
      %dma_wait3A = arith.constant 0 : i32
      %dma_wait3A_33 = arith.constant 0 : i32
      %dma_wait3A_34 = arith.constant 0 : i32
      %dma_wait3A_35 = tpu.memref_slice %arg5[%dma_wait3A, %dma_wait3A_33, %dma_wait3A_34] : memref<2x32x128xf32, #tpu.memory_space<vmem>> -> memref<1x32x128xf32, #tpu.memory_space<vmem>>
      %dma_wait3A_36 = tpu.memref_squeeze %dma_wait3A_35 : memref<1x32x128xf32, #tpu.memory_space<vmem>> -> memref<32x128xf32, #tpu.memory_space<vmem>>
      %dma_wait3A_37 = arith.constant 0 : i32
      %dma_wait3A_38 = tpu.memref_slice %arg2[%dma_wait3A_37, %mul3A_32] : memref<32x1000000xf32, #tpu.memory_space<hbm>> -> memref<32x128xf32, #tpu.memory_space<hbm>>
      %dma_wait3A_39 = arith.constant 0 : i32
      %dma_wait3A_40 = arith.constant 0 : i32
      %dma_wait3A_41 = tpu.memref_slice %arg5[%dma_wait3A, %dma_wait3A_39, %dma_wait3A_40] : memref<2x32x128xf32, #tpu.memory_space<vmem>> -> memref<1x32x128xf32, #tpu.memory_space<vmem>>
      %dma_wait3A_42 = tpu.memref_squeeze %dma_wait3A_41 : memref<1x32x128xf32, #tpu.memory_space<vmem>> -> memref<32x128xf32, #tpu.memory_space<vmem>>
      %dma_wait3A_43 = arith.constant 0 : i32
      %dma_wait3A_44 = tpu.memref_slice %arg2[%dma_wait3A_43, %mul3A_32] : memref<32x1000000xf32, #tpu.memory_space<hbm>> -> memref<32x128xf32, #tpu.memory_space<hbm>>
      tpu.wait_dma2 semaphore(%arg7 : memref<!tpu.dma_semaphore, #tpu.memory_space<semaphore_mem>>) src(%dma_wait3A_44 : memref<32x128xf32, #tpu.memory_space<hbm>>) dst(%dma_wait3A_42 : memref<32x128xf32, #tpu.memory_space<vmem>>)
      %sub3A = arith.constant 64 : i32
      %sub3A_45 = arith.subi %add3A_30, %sub3A : i32
      %mul3A_46 = arith.constant 32 : i32
      %mul3A_47 = arith.muli %sub3A_45, %mul3A_46 : i32
      %dma_wait3A_48 = arith.constant 0 : i32
      %dma_wait3A_49 = arith.constant 0 : i32
      %dma_wait3A_50 = arith.constant 0 : i32
      %dma_wait3A_51 = tpu.memref_slice %arg6[%dma_wait3A_48, %dma_wait3A_49, %dma_wait3A_50] : memref<2x32x128xf32, #tpu.memory_space<vmem>> -> memref<1x32x128xf32, #tpu.memory_space<vmem>>
      %dma_wait3A_52 = tpu.memref_squeeze %dma_wait3A_51 : memref<1x32x128xf32, #tpu.memory_space<vmem>> -> memref<32x128xf32, #tpu.memory_space<vmem>>
      %dma_wait3A_53 = arith.constant 0 : i32
      %dma_wait3A_54 = tpu.memref_slice %arg4[%mul3A_47, %dma_wait3A_53] : memref<250000x128xf32, #tpu.memory_space<hbm>> -> memref<32x128xf32, #tpu.memory_space<hbm>>
      %dma_wait3A_55 = arith.constant 0 : i32
      %dma_wait3A_56 = tpu.memref_slice %arg4[%mul3A_47, %dma_wait3A_55] : memref<250000x128xf32, #tpu.memory_space<hbm>> -> memref<32x128xf32, #tpu.memory_space<hbm>>
      %dma_wait3A_57 = arith.constant 0 : i32
      %dma_wait3A_58 = arith.constant 0 : i32
      %dma_wait3A_59 = tpu.memref_slice %arg6[%dma_wait3A_48, %dma_wait3A_57, %dma_wait3A_58] : memref<2x32x128xf32, #tpu.memory_space<vmem>> -> memref<1x32x128xf32, #tpu.memory_space<vmem>>
      %dma_wait3A_60 = tpu.memref_squeeze %dma_wait3A_59 : memref<1x32x128xf32, #tpu.memory_space<vmem>> -> memref<32x128xf32, #tpu.memory_space<vmem>>
      tpu.wait_dma2 semaphore(%arg9 : memref<!tpu.dma_semaphore, #tpu.memory_space<semaphore_mem>>) src(%dma_wait3A_60 : memref<32x128xf32, #tpu.memory_space<vmem>>) dst(%dma_wait3A_56 : memref<32x128xf32, #tpu.memory_space<hbm>>)
      %add3A_61 = arith.constant 16 : i32
      %add3A_62 = vector.broadcast %add3A_61 : i32 to vector<16xi32>
      %add3A_63 = arith.addi %iota3A, %add3A_62 : vector<16xi32>
      %parallel_loop3A = arith.constant 0 : i32
      %parallel_loop3A_64 = arith.constant 32 : i32
      %parallel_loop3A_65 = arith.constant 1 : i32
      scf.for %parallel_loop3A_113 = %parallel_loop3A to %parallel_loop3A_64 step %parallel_loop3A_65  : i32 {
        %parallel_loop3A_114 = arith.constant 4 : i32
        %parallel_loop3A_115 = arith.muli %parallel_loop3A_114, %parallel_loop3A_113 : i32
        %parallel_loop3A_116 = vector.broadcast %parallel_loop3A_115 : i32 to vector<16xi32>
        %parallel_loop3A_117 = arith.constant 0 : i32
        %parallel_loop3A_118 = arith.constant 0 : i32
        %parallel_loop3A_119 = arith.constant 0 : i32
        %parallel_loop3A_120 = tpu.memref_slice %arg5[%parallel_loop3A_117, %parallel_loop3A_118, %parallel_loop3A_119] : memref<2x32x128xf32, #tpu.memory_space<vmem>> -> memref<1x32x128xf32, #tpu.memory_space<vmem>>
        %parallel_loop3A_121 = tpu.memref_squeeze %parallel_loop3A_120 : memref<1x32x128xf32, #tpu.memory_space<vmem>> -> memref<32x128xf32, #tpu.memory_space<vmem>>
        %parallel_loop3A_122 = tpu.vector_load_idx %parallel_loop3A_121[%iota3A, %parallel_loop3A_116] : memref<32x128xf32, #tpu.memory_space<vmem>>[vector<16xi32>, vector<16xi32>], vector<16xf32>,
        %parallel_loop3A_123 = arith.constant 0 : i32
        %parallel_loop3A_124 = arith.index_cast %parallel_loop3A_123 : i32 to index
        %parallel_loop3A_125 = arith.index_cast %parallel_loop3A_113 : i32 to index
        %parallel_loop3A_126 = arith.constant 0 : index
        %parallel_loop3A_127 = tpu.vector_load %arg6[%parallel_loop3A_124, %parallel_loop3A_125, %parallel_loop3A_126] {strides = array<i32>} : memref<2x32x128xf32, #tpu.memory_space<vmem>>, vector<16xf32>,
        tpu.vector_store %arg6[%parallel_loop3A_124, %parallel_loop3A_125, %parallel_loop3A_126], %parallel_loop3A_122 {strides = array<i32>} : memref<2x32x128xf32, #tpu.memory_space<vmem>>, vector<16xf32>,
        %parallel_loop3A_128 = arith.constant 0 : i32
        %parallel_loop3A_129 = arith.constant 0 : i32
        %parallel_loop3A_130 = arith.constant 0 : i32
        %parallel_loop3A_131 = tpu.memref_slice %arg5[%parallel_loop3A_128, %parallel_loop3A_129, %parallel_loop3A_130] : memref<2x32x128xf32, #tpu.memory_space<vmem>> -> memref<1x32x128xf32, #tpu.memory_space<vmem>>
        %parallel_loop3A_132 = tpu.memref_squeeze %parallel_loop3A_131 : memref<1x32x128xf32, #tpu.memory_space<vmem>> -> memref<32x128xf32, #tpu.memory_space<vmem>>
        %parallel_loop3A_133 = tpu.vector_load_idx %parallel_loop3A_132[%add3A_63, %parallel_loop3A_116] : memref<32x128xf32, #tpu.memory_space<vmem>>[vector<16xi32>, vector<16xi32>], vector<16xf32>,
        %parallel_loop3A_134 = arith.constant 0 : i32
        %parallel_loop3A_135 = arith.index_cast %parallel_loop3A_134 : i32 to index
        %parallel_loop3A_136 = arith.index_cast %parallel_loop3A_113 : i32 to index
        %parallel_loop3A_137 = arith.constant 16 : index
        %parallel_loop3A_138 = tpu.vector_load %arg6[%parallel_loop3A_135, %parallel_loop3A_136, %parallel_loop3A_137] {strides = array<i32>} : memref<2x32x128xf32, #tpu.memory_space<vmem>>, vector<16xf32>,
        tpu.vector_store %arg6[%parallel_loop3A_135, %parallel_loop3A_136, %parallel_loop3A_137], %parallel_loop3A_133 {strides = array<i32>} : memref<2x32x128xf32, #tpu.memory_space<vmem>>, vector<16xf32>,
        %parallel_loop3A_139 = arith.constant 1 : i32
        %parallel_loop3A_140 = vector.broadcast %parallel_loop3A_139 : i32 to vector<16xi32>
        %parallel_loop3A_141 = arith.addi %parallel_loop3A_116, %parallel_loop3A_140 : vector<16xi32>
        %parallel_loop3A_142 = arith.constant 0 : i32
        %parallel_loop3A_143 = arith.constant 0 : i32
        %parallel_loop3A_144 = arith.constant 0 : i32
        %parallel_loop3A_145 = tpu.memref_slice %arg5[%parallel_loop3A_142, %parallel_loop3A_143, %parallel_loop3A_144] : memref<2x32x128xf32, #tpu.memory_space<vmem>> -> memref<1x32x128xf32, #tpu.memory_space<vmem>>
        %parallel_loop3A_146 = tpu.memref_squeeze %parallel_loop3A_145 : memref<1x32x128xf32, #tpu.memory_space<vmem>> -> memref<32x128xf32, #tpu.memory_space<vmem>>
        %parallel_loop3A_147 = tpu.vector_load_idx %parallel_loop3A_146[%iota3A, %parallel_loop3A_141] : memref<32x128xf32, #tpu.memory_space<vmem>>[vector<16xi32>, vector<16xi32>], vector<16xf32>,
        %parallel_loop3A_148 = arith.constant 0 : i32
        %parallel_loop3A_149 = arith.index_cast %parallel_loop3A_148 : i32 to index
        %parallel_loop3A_150 = arith.index_cast %parallel_loop3A_113 : i32 to index
        %parallel_loop3A_151 = arith.constant 32 : index
        %parallel_loop3A_152 = tpu.vector_load %arg6[%parallel_loop3A_149, %parallel_loop3A_150, %parallel_loop3A_151] {strides = array<i32>} : memref<2x32x128xf32, #tpu.memory_space<vmem>>, vector<16xf32>,
        tpu.vector_store %arg6[%parallel_loop3A_149, %parallel_loop3A_150, %parallel_loop3A_151], %parallel_loop3A_147 {strides = array<i32>} : memref<2x32x128xf32, #tpu.memory_space<vmem>>, vector<16xf32>,
        %parallel_loop3A_153 = arith.constant 0 : i32
        %parallel_loop3A_154 = arith.constant 0 : i32
        %parallel_loop3A_155 = arith.constant 0 : i32
        %parallel_loop3A_156 = tpu.memref_slice %arg5[%parallel_loop3A_153, %parallel_loop3A_154, %parallel_loop3A_155] : memref<2x32x128xf32, #tpu.memory_space<vmem>> -> memref<1x32x128xf32, #tpu.memory_space<vmem>>
        %parallel_loop3A_157 = tpu.memref_squeeze %parallel_loop3A_156 : memref<1x32x128xf32, #tpu.memory_space<vmem>> -> memref<32x128xf32, #tpu.memory_space<vmem>>
        %parallel_loop3A_158 = tpu.vector_load_idx %parallel_loop3A_157[%add3A_63, %parallel_loop3A_141] : memref<32x128xf32, #tpu.memory_space<vmem>>[vector<16xi32>, vector<16xi32>], vector<16xf32>,
        %parallel_loop3A_159 = arith.constant 0 : i32
        %parallel_loop3A_160 = arith.index_cast %parallel_loop3A_159 : i32 to index
        %parallel_loop3A_161 = arith.index_cast %parallel_loop3A_113 : i32 to index
        %parallel_loop3A_162 = arith.constant 48 : index
        %parallel_loop3A_163 = tpu.vector_load %arg6[%parallel_loop3A_160, %parallel_loop3A_161, %parallel_loop3A_162] {strides = array<i32>} : memref<2x32x128xf32, #tpu.memory_space<vmem>>, vector<16xf32>,
        tpu.vector_store %arg6[%parallel_loop3A_160, %parallel_loop3A_161, %parallel_loop3A_162], %parallel_loop3A_158 {strides = array<i32>} : memref<2x32x128xf32, #tpu.memory_space<vmem>>, vector<16xf32>,
        %parallel_loop3A_164 = arith.constant 2 : i32
        %parallel_loop3A_165 = vector.broadcast %parallel_loop3A_164 : i32 to vector<16xi32>
        %parallel_loop3A_166 = arith.addi %parallel_loop3A_116, %parallel_loop3A_165 : vector<16xi32>
        %parallel_loop3A_167 = arith.constant 0 : i32
        %parallel_loop3A_168 = arith.constant 0 : i32
        %parallel_loop3A_169 = arith.constant 0 : i32
        %parallel_loop3A_170 = tpu.memref_slice %arg5[%parallel_loop3A_167, %parallel_loop3A_168, %parallel_loop3A_169] : memref<2x32x128xf32, #tpu.memory_space<vmem>> -> memref<1x32x128xf32, #tpu.memory_space<vmem>>
        %parallel_loop3A_171 = tpu.memref_squeeze %parallel_loop3A_170 : memref<1x32x128xf32, #tpu.memory_space<vmem>> -> memref<32x128xf32, #tpu.memory_space<vmem>>
        %parallel_loop3A_172 = tpu.vector_load_idx %parallel_loop3A_171[%iota3A, %parallel_loop3A_166] : memref<32x128xf32, #tpu.memory_space<vmem>>[vector<16xi32>, vector<16xi32>], vector<16xf32>,
        %parallel_loop3A_173 = arith.constant 0 : i32
        %parallel_loop3A_174 = arith.index_cast %parallel_loop3A_173 : i32 to index
        %parallel_loop3A_175 = arith.index_cast %parallel_loop3A_113 : i32 to index
        %parallel_loop3A_176 = arith.constant 64 : index
        %parallel_loop3A_177 = tpu.vector_load %arg6[%parallel_loop3A_174, %parallel_loop3A_175, %parallel_loop3A_176] {strides = array<i32>} : memref<2x32x128xf32, #tpu.memory_space<vmem>>, vector<16xf32>,
        tpu.vector_store %arg6[%parallel_loop3A_174, %parallel_loop3A_175, %parallel_loop3A_176], %parallel_loop3A_172 {strides = array<i32>} : memref<2x32x128xf32, #tpu.memory_space<vmem>>, vector<16xf32>,
        %parallel_loop3A_178 = arith.constant 0 : i32
        %parallel_loop3A_179 = arith.constant 0 : i32
        %parallel_loop3A_180 = arith.constant 0 : i32
        %parallel_loop3A_181 = tpu.memref_slice %arg5[%parallel_loop3A_178, %parallel_loop3A_179, %parallel_loop3A_180] : memref<2x32x128xf32, #tpu.memory_space<vmem>> -> memref<1x32x128xf32, #tpu.memory_space<vmem>>
        %parallel_loop3A_182 = tpu.memref_squeeze %parallel_loop3A_181 : memref<1x32x128xf32, #tpu.memory_space<vmem>> -> memref<32x128xf32, #tpu.memory_space<vmem>>
        %parallel_loop3A_183 = tpu.vector_load_idx %parallel_loop3A_182[%add3A_63, %parallel_loop3A_166] : memref<32x128xf32, #tpu.memory_space<vmem>>[vector<16xi32>, vector<16xi32>], vector<16xf32>,
        %parallel_loop3A_184 = arith.constant 0 : i32
        %parallel_loop3A_185 = arith.index_cast %parallel_loop3A_184 : i32 to index
        %parallel_loop3A_186 = arith.index_cast %parallel_loop3A_113 : i32 to index
        %parallel_loop3A_187 = arith.constant 80 : index
        %parallel_loop3A_188 = tpu.vector_load %arg6[%parallel_loop3A_185, %parallel_loop3A_186, %parallel_loop3A_187] {strides = array<i32>} : memref<2x32x128xf32, #tpu.memory_space<vmem>>, vector<16xf32>,
        tpu.vector_store %arg6[%parallel_loop3A_185, %parallel_loop3A_186, %parallel_loop3A_187], %parallel_loop3A_183 {strides = array<i32>} : memref<2x32x128xf32, #tpu.memory_space<vmem>>, vector<16xf32>,
        %parallel_loop3A_189 = arith.constant 3 : i32
        %parallel_loop3A_190 = vector.broadcast %parallel_loop3A_189 : i32 to vector<16xi32>
        %parallel_loop3A_191 = arith.addi %parallel_loop3A_116, %parallel_loop3A_190 : vector<16xi32>
        %parallel_loop3A_192 = arith.constant 0 : i32
        %parallel_loop3A_193 = arith.constant 0 : i32
        %parallel_loop3A_194 = arith.constant 0 : i32
        %parallel_loop3A_195 = tpu.memref_slice %arg5[%parallel_loop3A_192, %parallel_loop3A_193, %parallel_loop3A_194] : memref<2x32x128xf32, #tpu.memory_space<vmem>> -> memref<1x32x128xf32, #tpu.memory_space<vmem>>
        %parallel_loop3A_196 = tpu.memref_squeeze %parallel_loop3A_195 : memref<1x32x128xf32, #tpu.memory_space<vmem>> -> memref<32x128xf32, #tpu.memory_space<vmem>>
        %parallel_loop3A_197 = tpu.vector_load_idx %parallel_loop3A_196[%iota3A, %parallel_loop3A_191] : memref<32x128xf32, #tpu.memory_space<vmem>>[vector<16xi32>, vector<16xi32>], vector<16xf32>,
        %parallel_loop3A_198 = arith.constant 0 : i32
        %parallel_loop3A_199 = arith.index_cast %parallel_loop3A_198 : i32 to index
        %parallel_loop3A_200 = arith.index_cast %parallel_loop3A_113 : i32 to index
        %parallel_loop3A_201 = arith.constant 96 : index
        %parallel_loop3A_202 = tpu.vector_load %arg6[%parallel_loop3A_199, %parallel_loop3A_200, %parallel_loop3A_201] {strides = array<i32>} : memref<2x32x128xf32, #tpu.memory_space<vmem>>, vector<16xf32>,
        tpu.vector_store %arg6[%parallel_loop3A_199, %parallel_loop3A_200, %parallel_loop3A_201], %parallel_loop3A_197 {strides = array<i32>} : memref<2x32x128xf32, #tpu.memory_space<vmem>>, vector<16xf32>,
        %parallel_loop3A_203 = arith.constant 0 : i32
        %parallel_loop3A_204 = arith.constant 0 : i32
        %parallel_loop3A_205 = arith.constant 0 : i32
        %parallel_loop3A_206 = tpu.memref_slice %arg5[%parallel_loop3A_203, %parallel_loop3A_204, %parallel_loop3A_205] : memref<2x32x128xf32, #tpu.memory_space<vmem>> -> memref<1x32x128xf32, #tpu.memory_space<vmem>>
        %parallel_loop3A_207 = tpu.memref_squeeze %parallel_loop3A_206 : memref<1x32x128xf32, #tpu.memory_space<vmem>> -> memref<32x128xf32, #tpu.memory_space<vmem>>
        %parallel_loop3A_208 = tpu.vector_load_idx %parallel_loop3A_207[%add3A_63, %parallel_loop3A_191] : memref<32x128xf32, #tpu.memory_space<vmem>>[vector<16xi32>, vector<16xi32>], vector<16xf32>,
        %parallel_loop3A_209 = arith.constant 0 : i32
        %parallel_loop3A_210 = arith.index_cast %parallel_loop3A_209 : i32 to index
        %parallel_loop3A_211 = arith.index_cast %parallel_loop3A_113 : i32 to index
        %parallel_loop3A_212 = arith.constant 112 : index
        %parallel_loop3A_213 = tpu.vector_load %arg6[%parallel_loop3A_210, %parallel_loop3A_211, %parallel_loop3A_212] {strides = array<i32>} : memref<2x32x128xf32, #tpu.memory_space<vmem>>, vector<16xf32>,
        tpu.vector_store %arg6[%parallel_loop3A_210, %parallel_loop3A_211, %parallel_loop3A_212], %parallel_loop3A_208 {strides = array<i32>} : memref<2x32x128xf32, #tpu.memory_space<vmem>>, vector<16xf32>,
      } {sc.loop_unroll_factor = 8 : i64, sc.parallel_access}
      %mul3A_66 = arith.constant 32 : i32
      %mul3A_67 = arith.muli %add3A_30, %mul3A_66 : i32
      %dma_start3A_68 = arith.constant 0 : i32
      %dma_start3A_69 = arith.constant 0 : i32
      %dma_start3A_70 = arith.constant 0 : i32
      %dma_start3A_71 = tpu.memref_slice %arg6[%dma_start3A_68, %dma_start3A_69, %dma_start3A_70] : memref<2x32x128xf32, #tpu.memory_space<vmem>> -> memref<1x32x128xf32, #tpu.memory_space<vmem>>
      %dma_start3A_72 = tpu.memref_squeeze %dma_start3A_71 : memref<1x32x128xf32, #tpu.memory_space<vmem>> -> memref<32x128xf32, #tpu.memory_space<vmem>>
      %dma_start3A_73 = arith.constant 0 : i32
      %dma_start3A_74 = tpu.memref_slice %arg4[%mul3A_67, %dma_start3A_73] : memref<250000x128xf32, #tpu.memory_space<hbm>> -> memref<32x128xf32, #tpu.memory_space<hbm>>
      %dma_start3A_75 = arith.constant 0 : i32
      %dma_start3A_76 = tpu.memref_slice %arg4[%mul3A_67, %dma_start3A_75] : memref<250000x128xf32, #tpu.memory_space<hbm>> -> memref<32x128xf32, #tpu.memory_space<hbm>>
      %dma_start3A_77 = arith.constant 0 : i32
      %dma_start3A_78 = arith.constant 0 : i32
      %dma_start3A_79 = tpu.memref_slice %arg6[%dma_start3A_68, %dma_start3A_77, %dma_start3A_78] : memref<2x32x128xf32, #tpu.memory_space<vmem>> -> memref<1x32x128xf32, #tpu.memory_space<vmem>>
      %dma_start3A_80 = tpu.memref_squeeze %dma_start3A_79 : memref<1x32x128xf32, #tpu.memory_space<vmem>> -> memref<32x128xf32, #tpu.memory_space<vmem>>
      tpu.enqueue_dma source(%dma_start3A_80 : memref<32x128xf32, #tpu.memory_space<vmem>>) target(%dma_start3A_76 : memref<32x128xf32, #tpu.memory_space<hbm>>) target_semaphore(%arg9 : memref<!tpu.dma_semaphore, #tpu.memory_space<semaphore_mem>>)
      %sub3A_81 = arith.constant 32 : i32
      %sub3A_82 = arith.subi %add3A_30, %sub3A_81 : i32
      %mul3A_83 = arith.constant 32 : i32
      %mul3A_84 = arith.muli %sub3A_82, %mul3A_83 : i32
      %dma_wait3A_85 = arith.constant 1 : i32
      %dma_wait3A_86 = arith.constant 0 : i32
      %dma_wait3A_87 = arith.constant 0 : i32
      %dma_wait3A_88 = tpu.memref_slice %arg6[%dma_wait3A_85, %dma_wait3A_86, %dma_wait3A_87] : memref<2x32x128xf32, #tpu.memory_space<vmem>> -> memref<1x32x128xf32, #tpu.memory_space<vmem>>
      %dma_wait3A_89 = tpu.memref_squeeze %dma_wait3A_88 : memref<1x32x128xf32, #tpu.memory_space<vmem>> -> memref<32x128xf32, #tpu.memory_space<vmem>>
      %dma_wait3A_90 = arith.constant 0 : i32
      %dma_wait3A_91 = tpu.memref_slice %arg4[%mul3A_84, %dma_wait3A_90] : memref<250000x128xf32, #tpu.memory_space<hbm>> -> memref<32x128xf32, #tpu.memory_space<hbm>>
      %dma_wait3A_92 = arith.constant 0 : i32
      %dma_wait3A_93 = tpu.memref_slice %arg4[%mul3A_84, %dma_wait3A_92] : memref<250000x128xf32, #tpu.memory_space<hbm>> -> memref<32x128xf32, #tpu.memory_space<hbm>>
      %dma_wait3A_94 = arith.constant 0 : i32
      %dma_wait3A_95 = arith.constant 0 : i32
      %dma_wait3A_96 = tpu.memref_slice %arg6[%dma_wait3A_85, %dma_wait3A_94, %dma_wait3A_95] : memref<2x32x128xf32, #tpu.memory_space<vmem>> -> memref<1x32x128xf32, #tpu.memory_space<vmem>>
      %dma_wait3A_97 = tpu.memref_squeeze %dma_wait3A_96 : memref<1x32x128xf32, #tpu.memory_space<vmem>> -> memref<32x128xf32, #tpu.memory_space<vmem>>
      tpu.wait_dma2 semaphore(%arg10 : memref<!tpu.dma_semaphore, #tpu.memory_space<semaphore_mem>>) src(%dma_wait3A_97 : memref<32x128xf32, #tpu.memory_space<vmem>>) dst(%dma_wait3A_93 : memref<32x128xf32, #tpu.memory_space<hbm>>)
      %mul3A_98 = arith.constant 32 : i32
      %mul3A_99 = arith.muli %add3A_30, %mul3A_98 : i32
      %dma_wait3A_100 = arith.constant 0 : i32
      %dma_wait3A_101 = arith.constant 0 : i32
      %dma_wait3A_102 = arith.constant 0 : i32
      %dma_wait3A_103 = tpu.memref_slice %arg6[%dma_wait3A_100, %dma_wait3A_101, %dma_wait3A_102] : memref<2x32x128xf32, #tpu.memory_space<vmem>> -> memref<1x32x128xf32, #tpu.memory_space<vmem>>
      %dma_wait3A_104 = tpu.memref_squeeze %dma_wait3A_103 : memref<1x32x128xf32, #tpu.memory_space<vmem>> -> memref<32x128xf32, #tpu.memory_space<vmem>>
      %dma_wait3A_105 = arith.constant 0 : i32
      %dma_wait3A_106 = tpu.memref_slice %arg4[%mul3A_99, %dma_wait3A_105] : memref<250000x128xf32, #tpu.memory_space<hbm>> -> memref<32x128xf32, #tpu.memory_space<hbm>>
      %dma_wait3A_107 = arith.constant 0 : i32
      %dma_wait3A_108 = tpu.memref_slice %arg4[%mul3A_99, %dma_wait3A_107] : memref<250000x128xf32, #tpu.memory_space<hbm>> -> memref<32x128xf32, #tpu.memory_space<hbm>>
      %dma_wait3A_109 = arith.constant 0 : i32
      %dma_wait3A_110 = arith.constant 0 : i32
      %dma_wait3A_111 = tpu.memref_slice %arg6[%dma_wait3A_100, %dma_wait3A_109, %dma_wait3A_110] : memref<2x32x128xf32, #tpu.memory_space<vmem>> -> memref<1x32x128xf32, #tpu.memory_space<vmem>>
      %dma_wait3A_112 = tpu.memref_squeeze %dma_wait3A_111 : memref<1x32x128xf32, #tpu.memory_space<vmem>> -> memref<32x128xf32, #tpu.memory_space<vmem>>
      tpu.wait_dma2 semaphore(%arg9 : memref<!tpu.dma_semaphore, #tpu.memory_space<semaphore_mem>>) src(%dma_wait3A_112 : memref<32x128xf32, #tpu.memory_space<vmem>>) dst(%dma_wait3A_108 : memref<32x128xf32, #tpu.memory_space<hbm>>)
    } else {
    }
    %ge3A = arith.constant 4 : i32
    %ge3A_21 = arith.cmpi sge, %add3A, %ge3A : i32
    %convert_element_type3A_22 = arith.extui %ge3A_21 : i1 to i32
    %cond3A_23 = arith.constant 0 : i32
    %cond3A_24 = arith.cmpi ne, %convert_element_type3A_22, %cond3A_23 : i32
    scf.if %cond3A_24 {
      %add3A_29 = arith.constant 7744 : i32
      %add3A_30 = arith.addi %add3A, %add3A_29 : i32
      %mul3A_31 = arith.constant 32 : i32
      %mul3A_32 = arith.muli %add3A_30, %mul3A_31 : i32
      %dma_wait3A = arith.constant 0 : i32
      %dma_wait3A_33 = arith.constant 0 : i32
      %dma_wait3A_34 = arith.constant 0 : i32
      %dma_wait3A_35 = tpu.memref_slice %arg6[%dma_wait3A, %dma_wait3A_33, %dma_wait3A_34] : memref<2x32x128xf32, #tpu.memory_space<vmem>> -> memref<1x32x128xf32, #tpu.memory_space<vmem>>
      %dma_wait3A_36 = tpu.memref_squeeze %dma_wait3A_35 : memref<1x32x128xf32, #tpu.memory_space<vmem>> -> memref<32x128xf32, #tpu.memory_space<vmem>>
      %dma_wait3A_37 = arith.constant 0 : i32
      %dma_wait3A_38 = tpu.memref_slice %arg4[%mul3A_32, %dma_wait3A_37] : memref<250000x128xf32, #tpu.memory_space<hbm>> -> memref<32x128xf32, #tpu.memory_space<hbm>>
      %dma_wait3A_39 = arith.constant 0 : i32
      %dma_wait3A_40 = tpu.memref_slice %arg4[%mul3A_32, %dma_wait3A_39] : memref<250000x128xf32, #tpu.memory_space<hbm>> -> memref<32x128xf32, #tpu.memory_space<hbm>>
      %dma_wait3A_41 = arith.constant 0 : i32
      %dma_wait3A_42 = arith.constant 0 : i32
      %dma_wait3A_43 = tpu.memref_slice %arg6[%dma_wait3A, %dma_wait3A_41, %dma_wait3A_42] : memref<2x32x128xf32, #tpu.memory_space<vmem>> -> memref<1x32x128xf32, #tpu.memory_space<vmem>>
      %dma_wait3A_44 = tpu.memref_squeeze %dma_wait3A_43 : memref<1x32x128xf32, #tpu.memory_space<vmem>> -> memref<32x128xf32, #tpu.memory_space<vmem>>
      tpu.wait_dma2 semaphore(%arg9 : memref<!tpu.dma_semaphore, #tpu.memory_space<semaphore_mem>>) src(%dma_wait3A_44 : memref<32x128xf32, #tpu.memory_space<vmem>>) dst(%dma_wait3A_40 : memref<32x128xf32, #tpu.memory_space<hbm>>)
      %add3A_45 = arith.constant 7776 : i32
      %add3A_46 = arith.addi %add3A, %add3A_45 : i32
      %mul3A_47 = arith.constant 32 : i32
      %mul3A_48 = arith.muli %add3A_46, %mul3A_47 : i32
      %dma_wait3A_49 = arith.constant 1 : i32
      %dma_wait3A_50 = arith.constant 0 : i32
      %dma_wait3A_51 = arith.constant 0 : i32
      %dma_wait3A_52 = tpu.memref_slice %arg6[%dma_wait3A_49, %dma_wait3A_50, %dma_wait3A_51] : memref<2x32x128xf32, #tpu.memory_space<vmem>> -> memref<1x32x128xf32, #tpu.memory_space<vmem>>
      %dma_wait3A_53 = tpu.memref_squeeze %dma_wait3A_52 : memref<1x32x128xf32, #tpu.memory_space<vmem>> -> memref<32x128xf32, #tpu.memory_space<vmem>>
      %dma_wait3A_54 = arith.constant 0 : i32
      %dma_wait3A_55 = tpu.memref_slice %arg4[%mul3A_48, %dma_wait3A_54] : memref<250000x128xf32, #tpu.memory_space<hbm>> -> memref<32x128xf32, #tpu.memory_space<hbm>>
      %dma_wait3A_56 = arith.constant 0 : i32
      %dma_wait3A_57 = tpu.memref_slice %arg4[%mul3A_48, %dma_wait3A_56] : memref<250000x128xf32, #tpu.memory_space<hbm>> -> memref<32x128xf32, #tpu.memory_space<hbm>>
      %dma_wait3A_58 = arith.constant 0 : i32
      %dma_wait3A_59 = arith.constant 0 : i32
      %dma_wait3A_60 = tpu.memref_slice %arg6[%dma_wait3A_49, %dma_wait3A_58, %dma_wait3A_59] : memref<2x32x128xf32, #tpu.memory_space<vmem>> -> memref<1x32x128xf32, #tpu.memory_space<vmem>>
      %dma_wait3A_61 = tpu.memref_squeeze %dma_wait3A_60 : memref<1x32x128xf32, #tpu.memory_space<vmem>> -> memref<32x128xf32, #tpu.memory_space<vmem>>
      tpu.wait_dma2 semaphore(%arg10 : memref<!tpu.dma_semaphore, #tpu.memory_space<semaphore_mem>>) src(%dma_wait3A_61 : memref<32x128xf32, #tpu.memory_space<vmem>>) dst(%dma_wait3A_57 : memref<32x128xf32, #tpu.memory_space<hbm>>)
    } else {
    }
    %eq3A = arith.constant 4 : i32
    %eq3A_25 = arith.cmpi eq, %add3A, %eq3A : i32
    %convert_element_type3A_26 = arith.extui %eq3A_25 : i1 to i32
    %cond3A_27 = arith.constant 0 : i32
    %cond3A_28 = arith.cmpi ne, %convert_element_type3A_26, %cond3A_27 : i32
    scf.if %cond3A_28 {
      %run_scoped3A = arith.constant 0 : i32
      "tpu.region"() ({
        %run_scoped3A_30 = tpu.sem_alloc : memref<!tpu.dma_semaphore, #tpu.memory_space<semaphore_mem>>
        %dma_start3A_31 = arith.constant 0 : i32
        %dma_start3A_32 = arith.constant 0 : i32
        %dma_start3A_33 = tpu.memref_slice %arg6[%run_scoped3A, %dma_start3A_31, %dma_start3A_32] : memref<2x32x128xf32, #tpu.memory_space<vmem>> -> memref<1x16x128xf32, #tpu.memory_space<vmem>>
        %dma_start3A_34 = tpu.memref_squeeze %dma_start3A_33 : memref<1x16x128xf32, #tpu.memory_space<vmem>> -> memref<16x128xf32, #tpu.memory_space<vmem>>
        %dma_start3A_35 = arith.constant 0 : i32
        %dma_start3A_36 = arith.constant 0 : i32
        %dma_start3A_37 = tpu.memref_slice %arg6[%run_scoped3A, %dma_start3A_35, %dma_start3A_36] : memref<2x32x128xf32, #tpu.memory_space<vmem>> -> memref<1x16x128xf32, #tpu.memory_space<vmem>>
        %dma_start3A_38 = tpu.memref_squeeze %dma_start3A_37 : memref<1x16x128xf32, #tpu.memory_space<vmem>> -> memref<16x128xf32, #tpu.memory_space<vmem>>
        tpu.enqueue_dma source(%arg3 : memref<16x128xf32, #tpu.memory_space<hbm>>) target(%dma_start3A_38 : memref<16x128xf32, #tpu.memory_space<vmem>>) target_semaphore(%run_scoped3A_30 : memref<!tpu.dma_semaphore, #tpu.memory_space<semaphore_mem>>)
        %dma_wait3A = arith.constant 0 : i32
        %dma_wait3A_39 = arith.constant 0 : i32
        %dma_wait3A_40 = tpu.memref_slice %arg6[%run_scoped3A, %dma_wait3A, %dma_wait3A_39] : memref<2x32x128xf32, #tpu.memory_space<vmem>> -> memref<1x16x128xf32, #tpu.memory_space<vmem>>
        %dma_wait3A_41 = tpu.memref_squeeze %dma_wait3A_40 : memref<1x16x128xf32, #tpu.memory_space<vmem>> -> memref<16x128xf32, #tpu.memory_space<vmem>>
        %dma_wait3A_42 = arith.constant 0 : i32
        %dma_wait3A_43 = arith.constant 0 : i32
        %dma_wait3A_44 = tpu.memref_slice %arg6[%run_scoped3A, %dma_wait3A_42, %dma_wait3A_43] : memref<2x32x128xf32, #tpu.memory_space<vmem>> -> memref<1x16x128xf32, #tpu.memory_space<vmem>>
        %dma_wait3A_45 = tpu.memref_squeeze %dma_wait3A_44 : memref<1x16x128xf32, #tpu.memory_space<vmem>> -> memref<16x128xf32, #tpu.memory_space<vmem>>
        tpu.wait_dma2 semaphore(%run_scoped3A_30 : memref<!tpu.dma_semaphore, #tpu.memory_space<semaphore_mem>>) src(%arg3 : memref<16x128xf32, #tpu.memory_space<hbm>>) dst(%dma_wait3A_45 : memref<16x128xf32, #tpu.memory_space<vmem>>)
        tpu.yield
      }) : () -> ()
      %run_scoped3A_29 = arith.constant 0 : i32
      "tpu.region"() ({
        %run_scoped3A_30 = tpu.sem_alloc : memref<!tpu.dma_semaphore, #tpu.memory_space<semaphore_mem>>
        %dma_start3A_31 = arith.constant 0 : i32
        %dma_start3A_32 = arith.constant 0 : i32
        %dma_start3A_33 = tpu.memref_slice %arg6[%run_scoped3A_29, %dma_start3A_31, %dma_start3A_32] : memref<2x32x128xf32, #tpu.memory_space<vmem>> -> memref<1x16x128xf32, #tpu.memory_space<vmem>>
        %dma_start3A_34 = tpu.memref_squeeze %dma_start3A_33 : memref<1x16x128xf32, #tpu.memory_space<vmem>> -> memref<16x128xf32, #tpu.memory_space<vmem>>
        %dma_start3A_35 = arith.constant 249984 : i32
        %dma_start3A_36 = arith.constant 0 : i32
        %dma_start3A_37 = tpu.memref_slice %arg4[%dma_start3A_35, %dma_start3A_36] : memref<250000x128xf32, #tpu.memory_space<hbm>> -> memref<16x128xf32, #tpu.memory_space<hbm>>
        %dma_start3A_38 = arith.constant 249984 : i32
        %dma_start3A_39 = arith.constant 0 : i32
        %dma_start3A_40 = tpu.memref_slice %arg4[%dma_start3A_38, %dma_start3A_39] : memref<250000x128xf32, #tpu.memory_space<hbm>> -> memref<16x128xf32, #tpu.memory_space<hbm>>
        %dma_start3A_41 = arith.constant 0 : i32
        %dma_start3A_42 = arith.constant 0 : i32
        %dma_start3A_43 = tpu.memref_slice %arg6[%run_scoped3A_29, %dma_start3A_41, %dma_start3A_42] : memref<2x32x128xf32, #tpu.memory_space<vmem>> -> memref<1x16x128xf32, #tpu.memory_space<vmem>>
        %dma_start3A_44 = tpu.memref_squeeze %dma_start3A_43 : memref<1x16x128xf32, #tpu.memory_space<vmem>> -> memref<16x128xf32, #tpu.memory_space<vmem>>
        tpu.enqueue_dma source(%dma_start3A_44 : memref<16x128xf32, #tpu.memory_space<vmem>>) target(%dma_start3A_40 : memref<16x128xf32, #tpu.memory_space<hbm>>) target_semaphore(%run_scoped3A_30 : memref<!tpu.dma_semaphore, #tpu.memory_space<semaphore_mem>>)
        %dma_wait3A = arith.constant 0 : i32
        %dma_wait3A_45 = arith.constant 0 : i32
        %dma_wait3A_46 = tpu.memref_slice %arg6[%run_scoped3A_29, %dma_wait3A, %dma_wait3A_45] : memref<2x32x128xf32, #tpu.memory_space<vmem>> -> memref<1x16x128xf32, #tpu.memory_space<vmem>>
        %dma_wait3A_47 = tpu.memref_squeeze %dma_wait3A_46 : memref<1x16x128xf32, #tpu.memory_space<vmem>> -> memref<16x128xf32, #tpu.memory_space<vmem>>
        %dma_wait3A_48 = arith.constant 249984 : i32
        %dma_wait3A_49 = arith.constant 0 : i32
        %dma_wait3A_50 = tpu.memref_slice %arg4[%dma_wait3A_48, %dma_wait3A_49] : memref<250000x128xf32, #tpu.memory_space<hbm>> -> memref<16x128xf32, #tpu.memory_space<hbm>>
        %dma_wait3A_51 = arith.constant 249984 : i32
        %dma_wait3A_52 = arith.constant 0 : i32
        %dma_wait3A_53 = tpu.memref_slice %arg4[%dma_wait3A_51, %dma_wait3A_52] : memref<250000x128xf32, #tpu.memory_space<hbm>> -> memref<16x128xf32, #tpu.memory_space<hbm>>
        %dma_wait3A_54 = arith.constant 0 : i32
        %dma_wait3A_55 = arith.constant 0 : i32
        %dma_wait3A_56 = tpu.memref_slice %arg6[%run_scoped3A_29, %dma_wait3A_54, %dma_wait3A_55] : memref<2x32x128xf32, #tpu.memory_space<vmem>> -> memref<1x16x128xf32, #tpu.memory_space<vmem>>
        %dma_wait3A_57 = tpu.memref_squeeze %dma_wait3A_56 : memref<1x16x128xf32, #tpu.memory_space<vmem>> -> memref<16x128xf32, #tpu.memory_space<vmem>>
        tpu.wait_dma2 semaphore(%run_scoped3A_30 : memref<!tpu.dma_semaphore, #tpu.memory_space<semaphore_mem>>) src(%dma_wait3A_57 : memref<16x128xf32, #tpu.memory_space<vmem>>) dst(%dma_wait3A_53 : memref<16x128xf32, #tpu.memory_space<hbm>>)
        tpu.yield
      }) : () -> ()
    } else {
    }
    return
  }
}

</mosaic_0001>

<sc_bundles>
// kernel: _run.4.cloned.1.call-start
scs
__scs_entry_jumppad:
0x0: {  	(pc) =	sbr.rel $0x88, $3  }
0x1: {  	(tag) =	ssettag $0x0;
	lr =	simm.s32 $0x1  }
0x2: {  	[smem:$0x3F9D] =	sst lr;
	_ =	strace $0xD0000000  }
0x3: {  	_ = 	snop  }
0x4: {  	_ = 	snop  }
0x5: {  	_ = 	snop  }
0x6: {  	_ = 	snop  }
0x7: {  	_ = 	snop  }
__scs_overlays_trampoline_lowered:
0x8: {  	[smem:$0x3FAC] =	sst s0  }
0x9: {  	[smem:$0x3FAD] =	sst s1  }
0xa: {  	[smem:$0x3FAE] =	sst s2  }
0xb: {  	[smem:$0x3FAF] =	sst s3  }
0xc: {  	[smem:$0x3FB0] =	sst s4  }
0xd: {  	[smem:$0x3FB1] =	sst s5  }
0xe: {  	[smem:$0x3FB2] =	sst s6  }
0xf: {  	[smem:$0x3FB3] =	sst s7  }
0x10: {  	[smem:$0x3FB4] =	sst s8  }
0x11: {  	[smem:$0x3FB5] =	sst s9;
	s0 =	simm.s32 @!p0 $0x0  }
0x12: {  	s1 =	sld [smem:$0x3F9B];
	s0 =	simm.s32 @p0 $0x1  }
0x13: {  	[smem:$0x3FB6] =	sst s0;
	s0 =	simm.s32 @!p1 $0x0  }
0x14: {  	s2 =	sld [smem:$0x3F9A];
	s0 =	simm.s32 @p1 $0x1  }
0x15: {  	[smem:$0x3FB7] =	sst s0;
	s0 =	simm.s32 @!p2 $0x0  }
0x16: {  	s3 =	sld [smem:$0x3FDB];
	s0 =	simm.s32 @p2 $0x1  }
0x17: {  	s4 =	simm.s32 $0x1BF5;
	[smem:$0x3FB9] =	sst s0  }
0x18: {  	s0 =	sld [smem:$0x3F9C];
	_ =	swait.ge [sflag:s4], $0x0  }
0x19: {  	s7 =	sld [smem:$0x3F9D]  }
0x1a: {  	s8 =	sadd.s32 $0xFFFFE003, lr  }
0x1b: {  	s9 =	sadd.s32 $0xFFFFFEF7, lr;
	s5 =	simm.s32 $0xFFFFFFFF;
	p2 =	slt.u32 s8, $0xFFFFF086  }
0x1c: {  	p1 =	slt.u32 s9, $0xF7A;
	s5 =	simm.s32 @!p2 $0x0  }
0x1d: {  	s5 =	simm.s32 @p1 $0x1;
	p0 =	seq.s32 s7, s2  }
0x1e: {  	s7 =	smul.u32 @!p0 $0xF7A, s2;
	p2 =	seq.s32 @!p0 s5, $0x0  }
0x1f: {  	s9 =	smul.u32 $0xF7A, s1;
	s8 =	simm.s32 @!p0 $0x1BF5;
	p2 =	por !p2, p0  }
0x20: {  	[sflag:s8] =	ssyncset.s32 @!p0 $0xFFFFF086;
	s6 =	sadd.s32 @!p0 s3, s7;
	s7 =	simm.s32 @!p0 $0x108  }
0x21: {  	s3 =	sadd.s32 s3, s9;
	s6 =	sadd.s32 @!p0 $0x88, s6;
	s7 =	simm.s32 @p2 $0x1082  }
0x22: {  	[simem:s7], [sflag:s8] =	dma.local @!p0 [hbm:s6], $0xF7A  }
0x23: {  	s9 =	sor.u32 $0xD0000000, s2;
	s6 =	simm.s32 $0x108;
	_ =	swait.ge @!p0 [sflag:s8], $0x0  }
0x24: {  	s3 =	sadd.s32 $0x88, s3;
	s6 =	simm.s32 @!p1 $0x1082;
	[sflag:s4] =	ssyncset.s32 $0xFFFFF086  }
0x25: {  	[simem:s6], [sflag:s4] =	dma.local [hbm:s3], $0xF7A  }
0x26: {  	[smem:$0x3F9D] =	sst s1;
	(tag) =	ssettag s2;
	_ =	strace s9  }
0x27: {  	s1 =	sld [smem:$0x3FAD]  }
0x28: {  	s2 =	sld [smem:$0x3FAE]  }
0x29: {  	s4 =	sld [smem:$0x3FB0]  }
0x2a: {  	p0 =	seq.s32 s5, $0x0;
	s5 =	sld [smem:$0x3FB1]  }
0x2b: {  	s6 =	sld [smem:$0x3FB2]  }
0x2c: {  	s7 =	sld [smem:$0x3FB3]  }
0x2d: {  	s3 =	simm.s32 $0x108;
	s8 =	sld [smem:$0x3FB4]  }
0x2e: {  	s3 =	simm.s32 @!p0 $0x1082;
	s9 =	sld [smem:$0x3FB5]  }
0x2f: {  	lr =	sadd.s32 s0, s3;
	s0 =	sld [smem:$0x3FAC]  }
0x30: {  	s3 =	sld [smem:$0x3FAF]  }
0x31: {  	[smem:$0x3FB8] =	sst s10  }
0x32: {  	s10 =	sld [smem:$0x3FB6];
	_ =	sdelay $0x3  }
0x33: {  	p0 =	seq.s32 s10, $0x1;
	s10 =	sld [smem:$0x3FB8];
	_ =	sdelay $0x3  }
0x34: {  	[smem:$0x3FB8] =	sst s10  }
0x35: {  	s10 =	sld [smem:$0x3FB7];
	_ =	sdelay $0x3  }
0x36: {  	p1 =	seq.s32 s10, $0x1;
	s10 =	sld [smem:$0x3FB8];
	_ =	sdelay $0x3  }
0x37: {  	[smem:$0x3FB8] =	sst s10  }
0x38: {  	s10 =	sld [smem:$0x3FB9]  }
0x39: {  	_ = 	snop;
	(pc) =	sbr.ind lr, $3  }
0x3a: {  	_ = 	snop  }
0x3b: {  	_ = 	snop  }
0x3c: {  	p2 =	seq.s32 s10, $0x1;
	s10 =	sld [smem:$0x3FB8]  }
0x3d: {  	_ =	shalt  }
0x3e: {  	_ =	shalt  }
0x3f: {  	_ =	shalt  }
0x40: {  	_ =	shalt  }
0x41: {  	_ =	shalt  }
0x42: {  	_ =	shalt  }
0x43: {  	_ =	shalt  }
0x44: {  	_ =	shalt  }
0x45: {  	_ =	shalt  }
0x46: {  	_ =	shalt  }
0x47: {  	_ =	shalt  }
0x48: {  	_ =	shalt  }
0x49: {  	_ =	shalt  }
0x4a: {  	_ =	shalt  }
0x4b: {  	_ =	shalt  }
0x4c: {  	_ =	shalt  }
0x4d: {  	_ =	shalt  }
0x4e: {  	_ =	shalt  }
0x4f: {  	_ =	shalt  }
0x50: {  	_ =	shalt  }
0x51: {  	_ =	shalt  }
0x52: {  	_ =	shalt  }
0x53: {  	_ =	shalt  }
0x54: {  	_ =	shalt  }
0x55: {  	_ =	shalt  }
0x56: {  	_ =	shalt  }
0x57: {  	_ =	shalt  }
0x58: {  	_ =	shalt  }
0x59: {  	_ =	shalt  }
0x5a: {  	_ =	shalt  }
0x5b: {  	_ =	shalt  }
0x5c: {  	_ =	shalt  }
0x5d: {  	_ =	shalt  }
0x5e: {  	_ =	shalt  }
0x5f: {  	_ =	shalt  }
0x60: {  	_ =	shalt  }
0x61: {  	_ =	shalt  }
0x62: {  	_ =	shalt  }
0x63: {  	_ =	shalt  }
0x64: {  	_ =	shalt  }
0x65: {  	_ =	shalt  }
0x66: {  	_ =	shalt  }
0x67: {  	_ =	shalt  }
0x68: {  	_ =	shalt  }
0x69: {  	_ =	shalt  }
0x6a: {  	_ =	shalt  }
0x6b: {  	_ =	shalt  }
0x6c: {  	_ =	shalt  }
0x6d: {  	_ =	shalt  }
0x6e: {  	_ =	shalt  }
0x6f: {  	_ =	shalt  }
0x70: {  	_ =	shalt  }
0x71: {  	_ =	shalt  }
0x72: {  	_ =	shalt  }
0x73: {  	_ =	shalt  }
0x74: {  	_ =	shalt  }
0x75: {  	_ =	shalt  }
0x76: {  	_ =	shalt  }
0x77: {  	_ =	shalt  }
0x78: {  	_ =	shalt  }
0x79: {  	_ =	shalt  }
0x7a: {  	_ =	shalt  }
0x7b: {  	_ =	shalt  }
0x7c: {  	_ =	shalt  }
0x7d: {  	_ =	shalt  }
0x7e: {  	_ =	shalt  }
0x7f: {  	_ =	shalt  }
0x80: {  	_ =	shalt  }
0x81: {  	_ =	shalt  }
0x82: {  	_ =	shalt  }
0x83: {  	_ =	shalt  }
0x84: {  	_ =	shalt  }
0x85: {  	_ =	shalt  }
0x86: {  	_ =	shalt  }
0x87: {  	_ =	shalt  }
.Lfunc_end0:
.L_simem_size_0:
called_computation_lowered:
.L_overlay_start_0:
0x88: {  	s2 =	sld [smem:$0x3FD9]  }
0x89: {  	s3 =	sld [smem:$0x3FFE];
	_ =	sdelay $0x1  }
0x8a: {  	s1 =	srdreg.scid  }
0x8b: {  	s0 =	sand.u32 $0x1, s1  }
0x8c: {  	s17 =	sshll.u32 s0, $0xA;
	s2 =	sadd.s32 s3, s2  }
0x8d: {  	s2 =	sadd.s32 s2, s17  }
0x8e: {  	[smem:$0x3FC4] =	sst s2  }
0x8f: {  	_ = 	snop  }
0x90: {  	s2 =	sld [smem:$0x3FC8]  }
0x91: {  	s18 =	sld [smem:$0x3FC7];
	(tm) =	ssettm $0x1  }
0x92: {  	s4 =	sld [smem:$0x3FFB];
	_ =	sdelay $0x3  }
0x93: {  	_ =	strace s4  }
0x94: {  	s4 =	sld [smem:$0x3FFC];
	_ =	sdelay $0x3  }
0x95: {  	_ =	strace s4  }
0x96: {  	s4 =	sld [smem:$0x3FFD];
	_ =	sdelay $0x3  }
0x97: {  	_ =	strace s4  }
0x98: {  	_ =	strace $0x8FFFFFFF  }
0x99: {  	s19 =	sld [smem:$0x3FDB];
	_ =	sdelay $0x1  }
0x9a: {  	s5 =	simm.s32 $_scs_section_size  }
0x9b: {  	s6 =	simm.s32 $_size__tile_overlayer_lowered;
	s7 =	simm.s32 $_tile_overlayer_lowered  }
0x9c: {  	s22 =	simm.s32 $0x1BFF;
	s21 =	sshll.u32 s7, $0x1;
	s4 =	sadd.s32 s5, s19  }
0x9d: {  	s8 =	simm.s32 $0x0;
	s20 =	sshll.u32 s6, $0x1;
	s6 =	sadd.s32 s21, s4  }
0x9e: {  	[timem:s8], [sflag:s22] =	dma.local [hbm:s6], s20  }
0x9f: {  	_ =	swait.ge [sflag:s22], s20  }
0xa0: {  	s5 =	ssub.s32 $0x0, s20;
	[sflag:s22] =	ssyncset.done $0x0  }
0xa1: {  	[sflag:s22] =	ssyncadd.s32 s5;
	_ =	sdelay $0x1  }
0xa2: {  	s23 =	simm.s32 $0x1B8B  }
0xa3: {  	_ =	swait.ge [sflag:s23], $0x1  }
0xa4: {  	[sflag:s23] =	ssyncset.done $0x0  }
0xa5: {  	s25 =	simm.s32 $0x1B8E;
	s24 =	sld [smem:$0x3FFE];
	[sflag:s23] =	ssyncadd.s32 $0xFFFFFFFF  }
0xa6: {  	s26 =	simm.s32 $execute0_lowered;
	[smem:$0x3FD2] =	sst s25  }
0xa7: {  	s6 =	sshll.u32 s26, $0x1;
	_ =	strace $0x80000046;
	[dreg:$0x1] =	wrdreg $0xFFFFFFFF  }
0xa8: {  	s28 =	simm.s32 $_size_execute0_lowered;
	s4 =	sadd.s32 s4, s6;
	[dreg:$0x0] =	wrdreg $0x0  }
0xa9: {  	s6 =	sshll.u32 s28, $0x1;
	[dreg:$0x2] =	wrdreg s4  }
0xaa: {  	[dreg:$0x3] =	wrdreg s6  }
0xab: {  	[dreg:$0x4] =	wrdreg $0xC0  }
0xac: {  	_ =	task [dreg:s8], $0x5FFFF  }
0xad: {  	[dreg:$0x1] =	wrdreg $0xFFFFFFFF  }
0xae: {  	[dreg:$0x0] =	wrdreg $0x60  }
0xaf: {  	[dreg:$0x2] =	wrdreg s2  }
0xb0: {  	[dreg:$0x3] =	wrdreg s18  }
0xb1: {  	[dreg:$0x4] =	wrdreg s24  }
0xb2: {  	[dreg:$0x5] =	wrdreg $0x9  }
0xb3: {  	_ =	task.clear_ibuf [dreg:s8], $0x6FFFF;
	_ =	strace $0x90000046  }
0xb4: {  	s29 =	simm.s32 $0x9;
	_ =	strace $0x80000048  }
0xb5: {  	_ =	swait.ge [sflag:s29], $0x1  }
0xb6: {  	[sflag:s29] =	ssyncadd.s32 $0xFFFFFFFF  }
0xb7: {  	_ =	strace $0x90000048  }
0xb8: {  	_ =	sfence  }
0xb9: {  	s30 =	sld [smem:$0x0];
	_ =	sdelay $0x2  }
0xba: {  	s31 =	sshll.u32 s1, $0xD;
	s1 =	sshrl.u32 s1, $0x2  }
0xbb: {  	s3 =	sand.u32 $0x4000, s31;
	s1 =	sadd.s32 s1, s30  }
0xbc: {  	s0 =	sor.u32 s3, s0;
	s1 =	sshll.u32 s1, $0x11  }
0xbd: {  	s0 =	sor.u32 s1, s0  }
0xbe: {  	s0 =	sadd.s32 $0x8F2B, s0  }
0xbf: {  	[sflag:s0] =	ssyncadd.remote.s32 $0x1  }
0xc0: {  	_ =	sfence.sel $0xFFFF  }
0xc1: {  	[dreg:$0x0] =	wrdreg $0xFFFFFFFF;
	(pc) =	sbr.abs _section_cstart, $3  }
0xc2: {  	[dreg:$0x1] =	wrdreg $0xFFFFFFFF  }
0xc3: {  	_ =	task.clear_ibuf [dreg:s8], $0x2FFFF;
	_ =	strace $0x9FFFFFFF  }
0xc4: {  	(tm) =	ssettm $0x7FFFFFFF  }
0xc5: {  	_ =	shalt  }
tec
execute0_lowered:
.L_overlay_start_1:
0x0: {  	(tag) =	ssettag $0x1  }
0x1: {  	s0 =	rddreg [dreg:$0x0]  }
0x2: {  	s1 =	rddreg [dreg:$0x2];
	s3 =	simm.s32 $0x0;
	s2 =	srdreg.scid  }
0x3: {  	s9 =	stileid.u32;
	s11 =	simm.s32 $0x400;
	s12 =	simm.s32 $0x7A1400  }
0x4: {  	s13 =	simm.s32 $0x1000;
	s14 =	simm.s32 $0x1;
	s15 =	simm.s32 $0x2000  }
0x5: {  	s16 =	simm.s32 $0x2;
	[smem:$0x7FF] =	sst s3;
	s2 =	sand.u32 $0x1, s2  }
0x6: {  	s5 =	sshll.u32 s9, $0x1;
	s4 =	sadd.s32 $0x800, s1;
	s30 =	sadd.s32 $0x3D1000, s1  }
0x7: {  	p0 =	slt.u32 s9, $0x2;
	_ =	strace $0x80000047;
	s6 =	ssub.s32 $0x2, s2  }
0x8: {  	v0 =	vlaneseq.u32;
	s5 =	sor.u32 s2, s5;
	[dreg:$0x6] =	wrdreg s30;
	s7 =	sshrl.u32 s6, $0x1  }
.Ltmp0:
0x9: {  	v0 =	vmul.u32 $0x80, v0;
	s28 =	sshll.u32 s5, $0x7;
	s8 =	sshll.u32 s5, $0x9;
	(pc) =	sbr.rel .LBB2_1-.Ltmp0, $4  }
0xa: {  	s26 =	ssub.s32 s6, s7;
	s6 =	sadd.s32 s0, s28;
	s29 =	sadd.s32 s8, s4  }
0xb: {  	v1 =	vor.u32 $0x800, v0;
	s7 =	sadd.s32 $0x1000, s0;
	[dreg:$0x4] =	wrdreg s6;
	s0 =	sadd.s32 $0x3D0000, s29  }
0xc: {  	p1 =	sgt.u32 s9, $0x1;
	v2 =	vor.u32 $0x1, v0;
	v3 =	vor.u32 $0x801, v0;
	v4 =	vor.u32 $0x2, v0;
	s31 =	smax.u32 s26, $0x1;
	[dreg:$0x5] =	wrdreg s0  }
0xd: {  	v5 =	vor.u32 $0x802, v0;
	v6 =	vor.u32 $0x3, v0;
	v7 =	vor.u32 $0x803, v0;
	p2 =	sne.s32 s5, $0x4;
	s8 =	simm.s32 $0x0;
	[dreg:$0x7] =	wrdreg s31  }
.LBB2_8:
0xe: {  	s0 =	simm.s32 $0x4;
	s1 =	simm.s32 $0x3;
	s8 =	rddreg [dreg:$0x8]  }
.LBB2_12:
0xf: {  	_ =	swait.ge [sflag:s1], $0x1000  }
0x10: {  	[sflag:s1] =	ssyncset.done $0x0  }
0x11: {  	[sflag:s1] =	ssyncadd.s32 $0xFFFFF000  }
0x12: {  	_ =	swait.ge [sflag:s0], $0x1000  }
0x13: {  	[sflag:s0] =	ssyncset.done $0x0  }
0x14: {  	[sflag:s0] =	ssyncadd.s32 $0xFFFFF000  }
0x15: {  	s1 =	simm.s32 @!p2 $0x2000;
	s0 =	simm.s32 @!p2 $0x0;
	s2 =	rddreg [dreg:$0x1]  }
0x16: {  	[tilespmem:s1], [sflag:$0x5] =	stream.linear.gather @!p2 [hbm4b:s2+s0], $0x800, $0x38;
	[tilespmem:$0x4000] =	vst v63  }
0x17: {  	s2 =	simm.s32 @!p2 $0x5  }
0x18: {  	_ =	swait.ge @!p2 [sflag:s2], $0x800  }
0x19: {  	[sflag:s2] =	ssyncset.done @!p2 $0x0  }
0x1a: {  	s6 =	rddreg [dreg:$0x6];
	[sflag:s2] =	ssyncadd.s32 @!p2 $0xFFFFF800  }
0x1b: {  	[hbm4b:s6+s0] =	stream.linear.scatter @!p2 [tilespmem:s1], [sflag:$0x5], $0x800, $0x38;
	[tilespmem:$0x4000] =	vst v63  }
0x1c: {  	_ =	swait.ge @!p2 [sflag:s2], $0x800  }
0x1d: {  	s8 =	sadd.s32 $0x1, s8;
	s31 =	rddreg [dreg:$0x7]  }
0x1e: {  	p3 =	sne.s32 s8, s31  }
.Ltmp1:
0x1f: {  	_ = 	snop;
	(pc) =	sbr.rel @!p3 .LBB2_13-.Ltmp1, $3  }
0x20: {  	_ =	sdelay $0x1  }
0x21: {  	[sflag:s2] =	ssyncset.done @!p2 $0x0  }
0x22: {  	[sflag:s2] =	ssyncadd.s32 @!p2 $0xFFFFF800  }
.LBB2_1:
0x23: {  	[dreg:$0x8] =	wrdreg s8  }
0x24: {  	s0 =	rddreg [dreg:$0x4];
	s20 =	simm.s32 $0x0  }
0x25: {  	[tilespmem:s3], [sflag:$0x1] =	stream.strided.gather [hbm4b:s0+s11], $0x1000, s12, s11, $0x38;
	[tilespmem:$0x4000] =	vst v63  }
.LBB2_2:
0x26: {  	s0 =	sshll.u32 s20, $0x6  }
0x27: {  	s21 =	sor.u32 s5, s0  }
0x28: {  	s0 =	sshll.u32 s21, $0x7  }
0x29: {  	s0 =	sadd.s32 s0, s7  }
0x2a: {  	[tilespmem:s13], [sflag:$0x2] =	stream.strided.gather [hbm4b:s0+s11], $0x1000, s12, s11, $0x38;
	[tilespmem:$0x4000] =	vst v63  }
0x2b: {  	s19 =	simm.s32 $0x14;
	_ =	swait.ge [sflag:s14], $0x1000  }
0x2c: {  	p3 =	seq.s32 s20, $0x0;
	v8 =	vor.u32 s19, v0;
	[sflag:s14] =	ssyncset.done $0x0  }
0x2d: {  	s1 =	simm.s32 @!p3 $0x3;
	[sflag:s14] =	ssyncadd.s32 $0xFFFFF000  }
0x2e: {  	_ =	swait.ge @!p3 [sflag:s1], $0x1000  }
0x2f: {  	s30 =	simm.s32 $0xC;
	[sflag:s1] =	ssyncset.done @!p3 $0x0  }
0x30: {  	s23 =	simm.s32 $0x0;
	v10 =	vor.u32 s30, v0;
	[sflag:s1] =	ssyncadd.s32 @!p3 $0xFFFFF000  }
0x31: {  	v11 =	vor.u32 s23, v0;
	v8 =	vld.idx.msk [tilespmem:v8+s3+$0x0], $0xffff  }
0x32: {  	s24 =	simm.s32 $0x18;
	v9 =	vor.u32 s19, v1  }
0x33: {  	v12 =	vor.u32 s24, v0;
	_ =	sdelay $0x1  }
0x34: {  	s22 =	simm.s32 $0x2200;
	s28 =	simm.s32 $0x1C;
	v10 =	vld.idx.msk [tilespmem:v10+s3+$0x0], $0xffff  }
0x35: {  	v15 =	vor.u32 s28, v0;
	v11 =	vld.idx.msk [tilespmem:v11+s3+$0x0], $0xffff;
	[tilespmem:s22+$0x80] =	vst v8  }
0x36: {  	v16 =	vor.u32 s23, v1;
	v9 =	vld.idx.msk [tilespmem:v9+s3+$0x0], $0xffff  }
0x37: {  	v13 =	vor.u32 s19, v2;
	v12 =	vld.idx.msk [tilespmem:v12+s3+$0x0], $0xffff  }
0x38: {  	v14 =	vor.u32 s30, v1  }
0x39: {  	s25 =	simm.s32 $0x8;
	v17 =	vor.u32 s24, v1;
	[tilespmem:s22+$0xFFFFFF80] =	vst v10  }
0x3a: {  	s26 =	simm.s32 $0x4;
	v8 =	vor.u32 s25, v0;
	[tilespmem:s22+$0xFFFFFE00] =	vst v11;
	v11 =	vld.idx.msk [tilespmem:v15+s3+$0x0], $0xffff  }
0x3b: {  	s29 =	simm.s32 $0x10;
	v16 =	vld.idx.msk [tilespmem:v16+s3+$0x0], $0xffff;
	[tilespmem:s22+$0x90] =	vst v9;
	v9 =	vor.u32 s26, v0  }
0x3c: {  	[tilespmem:s22+$0x100] =	vst v12;
	v12 =	vor.u32 s29, v0;
	v10 =	vld.idx.msk [tilespmem:v13+s3+$0x0], $0xffff  }
0x3d: {  	v18 =	vor.u32 s28, v1;
	v13 =	vld.idx.msk [tilespmem:v14+s3+$0x0], $0xffff  }
0x3e: {  	v15 =	vor.u32 s30, v2;
	v17 =	vld.idx.msk [tilespmem:v17+s3+$0x0], $0xffff  }
0x3f: {  	v8 =	vld.idx.msk [tilespmem:v8+s3+$0x0], $0xffff;
	v14 =	vor.u32 s19, v3  }
0x40: {  	v19 =	vor.u32 s23, v2;
	[tilespmem:s22+$0x180] =	vst v11;
	v9 =	vld.idx.msk [tilespmem:v9+s3+$0x0], $0xffff  }
0x41: {  	v12 =	vld.idx.msk [tilespmem:v12+s3+$0x0], $0xffff;
	[tilespmem:s22+$0xA0] =	vst v10;
	v10 =	vor.u32 s26, v1  }
0x42: {  	v18 =	vld.idx.msk [tilespmem:v18+s3+$0x0], $0xffff;
	[tilespmem:s22+$0xFFFFFF90] =	vst v13;
	v13 =	vor.u32 s25, v1  }
0x43: {  	v20 =	vor.u32 s28, v2;
	[tilespmem:s22+$0xFFFFFE10] =	vst v16;
	v11 =	vld.idx.msk [tilespmem:v15+s3+$0x0], $0xffff  }
0x44: {  	[tilespmem:s22+$0xFFFFFF00] =	vst v8;
	v14 =	vld.idx.msk [tilespmem:v14+s3+$0x0], $0xffff;
	v15 =	vor.u32 s30, v3  }
0x45: {  	v16 =	vor.u32 s19, v4;
	[tilespmem:s22+$0xFFFFFE80] =	vst v9;
	v9 =	vld.idx.msk [tilespmem:v19+s3+$0x0], $0xffff  }
0x46: {  	[tilespmem:s22+$0x0] =	vst v12;
	v19 =	vor.u32 s29, v1;
	v8 =	vld.idx.msk [tilespmem:v10+s3+$0x0], $0xffff  }
0x47: {  	[tilespmem:s22+$0x190] =	vst v18;
	v10 =	vld.idx.msk [tilespmem:v13+s3+$0x0], $0xffff;
	v13 =	vor.u32 s23, v3  }
0x48: {  	v12 =	vld.idx.msk [tilespmem:v20+s3+$0x0], $0xffff;
	[tilespmem:s22+$0xFFFFFFA0] =	vst v11;
	v11 =	vor.u32 s24, v2  }
0x49: {  	[tilespmem:s22+$0xB0] =	vst v14;
	v14 =	vld.idx.msk [tilespmem:v15+s3+$0x0], $0xffff;
	v15 =	vor.u32 s25, v2  }
0x4a: {  	v18 =	vor.u32 s30, v4;
	v16 =	vld.idx.msk [tilespmem:v16+s3+$0x0], $0xffff  }
0x4b: {  	v20 =	vor.u32 s19, v5;
	v19 =	vld.idx.msk [tilespmem:v19+s3+$0x0], $0xffff;
	[tilespmem:s22+$0xFFFFFE20] =	vst v9  }
0x4c: {  	[tilespmem:s22+$0x110] =	vst v17;
	v17 =	vor.u32 s28, v3;
	v13 =	vld.idx.msk [tilespmem:v13+s3+$0x0], $0xffff  }
0x4d: {  	v21 =	vor.u32 s29, v2;
	[tilespmem:s22+$0xFFFFFF10] =	vst v10;
	v11 =	vld.idx.msk [tilespmem:v11+s3+$0x0], $0xffff  }
0x4e: {  	v10 =	vor.u32 s24, v3;
	v9 =	vld.idx.msk [tilespmem:v15+s3+$0x0], $0xffff;
	[tilespmem:s22+$0xFFFFFFB0] =	vst v14  }
0x4f: {  	v14 =	vor.u32 s23, v4;
	[tilespmem:s22+$0xC0] =	vst v16;
	v15 =	vld.idx.msk [tilespmem:v18+s3+$0x0], $0xffff  }
0x50: {  	[tilespmem:s22+$0x1A0] =	vst v12;
	v18 =	vld.idx.msk [tilespmem:v20+s3+$0x0], $0xffff;
	v20 =	vor.u32 s30, v5  }
0x51: {  	v16 =	vor.u32 s26, v2;
	[tilespmem:s22+$0x10] =	vst v19;
	v19 =	vld.idx.msk [tilespmem:v17+s3+$0x0], $0xffff  }
0x52: {  	v22 =	vor.u32 s19, v6;
	v21 =	vld.idx.msk [tilespmem:v21+s3+$0x0], $0xffff;
	[tilespmem:s22+$0x120] =	vst v11  }
0x53: {  	v23 =	vor.u32 s28, v4;
	[tilespmem:s22+$0xFFFFFE30] =	vst v13;
	v13 =	vld.idx.msk [tilespmem:v10+s3+$0x0], $0xffff  }
0x54: {  	v11 =	vor.u32 s29, v3;
	v12 =	vld.idx.msk [tilespmem:v14+s3+$0x0], $0xffff;
	[tilespmem:s22+$0xFFFFFFC0] =	vst v15  }
0x55: {  	[tilespmem:s22+$0xFFFFFE90] =	vst v8;
	v15 =	vld.idx.msk [tilespmem:v20+s3+$0x0], $0xffff;
	v20 =	vor.u32 s25, v3  }
0x56: {  	v14 =	vld.idx.msk [tilespmem:v16+s3+$0x0], $0xffff;
	[tilespmem:s22+$0xD0] =	vst v18  }
0x57: {  	s31 =	sshll.u32 s20, $0x1;
	v8 =	vor.u32 s19, v7;
	v17 =	vor.u32 s26, v3;
	v16 =	vld.idx.msk [tilespmem:v22+s3+$0x0], $0xffff;
	[tilespmem:s22+$0x1B0] =	vst v19  }
0x58: {  	s2 =	simm.s32 $0x20;
	s0 =	simm.s32 $0x0;
	s1 =	simm.s32 $0x2600;
	v10 =	vor.u32 s29, v4;
	v18 =	vor.u32 s30, v6;
	[tilespmem:s22+$0x20] =	vst v21;
	v19 =	vld.idx.msk [tilespmem:v23+s3+$0x0], $0xffff  }
.LBB2_3:
0x59: {  	v21 =	vor.u32 s2, v0;
	s18 =	sadd.s32 $0x4, s2;
	s10 =	sadd.s32 $0x10, s2;
	s6 =	sadd.s32 $0x18, s2;
	[tilespmem:s22+$0xFFFFFF20] =	vst v9;
	v22 =	vld.idx.msk [tilespmem:v11+s3+$0x0], $0xffff;
	v23 =	vor.u32 s28, v5  }
0x5a: {  	s9 =	sadd.s32 $0x8, s2;
	s8 =	sadd.s32 $0x14, s2;
	s19 =	sadd.s32 $0x1C, s2;
	v11 =	vor.u32 s18, v0;
	v9 =	vor.u32 s10, v0;
	v24 =	vor.u32 s6, v0;
	v20 =	vld.idx.msk [tilespmem:v20+s3+$0x0], $0xffff  }
0x5b: {  	s17 =	sadd.s32 $0xC, s2;
	s0 =	sadd.s32 $0x8, s0;
	v25 =	vor.u32 s9, v0;
	v26 =	vor.u32 s8, v0;
	v27 =	vor.u32 s19, v0;
	[tilespmem:s22+$0xFFFFFEA0] =	vst v14  }
0x5c: {  	v28 =	vor.u32 s8, v7;
	p4 =	slt.u32 s0, $0x18;
	v14 =	vor.u32 s17, v0;
	v17 =	vld.idx.msk [tilespmem:v17+s3+$0x0], $0xffff;
	[tilespmem:s22+$0xFFFFFFD0] =	vst v15  }
0x5d: {  	v29 =	vor.u32 s25, v4;
	v18 =	vld.idx.msk [tilespmem:v18+s3+$0x0], $0xffff;
	[tilespmem:s22+$0xE0] =	vst v16  }
0x5e: {  	v30 =	vor.u32 s26, v4;
	v31 =	vld.idx.msk [tilespmem:v8+s3+$0x0], $0xffff;
	[tilespmem:s22+$0x1C0] =	vst v19;
	v8 =	vmov v28  }
0x5f: {  	v19 =	vld.idx.msk [tilespmem:v21+s3+$0x0], $0xffff;
	v21 =	vor.u32 s30, v7;
	[tilespmem:s22+$0x30] =	vst v22;
	s30 =	smov.u32 s17  }
0x60: {  	v22 =	vor.u32 s2, v1;
	[tilespmem:s22+$0xFFFFFF30] =	vst v20;
	v20 =	vld.idx.msk [tilespmem:v23+s3+$0x0], $0xffff  }
0x61: {  	v15 =	vor.u32 s18, v1;
	[tilespmem:s22+$0xFFFFFE40] =	vst v12;
	v10 =	vld.idx.msk [tilespmem:v10+s3+$0x0], $0xffff  }
0x62: {  	v16 =	vor.u32 s19, v1;
	[tilespmem:s22+$0xFFFFFEB0] =	vst v17;
	v23 =	vld.idx.msk [tilespmem:v29+s3+$0x0], $0xffff  }
0x63: {  	v12 =	vor.u32 s10, v1;
	v28 =	vld.idx.msk [tilespmem:v30+s3+$0x0], $0xffff;
	[tilespmem:s22+$0xFFFFFFE0] =	vst v18;
	v18 =	vor.u32 s29, v5  }
0x64: {  	v29 =	vor.u32 s8, v1;
	v21 =	vld.idx.msk [tilespmem:v21+s3+$0x0], $0xffff;
	[tilespmem:s22+$0xF0] =	vst v31  }
0x65: {  	[tilespmem:s1+$0xFFFFFE00] =	vst v19;
	v19 =	vld.idx.msk [tilespmem:v26+s3+$0x0], $0xffff;
	v26 =	vor.u32 s25, v5  }
0x66: {  	v17 =	vor.u32 s9, v1;
	v30 =	vor.u32 s24, v4;
	v25 =	vld.idx.msk [tilespmem:v25+s3+$0x0], $0xffff;
	[tilespmem:s22+$0x1D0] =	vst v20  }
0x67: {  	v31 =	vor.u32 s28, v6;
	v20 =	vor.u32 s30, v1;
	v27 =	vld.idx.msk [tilespmem:v27+s3+$0x0], $0xffff;
	[tilespmem:s22+$0x40] =	vst v10  }
0x68: {  	v32 =	vor.u32 s2, v2;
	v10 =	vor.u32 s18, v2;
	[tilespmem:s22+$0xFFFFFF40] =	vst v23;
	v23 =	vld.idx.msk [tilespmem:v18+s3+$0x0], $0xffff  }
0x69: {  	v18 =	vor.u32 s19, v2;
	v33 =	vld.idx.msk [tilespmem:v14+s3+$0x0], $0xffff;
	[tilespmem:s22+$0xFFFFFEC0] =	vst v28  }
0x6a: {  	v14 =	vor.u32 s10, v2;
	v28 =	vor.u32 s23, v5;
	v26 =	vld.idx.msk [tilespmem:v26+s3+$0x0], $0xffff;
	[tilespmem:s22+$0x130] =	vst v13  }
0x6b: {  	v34 =	vor.u32 s26, v5;
	[tilespmem:s1+$0x80] =	vst v19;
	v19 =	vor.u32 s8, v2;
	v30 =	vld.idx.msk [tilespmem:v30+s3+$0x0], $0xffff  }
0x6c: {  	v35 =	vor.u32 s6, v1;
	[tilespmem:s22+$0xFFFFFFF0] =	vst v21;
	v21 =	vor.u32 s29, v6;
	v31 =	vld.idx.msk [tilespmem:v31+s3+$0x0], $0xffff  }
0x6d: {  	v13 =	vor.u32 s9, v2;
	v24 =	vld.idx.msk [tilespmem:v24+s3+$0x0], $0xffff;
	[tilespmem:s1+$0x180] =	vst v27;
	v27 =	vor.u32 s24, v5  }
0x6e: {  	v36 =	vor.u32 s30, v2;
	v29 =	vld.idx.msk [tilespmem:v29+s3+$0x0], $0xffff;
	[tilespmem:s22+$0x50] =	vst v23;
	v23 =	vor.u32 s28, v7;
	s28 =	smov.u32 s19  }
0x6f: {  	[tilespmem:s1+$0xFFFFFF00] =	vst v25;
	v25 =	vld.idx.msk [tilespmem:v28+s3+$0x0], $0xffff;
	v28 =	vor.u32 s25, v6  }
0x70: {  	v34 =	vld.idx.msk [tilespmem:v34+s3+$0x0], $0xffff;
	[tilespmem:s22+$0xFFFFFF50] =	vst v26  }
0x71: {  	v21 =	vld.idx.msk [tilespmem:v21+s3+$0x0], $0xffff;
	[tilespmem:s22+$0x140] =	vst v30  }
0x72: {  	v26 =	vor.u32 s23, v6;
	v27 =	vld.idx.msk [tilespmem:v27+s3+$0x0], $0xffff;
	[tilespmem:s22+$0x1E0] =	vst v31  }
0x73: {  	v30 =	vor.u32 s26, v6;
	[tilespmem:s1+$0xFFFFFF80] =	vst v33;
	v23 =	vld.idx.msk [tilespmem:v23+s3+$0x0], $0xffff  }
0x74: {  	[tilespmem:s1+$0x90] =	vst v29;
	v28 =	vld.idx.msk [tilespmem:v28+s3+$0x0], $0xffff  }
0x75: {  	v19 =	vld.idx.msk [tilespmem:v19+s3+$0x0], $0xffff;
	[tilespmem:s22+$0xFFFFFE50] =	vst v25;
	v25 =	vor.u32 s24, v6  }
0x76: {  	v29 =	vor.u32 s29, v7;
	s29 =	smov.u32 s10;
	v22 =	vld.idx.msk [tilespmem:v22+s3+$0x0], $0xffff;
	[tilespmem:s22+$0xFFFFFED0] =	vst v34  }
0x77: {  	v26 =	vld.idx.msk [tilespmem:v26+s3+$0x0], $0xffff;
	[tilespmem:s22+$0x60] =	vst v21  }
0x78: {  	v21 =	vld.idx.msk [tilespmem:v30+s3+$0x0], $0xffff;
	v30 =	vor.u32 s25, v7;
	[tilespmem:s22+$0x150] =	vst v27;
	s25 =	smov.u32 s9  }
0x79: {  	v27 =	vor.u32 s8, v3;
	v20 =	vld.idx.msk [tilespmem:v20+s3+$0x0], $0xffff;
	[tilespmem:s22+$0x1F0] =	vst v23  }
0x7a: {  	[tilespmem:s1+$0x100] =	vst v24;
	v23 =	vld.idx.msk [tilespmem:v25+s3+$0x0], $0xffff  }
0x7b: {  	[tilespmem:s1+$0xA0] =	vst v19;
	v19 =	vld.idx.msk [tilespmem:v29+s3+$0x0], $0xffff  }
0x7c: {  	v25 =	vor.u32 s24, v7;
	s24 =	smov.u32 s6;
	v24 =	vld.idx.msk [tilespmem:v35+s3+$0x0], $0xffff;
	[tilespmem:s22+$0xFFFFFF60] =	vst v28  }
0x7d: {  	v28 =	vor.u32 s26, v7;
	s26 =	smov.u32 s18;
	[tilespmem:s1+$0xFFFFFE10] =	vst v22;
	v22 =	vor.u32 s23, v7;
	v29 =	vld.idx.msk [tilespmem:v30+s3+$0x0], $0xffff;
	s23 =	smov.u32 s2  }
0x7e: {  	v27 =	vld.idx.msk [tilespmem:v27+s3+$0x0], $0xffff;
	[tilespmem:s22+$0xFFFFFEE0] =	vst v21  }
0x7f: {  	v11 =	vld.idx.msk [tilespmem:v11+s3+$0x0], $0xffff;
	[tilespmem:s1+$0xFFFFFF90] =	vst v20  }
0x80: {  	v20 =	vld.idx.msk [tilespmem:v36+s3+$0x0], $0xffff;
	[tilespmem:s22+$0x160] =	vst v23  }
0x81: {  	[tilespmem:s22+$0xFFFFFE60] =	vst v26;
	v21 =	vld.idx.msk [tilespmem:v25+s3+$0x0], $0xffff  }
0x82: {  	v22 =	vld.idx.msk [tilespmem:v22+s3+$0x0], $0xffff;
	[tilespmem:s22+$0x70] =	vst v19  }
0x83: {  	v19 =	vld.idx.msk [tilespmem:v28+s3+$0x0], $0xffff;
	[tilespmem:s22+$0xFFFFFF70] =	vst v29  }
0x84: {  	v23 =	vor.u32 s30, v3;
	[tilespmem:s1+$0xB0] =	vst v27;
	v16 =	vld.idx.msk [tilespmem:v16+s3+$0x0], $0xffff  }
0x85: {  	[tilespmem:s1+$0xFFFFFE80] =	vst v11;
	v9 =	vld.idx.msk [tilespmem:v9+s3+$0x0], $0xffff;
	v11 =	vor.u32 s8, v4  }
0x86: {  	v25 =	vld.idx.msk [tilespmem:v32+s3+$0x0], $0xffff;
	[tilespmem:s1+$0xFFFFFFA0] =	vst v20  }
0x87: {  	v15 =	vld.idx.msk [tilespmem:v15+s3+$0x0], $0xffff;
	[tilespmem:s22+$0x170] =	vst v21  }
0x88: {  	v20 =	vor.u32 s24, v2;
	v17 =	vld.idx.msk [tilespmem:v17+s3+$0x0], $0xffff;
	[tilespmem:s22+$0xFFFFFE70] =	vst v22  }
0x89: {  	v21 =	vor.u32 s2, v3;
	v22 =	vld.idx.msk [tilespmem:v23+s3+$0x0], $0xffff;
	[tilespmem:s22+$0xFFFFFEF0] =	vst v19;
	s22 =	smov.u32 s1  }
0x8a: {  	v11 =	vld.idx.msk [tilespmem:v11+s3+$0x0], $0xffff;
	[tilespmem:s1+$0x190] =	vst v16  }
0x8b: {  	v16 =	vor.u32 s30, v4;
	[tilespmem:s1+$0x0] =	vst v9;
	v18 =	vld.idx.msk [tilespmem:v18+s3+$0x0], $0xffff  }
0x8c: {  	v19 =	vor.u32 s8, v5;
	v12 =	vld.idx.msk [tilespmem:v12+s3+$0x0], $0xffff;
	[tilespmem:s1+$0x110] =	vst v24  }
0x8d: {  	v23 =	vor.u32 s28, v3;
	[tilespmem:s1+$0xFFFFFE20] =	vst v25;
	v20 =	vld.idx.msk [tilespmem:v20+s3+$0x0], $0xffff  }
0x8e: {  	v21 =	vld.idx.msk [tilespmem:v21+s3+$0x0], $0xffff;
	[tilespmem:s1+$0xFFFFFF10] =	vst v17  }
0x8f: {  	v9 =	vld.idx.msk [tilespmem:v13+s3+$0x0], $0xffff;
	[tilespmem:s1+$0xFFFFFFB0] =	vst v22;
	v13 =	vor.u32 s24, v3  }
0x90: {  	v17 =	vor.u32 s2, v4;
	v16 =	vld.idx.msk [tilespmem:v16+s3+$0x0], $0xffff;
	[tilespmem:s1+$0xC0] =	vst v11  }
0x91: {  	v19 =	vld.idx.msk [tilespmem:v19+s3+$0x0], $0xffff;
	[tilespmem:s1+$0x1A0] =	vst v18  }
0x92: {  	v18 =	vor.u32 s30, v5;
	[tilespmem:s1+$0x10] =	vst v12;
	v22 =	vld.idx.msk [tilespmem:v23+s3+$0x0], $0xffff  }
0x93: {  	v24 =	vor.u32 s8, v6;
	v23 =	vld.idx.msk [tilespmem:v14+s3+$0x0], $0xffff;
	[tilespmem:s1+$0x120] =	vst v20  }
0x94: {  	[tilespmem:s1+$0xFFFFFE30] =	vst v21;
	v13 =	vld.idx.msk [tilespmem:v13+s3+$0x0], $0xffff;
	v21 =	vor.u32 s28, v4  }
.Ltmp2:
0x95: {  	v11 =	vor.u32 s29, v3;
	v12 =	vld.idx.msk [tilespmem:v17+s3+$0x0], $0xffff;
	[tilespmem:s1+$0xFFFFFE90] =	vst v15;
	(pc) =	sbr.rel @p4 .LBB2_3-.Ltmp2, $4  }
0x96: {  	v20 =	vor.u32 s25, v3;
	v14 =	vld.idx.msk [tilespmem:v10+s3+$0x0], $0xffff;
	[tilespmem:s1+$0xFFFFFFC0] =	vst v16  }
0x97: {  	v15 =	vld.idx.msk [tilespmem:v18+s3+$0x0], $0xffff;
	[tilespmem:s1+$0xD0] =	vst v19  }
0x98: {  	v17 =	vor.u32 s26, v3;
	v16 =	vld.idx.msk [tilespmem:v24+s3+$0x0], $0xffff;
	[tilespmem:s1+$0x1B0] =	vst v22  }
0x99: {  	s2 =	sadd.s32 $0x20, s2;
	v10 =	vor.u32 s29, v4;
	v18 =	vor.u32 s30, v6;
	s1 =	sadd.s32 $0x400, s1;
	[tilespmem:s22+$0x20] =	vst v23;
	v19 =	vld.idx.msk [tilespmem:v21+s3+$0x0], $0xffff  }
0x9a: {  	_ =	sdelay $0x2  }
0x9b: {  	[tilespmem:s22+$0xFFFFFF20] =	vst v9  }
0x9c: {  	v9 =	vld.idx.msk [tilespmem:v11+s3+$0x0], $0xffff;
	[tilespmem:s22+$0xFFFFFE40] =	vst v12  }
0x9d: {  	v11 =	vld.idx.msk [tilespmem:v20+s3+$0x0], $0xffff;
	[tilespmem:s22+$0xFFFFFEA0] =	vst v14  }
0x9e: {  	v14 =	vor.u32 s25, v4;
	[tilespmem:s22+$0xFFFFFFD0] =	vst v15  }
0x9f: {  	v15 =	vld.idx.msk [tilespmem:v17+s3+$0x0], $0xffff;
	[tilespmem:s22+$0xE0] =	vst v16;
	v16 =	vor.u32 s24, v4  }
0xa0: {  	[tilespmem:s22+$0x130] =	vst v13;
	v17 =	vor.u32 s28, v5;
	v18 =	vld.idx.msk [tilespmem:v18+s3+$0x0], $0xffff  }
0xa1: {  	v8 =	vld.idx.msk [tilespmem:v8+s3+$0x0], $0xffff;
	[tilespmem:s22+$0x30] =	vst v9;
	v9 =	vor.u32 s26, v4  }
0xa2: {  	[tilespmem:s22+$0xFFFFFF30] =	vst v11;
	v11 =	vor.u32 s30, v7;
	v10 =	vld.idx.msk [tilespmem:v10+s3+$0x0], $0xffff  }
0xa3: {  	[tilespmem:s22+$0x1C0] =	vst v19;
	v12 =	vld.idx.msk [tilespmem:v14+s3+$0x0], $0xffff;
	v14 =	vor.u32 s29, v5  }
0xa4: {  	v13 =	vor.u32 s25, v5;
	[tilespmem:s22+$0xFFFFFEB0] =	vst v15;
	v15 =	vld.idx.msk [tilespmem:v16+s3+$0x0], $0xffff  }
0xa5: {  	v16 =	vld.idx.msk [tilespmem:v17+s3+$0x0], $0xffff;
	[tilespmem:s22+$0xFFFFFFE0] =	vst v18;
	v17 =	vor.u32 s24, v5  }
0xa6: {  	[tilespmem:s22+$0xF0] =	vst v8;
	v8 =	vor.u32 s23, v5;
	v9 =	vld.idx.msk [tilespmem:v9+s3+$0x0], $0xffff  }
0xa7: {  	v11 =	vld.idx.msk [tilespmem:v11+s3+$0x0], $0xffff;
	[tilespmem:s22+$0x40] =	vst v10;
	v10 =	vor.u32 s26, v5  }
0xa8: {  	v18 =	vor.u32 s28, v6;
	[tilespmem:s22+$0xFFFFFF40] =	vst v12;
	v12 =	vld.idx.msk [tilespmem:v14+s3+$0x0], $0xffff  }
0xa9: {  	v14 =	vor.u32 s29, v6;
	v13 =	vld.idx.msk [tilespmem:v13+s3+$0x0], $0xffff;
	[tilespmem:s22+$0x140] =	vst v15  }
0xaa: {  	[tilespmem:s22+$0x1D0] =	vst v16;
	v15 =	vor.u32 s25, v6;
	v16 =	vld.idx.msk [tilespmem:v17+s3+$0x0], $0xffff  }
0xab: {  	v8 =	vld.idx.msk [tilespmem:v8+s3+$0x0], $0xffff;
	[tilespmem:s22+$0xFFFFFEC0] =	vst v9;
	v9 =	vor.u32 s24, v6  }
0xac: {  	[tilespmem:s22+$0xFFFFFFF0] =	vst v11;
	v10 =	vld.idx.msk [tilespmem:v10+s3+$0x0], $0xffff;
	v11 =	vor.u32 s23, v6  }
0xad: {  	v17 =	vld.idx.msk [tilespmem:v18+s3+$0x0], $0xffff;
	[tilespmem:s22+$0x50] =	vst v12;
	v12 =	vor.u32 s26, v6  }
0xae: {  	v18 =	vor.u32 s28, v7;
	[tilespmem:s22+$0xFFFFFF50] =	vst v13;
	v13 =	vld.idx.msk [tilespmem:v14+s3+$0x0], $0xffff  }
0xaf: {  	v14 =	vld.idx.msk [tilespmem:v15+s3+$0x0], $0xffff;
	v15 =	vor.u32 s29, v7;
	[tilespmem:s22+$0x150] =	vst v16  }
0xb0: {  	[tilespmem:s22+$0xFFFFFE50] =	vst v8;
	v8 =	vor.u32 s25, v7;
	v9 =	vld.idx.msk [tilespmem:v9+s3+$0x0], $0xffff  }
0xb1: {  	[tilespmem:s22+$0xFFFFFED0] =	vst v10;
	v10 =	vld.idx.msk [tilespmem:v11+s3+$0x0], $0xffff;
	v11 =	vor.u32 s24, v7  }
0xb2: {  	[tilespmem:s22+$0x1E0] =	vst v17;
	v16 =	vor.u32 s23, v7;
	v12 =	vld.idx.msk [tilespmem:v12+s3+$0x0], $0xffff  }
0xb3: {  	v17 =	vld.idx.msk [tilespmem:v18+s3+$0x0], $0xffff;
	[tilespmem:s22+$0x60] =	vst v13;
	v13 =	vor.u32 s26, v7  }
0xb4: {  	v15 =	vld.idx.msk [tilespmem:v15+s3+$0x0], $0xffff;
	[tilespmem:s22+$0xFFFFFF60] =	vst v14  }
0xb5: {  	v8 =	vld.idx.msk [tilespmem:v8+s3+$0x0], $0xffff;
	[tilespmem:s22+$0x160] =	vst v9  }
0xb6: {  	[tilespmem:s22+$0xFFFFFE60] =	vst v10;
	v9 =	vld.idx.msk [tilespmem:v11+s3+$0x0], $0xffff  }
0xb7: {  	[tilespmem:s22+$0xFFFFFEE0] =	vst v12;
	v10 =	vld.idx.msk [tilespmem:v16+s3+$0x0], $0xffff  }
0xb8: {  	[tilespmem:s22+$0x1F0] =	vst v17;
	v11 =	vld.idx.msk [tilespmem:v13+s3+$0x0], $0xffff  }
0xb9: {  	[tilespmem:s22+$0x70] =	vst v15  }
0xba: {  	[tilespmem:s22+$0xFFFFFF70] =	vst v8  }
0xbb: {  	[tilespmem:s22+$0x170] =	vst v9  }
0xbc: {  	s0 =	sshll.u32 s21, $0x9;
	[tilespmem:s22+$0xFFFFFE70] =	vst v10  }
0xbd: {  	s0 =	sadd.s32 s4, s0;
	[tilespmem:s22+$0xFFFFFEF0] =	vst v11  }
0xbe: {  	[hbm4b:s0+s3] =	stream.linear.scatter [tilespmem:s15], [sflag:$0x3], $0x1000, $0x38;
	[tilespmem:$0x4000] =	vst v63  }
0xbf: {  	s0 =	sor.u32 $0x1, s31  }
0xc0: {  	p4 =	sgt.u32 @!p0 s0, $0xF2;
	s0 =	sshll.u32 s0, $0x5  }
0xc1: {  	p4 =	por p0, !p4;
	s21 =	sor.u32 s5, s0  }
0xc2: {  	s0 =	sshll.u32 @p4 s21, $0x7  }
0xc3: {  	s0 =	sadd.s32 @p4 s0, s7  }
0xc4: {  	[tilespmem:s3], [sflag:$0x1] =	stream.strided.gather @p4 [hbm4b:s0+s11], $0x1000, s12, s11, $0x38;
	[tilespmem:$0x4000] =	vst v63  }
0xc5: {  	s31 =	simm.s32 $0x14;
	_ =	swait.ge [sflag:s16], $0x1000  }
0xc6: {  	v8 =	vor.u32 s31, v0;
	[sflag:s16] =	ssyncset.done $0x0  }
0xc7: {  	s1 =	simm.s32 @!p3 $0x4;
	[sflag:s16] =	ssyncadd.s32 $0xFFFFF000  }
0xc8: {  	_ =	swait.ge @!p3 [sflag:s1], $0x1000  }
0xc9: {  	s30 =	simm.s32 $0xC;
	[sflag:s1] =	ssyncset.done @!p3 $0x0  }
0xca: {  	s23 =	simm.s32 $0x0;
	v10 =	vor.u32 s30, v0;
	[sflag:s1] =	ssyncadd.s32 @!p3 $0xFFFFF000  }
0xcb: {  	v11 =	vor.u32 s23, v0;
	v8 =	vld.idx.msk [tilespmem:v8+s13+$0x0], $0xffff  }
0xcc: {  	s24 =	simm.s32 $0x18;
	v9 =	vor.u32 s31, v1  }
0xcd: {  	v12 =	vor.u32 s24, v0;
	_ =	sdelay $0x1  }
0xce: {  	s28 =	simm.s32 $0x1C;
	s22 =	simm.s32 $0x33F0;
	v10 =	vld.idx.msk [tilespmem:v10+s13+$0x0], $0xffff  }
0xcf: {  	v15 =	vor.u32 s28, v0;
	v11 =	vld.idx.msk [tilespmem:v11+s13+$0x0], $0xffff;
	[tilespmem:s22+$0xFFFFFE90] =	vst v8  }
0xd0: {  	v16 =	vor.u32 s23, v1;
	v9 =	vld.idx.msk [tilespmem:v9+s13+$0x0], $0xffff  }
0xd1: {  	v13 =	vor.u32 s31, v2;
	v12 =	vld.idx.msk [tilespmem:v12+s13+$0x0], $0xffff  }
0xd2: {  	v14 =	vor.u32 s30, v1  }
0xd3: {  	s25 =	simm.s32 $0x8;
	v17 =	vor.u32 s24, v1;
	[tilespmem:s22+$0xFFFFFD90] =	vst v10  }
0xd4: {  	s26 =	simm.s32 $0x4;
	v8 =	vor.u32 s25, v0;
	[tilespmem:s22+$0xFFFFFC10] =	vst v11;
	v11 =	vld.idx.msk [tilespmem:v15+s13+$0x0], $0xffff  }
0xd5: {  	s29 =	simm.s32 $0x10;
	v16 =	vld.idx.msk [tilespmem:v16+s13+$0x0], $0xffff;
	[tilespmem:s22+$0xFFFFFEA0] =	vst v9;
	v9 =	vor.u32 s26, v0  }
0xd6: {  	[tilespmem:s22+$0xFFFFFF10] =	vst v12;
	v12 =	vor.u32 s29, v0;
	v10 =	vld.idx.msk [tilespmem:v13+s13+$0x0], $0xffff  }
0xd7: {  	v18 =	vor.u32 s28, v1;
	v13 =	vld.idx.msk [tilespmem:v14+s13+$0x0], $0xffff  }
0xd8: {  	v15 =	vor.u32 s30, v2;
	v17 =	vld.idx.msk [tilespmem:v17+s13+$0x0], $0xffff  }
0xd9: {  	v8 =	vld.idx.msk [tilespmem:v8+s13+$0x0], $0xffff;
	v14 =	vor.u32 s31, v3  }
0xda: {  	v19 =	vor.u32 s23, v2;
	[tilespmem:s22+$0xFFFFFF90] =	vst v11;
	v9 =	vld.idx.msk [tilespmem:v9+s13+$0x0], $0xffff  }
0xdb: {  	v12 =	vld.idx.msk [tilespmem:v12+s13+$0x0], $0xffff;
	[tilespmem:s22+$0xFFFFFEB0] =	vst v10;
	v10 =	vor.u32 s26, v1  }
0xdc: {  	v18 =	vld.idx.msk [tilespmem:v18+s13+$0x0], $0xffff;
	[tilespmem:s22+$0xFFFFFDA0] =	vst v13;
	v13 =	vor.u32 s25, v1  }
0xdd: {  	v20 =	vor.u32 s28, v2;
	[tilespmem:s22+$0xFFFFFC20] =	vst v16;
	v11 =	vld.idx.msk [tilespmem:v15+s13+$0x0], $0xffff  }
0xde: {  	[tilespmem:s22+$0xFFFFFD10] =	vst v8;
	v14 =	vld.idx.msk [tilespmem:v14+s13+$0x0], $0xffff;
	v15 =	vor.u32 s30, v3  }
0xdf: {  	v16 =	vor.u32 s31, v4;
	[tilespmem:s22+$0xFFFFFC90] =	vst v9;
	v9 =	vld.idx.msk [tilespmem:v19+s13+$0x0], $0xffff  }
0xe0: {  	[tilespmem:s22+$0xFFFFFE10] =	vst v12;
	v19 =	vor.u32 s29, v1;
	v8 =	vld.idx.msk [tilespmem:v10+s13+$0x0], $0xffff  }
0xe1: {  	[tilespmem:s22+$0xFFFFFFA0] =	vst v18;
	v10 =	vld.idx.msk [tilespmem:v13+s13+$0x0], $0xffff;
	v13 =	vor.u32 s23, v3  }
0xe2: {  	v12 =	vld.idx.msk [tilespmem:v20+s13+$0x0], $0xffff;
	[tilespmem:s22+$0xFFFFFDB0] =	vst v11;
	v11 =	vor.u32 s24, v2  }
0xe3: {  	[tilespmem:s22+$0xFFFFFEC0] =	vst v14;
	v14 =	vld.idx.msk [tilespmem:v15+s13+$0x0], $0xffff;
	v15 =	vor.u32 s25, v2  }
0xe4: {  	v18 =	vor.u32 s30, v4;
	v16 =	vld.idx.msk [tilespmem:v16+s13+$0x0], $0xffff  }
0xe5: {  	v20 =	vor.u32 s31, v5;
	v19 =	vld.idx.msk [tilespmem:v19+s13+$0x0], $0xffff;
	[tilespmem:s22+$0xFFFFFC30] =	vst v9  }
0xe6: {  	[tilespmem:s22+$0xFFFFFF20] =	vst v17;
	v17 =	vor.u32 s28, v3;
	v13 =	vld.idx.msk [tilespmem:v13+s13+$0x0], $0xffff  }
0xe7: {  	v21 =	vor.u32 s29, v2;
	[tilespmem:s22+$0xFFFFFD20] =	vst v10;
	v11 =	vld.idx.msk [tilespmem:v11+s13+$0x0], $0xffff  }
0xe8: {  	v10 =	vor.u32 s24, v3;
	v9 =	vld.idx.msk [tilespmem:v15+s13+$0x0], $0xffff;
	[tilespmem:s22+$0xFFFFFDC0] =	vst v14  }
0xe9: {  	v14 =	vor.u32 s23, v4;
	[tilespmem:s22+$0xFFFFFED0] =	vst v16;
	v15 =	vld.idx.msk [tilespmem:v18+s13+$0x0], $0xffff  }
0xea: {  	[tilespmem:s22+$0xFFFFFFB0] =	vst v12;
	v18 =	vld.idx.msk [tilespmem:v20+s13+$0x0], $0xffff;
	v20 =	vor.u32 s30, v5  }
0xeb: {  	v16 =	vor.u32 s26, v2;
	[tilespmem:s22+$0xFFFFFE20] =	vst v19;
	v19 =	vld.idx.msk [tilespmem:v17+s13+$0x0], $0xffff  }
0xec: {  	v22 =	vor.u32 s31, v6;
	v21 =	vld.idx.msk [tilespmem:v21+s13+$0x0], $0xffff;
	[tilespmem:s22+$0xFFFFFF30] =	vst v11  }
0xed: {  	v23 =	vor.u32 s28, v4;
	[tilespmem:s22+$0xFFFFFC40] =	vst v13;
	v13 =	vld.idx.msk [tilespmem:v10+s13+$0x0], $0xffff  }
0xee: {  	v11 =	vor.u32 s29, v3;
	v12 =	vld.idx.msk [tilespmem:v14+s13+$0x0], $0xffff;
	[tilespmem:s22+$0xFFFFFDD0] =	vst v15  }
0xef: {  	[tilespmem:s22+$0xFFFFFCA0] =	vst v8;
	v15 =	vld.idx.msk [tilespmem:v20+s13+$0x0], $0xffff;
	v20 =	vor.u32 s25, v3  }
0xf0: {  	v14 =	vld.idx.msk [tilespmem:v16+s13+$0x0], $0xffff;
	[tilespmem:s22+$0xFFFFFEE0] =	vst v18  }
0xf1: {  	v8 =	vor.u32 s31, v7;
	v17 =	vor.u32 s26, v3;
	v16 =	vld.idx.msk [tilespmem:v22+s13+$0x0], $0xffff;
	[tilespmem:s22+$0xFFFFFFC0] =	vst v19  }
0xf2: {  	s2 =	simm.s32 $0x20;
	s0 =	simm.s32 $0x0;
	s1 =	simm.s32 $0x37F0;
	v10 =	vor.u32 s29, v4;
	v18 =	vor.u32 s30, v6;
	[tilespmem:s22+$0xFFFFFE30] =	vst v21;
	v19 =	vld.idx.msk [tilespmem:v23+s13+$0x0], $0xffff  }
.LBB2_5:
0xf3: {  	v21 =	vor.u32 s2, v0;
	s18 =	sadd.s32 $0x4, s2;
	s10 =	sadd.s32 $0x10, s2;
	s6 =	sadd.s32 $0x18, s2;
	[tilespmem:s22+$0xFFFFFD30] =	vst v9;
	v22 =	vld.idx.msk [tilespmem:v11+s13+$0x0], $0xffff;
	v23 =	vor.u32 s28, v5  }
0xf4: {  	s9 =	sadd.s32 $0x8, s2;
	s8 =	sadd.s32 $0x14, s2;
	s19 =	sadd.s32 $0x1C, s2;
	v11 =	vor.u32 s18, v0;
	v9 =	vor.u32 s10, v0;
	v24 =	vor.u32 s6, v0;
	v20 =	vld.idx.msk [tilespmem:v20+s13+$0x0], $0xffff  }
0xf5: {  	s17 =	sadd.s32 $0xC, s2;
	s0 =	sadd.s32 $0x8, s0;
	v25 =	vor.u32 s9, v0;
	v26 =	vor.u32 s8, v0;
	v27 =	vor.u32 s19, v0;
	[tilespmem:s22+$0xFFFFFCB0] =	vst v14  }
0xf6: {  	v28 =	vor.u32 s8, v7;
	p3 =	slt.u32 s0, $0x18;
	v14 =	vor.u32 s17, v0;
	v17 =	vld.idx.msk [tilespmem:v17+s13+$0x0], $0xffff;
	[tilespmem:s22+$0xFFFFFDE0] =	vst v15  }
0xf7: {  	v29 =	vor.u32 s25, v4;
	v18 =	vld.idx.msk [tilespmem:v18+s13+$0x0], $0xffff;
	[tilespmem:s22+$0xFFFFFEF0] =	vst v16  }
0xf8: {  	v30 =	vor.u32 s26, v4;
	v31 =	vld.idx.msk [tilespmem:v8+s13+$0x0], $0xffff;
	[tilespmem:s22+$0xFFFFFFD0] =	vst v19;
	v8 =	vmov v28  }
0xf9: {  	v19 =	vld.idx.msk [tilespmem:v21+s13+$0x0], $0xffff;
	v21 =	vor.u32 s30, v7;
	[tilespmem:s22+$0xFFFFFE40] =	vst v22;
	s30 =	smov.u32 s17  }
0xfa: {  	v22 =	vor.u32 s2, v1;
	[tilespmem:s22+$0xFFFFFD40] =	vst v20;
	v20 =	vld.idx.msk [tilespmem:v23+s13+$0x0], $0xffff  }
0xfb: {  	v15 =	vor.u32 s18, v1;
	[tilespmem:s22+$0xFFFFFC50] =	vst v12;
	v10 =	vld.idx.msk [tilespmem:v10+s13+$0x0], $0xffff  }
0xfc: {  	v16 =	vor.u32 s19, v1;
	[tilespmem:s22+$0xFFFFFCC0] =	vst v17;
	v23 =	vld.idx.msk [tilespmem:v29+s13+$0x0], $0xffff  }
0xfd: {  	v12 =	vor.u32 s10, v1;
	v28 =	vld.idx.msk [tilespmem:v30+s13+$0x0], $0xffff;
	[tilespmem:s22+$0xFFFFFDF0] =	vst v18;
	v18 =	vor.u32 s29, v5  }
0xfe: {  	v29 =	vor.u32 s8, v1;
	v21 =	vld.idx.msk [tilespmem:v21+s13+$0x0], $0xffff;
	[tilespmem:s22+$0xFFFFFF00] =	vst v31  }
0xff: {  	[tilespmem:s1+$0xFFFFFC10] =	vst v19;
	v19 =	vld.idx.msk [tilespmem:v26+s13+$0x0], $0xffff;
	v26 =	vor.u32 s25, v5  }
0x100: {  	v17 =	vor.u32 s9, v1;
	v30 =	vor.u32 s24, v4;
	v25 =	vld.idx.msk [tilespmem:v25+s13+$0x0], $0xffff;
	[tilespmem:s22+$0xFFFFFFE0] =	vst v20  }
0x101: {  	v31 =	vor.u32 s28, v6;
	v20 =	vor.u32 s30, v1;
	v27 =	vld.idx.msk [tilespmem:v27+s13+$0x0], $0xffff;
	[tilespmem:s22+$0xFFFFFE50] =	vst v10  }
0x102: {  	v32 =	vor.u32 s2, v2;
	v10 =	vor.u32 s18, v2;
	[tilespmem:s22+$0xFFFFFD50] =	vst v23;
	v23 =	vld.idx.msk [tilespmem:v18+s13+$0x0], $0xffff  }
0x103: {  	v18 =	vor.u32 s19, v2;
	v33 =	vld.idx.msk [tilespmem:v14+s13+$0x0], $0xffff;
	[tilespmem:s22+$0xFFFFFCD0] =	vst v28  }
0x104: {  	v14 =	vor.u32 s10, v2;
	v28 =	vor.u32 s23, v5;
	v26 =	vld.idx.msk [tilespmem:v26+s13+$0x0], $0xffff;
	[tilespmem:s22+$0xFFFFFF40] =	vst v13  }
0x105: {  	v34 =	vor.u32 s26, v5;
	[tilespmem:s1+$0xFFFFFE90] =	vst v19;
	v19 =	vor.u32 s8, v2;
	v30 =	vld.idx.msk [tilespmem:v30+s13+$0x0], $0xffff  }
0x106: {  	v35 =	vor.u32 s6, v1;
	[tilespmem:s22+$0xFFFFFE00] =	vst v21;
	v21 =	vor.u32 s29, v6;
	v31 =	vld.idx.msk [tilespmem:v31+s13+$0x0], $0xffff  }
0x107: {  	v13 =	vor.u32 s9, v2;
	v24 =	vld.idx.msk [tilespmem:v24+s13+$0x0], $0xffff;
	[tilespmem:s1+$0xFFFFFF90] =	vst v27;
	v27 =	vor.u32 s24, v5  }
0x108: {  	v36 =	vor.u32 s30, v2;
	v29 =	vld.idx.msk [tilespmem:v29+s13+$0x0], $0xffff;
	[tilespmem:s22+$0xFFFFFE60] =	vst v23;
	v23 =	vor.u32 s28, v7;
	s28 =	smov.u32 s19  }
0x109: {  	[tilespmem:s1+$0xFFFFFD10] =	vst v25;
	v25 =	vld.idx.msk [tilespmem:v28+s13+$0x0], $0xffff;
	v28 =	vor.u32 s25, v6  }
0x10a: {  	v34 =	vld.idx.msk [tilespmem:v34+s13+$0x0], $0xffff;
	[tilespmem:s22+$0xFFFFFD60] =	vst v26  }
0x10b: {  	v21 =	vld.idx.msk [tilespmem:v21+s13+$0x0], $0xffff;
	[tilespmem:s22+$0xFFFFFF50] =	vst v30  }
0x10c: {  	v26 =	vor.u32 s23, v6;
	v27 =	vld.idx.msk [tilespmem:v27+s13+$0x0], $0xffff;
	[tilespmem:s22+$0xFFFFFFF0] =	vst v31  }
0x10d: {  	v30 =	vor.u32 s26, v6;
	[tilespmem:s1+$0xFFFFFD90] =	vst v33;
	v23 =	vld.idx.msk [tilespmem:v23+s13+$0x0], $0xffff  }
0x10e: {  	[tilespmem:s1+$0xFFFFFEA0] =	vst v29;
	v28 =	vld.idx.msk [tilespmem:v28+s13+$0x0], $0xffff  }
0x10f: {  	v19 =	vld.idx.msk [tilespmem:v19+s13+$0x0], $0xffff;
	[tilespmem:s22+$0xFFFFFC60] =	vst v25;
	v25 =	vor.u32 s24, v6  }
0x110: {  	v29 =	vor.u32 s29, v7;
	s29 =	smov.u32 s10;
	v22 =	vld.idx.msk [tilespmem:v22+s13+$0x0], $0xffff;
	[tilespmem:s22+$0xFFFFFCE0] =	vst v34  }
0x111: {  	v26 =	vld.idx.msk [tilespmem:v26+s13+$0x0], $0xffff;
	[tilespmem:s22+$0xFFFFFE70] =	vst v21  }
0x112: {  	v21 =	vld.idx.msk [tilespmem:v30+s13+$0x0], $0xffff;
	v30 =	vor.u32 s25, v7;
	[tilespmem:s22+$0xFFFFFF60] =	vst v27;
	s25 =	smov.u32 s9  }
0x113: {  	v27 =	vor.u32 s8, v3;
	v20 =	vld.idx.msk [tilespmem:v20+s13+$0x0], $0xffff;
	[tilespmem:s22+$0x0] =	vst v23  }
0x114: {  	[tilespmem:s1+$0xFFFFFF10] =	vst v24;
	v23 =	vld.idx.msk [tilespmem:v25+s13+$0x0], $0xffff  }
0x115: {  	[tilespmem:s1+$0xFFFFFEB0] =	vst v19;
	v19 =	vld.idx.msk [tilespmem:v29+s13+$0x0], $0xffff  }
0x116: {  	v25 =	vor.u32 s24, v7;
	s24 =	smov.u32 s6;
	v24 =	vld.idx.msk [tilespmem:v35+s13+$0x0], $0xffff;
	[tilespmem:s22+$0xFFFFFD70] =	vst v28  }
0x117: {  	v28 =	vor.u32 s26, v7;
	s26 =	smov.u32 s18;
	[tilespmem:s1+$0xFFFFFC20] =	vst v22;
	v22 =	vor.u32 s23, v7;
	v29 =	vld.idx.msk [tilespmem:v30+s13+$0x0], $0xffff;
	s23 =	smov.u32 s2  }
0x118: {  	v27 =	vld.idx.msk [tilespmem:v27+s13+$0x0], $0xffff;
	[tilespmem:s22+$0xFFFFFCF0] =	vst v21  }
0x119: {  	v11 =	vld.idx.msk [tilespmem:v11+s13+$0x0], $0xffff;
	[tilespmem:s1+$0xFFFFFDA0] =	vst v20  }
0x11a: {  	v20 =	vld.idx.msk [tilespmem:v36+s13+$0x0], $0xffff;
	[tilespmem:s22+$0xFFFFFF70] =	vst v23  }
0x11b: {  	[tilespmem:s22+$0xFFFFFC70] =	vst v26;
	v21 =	vld.idx.msk [tilespmem:v25+s13+$0x0], $0xffff  }
0x11c: {  	v22 =	vld.idx.msk [tilespmem:v22+s13+$0x0], $0xffff;
	[tilespmem:s22+$0xFFFFFE80] =	vst v19  }
0x11d: {  	v19 =	vld.idx.msk [tilespmem:v28+s13+$0x0], $0xffff;
	[tilespmem:s22+$0xFFFFFD80] =	vst v29  }
0x11e: {  	v23 =	vor.u32 s30, v3;
	[tilespmem:s1+$0xFFFFFEC0] =	vst v27;
	v16 =	vld.idx.msk [tilespmem:v16+s13+$0x0], $0xffff  }
0x11f: {  	[tilespmem:s1+$0xFFFFFC90] =	vst v11;
	v9 =	vld.idx.msk [tilespmem:v9+s13+$0x0], $0xffff;
	v11 =	vor.u32 s8, v4  }
0x120: {  	v25 =	vld.idx.msk [tilespmem:v32+s13+$0x0], $0xffff;
	[tilespmem:s1+$0xFFFFFDB0] =	vst v20  }
0x121: {  	v15 =	vld.idx.msk [tilespmem:v15+s13+$0x0], $0xffff;
	[tilespmem:s22+$0xFFFFFF80] =	vst v21  }
0x122: {  	v20 =	vor.u32 s24, v2;
	v17 =	vld.idx.msk [tilespmem:v17+s13+$0x0], $0xffff;
	[tilespmem:s22+$0xFFFFFC80] =	vst v22  }
0x123: {  	v21 =	vor.u32 s2, v3;
	v22 =	vld.idx.msk [tilespmem:v23+s13+$0x0], $0xffff;
	[tilespmem:s22+$0xFFFFFD00] =	vst v19;
	s22 =	smov.u32 s1  }
0x124: {  	v11 =	vld.idx.msk [tilespmem:v11+s13+$0x0], $0xffff;
	[tilespmem:s1+$0xFFFFFFA0] =	vst v16  }
0x125: {  	v16 =	vor.u32 s30, v4;
	[tilespmem:s1+$0xFFFFFE10] =	vst v9;
	v18 =	vld.idx.msk [tilespmem:v18+s13+$0x0], $0xffff  }
0x126: {  	v19 =	vor.u32 s8, v5;
	v12 =	vld.idx.msk [tilespmem:v12+s13+$0x0], $0xffff;
	[tilespmem:s1+$0xFFFFFF20] =	vst v24  }
0x127: {  	v23 =	vor.u32 s28, v3;
	[tilespmem:s1+$0xFFFFFC30] =	vst v25;
	v20 =	vld.idx.msk [tilespmem:v20+s13+$0x0], $0xffff  }
0x128: {  	v21 =	vld.idx.msk [tilespmem:v21+s13+$0x0], $0xffff;
	[tilespmem:s1+$0xFFFFFD20] =	vst v17  }
0x129: {  	v9 =	vld.idx.msk [tilespmem:v13+s13+$0x0], $0xffff;
	[tilespmem:s1+$0xFFFFFDC0] =	vst v22;
	v13 =	vor.u32 s24, v3  }
0x12a: {  	v17 =	vor.u32 s2, v4;
	v16 =	vld.idx.msk [tilespmem:v16+s13+$0x0], $0xffff;
	[tilespmem:s1+$0xFFFFFED0] =	vst v11  }
0x12b: {  	v19 =	vld.idx.msk [tilespmem:v19+s13+$0x0], $0xffff;
	[tilespmem:s1+$0xFFFFFFB0] =	vst v18  }
0x12c: {  	v18 =	vor.u32 s30, v5;
	[tilespmem:s1+$0xFFFFFE20] =	vst v12;
	v22 =	vld.idx.msk [tilespmem:v23+s13+$0x0], $0xffff  }
0x12d: {  	v24 =	vor.u32 s8, v6;
	v23 =	vld.idx.msk [tilespmem:v14+s13+$0x0], $0xffff;
	[tilespmem:s1+$0xFFFFFF30] =	vst v20  }
0x12e: {  	[tilespmem:s1+$0xFFFFFC40] =	vst v21;
	v13 =	vld.idx.msk [tilespmem:v13+s13+$0x0], $0xffff;
	v21 =	vor.u32 s28, v4  }
.Ltmp3:
0x12f: {  	v11 =	vor.u32 s29, v3;
	v12 =	vld.idx.msk [tilespmem:v17+s13+$0x0], $0xffff;
	[tilespmem:s1+$0xFFFFFCA0] =	vst v15;
	(pc) =	sbr.rel @p3 .LBB2_5-.Ltmp3, $4  }
0x130: {  	v20 =	vor.u32 s25, v3;
	v14 =	vld.idx.msk [tilespmem:v10+s13+$0x0], $0xffff;
	[tilespmem:s1+$0xFFFFFDD0] =	vst v16  }
0x131: {  	v15 =	vld.idx.msk [tilespmem:v18+s13+$0x0], $0xffff;
	[tilespmem:s1+$0xFFFFFEE0] =	vst v19  }
0x132: {  	v17 =	vor.u32 s26, v3;
	v16 =	vld.idx.msk [tilespmem:v24+s13+$0x0], $0xffff;
	[tilespmem:s1+$0xFFFFFFC0] =	vst v22  }
0x133: {  	s2 =	sadd.s32 $0x20, s2;
	v10 =	vor.u32 s29, v4;
	v18 =	vor.u32 s30, v6;
	s1 =	sadd.s32 $0x400, s1;
	[tilespmem:s22+$0xFFFFFE30] =	vst v23;
	v19 =	vld.idx.msk [tilespmem:v21+s13+$0x0], $0xffff  }
0x134: {  	_ =	sdelay $0x1  }
0x135: {  	[tilespmem:s22+$0xFFFFFD30] =	vst v9  }
0x136: {  	[tilespmem:s22+$0xFFFFFC50] =	vst v12  }
0x137: {  	v31 =	vld.idx.msk [tilespmem:v11+s13+$0x0], $0xffff;
	v35 =	vor.u32 s24, v4;
	[tilespmem:s22+$0xFFFFFF40] =	vst v13  }
0x138: {  	v32 =	vld.idx.msk [tilespmem:v20+s13+$0x0], $0xffff;
	[tilespmem:s22+$0xFFFFFCB0] =	vst v14  }
0x139: {  	v33 =	vor.u32 s25, v4;
	[tilespmem:s22+$0xFFFFFDE0] =	vst v15;
	v34 =	vld.idx.msk [tilespmem:v17+s13+$0x0], $0xffff  }
0x13a: {  	v36 =	vor.u32 s28, v5;
	[tilespmem:s22+$0xFFFFFEF0] =	vst v16;
	v18 =	vld.idx.msk [tilespmem:v18+s13+$0x0], $0xffff  }
0x13b: {  	v37 =	vor.u32 s26, v4;
	[tilespmem:s22+$0xFFFFFFD0] =	vst v19;
	v8 =	vld.idx.msk [tilespmem:v8+s13+$0x0], $0xffff  }
0x13c: {  	v38 =	vor.u32 s30, v7;
	[tilespmem:s22+$0xFFFFFE40] =	vst v31;
	v42 =	vld.idx.msk [tilespmem:v35+s13+$0x0], $0xffff  }
0x13d: {  	v44 =	vor.u32 s24, v5;
	[tilespmem:s22+$0xFFFFFD40] =	vst v32;
	v10 =	vld.idx.msk [tilespmem:v10+s13+$0x0], $0xffff  }
0x13e: {  	v40 =	vor.u32 s29, v5;
	v39 =	vld.idx.msk [tilespmem:v33+s13+$0x0], $0xffff;
	[tilespmem:s22+$0xFFFFFCC0] =	vst v34  }
0x13f: {  	v41 =	vor.u32 s25, v5;
	v43 =	vld.idx.msk [tilespmem:v36+s13+$0x0], $0xffff;
	[tilespmem:s22+$0xFFFFFDF0] =	vst v18  }
0x140: {  	v9 =	vld.idx.msk [tilespmem:v37+s13+$0x0], $0xffff;
	[tilespmem:s22+$0xFFFFFF00] =	vst v8;
	v8 =	vor.u32 s23, v5  }
0x141: {  	v45 =	vor.u32 s26, v5;
	v11 =	vld.idx.msk [tilespmem:v38+s13+$0x0], $0xffff;
	[tilespmem:s22+$0xFFFFFF50] =	vst v42  }
0x142: {  	v46 =	vor.u32 s28, v6;
	[tilespmem:s22+$0xFFFFFE50] =	vst v10;
	v50 =	vld.idx.msk [tilespmem:v44+s13+$0x0], $0xffff  }
0x143: {  	v51 =	vor.u32 s24, v6;
	[tilespmem:s22+$0xFFFFFD50] =	vst v39;
	v47 =	vld.idx.msk [tilespmem:v40+s13+$0x0], $0xffff  }
0x144: {  	v48 =	vor.u32 s29, v6;
	[tilespmem:s22+$0xFFFFFFE0] =	vst v43;
	v13 =	vld.idx.msk [tilespmem:v41+s13+$0x0], $0xffff  }
0x145: {  	v49 =	vor.u32 s25, v6;
	[tilespmem:s22+$0xFFFFFCD0] =	vst v9;
	v8 =	vld.idx.msk [tilespmem:v8+s13+$0x0], $0xffff  }
0x146: {  	v52 =	vor.u32 s23, v6;
	[tilespmem:s22+$0xFFFFFE00] =	vst v11;
	v10 =	vld.idx.msk [tilespmem:v45+s13+$0x0], $0xffff  }
0x147: {  	v54 =	vor.u32 s26, v6;
	v53 =	vld.idx.msk [tilespmem:v46+s13+$0x0], $0xffff;
	[tilespmem:s22+$0xFFFFFF60] =	vst v50  }
0x148: {  	v55 =	vor.u32 s28, v7;
	[tilespmem:s22+$0xFFFFFE60] =	vst v47;
	v9 =	vld.idx.msk [tilespmem:v51+s13+$0x0], $0xffff  }
0x149: {  	v60 =	vor.u32 s24, v7;
	[tilespmem:s22+$0xFFFFFD60] =	vst v13;
	v56 =	vld.idx.msk [tilespmem:v48+s13+$0x0], $0xffff  }
0x14a: {  	v58 =	vor.u32 s29, v7;
	v57 =	vld.idx.msk [tilespmem:v49+s13+$0x0], $0xffff;
	[tilespmem:s22+$0xFFFFFC60] =	vst v8  }
0x14b: {  	v8 =	vor.u32 s25, v7;
	[tilespmem:s22+$0xFFFFFCE0] =	vst v10;
	v59 =	vld.idx.msk [tilespmem:v52+s13+$0x0], $0xffff  }
0x14c: {  	v61 =	vor.u32 s23, v7;
	[tilespmem:s22+$0xFFFFFFF0] =	vst v53;
	v12 =	vld.idx.msk [tilespmem:v54+s13+$0x0], $0xffff  }
0x14d: {  	v62 =	vor.u32 s26, v7;
	v17 =	vld.idx.msk [tilespmem:v55+s13+$0x0], $0xffff;
	[tilespmem:s22+$0xFFFFFF70] =	vst v9  }
0x14e: {  	[tilespmem:s22+$0xFFFFFE70] =	vst v56;
	v9 =	vld.idx.msk [tilespmem:v60+s13+$0x0], $0xffff  }
0x14f: {  	v15 =	vld.idx.msk [tilespmem:v58+s13+$0x0], $0xffff;
	[tilespmem:s22+$0xFFFFFD70] =	vst v57  }
0x150: {  	v8 =	vld.idx.msk [tilespmem:v8+s13+$0x0], $0xffff;
	[tilespmem:s22+$0xFFFFFC70] =	vst v59  }
0x151: {  	[tilespmem:s22+$0xFFFFFCF0] =	vst v12;
	v10 =	vld.idx.msk [tilespmem:v61+s13+$0x0], $0xffff  }
0x152: {  	s20 =	sadd.s32 $0x1, s20;
	[tilespmem:s22+$0x0] =	vst v17;
	v63 =	vld.idx.msk [tilespmem:v62+s13+$0x0], $0xffff  }
0x153: {  	p3 =	sne.s32 s20, $0x7A;
	[tilespmem:s22+$0xFFFFFF80] =	vst v9  }
.Ltmp4:
0x154: {  	[tilespmem:s22+$0xFFFFFE80] =	vst v15;
	(pc) =	sbr.rel @p3 .LBB2_2-.Ltmp4, $4  }
0x155: {  	s0 =	sshll.u32 s21, $0x9;
	[tilespmem:s22+$0xFFFFFD80] =	vst v8  }
0x156: {  	s0 =	sand.u32 $0x1FFFFE00, s0;
	[tilespmem:s22+$0xFFFFFC80] =	vst v10  }
0x157: {  	s1 =	simm.s32 $0x3000;
	s0 =	sadd.s32 s4, s0;
	[tilespmem:s22+$0xFFFFFD00] =	vst v63  }
0x158: {  	[hbm4b:s0+s3] =	stream.linear.scatter [tilespmem:s1], [sflag:$0x4], $0x1000, $0x38;
	[tilespmem:$0x4000] =	vst v63  }
.Ltmp5:
0x159: {  	(pc) =	sbr.rel @p1 .LBB2_8-.Ltmp5, $1  }
0x15a: {  	_ =	sdelay $0x3  }
0x15b: {  	_ =	swait.ge [sflag:s14], $0x1000;
	s0 =	simm.s32 $0x14  }
0x15c: {  	[sflag:s14] =	ssyncset.done $0x0;
	v8 =	vor.u32 s0, v0  }
0x15d: {  	s1 =	simm.s32 $0x3;
	[sflag:s14] =	ssyncadd.s32 $0xFFFFF000  }
0x15e: {  	_ =	swait.ge [sflag:s1], $0x1000  }
0x15f: {  	s28 =	simm.s32 $0xC;
	[sflag:s1] =	ssyncset.done $0x0  }
0x160: {  	s21 =	simm.s32 $0x0;
	v10 =	vor.u32 s28, v0;
	[sflag:s1] =	ssyncadd.s32 $0xFFFFF000  }
0x161: {  	v11 =	vor.u32 s21, v0;
	v8 =	vld.idx.msk [tilespmem:v8+s3+$0x0], $0xffff  }
0x162: {  	s22 =	simm.s32 $0x18;
	v9 =	vor.u32 s0, v1  }
0x163: {  	v12 =	vor.u32 s22, v0;
	_ =	sdelay $0x1  }
0x164: {  	s20 =	simm.s32 $0x2200;
	s25 =	simm.s32 $0x1C;
	v10 =	vld.idx.msk [tilespmem:v10+s3+$0x0], $0xffff  }
0x165: {  	v15 =	vor.u32 s25, v0;
	v11 =	vld.idx.msk [tilespmem:v11+s3+$0x0], $0xffff;
	[tilespmem:s20+$0x80] =	vst v8  }
0x166: {  	v16 =	vor.u32 s21, v1;
	v9 =	vld.idx.msk [tilespmem:v9+s3+$0x0], $0xffff  }
0x167: {  	v13 =	vor.u32 s0, v2;
	v12 =	vld.idx.msk [tilespmem:v12+s3+$0x0], $0xffff  }
0x168: {  	v14 =	vor.u32 s28, v1  }
0x169: {  	s23 =	simm.s32 $0x8;
	v17 =	vor.u32 s22, v1;
	[tilespmem:s20+$0xFFFFFF80] =	vst v10  }
0x16a: {  	s24 =	simm.s32 $0x4;
	v8 =	vor.u32 s23, v0;
	[tilespmem:s20+$0xFFFFFE00] =	vst v11;
	v11 =	vld.idx.msk [tilespmem:v15+s3+$0x0], $0xffff  }
0x16b: {  	s26 =	simm.s32 $0x10;
	v16 =	vld.idx.msk [tilespmem:v16+s3+$0x0], $0xffff;
	[tilespmem:s20+$0x90] =	vst v9;
	v9 =	vor.u32 s24, v0  }
0x16c: {  	[tilespmem:s20+$0x100] =	vst v12;
	v12 =	vor.u32 s26, v0;
	v10 =	vld.idx.msk [tilespmem:v13+s3+$0x0], $0xffff  }
0x16d: {  	v18 =	vor.u32 s25, v1;
	v13 =	vld.idx.msk [tilespmem:v14+s3+$0x0], $0xffff  }
0x16e: {  	v15 =	vor.u32 s28, v2;
	v17 =	vld.idx.msk [tilespmem:v17+s3+$0x0], $0xffff  }
0x16f: {  	v8 =	vld.idx.msk [tilespmem:v8+s3+$0x0], $0xffff;
	v14 =	vor.u32 s0, v3  }
0x170: {  	v19 =	vor.u32 s21, v2;
	[tilespmem:s20+$0x180] =	vst v11;
	v9 =	vld.idx.msk [tilespmem:v9+s3+$0x0], $0xffff  }
0x171: {  	v12 =	vld.idx.msk [tilespmem:v12+s3+$0x0], $0xffff;
	[tilespmem:s20+$0xA0] =	vst v10;
	v10 =	vor.u32 s24, v1  }
0x172: {  	v18 =	vld.idx.msk [tilespmem:v18+s3+$0x0], $0xffff;
	[tilespmem:s20+$0xFFFFFF90] =	vst v13;
	v13 =	vor.u32 s23, v1  }
0x173: {  	v20 =	vor.u32 s25, v2;
	[tilespmem:s20+$0xFFFFFE10] =	vst v16;
	v11 =	vld.idx.msk [tilespmem:v15+s3+$0x0], $0xffff  }
0x174: {  	[tilespmem:s20+$0xFFFFFF00] =	vst v8;
	v14 =	vld.idx.msk [tilespmem:v14+s3+$0x0], $0xffff;
	v15 =	vor.u32 s28, v3  }
0x175: {  	v16 =	vor.u32 s0, v4;
	[tilespmem:s20+$0xFFFFFE80] =	vst v9;
	v9 =	vld.idx.msk [tilespmem:v19+s3+$0x0], $0xffff  }
0x176: {  	[tilespmem:s20+$0x0] =	vst v12;
	v19 =	vor.u32 s26, v1;
	v8 =	vld.idx.msk [tilespmem:v10+s3+$0x0], $0xffff  }
0x177: {  	[tilespmem:s20+$0x190] =	vst v18;
	v10 =	vld.idx.msk [tilespmem:v13+s3+$0x0], $0xffff;
	v13 =	vor.u32 s21, v3  }
0x178: {  	v12 =	vld.idx.msk [tilespmem:v20+s3+$0x0], $0xffff;
	[tilespmem:s20+$0xFFFFFFA0] =	vst v11;
	v11 =	vor.u32 s22, v2  }
0x179: {  	[tilespmem:s20+$0xB0] =	vst v14;
	v14 =	vld.idx.msk [tilespmem:v15+s3+$0x0], $0xffff;
	v15 =	vor.u32 s23, v2  }
0x17a: {  	v18 =	vor.u32 s28, v4;
	v16 =	vld.idx.msk [tilespmem:v16+s3+$0x0], $0xffff  }
0x17b: {  	v20 =	vor.u32 s0, v5;
	v19 =	vld.idx.msk [tilespmem:v19+s3+$0x0], $0xffff;
	[tilespmem:s20+$0xFFFFFE20] =	vst v9  }
0x17c: {  	[tilespmem:s20+$0x110] =	vst v17;
	v17 =	vor.u32 s25, v3;
	v13 =	vld.idx.msk [tilespmem:v13+s3+$0x0], $0xffff  }
0x17d: {  	v21 =	vor.u32 s26, v2;
	[tilespmem:s20+$0xFFFFFF10] =	vst v10;
	v11 =	vld.idx.msk [tilespmem:v11+s3+$0x0], $0xffff  }
0x17e: {  	v10 =	vor.u32 s22, v3;
	v9 =	vld.idx.msk [tilespmem:v15+s3+$0x0], $0xffff;
	[tilespmem:s20+$0xFFFFFFB0] =	vst v14  }
0x17f: {  	v14 =	vor.u32 s21, v4;
	[tilespmem:s20+$0xC0] =	vst v16;
	v15 =	vld.idx.msk [tilespmem:v18+s3+$0x0], $0xffff  }
0x180: {  	[tilespmem:s20+$0x1A0] =	vst v12;
	v18 =	vld.idx.msk [tilespmem:v20+s3+$0x0], $0xffff;
	v20 =	vor.u32 s28, v5  }
0x181: {  	v16 =	vor.u32 s24, v2;
	[tilespmem:s20+$0x10] =	vst v19;
	v19 =	vld.idx.msk [tilespmem:v17+s3+$0x0], $0xffff  }
0x182: {  	v22 =	vor.u32 s0, v6;
	v21 =	vld.idx.msk [tilespmem:v21+s3+$0x0], $0xffff;
	[tilespmem:s20+$0x120] =	vst v11  }
0x183: {  	v23 =	vor.u32 s25, v4;
	[tilespmem:s20+$0xFFFFFE30] =	vst v13;
	v13 =	vld.idx.msk [tilespmem:v10+s3+$0x0], $0xffff  }
0x184: {  	v11 =	vor.u32 s26, v3;
	v12 =	vld.idx.msk [tilespmem:v14+s3+$0x0], $0xffff;
	[tilespmem:s20+$0xFFFFFFC0] =	vst v15  }
0x185: {  	[tilespmem:s20+$0xFFFFFE90] =	vst v8;
	v15 =	vld.idx.msk [tilespmem:v20+s3+$0x0], $0xffff;
	v20 =	vor.u32 s23, v3  }
0x186: {  	v14 =	vld.idx.msk [tilespmem:v16+s3+$0x0], $0xffff;
	[tilespmem:s20+$0xD0] =	vst v18  }
0x187: {  	v8 =	vor.u32 s0, v7;
	v17 =	vor.u32 s24, v3;
	v16 =	vld.idx.msk [tilespmem:v22+s3+$0x0], $0xffff;
	[tilespmem:s20+$0x1B0] =	vst v19  }
0x188: {  	s2 =	simm.s32 $0x20;
	s1 =	simm.s32 $0x2600;
	s0 =	simm.s32 $0x0;
	v10 =	vor.u32 s26, v4;
	v18 =	vor.u32 s28, v6;
	[tilespmem:s20+$0x20] =	vst v21;
	v19 =	vld.idx.msk [tilespmem:v23+s3+$0x0], $0xffff  }
.LBB2_10:
0x189: {  	v21 =	vor.u32 s2, v0;
	s18 =	sadd.s32 $0x4, s2;
	s10 =	sadd.s32 $0x10, s2;
	s6 =	sadd.s32 $0x18, s2;
	[tilespmem:s20+$0xFFFFFF20] =	vst v9;
	v22 =	vld.idx.msk [tilespmem:v11+s3+$0x0], $0xffff;
	v23 =	vor.u32 s25, v5  }
0x18a: {  	s9 =	sadd.s32 $0x8, s2;
	s8 =	sadd.s32 $0x14, s2;
	s19 =	sadd.s32 $0x1C, s2;
	v11 =	vor.u32 s18, v0;
	v9 =	vor.u32 s10, v0;
	v24 =	vor.u32 s6, v0;
	v20 =	vld.idx.msk [tilespmem:v20+s3+$0x0], $0xffff  }
0x18b: {  	s17 =	sadd.s32 $0xC, s2;
	s0 =	sadd.s32 $0x8, s0;
	v25 =	vor.u32 s9, v0;
	v26 =	vor.u32 s8, v0;
	v27 =	vor.u32 s19, v0;
	[tilespmem:s20+$0xFFFFFEA0] =	vst v14  }
0x18c: {  	v28 =	vor.u32 s8, v7;
	p3 =	slt.u32 s0, $0x18;
	v14 =	vor.u32 s17, v0;
	v17 =	vld.idx.msk [tilespmem:v17+s3+$0x0], $0xffff;
	[tilespmem:s20+$0xFFFFFFD0] =	vst v15  }
0x18d: {  	v29 =	vor.u32 s23, v4;
	v18 =	vld.idx.msk [tilespmem:v18+s3+$0x0], $0xffff;
	[tilespmem:s20+$0xE0] =	vst v16  }
0x18e: {  	v30 =	vor.u32 s24, v4;
	v31 =	vld.idx.msk [tilespmem:v8+s3+$0x0], $0xffff;
	[tilespmem:s20+$0x1C0] =	vst v19;
	v8 =	vmov v28  }
0x18f: {  	v19 =	vld.idx.msk [tilespmem:v21+s3+$0x0], $0xffff;
	v21 =	vor.u32 s28, v7;
	[tilespmem:s20+$0x30] =	vst v22;
	s28 =	smov.u32 s17  }
0x190: {  	v22 =	vor.u32 s2, v1;
	[tilespmem:s20+$0xFFFFFF30] =	vst v20;
	v20 =	vld.idx.msk [tilespmem:v23+s3+$0x0], $0xffff  }
0x191: {  	v15 =	vor.u32 s18, v1;
	[tilespmem:s20+$0xFFFFFE40] =	vst v12;
	v10 =	vld.idx.msk [tilespmem:v10+s3+$0x0], $0xffff  }
0x192: {  	v16 =	vor.u32 s19, v1;
	[tilespmem:s20+$0xFFFFFEB0] =	vst v17;
	v23 =	vld.idx.msk [tilespmem:v29+s3+$0x0], $0xffff  }
0x193: {  	v12 =	vor.u32 s10, v1;
	v28 =	vld.idx.msk [tilespmem:v30+s3+$0x0], $0xffff;
	[tilespmem:s20+$0xFFFFFFE0] =	vst v18;
	v18 =	vor.u32 s26, v5  }
0x194: {  	v29 =	vor.u32 s8, v1;
	v21 =	vld.idx.msk [tilespmem:v21+s3+$0x0], $0xffff;
	[tilespmem:s20+$0xF0] =	vst v31  }
0x195: {  	[tilespmem:s1+$0xFFFFFE00] =	vst v19;
	v19 =	vld.idx.msk [tilespmem:v26+s3+$0x0], $0xffff;
	v26 =	vor.u32 s23, v5  }
0x196: {  	v17 =	vor.u32 s9, v1;
	v30 =	vor.u32 s22, v4;
	v25 =	vld.idx.msk [tilespmem:v25+s3+$0x0], $0xffff;
	[tilespmem:s20+$0x1D0] =	vst v20  }
0x197: {  	v31 =	vor.u32 s25, v6;
	v20 =	vor.u32 s28, v1;
	v27 =	vld.idx.msk [tilespmem:v27+s3+$0x0], $0xffff;
	[tilespmem:s20+$0x40] =	vst v10  }
0x198: {  	v32 =	vor.u32 s2, v2;
	v10 =	vor.u32 s18, v2;
	[tilespmem:s20+$0xFFFFFF40] =	vst v23;
	v23 =	vld.idx.msk [tilespmem:v18+s3+$0x0], $0xffff  }
0x199: {  	v18 =	vor.u32 s19, v2;
	v33 =	vld.idx.msk [tilespmem:v14+s3+$0x0], $0xffff;
	[tilespmem:s20+$0xFFFFFEC0] =	vst v28  }
0x19a: {  	v14 =	vor.u32 s10, v2;
	v28 =	vor.u32 s21, v5;
	v26 =	vld.idx.msk [tilespmem:v26+s3+$0x0], $0xffff;
	[tilespmem:s20+$0x130] =	vst v13  }
0x19b: {  	v34 =	vor.u32 s24, v5;
	[tilespmem:s1+$0x80] =	vst v19;
	v19 =	vor.u32 s8, v2;
	v30 =	vld.idx.msk [tilespmem:v30+s3+$0x0], $0xffff  }
0x19c: {  	v35 =	vor.u32 s6, v1;
	[tilespmem:s20+$0xFFFFFFF0] =	vst v21;
	v21 =	vor.u32 s26, v6;
	v31 =	vld.idx.msk [tilespmem:v31+s3+$0x0], $0xffff  }
0x19d: {  	v13 =	vor.u32 s9, v2;
	v24 =	vld.idx.msk [tilespmem:v24+s3+$0x0], $0xffff;
	[tilespmem:s1+$0x180] =	vst v27;
	v27 =	vor.u32 s22, v5  }
0x19e: {  	v36 =	vor.u32 s28, v2;
	v29 =	vld.idx.msk [tilespmem:v29+s3+$0x0], $0xffff;
	[tilespmem:s20+$0x50] =	vst v23;
	v23 =	vor.u32 s25, v7;
	s25 =	smov.u32 s19  }
0x19f: {  	[tilespmem:s1+$0xFFFFFF00] =	vst v25;
	v25 =	vld.idx.msk [tilespmem:v28+s3+$0x0], $0xffff;
	v28 =	vor.u32 s23, v6  }
0x1a0: {  	v34 =	vld.idx.msk [tilespmem:v34+s3+$0x0], $0xffff;
	[tilespmem:s20+$0xFFFFFF50] =	vst v26  }
0x1a1: {  	v21 =	vld.idx.msk [tilespmem:v21+s3+$0x0], $0xffff;
	[tilespmem:s20+$0x140] =	vst v30  }
0x1a2: {  	v26 =	vor.u32 s21, v6;
	v27 =	vld.idx.msk [tilespmem:v27+s3+$0x0], $0xffff;
	[tilespmem:s20+$0x1E0] =	vst v31  }
0x1a3: {  	v30 =	vor.u32 s24, v6;
	[tilespmem:s1+$0xFFFFFF80] =	vst v33;
	v23 =	vld.idx.msk [tilespmem:v23+s3+$0x0], $0xffff  }
0x1a4: {  	[tilespmem:s1+$0x90] =	vst v29;
	v28 =	vld.idx.msk [tilespmem:v28+s3+$0x0], $0xffff  }
0x1a5: {  	v19 =	vld.idx.msk [tilespmem:v19+s3+$0x0], $0xffff;
	[tilespmem:s20+$0xFFFFFE50] =	vst v25;
	v25 =	vor.u32 s22, v6  }
0x1a6: {  	v29 =	vor.u32 s26, v7;
	s26 =	smov.u32 s10;
	v22 =	vld.idx.msk [tilespmem:v22+s3+$0x0], $0xffff;
	[tilespmem:s20+$0xFFFFFED0] =	vst v34  }
0x1a7: {  	v26 =	vld.idx.msk [tilespmem:v26+s3+$0x0], $0xffff;
	[tilespmem:s20+$0x60] =	vst v21  }
0x1a8: {  	v21 =	vld.idx.msk [tilespmem:v30+s3+$0x0], $0xffff;
	v30 =	vor.u32 s23, v7;
	[tilespmem:s20+$0x150] =	vst v27;
	s23 =	smov.u32 s9  }
0x1a9: {  	v27 =	vor.u32 s8, v3;
	v20 =	vld.idx.msk [tilespmem:v20+s3+$0x0], $0xffff;
	[tilespmem:s20+$0x1F0] =	vst v23  }
0x1aa: {  	[tilespmem:s1+$0x100] =	vst v24;
	v23 =	vld.idx.msk [tilespmem:v25+s3+$0x0], $0xffff  }
0x1ab: {  	[tilespmem:s1+$0xA0] =	vst v19;
	v19 =	vld.idx.msk [tilespmem:v29+s3+$0x0], $0xffff  }
0x1ac: {  	v25 =	vor.u32 s22, v7;
	s22 =	smov.u32 s6;
	v24 =	vld.idx.msk [tilespmem:v35+s3+$0x0], $0xffff;
	[tilespmem:s20+$0xFFFFFF60] =	vst v28  }
0x1ad: {  	v28 =	vor.u32 s24, v7;
	s24 =	smov.u32 s18;
	[tilespmem:s1+$0xFFFFFE10] =	vst v22;
	v22 =	vor.u32 s21, v7;
	v29 =	vld.idx.msk [tilespmem:v30+s3+$0x0], $0xffff;
	s21 =	smov.u32 s2  }
0x1ae: {  	v27 =	vld.idx.msk [tilespmem:v27+s3+$0x0], $0xffff;
	[tilespmem:s20+$0xFFFFFEE0] =	vst v21  }
0x1af: {  	v11 =	vld.idx.msk [tilespmem:v11+s3+$0x0], $0xffff;
	[tilespmem:s1+$0xFFFFFF90] =	vst v20  }
0x1b0: {  	v20 =	vld.idx.msk [tilespmem:v36+s3+$0x0], $0xffff;
	[tilespmem:s20+$0x160] =	vst v23  }
0x1b1: {  	[tilespmem:s20+$0xFFFFFE60] =	vst v26;
	v21 =	vld.idx.msk [tilespmem:v25+s3+$0x0], $0xffff  }
0x1b2: {  	v22 =	vld.idx.msk [tilespmem:v22+s3+$0x0], $0xffff;
	[tilespmem:s20+$0x70] =	vst v19  }
0x1b3: {  	v19 =	vld.idx.msk [tilespmem:v28+s3+$0x0], $0xffff;
	[tilespmem:s20+$0xFFFFFF70] =	vst v29  }
0x1b4: {  	v23 =	vor.u32 s28, v3;
	[tilespmem:s1+$0xB0] =	vst v27;
	v16 =	vld.idx.msk [tilespmem:v16+s3+$0x0], $0xffff  }
0x1b5: {  	[tilespmem:s1+$0xFFFFFE80] =	vst v11;
	v9 =	vld.idx.msk [tilespmem:v9+s3+$0x0], $0xffff;
	v11 =	vor.u32 s8, v4  }
0x1b6: {  	v25 =	vld.idx.msk [tilespmem:v32+s3+$0x0], $0xffff;
	[tilespmem:s1+$0xFFFFFFA0] =	vst v20  }
0x1b7: {  	v15 =	vld.idx.msk [tilespmem:v15+s3+$0x0], $0xffff;
	[tilespmem:s20+$0x170] =	vst v21  }
0x1b8: {  	v20 =	vor.u32 s22, v2;
	v17 =	vld.idx.msk [tilespmem:v17+s3+$0x0], $0xffff;
	[tilespmem:s20+$0xFFFFFE70] =	vst v22  }
0x1b9: {  	v21 =	vor.u32 s2, v3;
	v22 =	vld.idx.msk [tilespmem:v23+s3+$0x0], $0xffff;
	[tilespmem:s20+$0xFFFFFEF0] =	vst v19;
	s20 =	smov.u32 s1  }
0x1ba: {  	v11 =	vld.idx.msk [tilespmem:v11+s3+$0x0], $0xffff;
	[tilespmem:s1+$0x190] =	vst v16  }
0x1bb: {  	v16 =	vor.u32 s28, v4;
	[tilespmem:s1+$0x0] =	vst v9;
	v18 =	vld.idx.msk [tilespmem:v18+s3+$0x0], $0xffff  }
0x1bc: {  	v19 =	vor.u32 s8, v5;
	v12 =	vld.idx.msk [tilespmem:v12+s3+$0x0], $0xffff;
	[tilespmem:s1+$0x110] =	vst v24  }
0x1bd: {  	v23 =	vor.u32 s25, v3;
	[tilespmem:s1+$0xFFFFFE20] =	vst v25;
	v20 =	vld.idx.msk [tilespmem:v20+s3+$0x0], $0xffff  }
0x1be: {  	v21 =	vld.idx.msk [tilespmem:v21+s3+$0x0], $0xffff;
	[tilespmem:s1+$0xFFFFFF10] =	vst v17  }
0x1bf: {  	v9 =	vld.idx.msk [tilespmem:v13+s3+$0x0], $0xffff;
	[tilespmem:s1+$0xFFFFFFB0] =	vst v22;
	v13 =	vor.u32 s22, v3  }
0x1c0: {  	v17 =	vor.u32 s2, v4;
	v16 =	vld.idx.msk [tilespmem:v16+s3+$0x0], $0xffff;
	[tilespmem:s1+$0xC0] =	vst v11  }
0x1c1: {  	v19 =	vld.idx.msk [tilespmem:v19+s3+$0x0], $0xffff;
	[tilespmem:s1+$0x1A0] =	vst v18  }
0x1c2: {  	v18 =	vor.u32 s28, v5;
	[tilespmem:s1+$0x10] =	vst v12;
	v22 =	vld.idx.msk [tilespmem:v23+s3+$0x0], $0xffff  }
0x1c3: {  	v24 =	vor.u32 s8, v6;
	v23 =	vld.idx.msk [tilespmem:v14+s3+$0x0], $0xffff;
	[tilespmem:s1+$0x120] =	vst v20  }
0x1c4: {  	[tilespmem:s1+$0xFFFFFE30] =	vst v21;
	v13 =	vld.idx.msk [tilespmem:v13+s3+$0x0], $0xffff;
	v21 =	vor.u32 s25, v4  }
.Ltmp6:
0x1c5: {  	v11 =	vor.u32 s26, v3;
	v12 =	vld.idx.msk [tilespmem:v17+s3+$0x0], $0xffff;
	[tilespmem:s1+$0xFFFFFE90] =	vst v15;
	(pc) =	sbr.rel @p3 .LBB2_10-.Ltmp6, $4  }
0x1c6: {  	v20 =	vor.u32 s23, v3;
	v14 =	vld.idx.msk [tilespmem:v10+s3+$0x0], $0xffff;
	[tilespmem:s1+$0xFFFFFFC0] =	vst v16  }
0x1c7: {  	v15 =	vld.idx.msk [tilespmem:v18+s3+$0x0], $0xffff;
	[tilespmem:s1+$0xD0] =	vst v19  }
0x1c8: {  	v17 =	vor.u32 s24, v3;
	v16 =	vld.idx.msk [tilespmem:v24+s3+$0x0], $0xffff;
	[tilespmem:s1+$0x1B0] =	vst v22  }
0x1c9: {  	s2 =	sadd.s32 $0x20, s2;
	v10 =	vor.u32 s26, v4;
	v18 =	vor.u32 s28, v6;
	s1 =	sadd.s32 $0x400, s1;
	[tilespmem:s20+$0x20] =	vst v23;
	v19 =	vld.idx.msk [tilespmem:v21+s3+$0x0], $0xffff  }
0x1ca: {  	_ =	sdelay $0x1  }
0x1cb: {  	[tilespmem:s20+$0xFFFFFF20] =	vst v9  }
0x1cc: {  	[tilespmem:s20+$0xFFFFFE40] =	vst v12  }
0x1cd: {  	v31 =	vld.idx.msk [tilespmem:v11+s3+$0x0], $0xffff;
	v35 =	vor.u32 s22, v4;
	[tilespmem:s20+$0x130] =	vst v13  }
0x1ce: {  	v32 =	vld.idx.msk [tilespmem:v20+s3+$0x0], $0xffff;
	[tilespmem:s20+$0xFFFFFEA0] =	vst v14  }
0x1cf: {  	v33 =	vor.u32 s23, v4;
	[tilespmem:s20+$0xFFFFFFD0] =	vst v15;
	v34 =	vld.idx.msk [tilespmem:v17+s3+$0x0], $0xffff  }
0x1d0: {  	v36 =	vor.u32 s25, v5;
	[tilespmem:s20+$0xE0] =	vst v16;
	v18 =	vld.idx.msk [tilespmem:v18+s3+$0x0], $0xffff  }
0x1d1: {  	v37 =	vor.u32 s24, v4;
	[tilespmem:s20+$0x1C0] =	vst v19;
	v8 =	vld.idx.msk [tilespmem:v8+s3+$0x0], $0xffff  }
0x1d2: {  	v38 =	vor.u32 s28, v7;
	[tilespmem:s20+$0x30] =	vst v31;
	v42 =	vld.idx.msk [tilespmem:v35+s3+$0x0], $0xffff  }
0x1d3: {  	v44 =	vor.u32 s22, v5;
	[tilespmem:s20+$0xFFFFFF30] =	vst v32;
	v10 =	vld.idx.msk [tilespmem:v10+s3+$0x0], $0xffff  }
0x1d4: {  	v40 =	vor.u32 s26, v5;
	v39 =	vld.idx.msk [tilespmem:v33+s3+$0x0], $0xffff;
	[tilespmem:s20+$0xFFFFFEB0] =	vst v34  }
0x1d5: {  	v41 =	vor.u32 s23, v5;
	v43 =	vld.idx.msk [tilespmem:v36+s3+$0x0], $0xffff;
	[tilespmem:s20+$0xFFFFFFE0] =	vst v18  }
0x1d6: {  	v9 =	vld.idx.msk [tilespmem:v37+s3+$0x0], $0xffff;
	[tilespmem:s20+$0xF0] =	vst v8;
	v8 =	vor.u32 s21, v5  }
0x1d7: {  	v45 =	vor.u32 s24, v5;
	v11 =	vld.idx.msk [tilespmem:v38+s3+$0x0], $0xffff;
	[tilespmem:s20+$0x140] =	vst v42  }
0x1d8: {  	v46 =	vor.u32 s25, v6;
	[tilespmem:s20+$0x40] =	vst v10;
	v50 =	vld.idx.msk [tilespmem:v44+s3+$0x0], $0xffff  }
0x1d9: {  	v51 =	vor.u32 s22, v6;
	[tilespmem:s20+$0xFFFFFF40] =	vst v39;
	v47 =	vld.idx.msk [tilespmem:v40+s3+$0x0], $0xffff  }
0x1da: {  	v48 =	vor.u32 s26, v6;
	[tilespmem:s20+$0x1D0] =	vst v43;
	v13 =	vld.idx.msk [tilespmem:v41+s3+$0x0], $0xffff  }
0x1db: {  	v49 =	vor.u32 s23, v6;
	[tilespmem:s20+$0xFFFFFEC0] =	vst v9;
	v8 =	vld.idx.msk [tilespmem:v8+s3+$0x0], $0xffff  }
0x1dc: {  	v52 =	vor.u32 s21, v6;
	[tilespmem:s20+$0xFFFFFFF0] =	vst v11;
	v10 =	vld.idx.msk [tilespmem:v45+s3+$0x0], $0xffff  }
0x1dd: {  	v54 =	vor.u32 s24, v6;
	v53 =	vld.idx.msk [tilespmem:v46+s3+$0x0], $0xffff;
	[tilespmem:s20+$0x150] =	vst v50  }
0x1de: {  	v55 =	vor.u32 s25, v7;
	[tilespmem:s20+$0x50] =	vst v47;
	v9 =	vld.idx.msk [tilespmem:v51+s3+$0x0], $0xffff  }
0x1df: {  	v60 =	vor.u32 s22, v7;
	[tilespmem:s20+$0xFFFFFF50] =	vst v13;
	v56 =	vld.idx.msk [tilespmem:v48+s3+$0x0], $0xffff  }
0x1e0: {  	v58 =	vor.u32 s26, v7;
	v57 =	vld.idx.msk [tilespmem:v49+s3+$0x0], $0xffff;
	[tilespmem:s20+$0xFFFFFE50] =	vst v8  }
0x1e1: {  	v8 =	vor.u32 s23, v7;
	[tilespmem:s20+$0xFFFFFED0] =	vst v10;
	v59 =	vld.idx.msk [tilespmem:v52+s3+$0x0], $0xffff  }
0x1e2: {  	v61 =	vor.u32 s21, v7;
	[tilespmem:s20+$0x1E0] =	vst v53;
	v12 =	vld.idx.msk [tilespmem:v54+s3+$0x0], $0xffff  }
0x1e3: {  	v62 =	vor.u32 s24, v7;
	v17 =	vld.idx.msk [tilespmem:v55+s3+$0x0], $0xffff;
	[tilespmem:s20+$0x160] =	vst v9  }
0x1e4: {  	[tilespmem:s20+$0x60] =	vst v56;
	v9 =	vld.idx.msk [tilespmem:v60+s3+$0x0], $0xffff  }
0x1e5: {  	v15 =	vld.idx.msk [tilespmem:v58+s3+$0x0], $0xffff;
	[tilespmem:s20+$0xFFFFFF60] =	vst v57  }
0x1e6: {  	v8 =	vld.idx.msk [tilespmem:v8+s3+$0x0], $0xffff;
	[tilespmem:s20+$0xFFFFFE60] =	vst v59  }
0x1e7: {  	[tilespmem:s20+$0xFFFFFEE0] =	vst v12;
	v10 =	vld.idx.msk [tilespmem:v61+s3+$0x0], $0xffff  }
0x1e8: {  	[tilespmem:s20+$0x1F0] =	vst v17;
	v63 =	vld.idx.msk [tilespmem:v62+s3+$0x0], $0xffff  }
0x1e9: {  	[tilespmem:s20+$0x170] =	vst v9  }
0x1ea: {  	[tilespmem:s20+$0x70] =	vst v15  }
0x1eb: {  	[tilespmem:s20+$0xFFFFFF70] =	vst v8  }
.Ltmp7:
0x1ec: {  	[tilespmem:s20+$0xFFFFFE70] =	vst v10;
	(pc) =	sbr.rel .LBB2_12-.Ltmp7, $4  }
0x1ed: {  	[tilespmem:s20+$0xFFFFFEF0] =	vst v63  }
0x1ee: {  	s0 =	rddreg [dreg:$0x5]  }
0x1ef: {  	[hbm4b:s0+s3] =	stream.linear.scatter [tilespmem:s15], [sflag:$0x3], $0x1000, $0x38;
	[tilespmem:$0x4000] =	vst v63  }
0x1f0: {  	s1 =	simm.s32 $0x4;
	s8 =	rddreg [dreg:$0x8];
	s0 =	simm.s32 $0x3  }
.LBB2_13:
0x1f1: {  	_ =	sfence.sel $0x180000  }
0x1f2: {  	[bflag:$0x0] =	sbarrier.arrive $0xFFFF  }
0x1f3: {  	_ =	strace $0x90000047  }
0x1f4: {  	s0 =	stileid.u32;
	[bflag:$0x2] =	sbarrier.arrive $0xFFFF  }
0x1f5: {  	p0 =	sne.s32 s0, $0x0;
	s0 =	rddreg [dreg:$0x3]  }
0x1f6: {  	s0 =	sadd.s32 @!p0 $0x100000, s0  }
0x1f7: {  	[sflag:s0] =	ssyncadd.tile.s32 @!p0 $0x1;
	_ =	shalt  }
.Lfunc_end2:
_tile_overlayer_lowered:
.L_overlay_start_2:
0x1f8: {  	(tag) =	ssettag $0x2  }
0x1f9: {  	s0 =	rddreg [dreg:$0x0];
	s2 =	stileid.u32  }
0x1fa: {  	s1 =	rddreg [dreg:$0x1];
	p0 =	sne.s32 s2, $0x0  }
0x1fb: {  	s3 =	rddreg [dreg:$0x2];
	[bflag:$0x3] =	sbarrier.arrive $0xFFFF;
	s2 =	simm.s32 @!p0 $0x1C05  }
0x1fc: {  	[timem:s3], [sflag:s2] =	dma.local @!p0 [hbm:s0], s1  }
0x1fd: {  	s0 =	simm.s32 @!p0 $0x5  }
0x1fe: {  	_ =	swait.ge @!p0 [sflag:s0], s1  }
0x1ff: {  	s1 =	ssub.s32 @!p0 $0x0, s1;
	[sflag:s0] =	ssyncset.done @!p0 $0x0  }
0x200: {  	[sflag:s0] =	ssyncadd.s32 @!p0 s1  }
0x201: {  	[bflag:$0x3] =	sbarrier.arrive $0xFFFF  }
0x202: {  	_ =	shalt  }

// kernel: _run.7.cloned.1.call-start
scs
__scs_entry_jumppad:
0x0: {  	(pc) =	sbr.rel $0x88, $3  }
0x1: {  	(tag) =	ssettag $0x0;
	lr =	simm.s32 $0x1  }
0x2: {  	[smem:$0x3F9D] =	sst lr;
	_ =	strace $0xD0000000  }
0x3: {  	_ = 	snop  }
0x4: {  	_ = 	snop  }
0x5: {  	_ = 	snop  }
0x6: {  	_ = 	snop  }
0x7: {  	_ = 	snop  }
__scs_overlays_trampoline_lowered:
0x8: {  	[smem:$0x3FAC] =	sst s0  }
0x9: {  	[smem:$0x3FAD] =	sst s1  }
0xa: {  	[smem:$0x3FAE] =	sst s2  }
0xb: {  	[smem:$0x3FAF] =	sst s3  }
0xc: {  	[smem:$0x3FB0] =	sst s4  }
0xd: {  	[smem:$0x3FB1] =	sst s5  }
0xe: {  	[smem:$0x3FB2] =	sst s6  }
0xf: {  	[smem:$0x3FB3] =	sst s7  }
0x10: {  	[smem:$0x3FB4] =	sst s8  }
0x11: {  	[smem:$0x3FB5] =	sst s9;
	s0 =	simm.s32 @!p0 $0x0  }
0x12: {  	s1 =	sld [smem:$0x3F9B];
	s0 =	simm.s32 @p0 $0x1  }
0x13: {  	[smem:$0x3FB6] =	sst s0;
	s0 =	simm.s32 @!p1 $0x0  }
0x14: {  	s2 =	sld [smem:$0x3F9A];
	s0 =	simm.s32 @p1 $0x1  }
0x15: {  	[smem:$0x3FB7] =	sst s0;
	s0 =	simm.s32 @!p2 $0x0  }
0x16: {  	s3 =	sld [smem:$0x3FDB];
	s0 =	simm.s32 @p2 $0x1  }
0x17: {  	s4 =	simm.s32 $0x1BF5;
	[smem:$0x3FB9] =	sst s0  }
0x18: {  	s0 =	sld [smem:$0x3F9C];
	_ =	swait.ge [sflag:s4], $0x0  }
0x19: {  	s7 =	sld [smem:$0x3F9D]  }
0x1a: {  	s8 =	sadd.s32 $0xFFFFE003, lr  }
0x1b: {  	s9 =	sadd.s32 $0xFFFFFEF7, lr;
	s5 =	simm.s32 $0xFFFFFFFF;
	p2 =	slt.u32 s8, $0xFFFFF086  }
0x1c: {  	p1 =	slt.u32 s9, $0xF7A;
	s5 =	simm.s32 @!p2 $0x0  }
0x1d: {  	s5 =	simm.s32 @p1 $0x1;
	p0 =	seq.s32 s7, s2  }
0x1e: {  	s7 =	smul.u32 @!p0 $0xF7A, s2;
	p2 =	seq.s32 @!p0 s5, $0x0  }
0x1f: {  	s9 =	smul.u32 $0xF7A, s1;
	s8 =	simm.s32 @!p0 $0x1BF5;
	p2 =	por !p2, p0  }
0x20: {  	[sflag:s8] =	ssyncset.s32 @!p0 $0xFFFFF086;
	s6 =	sadd.s32 @!p0 s3, s7;
	s7 =	simm.s32 @!p0 $0x108  }
0x21: {  	s3 =	sadd.s32 s3, s9;
	s6 =	sadd.s32 @!p0 $0x88, s6;
	s7 =	simm.s32 @p2 $0x1082  }
0x22: {  	[simem:s7], [sflag:s8] =	dma.local @!p0 [hbm:s6], $0xF7A  }
0x23: {  	s9 =	sor.u32 $0xD0000000, s2;
	s6 =	simm.s32 $0x108;
	_ =	swait.ge @!p0 [sflag:s8], $0x0  }
0x24: {  	s3 =	sadd.s32 $0x88, s3;
	s6 =	simm.s32 @!p1 $0x1082;
	[sflag:s4] =	ssyncset.s32 $0xFFFFF086  }
0x25: {  	[simem:s6], [sflag:s4] =	dma.local [hbm:s3], $0xF7A  }
0x26: {  	[smem:$0x3F9D] =	sst s1;
	(tag) =	ssettag s2;
	_ =	strace s9  }
0x27: {  	s1 =	sld [smem:$0x3FAD]  }
0x28: {  	s2 =	sld [smem:$0x3FAE]  }
0x29: {  	s4 =	sld [smem:$0x3FB0]  }
0x2a: {  	p0 =	seq.s32 s5, $0x0;
	s5 =	sld [smem:$0x3FB1]  }
0x2b: {  	s6 =	sld [smem:$0x3FB2]  }
0x2c: {  	s7 =	sld [smem:$0x3FB3]  }
0x2d: {  	s3 =	simm.s32 $0x108;
	s8 =	sld [smem:$0x3FB4]  }
0x2e: {  	s3 =	simm.s32 @!p0 $0x1082;
	s9 =	sld [smem:$0x3FB5]  }
0x2f: {  	lr =	sadd.s32 s0, s3;
	s0 =	sld [smem:$0x3FAC]  }
0x30: {  	s3 =	sld [smem:$0x3FAF]  }
0x31: {  	[smem:$0x3FB8] =	sst s10  }
0x32: {  	s10 =	sld [smem:$0x3FB6];
	_ =	sdelay $0x3  }
0x33: {  	p0 =	seq.s32 s10, $0x1;
	s10 =	sld [smem:$0x3FB8];
	_ =	sdelay $0x3  }
0x34: {  	[smem:$0x3FB8] =	sst s10  }
0x35: {  	s10 =	sld [smem:$0x3FB7];
	_ =	sdelay $0x3  }
0x36: {  	p1 =	seq.s32 s10, $0x1;
	s10 =	sld [smem:$0x3FB8];
	_ =	sdelay $0x3  }
0x37: {  	[smem:$0x3FB8] =	sst s10  }
0x38: {  	s10 =	sld [smem:$0x3FB9]  }
0x39: {  	_ = 	snop;
	(pc) =	sbr.ind lr, $3  }
0x3a: {  	_ = 	snop  }
0x3b: {  	_ = 	snop  }
0x3c: {  	p2 =	seq.s32 s10, $0x1;
	s10 =	sld [smem:$0x3FB8]  }
0x3d: {  	_ =	shalt  }
0x3e: {  	_ =	shalt  }
0x3f: {  	_ =	shalt  }
0x40: {  	_ =	shalt  }
0x41: {  	_ =	shalt  }
0x42: {  	_ =	shalt  }
0x43: {  	_ =	shalt  }
0x44: {  	_ =	shalt  }
0x45: {  	_ =	shalt  }
0x46: {  	_ =	shalt  }
0x47: {  	_ =	shalt  }
0x48: {  	_ =	shalt  }
0x49: {  	_ =	shalt  }
0x4a: {  	_ =	shalt  }
0x4b: {  	_ =	shalt  }
0x4c: {  	_ =	shalt  }
0x4d: {  	_ =	shalt  }
0x4e: {  	_ =	shalt  }
0x4f: {  	_ =	shalt  }
0x50: {  	_ =	shalt  }
0x51: {  	_ =	shalt  }
0x52: {  	_ =	shalt  }
0x53: {  	_ =	shalt  }
0x54: {  	_ =	shalt  }
0x55: {  	_ =	shalt  }
0x56: {  	_ =	shalt  }
0x57: {  	_ =	shalt  }
0x58: {  	_ =	shalt  }
0x59: {  	_ =	shalt  }
0x5a: {  	_ =	shalt  }
0x5b: {  	_ =	shalt  }
0x5c: {  	_ =	shalt  }
0x5d: {  	_ =	shalt  }
0x5e: {  	_ =	shalt  }
0x5f: {  	_ =	shalt  }
0x60: {  	_ =	shalt  }
0x61: {  	_ =	shalt  }
0x62: {  	_ =	shalt  }
0x63: {  	_ =	shalt  }
0x64: {  	_ =	shalt  }
0x65: {  	_ =	shalt  }
0x66: {  	_ =	shalt  }
0x67: {  	_ =	shalt  }
0x68: {  	_ =	shalt  }
0x69: {  	_ =	shalt  }
0x6a: {  	_ =	shalt  }
0x6b: {  	_ =	shalt  }
0x6c: {  	_ =	shalt  }
0x6d: {  	_ =	shalt  }
0x6e: {  	_ =	shalt  }
0x6f: {  	_ =	shalt  }
0x70: {  	_ =	shalt  }
0x71: {  	_ =	shalt  }
0x72: {  	_ =	shalt  }
0x73: {  	_ =	shalt  }
0x74: {  	_ =	shalt  }
0x75: {  	_ =	shalt  }
0x76: {  	_ =	shalt  }
0x77: {  	_ =	shalt  }
0x78: {  	_ =	shalt  }
0x79: {  	_ =	shalt  }
0x7a: {  	_ =	shalt  }
0x7b: {  	_ =	shalt  }
0x7c: {  	_ =	shalt  }
0x7d: {  	_ =	shalt  }
0x7e: {  	_ =	shalt  }
0x7f: {  	_ =	shalt  }
0x80: {  	_ =	shalt  }
0x81: {  	_ =	shalt  }
0x82: {  	_ =	shalt  }
0x83: {  	_ =	shalt  }
0x84: {  	_ =	shalt  }
0x85: {  	_ =	shalt  }
0x86: {  	_ =	shalt  }
0x87: {  	_ =	shalt  }
.Lfunc_end0:
.L_simem_size_0:
called_computation.1_lowered:
.L_overlay_start_0:
0x88: {  	s2 =	sld [smem:$0x3FD9]  }
0x89: {  	s3 =	sld [smem:$0x3FFE];
	_ =	sdelay $0x1  }
0x8a: {  	s1 =	srdreg.scid  }
0x8b: {  	s0 =	sand.u32 $0x1, s1  }
0x8c: {  	s17 =	sshll.u32 s0, $0xA;
	s2 =	sadd.s32 s3, s2  }
0x8d: {  	s2 =	sadd.s32 s2, s17  }
0x8e: {  	[smem:$0x3FC4] =	sst s2  }
0x8f: {  	_ = 	snop  }
0x90: {  	s2 =	sld [smem:$0x3FC9]  }
0x91: {  	s18 =	sld [smem:$0x3FC6]  }
0x92: {  	s4 =	sld [smem:$0x3FD0];
	(tm) =	ssettm $0x1  }
0x93: {  	s5 =	sld [smem:$0x3FFB];
	_ =	sdelay $0x3  }
0x94: {  	_ =	strace s5  }
0x95: {  	s5 =	sld [smem:$0x3FFC];
	_ =	sdelay $0x3  }
0x96: {  	_ =	strace s5  }
0x97: {  	s5 =	sld [smem:$0x3FFD];
	_ =	sdelay $0x3  }
0x98: {  	_ =	strace s5  }
0x99: {  	_ =	strace $0x8FFFFFFF  }
0x9a: {  	s19 =	sld [smem:$0x3FDB];
	_ =	sdelay $0x1  }
0x9b: {  	s6 =	simm.s32 $_scs_section_size  }
0x9c: {  	s7 =	simm.s32 $_size__tile_overlayer_lowered;
	s8 =	simm.s32 $_tile_overlayer_lowered  }
0x9d: {  	s22 =	simm.s32 $0x1BFF;
	s21 =	sshll.u32 s8, $0x1;
	s5 =	sadd.s32 s6, s19  }
0x9e: {  	s9 =	simm.s32 $0x0;
	s20 =	sshll.u32 s7, $0x1;
	s7 =	sadd.s32 s21, s5  }
0x9f: {  	[timem:s9], [sflag:s22] =	dma.local [hbm:s7], s20  }
0xa0: {  	_ =	swait.ge [sflag:s22], s20  }
0xa1: {  	s6 =	ssub.s32 $0x0, s20;
	[sflag:s22] =	ssyncset.done $0x0  }
0xa2: {  	[sflag:s22] =	ssyncadd.s32 s6;
	_ =	sdelay $0x1  }
0xa3: {  	s23 =	simm.s32 $0x1B8B  }
0xa4: {  	_ =	swait.ge [sflag:s23], $0x1  }
0xa5: {  	[sflag:s23] =	ssyncset.done $0x0  }
0xa6: {  	s25 =	simm.s32 $0x1B8E;
	s24 =	sld [smem:$0x3FFE];
	[sflag:s23] =	ssyncadd.s32 $0xFFFFFFFF  }
0xa7: {  	s26 =	simm.s32 $execute0_lowered;
	[smem:$0x3FD2] =	sst s25  }
0xa8: {  	s7 =	sshll.u32 s26, $0x1;
	_ =	strace $0x80000049;
	[dreg:$0x1] =	wrdreg $0xFFFFFFFF  }
0xa9: {  	s28 =	simm.s32 $_size_execute0_lowered;
	s5 =	sadd.s32 s5, s7;
	[dreg:$0x0] =	wrdreg $0x0  }
0xaa: {  	s7 =	sshll.u32 s28, $0x1;
	[dreg:$0x2] =	wrdreg s5  }
0xab: {  	[dreg:$0x3] =	wrdreg s7  }
0xac: {  	[dreg:$0x4] =	wrdreg $0xC0  }
0xad: {  	_ =	task [dreg:s9], $0x5FFFF  }
0xae: {  	[dreg:$0x1] =	wrdreg $0xFFFFFFFF  }
0xaf: {  	[dreg:$0x0] =	wrdreg $0x60  }
0xb0: {  	[dreg:$0x2] =	wrdreg s2  }
0xb1: {  	[dreg:$0x3] =	wrdreg s24  }
0xb2: {  	[dreg:$0x4] =	wrdreg s18  }
0xb3: {  	[dreg:$0x5] =	wrdreg s4  }
0xb4: {  	[dreg:$0x6] =	wrdreg $0x9  }
0xb5: {  	_ =	task.clear_ibuf [dreg:s9], $0x7FFFF;
	_ =	strace $0x90000049  }
0xb6: {  	s29 =	simm.s32 $0x9;
	_ =	strace $0x8000004B  }
0xb7: {  	_ =	swait.ge [sflag:s29], $0x1  }
0xb8: {  	[sflag:s29] =	ssyncadd.s32 $0xFFFFFFFF  }
0xb9: {  	_ =	strace $0x9000004B  }
0xba: {  	_ =	sfence  }
0xbb: {  	s30 =	sld [smem:$0x0];
	_ =	sdelay $0x2  }
0xbc: {  	s31 =	sshll.u32 s1, $0xD;
	s1 =	sshrl.u32 s1, $0x2  }
0xbd: {  	s3 =	sand.u32 $0x4000, s31;
	s1 =	sadd.s32 s1, s30  }
0xbe: {  	s0 =	sor.u32 s3, s0;
	s1 =	sshll.u32 s1, $0x11  }
0xbf: {  	s0 =	sor.u32 s1, s0  }
0xc0: {  	s0 =	sadd.s32 $0x8F2B, s0  }
0xc1: {  	[sflag:s0] =	ssyncadd.remote.s32 $0x1  }
0xc2: {  	_ =	sfence.sel $0xFFFF  }
0xc3: {  	[dreg:$0x0] =	wrdreg $0xFFFFFFFF;
	(pc) =	sbr.abs _section_cstart, $3  }
0xc4: {  	[dreg:$0x1] =	wrdreg $0xFFFFFFFF  }
0xc5: {  	_ =	task.clear_ibuf [dreg:s9], $0x2FFFF;
	_ =	strace $0x9FFFFFFF  }
0xc6: {  	(tm) =	ssettm $0x7FFFFFFF  }
0xc7: {  	_ =	shalt  }
tec
execute0_lowered:
.L_overlay_start_1:
0x0: {  	(tag) =	ssettag $0x1  }
0x1: {  	s0 =	rddreg [dreg:$0x0]  }
0x2: {  	s1 =	rddreg [dreg:$0x1]  }
0x3: {  	s29 =	rddreg [dreg:$0x3];
	s2 =	srdreg.scid  }
0x4: {  	s3 =	stileid.u32;
	s10 =	simm.s32 $0x0;
	s13 =	simm.s32 $0x6400  }
0x5: {  	s16 =	simm.s32 $0x8580;
	s20 =	simm.s32 $0xC580;
	s30 =	simm.s32 $0x4  }
0x6: {  	s2 =	sand.u32 $0x1, s2;
	s3 =	sshll.u32 s3, $0x1;
	[smem:$0x7FF] =	sst s10  }
0x7: {  	v0 =	vlaneseq.u32;
	s1 =	sadd.s32 $0x800, s1;
	s6 =	ssub.s32 $0x2, s2;
	s2 =	sor.u32 s2, s3  }
0x8: {  	s9 =	sadd.s32 $0x1000, s29;
	s4 =	sadd.s32 $0x3000, s29;
	v0 =	vmul.u32 $0x80, v0;
	s7 =	smul.u32 $0xC80, s2  }
0x9: {  	_ =	strace $0x8000004A;
	[dreg:$0x6] =	wrdreg s1;
	s25 =	sshrl.u32 s6, $0x1  }
0xa: {  	[dreg:$0x7] =	wrdreg s4;
	v1 =	vor.u32 $0x800, v0;
	s26 =	ssub.s32 s6, s25;
	s0 =	sadd.s32 s0, s7  }
0xb: {  	s5 =	sadd.s32 $0x2000, s29;
	v2 =	vor.u32 $0x1000, v0;
	v3 =	vor.u32 $0x1800, v0;
	v4 =	vor.u32 $0x2000, v0;
	s28 =	smax.u32 s26, $0x1;
	[dreg:$0x5] =	wrdreg s0  }
0xc: {  	s1 =	simm.s32 $0x0;
	s31 =	sshll.u32 s2, $0xA;
	v5 =	vor.u32 $0x2800, v0;
	v6 =	vor.u32 $0x3000, v0;
	v7 =	vor.u32 $0x3800, v0;
	[dreg:$0x8] =	wrdreg s28  }
.LBB2_1:
0xd: {  	[dreg:$0x9] =	wrdreg s1  }
0xe: {  	s0 =	rddreg [dreg:$0x5];
	s23 =	simm.s32 $0x5  }
0xf: {  	[tilespmem:s10], [sflag:$0x5] =	stream.linear.gather [hbm4b:s0+s10], $0x6400, $0x38;
	[tilespmem:$0x12580] =	vst v63  }
0x10: {  	_ =	swait.ge [sflag:s23], $0x6400  }
0x11: {  	[sflag:s23] =	ssyncset.done $0x0  }
0x12: {  	[sflag:s23] =	ssyncadd.s32 $0xFFFF9C00  }
0x13: {  	s24 =	rddreg [dreg:$0x2]  }
0x14: {  	[tilespmem:s13], [sflag:$0x5] =	stream.linear.gather [hbm4b:s24+s10], $0x2000, $0x38;
	[tilespmem:$0x12580] =	vst v63  }
0x15: {  	_ =	swait.ge [sflag:s23], $0x2000  }
0x16: {  	[sflag:s23] =	ssyncset.done $0x0  }
0x17: {  	[sflag:s23] =	ssyncadd.s32 $0xFFFFE000  }
0x18: {  	v8 =	vld [tilespmem:$0x0]  }
0x19: {  	v9 =	vld [tilespmem:$0x10]  }
0x1a: {  	v10 =	vld [tilespmem:$0x20]  }
0x1b: {  	v11 =	vld [tilespmem:$0x30]  }
0x1c: {  	v12 =	vld [tilespmem:$0x40]  }
0x1d: {  	v13 =	vld [tilespmem:$0x50];
	v8 =	vshra.s32 v8, $0x2  }
0x1e: {  	v62 =	vld [tilespmem:$0x60];
	[tilespmem:$0x8400] =	vst v8;
	v8 =	vshra.s32 v9, $0x2  }
0x1f: {  	v63 =	vld [tilespmem:$0x70];
	[tilespmem:$0x8410] =	vst v8;
	v8 =	vshra.s32 v10, $0x2  }
0x20: {  	[tilespmem:$0x8420] =	vst v8;
	v8 =	vshra.s32 v11, $0x2  }
0x21: {  	[tilespmem:$0x8430] =	vst v8;
	v8 =	vshra.s32 v12, $0x2  }
0x22: {  	[tilespmem:$0x8440] =	vst v8;
	v8 =	vshra.s32 v13, $0x2  }
0x23: {  	[tilespmem:$0x8450] =	vst v8;
	v8 =	vshra.s32 v62, $0x2  }
0x24: {  	[tilespmem:$0x8460] =	vst v8;
	v8 =	vshra.s32 v63, $0x2  }
0x25: {  	s26 =	simm.s32 $0x40;
	s2 =	simm.s32 $0x8400;
	s25 =	rddreg [dreg:$0x6];
	[tilespmem:$0x8470] =	vst v8  }
0x26: {  	[tilespmem:s16], [sflag:$0x1] =	stream.indirect.gather [hbm4b:s25+s26], $0x80, s2, s26, $0xb8;
	[tilespmem:$0x12580] =	vst v63  }
0x27: {  	s28 =	simm.s32 $0x8440;
	s3 =	simm.s32 $0xA580;
	s12 =	simm.s32 $0x0  }
0x28: {  	[tilespmem:s3], [sflag:$0x1] =	stream.indirect.gather [hbm4b:s25+s26], $0x80, s28, s26, $0xb8;
	[tilespmem:$0x12580] =	vst v63  }
.LBB2_2:
0x29: {  	s6 =	sshllo.u32 s12, $0x1  }
0x2a: {  	s0 =	sshll.u32 s6, $0x7  }
0x2b: {  	s11 =	sand.u32 $0x3FFFFF80, s0  }
0x2c: {  	v8 =	vld [tilespmem:s11+$0x0];
	_ =	sdelay $0x4  }
0x2d: {  	v8 =	vshra.s32 v8, $0x2  }
0x2e: {  	[tilespmem:$0x8480] =	vst v8  }
0x2f: {  	v8 =	vld [tilespmem:s11+$0x10];
	_ =	sdelay $0x4  }
0x30: {  	v8 =	vshra.s32 v8, $0x2  }
0x31: {  	[tilespmem:$0x8490] =	vst v8  }
0x32: {  	v8 =	vld [tilespmem:s11+$0x20];
	_ =	sdelay $0x4  }
0x33: {  	v8 =	vshra.s32 v8, $0x2  }
0x34: {  	[tilespmem:$0x84A0] =	vst v8  }
0x35: {  	v8 =	vld [tilespmem:s11+$0x30];
	_ =	sdelay $0x4  }
0x36: {  	v8 =	vshra.s32 v8, $0x2  }
0x37: {  	[tilespmem:$0x84B0] =	vst v8  }
0x38: {  	v8 =	vld [tilespmem:s11+$0x40];
	_ =	sdelay $0x4  }
0x39: {  	v8 =	vshra.s32 v8, $0x2  }
0x3a: {  	[tilespmem:$0x84C0] =	vst v8  }
0x3b: {  	v8 =	vld [tilespmem:s11+$0x50];
	_ =	sdelay $0x4  }
0x3c: {  	v8 =	vshra.s32 v8, $0x2  }
0x3d: {  	[tilespmem:$0x84D0] =	vst v8  }
0x3e: {  	v8 =	vld [tilespmem:s11+$0x60];
	_ =	sdelay $0x4  }
0x3f: {  	v8 =	vshra.s32 v8, $0x2  }
0x40: {  	[tilespmem:$0x84E0] =	vst v8  }
0x41: {  	v8 =	vld [tilespmem:s11+$0x70];
	_ =	sdelay $0x4  }
0x42: {  	v8 =	vshra.s32 v8, $0x2  }
0x43: {  	s22 =	rddreg [dreg:$0x6];
	s1 =	simm.s32 $0x40;
	s2 =	simm.s32 $0x8480;
	[tilespmem:$0x84F0] =	vst v8  }
0x44: {  	[tilespmem:s20], [sflag:$0x2] =	stream.indirect.gather [hbm4b:s22+s1], $0x80, s2, s1, $0xb8;
	[tilespmem:$0x12580] =	vst v63  }
0x45: {  	s23 =	simm.s32 $0x84C0;
	s3 =	simm.s32 $0xE580;
	s24 =	simm.s32 $0x1  }
0x46: {  	[tilespmem:s3], [sflag:$0x2] =	stream.indirect.gather [hbm4b:s22+s1], $0x80, s23, s1, $0xb8;
	[tilespmem:$0x12580] =	vst v63  }
0x47: {  	_ =	swait.ge [sflag:s24], $0x4000  }
0x48: {  	p0 =	seq.s32 s12, $0x0;
	[sflag:s24] =	ssyncset.done $0x0  }
0x49: {  	s0 =	simm.s32 @!p0 $0x3;
	[sflag:s24] =	ssyncadd.s32 $0xFFFFC000  }
0x4a: {  	_ =	swait.ge @!p0 [sflag:s0], $0x400  }
0x4b: {  	[sflag:s0] =	ssyncset.done @!p0 $0x0  }
0x4c: {  	[sflag:s0] =	ssyncadd.s32 @!p0 $0xFFFFFC00  }
0x4d: {  	_ =	swait.ge @!p0 [sflag:s0], $0x400  }
0x4e: {  	[sflag:s0] =	ssyncset.done @!p0 $0x0  }
0x4f: {  	[sflag:s0] =	ssyncadd.s32 @!p0 $0xFFFFFC00  }
0x50: {  	_ =	swait.ge @!p0 [sflag:s0], $0x400  }
0x51: {  	[sflag:s0] =	ssyncset.done @!p0 $0x0  }
0x52: {  	[sflag:s0] =	ssyncadd.s32 @!p0 $0xFFFFFC00  }
0x53: {  	_ =	swait.ge @!p0 [sflag:s0], $0x400  }
0x54: {  	s25 =	sshll.u32 s12, $0xA;
	[sflag:s0] =	ssyncset.done @!p0 $0x0  }
0x55: {  	s15 =	sshra.s32 s25, $0x2;
	[sflag:s0] =	ssyncadd.s32 @!p0 $0xFFFFFC00  }
0x56: {  	v8 =	vld [tilespmem:s15+$0x0];
	_ =	sdelay $0x4  }
0x57: {  	v8 =	vshll.u32 v8, $0x5  }
0x58: {  	v8 =	vand.u32 $0x60, v8  }
0x59: {  	[tilespmem:$0x8500] =	vst v8  }
0x5a: {  	v8 =	vld [tilespmem:s15+$0x10];
	_ =	sdelay $0x4  }
0x5b: {  	v8 =	vshll.u32 v8, $0x5  }
0x5c: {  	v8 =	vand.u32 $0x60, v8  }
0x5d: {  	[tilespmem:$0x8510] =	vst v8  }
0x5e: {  	v8 =	vld [tilespmem:s15+$0x20];
	_ =	sdelay $0x4  }
0x5f: {  	v8 =	vshll.u32 v8, $0x5  }
0x60: {  	v8 =	vand.u32 $0x60, v8  }
0x61: {  	[tilespmem:$0x8520] =	vst v8  }
0x62: {  	v8 =	vld [tilespmem:s15+$0x30];
	_ =	sdelay $0x4  }
0x63: {  	v8 =	vshll.u32 v8, $0x5  }
0x64: {  	v8 =	vand.u32 $0x60, v8  }
0x65: {  	[tilespmem:$0x8530] =	vst v8  }
0x66: {  	v8 =	vld [tilespmem:s15+$0x40];
	_ =	sdelay $0x4  }
0x67: {  	v8 =	vshll.u32 v8, $0x5  }
0x68: {  	v8 =	vand.u32 $0x60, v8  }
0x69: {  	[tilespmem:$0x8540] =	vst v8  }
0x6a: {  	v8 =	vld [tilespmem:s15+$0x50];
	_ =	sdelay $0x4  }
0x6b: {  	v8 =	vshll.u32 v8, $0x5  }
0x6c: {  	v8 =	vand.u32 $0x60, v8  }
0x6d: {  	[tilespmem:$0x8550] =	vst v8  }
0x6e: {  	v8 =	vld [tilespmem:s15+$0x60]  }
0x6f: {  	s26 =	sshll.u32 s12, $0x1  }
0x70: {  	s10 =	smov.u32 s31;
	s17 =	simm.s32 $0x4;
	s31 =	simm.s32 $0x7;
	v9 =	vmov s26  }
0x71: {  	v13 =	vmov s17;
	v14 =	vmov s31;
	v10 =	vshll.u32 v9, $0x3  }
0x72: {  	s25 =	simm.s32 $0x0;
	v9 =	vand.u32 $0x7E, v9;
	v13 =	vshll.u32 v13, $0x8;
	v10 =	vand.u32 $0x400, v10  }
0x73: {  	s21 =	simm.s32 $0x1;
	v18 =	vor.u32 v9, v10;
	v9 =	vmov s25;
	v8 =	vshll.u32 v8, $0x5  }
0x74: {  	v10 =	vmov s21;
	v19 =	vor.u32 $0x80, v18;
	v8 =	vand.u32 $0x60, v8  }
0x75: {  	v20 =	vor.u32 $0x100, v18;
	v21 =	vor.u32 $0x180, v18;
	v22 =	vor.u32 $0x200, v18;
	s22 =	simm.s32 $0x3;
	[tilespmem:$0x8560] =	vst v8  }
0x76: {  	v9 =	vshll.u32 v9, $0x8;
	v10 =	vshll.u32 v10, $0x8;
	v12 =	vmov s22;
	v8 =	vld [tilespmem:s15+$0x70]  }
0x77: {  	v9 =	vor.u32 v18, v9;
	v10 =	vand.u32 $0x1800, v10;
	v12 =	vshll.u32 v12, $0x8;
	s24 =	simm.s32 $0x2;
	v16 =	vld [tilespmem:$0x8500]  }
0x78: {  	v10 =	vor.u32 v10, v19;
	v12 =	vand.u32 $0x1800, v12;
	v11 =	vmov s24  }
0x79: {  	s19 =	simm.s32 $0x5;
	v15 =	vor.u32 v12, v21;
	v12 =	vand.u32 $0x1800, v13;
	v11 =	vshll.u32 v11, $0x8  }
0x7a: {  	v13 =	vmov s19;
	v17 =	vor.u32 v12, v22;
	v11 =	vand.u32 $0x1800, v11  }
0x7b: {  	s18 =	simm.s32 $0x6;
	v12 =	vshll.u32 v13, $0x8;
	v11 =	vor.u32 v11, v20;
	v8 =	vshll.u32 v8, $0x5  }
0x7c: {  	v13 =	vmov s18;
	v29 =	vadd.s32 s22, v16;
	v8 =	vand.u32 $0x60, v8  }
0x7d: {  	v31 =	vadd.s32 s17, v16;
	[tilespmem:$0x8570] =	vst v8;
	v8 =	vand.u32 $0x1800, v12;
	v12 =	vshll.u32 v13, $0x8  }
0x7e: {  	v29 =	vadd.s32 v0, v29;
	v13 =	vld.idx.msk [tilespmem:v9+s13+$0x0], $0xffff;
	v9 =	vand.u32 $0x1800, v12;
	v12 =	vshll.u32 v14, $0x8  }
0x7f: {  	v28 =	vor.u32 $0x380, v18;
	v31 =	vadd.s32 v0, v31;
	v14 =	vld.idx.msk [tilespmem:v10+s13+$0x0], $0xffff;
	v10 =	vand.u32 $0x1800, v12  }
0x80: {  	v12 =	vld.idx.msk [tilespmem:v11+s13+$0x0], $0xffff;
	v25 =	vor.u32 v10, v28;
	v10 =	vadd.s32 s31, v16  }
0x81: {  	v11 =	vld.idx.msk [tilespmem:v15+s13+$0x0], $0xffff;
	v15 =	vadd.s32 s25, v16;
	v26 =	vadd.s32 v0, v10  }
0x82: {  	v27 =	vadd.s32 v0, v15;
	v10 =	vld.idx.msk [tilespmem:v17+s13+$0x0], $0xffff;
	v17 =	vadd.s32 s21, v16  }
0x83: {  	v29 =	vld.idx.msk [tilespmem:v29+s16+$0x0], $0xffff;
	v15 =	vadd.s32 s24, v16;
	v17 =	vadd.s32 v0, v17  }
0x84: {  	v23 =	vor.u32 $0x280, v18;
	v31 =	vld.idx.msk [tilespmem:v31+s16+$0x0], $0xffff;
	v30 =	vadd.s32 v0, v15  }
0x85: {  	v24 =	vor.u32 $0x300, v18;
	v8 =	vor.u32 v8, v23;
	v15 =	vld.idx.msk [tilespmem:v25+s13+$0x0], $0xffff  }
0x86: {  	v9 =	vor.u32 v9, v24;
	v25 =	vadd.s32 s19, v16;
	v26 =	vld.idx.msk [tilespmem:v26+s16+$0x0], $0xffff  }
0x87: {  	v16 =	vadd.s32 s18, v16;
	v27 =	vld.idx.msk [tilespmem:v27+s16+$0x0], $0xffff;
	v25 =	vadd.s32 v0, v25  }
0x88: {  	v16 =	vadd.s32 v0, v16;
	v17 =	vld.idx.msk [tilespmem:v17+s16+$0x0], $0xffff  }
0x89: {  	v30 =	vld.idx.msk [tilespmem:v30+s16+$0x0], $0xffff  }
0x8a: {  	v8 =	vld.idx.msk [tilespmem:v8+s13+$0x0], $0xffff  }
0x8b: {  	v9 =	vld.idx.msk [tilespmem:v9+s13+$0x0], $0xffff;
	v26 =	vadd.f32 v26, v15  }
0x8c: {  	s26 =	simm.s32 $0x10780;
	v27 =	vadd.f32 v27, v13;
	v25 =	vld.idx.msk [tilespmem:v25+s16+$0x0], $0xffff  }
0x8d: {  	v16 =	vld.idx.msk [tilespmem:v16+s16+$0x0], $0xffff;
	v17 =	vadd.f32 v17, v14;
	[tilespmem:s26+$0x180] =	vst v26  }
0x8e: {  	[tilespmem:s26+$0xFFFFFE00] =	vst v27;
	v26 =	vadd.f32 v30, v12;
	v27 =	vld [tilespmem:$0x8510]  }
0x8f: {  	v30 =	vld [tilespmem:$0x8510];
	[tilespmem:s26+$0xFFFFFE80] =	vst v17;
	v17 =	vadd.f32 v29, v11  }
0x90: {  	[tilespmem:s26+$0xFFFFFF00] =	vst v26;
	v26 =	vadd.f32 v31, v10;
	v29 =	vld [tilespmem:$0x8510]  }
0x91: {  	[tilespmem:s26+$0xFFFFFF80] =	vst v17;
	v17 =	vadd.f32 v25, v8;
	v25 =	vld [tilespmem:$0x8510]  }
0x92: {  	v16 =	vadd.f32 v16, v9;
	[tilespmem:s26+$0x0] =	vst v26;
	v26 =	vld [tilespmem:$0x8510]  }
0x93: {  	[tilespmem:s26+$0x80] =	vst v17;
	v17 =	vadd.s32 s31, v27;
	v27 =	vld [tilespmem:$0x8510]  }
0x94: {  	v30 =	vadd.s32 s25, v30;
	[tilespmem:s26+$0x100] =	vst v16;
	v16 =	vadd.s32 v1, v17;
	v17 =	vld [tilespmem:$0x8510]  }
0x95: {  	v30 =	vadd.s32 v1, v30;
	v31 =	vld [tilespmem:$0x8510];
	v29 =	vadd.s32 s21, v29  }
0x96: {  	v29 =	vadd.s32 v1, v29;
	v25 =	vadd.s32 s24, v25  }
0x97: {  	v25 =	vadd.s32 v1, v25;
	v26 =	vadd.s32 s22, v26  }
0x98: {  	v26 =	vadd.s32 v1, v26;
	v27 =	vadd.s32 s17, v27  }
0x99: {  	v16 =	vld.idx.msk [tilespmem:v16+s16+$0x0], $0xffff;
	v27 =	vadd.s32 v1, v27;
	v17 =	vadd.s32 s19, v17  }
0x9a: {  	v30 =	vld.idx.msk [tilespmem:v30+s16+$0x0], $0xffff;
	v31 =	vadd.s32 s18, v31;
	v17 =	vadd.s32 v1, v17  }
0x9b: {  	v31 =	vadd.s32 v1, v31;
	v29 =	vld.idx.msk [tilespmem:v29+s16+$0x0], $0xffff  }
0x9c: {  	v25 =	vld.idx.msk [tilespmem:v25+s16+$0x0], $0xffff  }
0x9d: {  	v26 =	vld.idx.msk [tilespmem:v26+s16+$0x0], $0xffff  }
0x9e: {  	v27 =	vld.idx.msk [tilespmem:v27+s16+$0x0], $0xffff;
	v16 =	vadd.f32 v16, v15  }
0x9f: {  	v30 =	vadd.f32 v30, v13;
	v17 =	vld.idx.msk [tilespmem:v17+s16+$0x0], $0xffff  }
0xa0: {  	v31 =	vld.idx.msk [tilespmem:v31+s16+$0x0], $0xffff;
	[tilespmem:s26+$0x190] =	vst v16;
	v16 =	vadd.f32 v29, v14  }
0xa1: {  	[tilespmem:s26+$0xFFFFFE10] =	vst v30;
	v25 =	vadd.f32 v25, v12;
	v29 =	vld [tilespmem:$0x8520]  }
0xa2: {  	v30 =	vld [tilespmem:$0x8520];
	[tilespmem:s26+$0xFFFFFE90] =	vst v16;
	v16 =	vadd.f32 v26, v11  }
0xa3: {  	[tilespmem:s26+$0xFFFFFF10] =	vst v25;
	v26 =	vld [tilespmem:$0x8520];
	v25 =	vadd.f32 v27, v10  }
0xa4: {  	v27 =	vld [tilespmem:$0x8520];
	[tilespmem:s26+$0xFFFFFF90] =	vst v16;
	v16 =	vadd.f32 v17, v8  }
0xa5: {  	v17 =	vld [tilespmem:$0x8520];
	[tilespmem:s26+$0x10] =	vst v25;
	v25 =	vadd.f32 v31, v9  }
0xa6: {  	v29 =	vadd.s32 s31, v29;
	v31 =	vld [tilespmem:$0x8520];
	[tilespmem:s26+$0x90] =	vst v16  }
0xa7: {  	v16 =	vadd.s32 s25, v30;
	v29 =	vadd.s32 v2, v29;
	v30 =	vld [tilespmem:$0x8520];
	[tilespmem:s26+$0x110] =	vst v25  }
0xa8: {  	v16 =	vadd.s32 v2, v16;
	v25 =	vadd.s32 s21, v26;
	v26 =	vld [tilespmem:$0x8520]  }
0xa9: {  	v27 =	vadd.s32 s24, v27;
	v25 =	vadd.s32 v2, v25  }
0xaa: {  	v27 =	vadd.s32 v2, v27;
	v17 =	vadd.s32 s22, v17  }
0xab: {  	v17 =	vadd.s32 v2, v17;
	v31 =	vadd.s32 s17, v31  }
0xac: {  	v29 =	vld.idx.msk [tilespmem:v29+s16+$0x0], $0xffff;
	v31 =	vadd.s32 v2, v31;
	v30 =	vadd.s32 s19, v30  }
0xad: {  	v16 =	vld.idx.msk [tilespmem:v16+s16+$0x0], $0xffff;
	v30 =	vadd.s32 v2, v30;
	v26 =	vadd.s32 s18, v26  }
0xae: {  	v25 =	vld.idx.msk [tilespmem:v25+s16+$0x0], $0xffff;
	v26 =	vadd.s32 v2, v26  }
0xaf: {  	v27 =	vld.idx.msk [tilespmem:v27+s16+$0x0], $0xffff  }
0xb0: {  	v17 =	vld.idx.msk [tilespmem:v17+s16+$0x0], $0xffff  }
0xb1: {  	v31 =	vld.idx.msk [tilespmem:v31+s16+$0x0], $0xffff;
	v29 =	vadd.f32 v29, v15  }
0xb2: {  	v16 =	vadd.f32 v16, v13;
	v30 =	vld.idx.msk [tilespmem:v30+s16+$0x0], $0xffff  }
0xb3: {  	v26 =	vld.idx.msk [tilespmem:v26+s16+$0x0], $0xffff;
	[tilespmem:s26+$0x1A0] =	vst v29;
	v25 =	vadd.f32 v25, v14  }
0xb4: {  	[tilespmem:s26+$0xFFFFFE20] =	vst v16;
	v27 =	vadd.f32 v27, v12;
	v16 =	vld [tilespmem:$0x8530]  }
0xb5: {  	v29 =	vld [tilespmem:$0x8530];
	[tilespmem:s26+$0xFFFFFEA0] =	vst v25;
	v17 =	vadd.f32 v17, v11  }
0xb6: {  	[tilespmem:s26+$0xFFFFFF20] =	vst v27;
	v25 =	vld [tilespmem:$0x8530];
	v27 =	vadd.f32 v31, v10  }
0xb7: {  	v31 =	vld [tilespmem:$0x8530];
	[tilespmem:s26+$0xFFFFFFA0] =	vst v17;
	v17 =	vadd.f32 v30, v8  }
0xb8: {  	v30 =	vld [tilespmem:$0x8530];
	[tilespmem:s26+$0x20] =	vst v27;
	v26 =	vadd.f32 v26, v9  }
0xb9: {  	v16 =	vadd.s32 s31, v16;
	v27 =	vld [tilespmem:$0x8530];
	[tilespmem:s26+$0xA0] =	vst v17  }
0xba: {  	v17 =	vadd.s32 s25, v29;
	v16 =	vadd.s32 v3, v16;
	v29 =	vld [tilespmem:$0x8530];
	[tilespmem:s26+$0x120] =	vst v26  }
0xbb: {  	v17 =	vadd.s32 v3, v17;
	v25 =	vadd.s32 s21, v25;
	v26 =	vld [tilespmem:$0x8530]  }
0xbc: {  	v31 =	vadd.s32 s24, v31;
	v25 =	vadd.s32 v3, v25  }
0xbd: {  	v31 =	vadd.s32 v3, v31;
	v30 =	vadd.s32 s22, v30  }
0xbe: {  	v30 =	vadd.s32 v3, v30;
	v27 =	vadd.s32 s17, v27  }
0xbf: {  	v16 =	vld.idx.msk [tilespmem:v16+s16+$0x0], $0xffff;
	v27 =	vadd.s32 v3, v27;
	v29 =	vadd.s32 s19, v29  }
0xc0: {  	v17 =	vld.idx.msk [tilespmem:v17+s16+$0x0], $0xffff;
	v29 =	vadd.s32 v3, v29;
	v26 =	vadd.s32 s18, v26  }
0xc1: {  	v25 =	vld.idx.msk [tilespmem:v25+s16+$0x0], $0xffff;
	v26 =	vadd.s32 v3, v26  }
0xc2: {  	v31 =	vld.idx.msk [tilespmem:v31+s16+$0x0], $0xffff  }
0xc3: {  	v30 =	vld.idx.msk [tilespmem:v30+s16+$0x0], $0xffff  }
0xc4: {  	v27 =	vld.idx.msk [tilespmem:v27+s16+$0x0], $0xffff;
	v16 =	vadd.f32 v16, v15  }
0xc5: {  	v17 =	vadd.f32 v17, v13;
	v29 =	vld.idx.msk [tilespmem:v29+s16+$0x0], $0xffff  }
0xc6: {  	v26 =	vld.idx.msk [tilespmem:v26+s16+$0x0], $0xffff;
	[tilespmem:s26+$0x1B0] =	vst v16;
	v16 =	vadd.f32 v25, v14  }
0xc7: {  	[tilespmem:s26+$0xFFFFFE30] =	vst v17;
	v25 =	vadd.f32 v31, v12;
	v17 =	vld [tilespmem:$0x8540]  }
0xc8: {  	v31 =	vld [tilespmem:$0x8540];
	[tilespmem:s26+$0xFFFFFEB0] =	vst v16;
	v16 =	vadd.f32 v30, v11  }
0xc9: {  	[tilespmem:s26+$0xFFFFFF30] =	vst v25;
	v30 =	vld [tilespmem:$0x8540];
	v25 =	vadd.f32 v27, v10  }
0xca: {  	v27 =	vld [tilespmem:$0x8540];
	[tilespmem:s26+$0xFFFFFFB0] =	vst v16;
	v16 =	vadd.f32 v29, v8  }
0xcb: {  	v29 =	vld [tilespmem:$0x8540];
	[tilespmem:s26+$0x30] =	vst v25;
	v25 =	vadd.f32 v26, v9  }
0xcc: {  	v17 =	vadd.s32 s31, v17;
	v26 =	vld [tilespmem:$0x8540];
	[tilespmem:s26+$0xB0] =	vst v16  }
0xcd: {  	v16 =	vadd.s32 s25, v31;
	v17 =	vadd.s32 v4, v17;
	v31 =	vld [tilespmem:$0x8540];
	[tilespmem:s26+$0x130] =	vst v25  }
0xce: {  	v16 =	vadd.s32 v4, v16;
	v25 =	vadd.s32 s21, v30;
	v30 =	vld [tilespmem:$0x8540]  }
0xcf: {  	v27 =	vadd.s32 s24, v27;
	v25 =	vadd.s32 v4, v25  }
0xd0: {  	v27 =	vadd.s32 v4, v27;
	v29 =	vadd.s32 s22, v29  }
0xd1: {  	v29 =	vadd.s32 v4, v29;
	v26 =	vadd.s32 s17, v26  }
0xd2: {  	v17 =	vld.idx.msk [tilespmem:v17+s16+$0x0], $0xffff;
	v26 =	vadd.s32 v4, v26;
	v31 =	vadd.s32 s19, v31  }
0xd3: {  	v16 =	vld.idx.msk [tilespmem:v16+s16+$0x0], $0xffff;
	v31 =	vadd.s32 v4, v31;
	v30 =	vadd.s32 s18, v30  }
0xd4: {  	s28 =	simm.s32 $0x8;
	v25 =	vld.idx.msk [tilespmem:v25+s16+$0x0], $0xffff;
	v30 =	vadd.s32 v4, v30  }
0xd5: {  	v32 =	vmov s28;
	v27 =	vld.idx.msk [tilespmem:v27+s16+$0x0], $0xffff  }
0xd6: {  	v32 =	vshll.u32 v32, $0x8;
	v29 =	vld.idx.msk [tilespmem:v29+s16+$0x0], $0xffff  }
0xd7: {  	v32 =	vor.u32 v18, v32;
	v26 =	vld.idx.msk [tilespmem:v26+s16+$0x0], $0xffff;
	v17 =	vadd.f32 v17, v15  }
0xd8: {  	v16 =	vadd.f32 v16, v13;
	v31 =	vld.idx.msk [tilespmem:v31+s16+$0x0], $0xffff  }
0xd9: {  	v30 =	vld.idx.msk [tilespmem:v30+s16+$0x0], $0xffff;
	[tilespmem:s26+$0x1C0] =	vst v17  }
0xda: {  	s2 =	simm.s32 $0xA;
	s3 =	simm.s32 $0x9;
	[tilespmem:s26+$0xFFFFFE40] =	vst v16;
	v17 =	vadd.f32 v25, v14;
	v25 =	vld [tilespmem:$0x8550]  }
0xdb: {  	v34 =	vmov s2;
	v33 =	vmov s3;
	v27 =	vadd.f32 v27, v12;
	v35 =	vld [tilespmem:$0x8550]  }
0xdc: {  	s1 =	simm.s32 $0xB;
	v49 =	vshll.u32 v34, $0x8;
	v47 =	vshll.u32 v33, $0x8;
	v16 =	vld.idx.msk [tilespmem:v32+s13+$0x0], $0xffff;
	[tilespmem:s26+$0xFFFFFEC0] =	vst v17;
	v17 =	vadd.f32 v29, v11  }
0xdd: {  	v48 =	vmov s1;
	v29 =	vand.u32 $0x1800, v47;
	[tilespmem:s26+$0xFFFFFF40] =	vst v27;
	v50 =	vld [tilespmem:$0x8550];
	v26 =	vadd.f32 v26, v10  }
0xde: {  	v27 =	vor.u32 v29, v19;
	v29 =	vand.u32 $0x1800, v49;
	v51 =	vld [tilespmem:$0x8550];
	[tilespmem:s26+$0xFFFFFFC0] =	vst v17;
	v17 =	vadd.f32 v31, v8  }
0xdf: {  	v29 =	vor.u32 v29, v20;
	v31 =	vld [tilespmem:$0x8550];
	[tilespmem:s26+$0x40] =	vst v26;
	v26 =	vadd.f32 v30, v9;
	v25 =	vadd.s32 s31, v25  }
0xe0: {  	v30 =	vshll.u32 v48, $0x8;
	v52 =	vadd.s32 s25, v35;
	v53 =	vld [tilespmem:$0x8550];
	[tilespmem:s26+$0xC0] =	vst v17;
	v17 =	vadd.s32 v5, v25  }
0xe1: {  	v25 =	vand.u32 $0x1800, v30;
	v30 =	vadd.s32 v5, v52;
	v54 =	vld [tilespmem:$0x8550];
	[tilespmem:s26+$0x140] =	vst v26  }
0xe2: {  	v26 =	vor.u32 v25, v21;
	v25 =	vadd.s32 s21, v50;
	v55 =	vld [tilespmem:$0x8550]  }
0xe3: {  	v27 =	vld.idx.msk [tilespmem:v27+s13+$0x0], $0xffff;
	v32 =	vadd.s32 s24, v51;
	v36 =	vadd.s32 v5, v25  }
0xe4: {  	v25 =	vld.idx.msk [tilespmem:v29+s13+$0x0], $0xffff;
	v29 =	vadd.s32 v5, v32;
	v31 =	vadd.s32 s22, v31  }
0xe5: {  	v31 =	vadd.s32 v5, v31;
	v56 =	vadd.s32 s17, v53;
	v57 =	vld.idx.msk [tilespmem:v17+s16+$0x0], $0xffff  }
0xe6: {  	v30 =	vld.idx.msk [tilespmem:v30+s16+$0x0], $0xffff;
	v32 =	vadd.s32 v5, v56;
	v33 =	vadd.s32 s19, v54  }
0xe7: {  	s23 =	simm.s32 $0xC;
	v17 =	vld.idx.msk [tilespmem:v26+s13+$0x0], $0xffff;
	v26 =	vadd.s32 v5, v33;
	v58 =	vadd.s32 s18, v55  }
0xe8: {  	v59 =	vmov s23;
	v36 =	vld.idx.msk [tilespmem:v36+s16+$0x0], $0xffff;
	v33 =	vadd.s32 v5, v58  }
0xe9: {  	v34 =	vshll.u32 v59, $0x8;
	v29 =	vld.idx.msk [tilespmem:v29+s16+$0x0], $0xffff  }
0xea: {  	v34 =	vand.u32 $0x1800, v34;
	v31 =	vld.idx.msk [tilespmem:v31+s16+$0x0], $0xffff  }
0xeb: {  	v34 =	vor.u32 v34, v22;
	v32 =	vld.idx.msk [tilespmem:v32+s16+$0x0], $0xffff;
	v35 =	vadd.f32 v57, v15  }
0xec: {  	v30 =	vadd.f32 v30, v13;
	v37 =	vld.idx.msk [tilespmem:v26+s16+$0x0], $0xffff  }
0xed: {  	v38 =	vld.idx.msk [tilespmem:v33+s16+$0x0], $0xffff;
	[tilespmem:s26+$0x1D0] =	vst v35  }
0xee: {  	[tilespmem:s26+$0xFFFFFE50] =	vst v30;
	v30 =	vadd.f32 v36, v14;
	v35 =	vld [tilespmem:$0x8560]  }
0xef: {  	s14 =	simm.s32 $0xD;
	v29 =	vadd.f32 v29, v12;
	v60 =	vld [tilespmem:$0x8560]  }
0xf0: {  	s4 =	smov.u32 s5;
	v26 =	vld.idx.msk [tilespmem:v34+s13+$0x0], $0xffff;
	[tilespmem:s26+$0xFFFFFED0] =	vst v30;
	v30 =	vadd.f32 v31, v11;
	v31 =	vmov s14  }
0xf1: {  	s5 =	smov.u32 s9;
	s9 =	smov.u32 s29;
	s29 =	simm.s32 $0xE;
	[tilespmem:s26+$0xFFFFFF50] =	vst v29;
	v39 =	vld [tilespmem:$0x8560];
	v29 =	vadd.f32 v32, v10;
	v31 =	vshll.u32 v31, $0x8  }
0xf2: {  	v40 =	vld [tilespmem:$0x8560];
	[tilespmem:s26+$0xFFFFFFD0] =	vst v30;
	v61 =	vadd.f32 v37, v8;
	v30 =	vand.u32 $0x1800, v31;
	v31 =	vmov s29  }
0xf3: {  	v33 =	vld [tilespmem:$0x8560];
	[tilespmem:s26+$0x50] =	vst v29;
	v29 =	vor.u32 v30, v23;
	v62 =	vadd.f32 v38, v9;
	v35 =	vadd.s32 s31, v35  }
0xf4: {  	v31 =	vshll.u32 v31, $0x8;
	v30 =	vld [tilespmem:$0x8560];
	[tilespmem:s26+$0xD0] =	vst v61;
	v36 =	vadd.s32 s25, v60;
	v37 =	vadd.s32 v6, v35  }
0xf5: {  	v31 =	vand.u32 $0x1800, v31;
	v32 =	vld [tilespmem:$0x8560];
	v38 =	vadd.s32 v6, v36  }
0xf6: {  	v34 =	vld [tilespmem:$0x8500];
	[tilespmem:s26+$0x150] =	vst v62;
	v63 =	vadd.s32 s21, v39;
	v39 =	vor.u32 v31, v24  }
0xf7: {  	s8 =	simm.s32 $0xF;
	s7 =	simm.s32 $0x10;
	s0 =	simm.s32 $0x10780;
	v35 =	vadd.s32 s24, v40;
	v31 =	vld [tilespmem:$0x8560];
	v36 =	vadd.s32 v6, v63  }
.LBB2_3:
0xf8: {  	p1 =	slt.u32 s7, $0x18;
	v29 =	vld.idx.msk [tilespmem:v29+s13+$0x0], $0xffff;
	v40 =	vmov s8;
	v35 =	vadd.s32 v6, v35;
	v33 =	vadd.s32 s22, v33  }
0xf9: {  	v40 =	vshll.u32 v40, $0x8;
	v33 =	vadd.s32 v6, v33;
	v30 =	vadd.s32 s17, v30;
	v37 =	vld.idx.msk [tilespmem:v37+s16+$0x0], $0xffff  }
0xfa: {  	v40 =	vand.u32 $0x1800, v40;
	v38 =	vld.idx.msk [tilespmem:v38+s16+$0x0], $0xffff;
	v41 =	vadd.s32 v6, v30;
	v32 =	vadd.s32 s19, v32  }
0xfb: {  	v42 =	vadd.s32 s28, v34;
	v30 =	vld.idx.msk [tilespmem:v39+s13+$0x0], $0xffff;
	v39 =	vor.u32 v40, v28;
	v40 =	vadd.s32 s8, v34  }
0xfc: {  	v43 =	vadd.s32 s3, v34;
	v44 =	vadd.s32 s2, v34;
	v40 =	vadd.s32 v0, v40;
	v36 =	vld.idx.msk [tilespmem:v36+s16+$0x0], $0xffff  }
0xfd: {  	v45 =	vadd.s32 s1, v34;
	v46 =	vadd.s32 s23, v34;
	v47 =	vadd.s32 s14, v34;
	v35 =	vld.idx.msk [tilespmem:v35+s16+$0x0], $0xffff  }
0xfe: {  	v34 =	vadd.s32 s29, v34;
	v42 =	vadd.s32 v0, v42;
	v43 =	vadd.s32 v0, v43;
	v33 =	vld.idx.msk [tilespmem:v33+s16+$0x0], $0xffff  }
0xff: {  	v44 =	vadd.s32 v0, v44;
	v45 =	vadd.s32 v0, v45;
	v37 =	vadd.f32 v37, v15;
	v41 =	vld.idx.msk [tilespmem:v41+s16+$0x0], $0xffff  }
0x100: {  	v46 =	vadd.s32 v0, v46;
	v47 =	vadd.s32 v0, v47;
	v34 =	vadd.s32 v0, v34;
	v39 =	vld.idx.msk [tilespmem:v39+s13+$0x0], $0xffff  }
0x101: {  	v32 =	vadd.s32 v6, v32;
	v31 =	vadd.s32 s18, v31;
	v38 =	vadd.f32 v38, v13;
	v40 =	vld.idx.msk [tilespmem:v40+s16+$0x0], $0xffff;
	[tilespmem:s26+$0x1E0] =	vst v37  }
0x102: {  	v31 =	vadd.s32 v6, v31;
	v36 =	vadd.f32 v36, v14;
	v37 =	vld [tilespmem:$0x8570]  }
0x103: {  	v35 =	vadd.f32 v35, v12;
	v42 =	vld.idx.msk [tilespmem:v42+s16+$0x0], $0xffff;
	[tilespmem:s26+$0xFFFFFE60] =	vst v38  }
0x104: {  	v33 =	vadd.f32 v33, v11;
	v38 =	vld.idx.msk [tilespmem:v43+s16+$0x0], $0xffff;
	[tilespmem:s26+$0xFFFFFEE0] =	vst v36  }
0x105: {  	v36 =	vld.idx.msk [tilespmem:v44+s16+$0x0], $0xffff;
	[tilespmem:s26+$0xFFFFFF60] =	vst v35;
	v35 =	vadd.f32 v41, v10  }
0x106: {  	v41 =	vld.idx.msk [tilespmem:v45+s16+$0x0], $0xffff;
	[tilespmem:s26+$0xFFFFFFE0] =	vst v33  }
0x107: {  	v33 =	vld.idx.msk [tilespmem:v46+s16+$0x0], $0xffff;
	[tilespmem:s26+$0x60] =	vst v35;
	v35 =	vadd.s32 s31, v37;
	s31 =	smov.u32 s8  }
0x108: {  	v40 =	vadd.f32 v40, v39;
	v37 =	vld.idx.msk [tilespmem:v47+s16+$0x0], $0xffff;
	v35 =	vadd.s32 v7, v35  }
0x109: {  	s26 =	sadd.s32 $0x400, s26;
	v42 =	vadd.f32 v42, v16;
	v34 =	vld.idx.msk [tilespmem:v34+s16+$0x0], $0xffff  }
0x10a: {  	v38 =	vadd.f32 v38, v27;
	[tilespmem:s26+$0x180] =	vst v40;
	v32 =	vld.idx.msk [tilespmem:v32+s16+$0x0], $0xffff  }
0x10b: {  	v36 =	vadd.f32 v36, v25;
	[tilespmem:s26+$0xFFFFFE00] =	vst v42;
	v40 =	vld [tilespmem:$0x8510]  }
0x10c: {  	v42 =	vld [tilespmem:$0x8510];
	[tilespmem:s26+$0xFFFFFE80] =	vst v38;
	v38 =	vadd.f32 v41, v17  }
0x10d: {  	v33 =	vadd.f32 v33, v26;
	[tilespmem:s26+$0xFFFFFF00] =	vst v36;
	v35 =	vld.idx.msk [tilespmem:v35+s16+$0x0], $0xffff  }
0x10e: {  	v37 =	vadd.f32 v37, v29;
	v36 =	vld [tilespmem:$0x8510];
	[tilespmem:s26+$0xFFFFFF80] =	vst v38  }
0x10f: {  	v38 =	vld [tilespmem:$0x8510];
	[tilespmem:s26+$0x0] =	vst v33;
	v33 =	vadd.f32 v34, v30  }
0x110: {  	v32 =	vadd.f32 v32, v8;
	v34 =	vld [tilespmem:$0x8510];
	[tilespmem:s26+$0x80] =	vst v37;
	v37 =	vadd.s32 s31, v40  }
0x111: {  	v40 =	vadd.s32 s28, v42;
	v41 =	vld [tilespmem:$0x8510];
	[tilespmem:s26+$0x100] =	vst v33;
	v33 =	vadd.s32 v1, v37  }
0x112: {  	v37 =	vadd.s32 v1, v40;
	v40 =	vld [tilespmem:$0x8510];
	[tilespmem:s0+$0xE0] =	vst v32  }
0x113: {  	v35 =	vadd.f32 v35, v15;
	v15 =	vmov v39;
	v32 =	vadd.s32 s3, v36;
	v36 =	vld [tilespmem:$0x8510]  }
0x114: {  	v32 =	vadd.s32 v1, v32;
	v38 =	vadd.s32 s2, v38;
	v31 =	vld.idx.msk [tilespmem:v31+s16+$0x0], $0xffff  }
0x115: {  	v38 =	vadd.s32 v1, v38;
	v34 =	vadd.s32 s1, v34;
	v39 =	vld [tilespmem:$0x8570];
	[tilespmem:s0+$0x1F0] =	vst v35  }
0x116: {  	v34 =	vadd.s32 v1, v34;
	v35 =	vadd.s32 s23, v41;
	v33 =	vld.idx.msk [tilespmem:v33+s16+$0x0], $0xffff  }
0x117: {  	v37 =	vld.idx.msk [tilespmem:v37+s16+$0x0], $0xffff;
	v35 =	vadd.s32 v1, v35;
	v40 =	vadd.s32 s14, v40  }
0x118: {  	v40 =	vadd.s32 v1, v40;
	v36 =	vadd.s32 s29, v36;
	v41 =	vld [tilespmem:$0x8570]  }
0x119: {  	v32 =	vld.idx.msk [tilespmem:v32+s16+$0x0], $0xffff;
	v36 =	vadd.s32 v1, v36  }
0x11a: {  	v42 =	vadd.f32 v31, v9;
	v38 =	vld.idx.msk [tilespmem:v38+s16+$0x0], $0xffff;
	v39 =	vadd.s32 s25, v39;
	s25 =	smov.u32 s28;
	s28 =	smov.u32 s7  }
0x11b: {  	v34 =	vld.idx.msk [tilespmem:v34+s16+$0x0], $0xffff;
	v31 =	vadd.s32 v7, v39  }
0x11c: {  	v33 =	vadd.f32 v33, v15;
	v35 =	vld.idx.msk [tilespmem:v35+s16+$0x0], $0xffff;
	[tilespmem:s0+$0x160] =	vst v42  }
0x11d: {  	v37 =	vadd.f32 v37, v16;
	v39 =	vld.idx.msk [tilespmem:v40+s16+$0x0], $0xffff;
	v40 =	vadd.s32 s21, v41;
	s21 =	smov.u32 s3  }
0x11e: {  	v36 =	vld.idx.msk [tilespmem:v36+s16+$0x0], $0xffff;
	[tilespmem:s26+$0x190] =	vst v33;
	v33 =	vadd.s32 v7, v40  }
0x11f: {  	v32 =	vadd.f32 v32, v27;
	[tilespmem:s26+$0xFFFFFE10] =	vst v37;
	v37 =	vld [tilespmem:$0x8520]  }
0x120: {  	v38 =	vadd.f32 v38, v25;
	v40 =	vld [tilespmem:$0x8520]  }
0x121: {  	[tilespmem:s26+$0xFFFFFE90] =	vst v32;
	v32 =	vadd.f32 v34, v17;
	v34 =	vld [tilespmem:$0x8570]  }
0x122: {  	v35 =	vadd.f32 v35, v26;
	v41 =	vld [tilespmem:$0x8520];
	[tilespmem:s26+$0xFFFFFF10] =	vst v38  }
0x123: {  	v38 =	vld [tilespmem:$0x8520];
	[tilespmem:s26+$0xFFFFFF90] =	vst v32;
	v32 =	vadd.f32 v39, v29  }
0x124: {  	v39 =	vld [tilespmem:$0x8520];
	[tilespmem:s26+$0x10] =	vst v35;
	v35 =	vadd.f32 v36, v30;
	v36 =	vadd.s32 s31, v37  }
0x125: {  	v37 =	vadd.s32 s25, v40;
	v40 =	vld [tilespmem:$0x8520];
	[tilespmem:s26+$0x90] =	vst v32;
	v32 =	vadd.s32 v2, v36  }
0x126: {  	v36 =	vadd.s32 v2, v37;
	v37 =	vld [tilespmem:$0x8520];
	[tilespmem:s26+$0x110] =	vst v35;
	v34 =	vadd.s32 s24, v34;
	s24 =	smov.u32 s2  }
0x127: {  	v35 =	vadd.s32 s21, v41;
	v41 =	vld [tilespmem:$0x8520];
	v42 =	vadd.s32 v7, v34  }
0x128: {  	v34 =	vadd.s32 v2, v35;
	v35 =	vadd.s32 s24, v38;
	v38 =	vld [tilespmem:$0x8570]  }
0x129: {  	v35 =	vadd.s32 v2, v35;
	v39 =	vadd.s32 s1, v39;
	v43 =	vld [tilespmem:$0x8570]  }
0x12a: {  	v39 =	vadd.s32 v2, v39;
	v40 =	vadd.s32 s23, v40;
	v44 =	vld.idx.msk [tilespmem:v32+s16+$0x0], $0xffff  }
0x12b: {  	v36 =	vld.idx.msk [tilespmem:v36+s16+$0x0], $0xffff;
	v40 =	vadd.s32 v2, v40;
	v32 =	vadd.s32 s14, v37  }
0x12c: {  	v37 =	vadd.s32 v2, v32;
	v32 =	vadd.s32 s29, v41;
	v41 =	vld [tilespmem:$0x8570]  }
0x12d: {  	v45 =	vld.idx.msk [tilespmem:v34+s16+$0x0], $0xffff;
	v34 =	vadd.s32 v2, v32;
	v32 =	vadd.s32 s22, v38;
	s22 =	smov.u32 s1  }
0x12e: {  	v35 =	vld.idx.msk [tilespmem:v35+s16+$0x0], $0xffff;
	v38 =	vadd.s32 v7, v32;
	v32 =	vadd.s32 s17, v43;
	s17 =	smov.u32 s23  }
0x12f: {  	v39 =	vld.idx.msk [tilespmem:v39+s16+$0x0], $0xffff;
	v32 =	vadd.s32 v7, v32  }
0x130: {  	v43 =	vadd.f32 v44, v15;
	v40 =	vld.idx.msk [tilespmem:v40+s16+$0x0], $0xffff  }
0x131: {  	v36 =	vadd.f32 v36, v16;
	v37 =	vld.idx.msk [tilespmem:v37+s16+$0x0], $0xffff;
	v41 =	vadd.s32 s19, v41;
	s19 =	smov.u32 s14  }
0x132: {  	v44 =	vld.idx.msk [tilespmem:v34+s16+$0x0], $0xffff;
	[tilespmem:s26+$0x1A0] =	vst v43;
	v34 =	vadd.s32 v7, v41  }
0x133: {  	[tilespmem:s26+$0xFFFFFE20] =	vst v36;
	v36 =	vadd.f32 v45, v27;
	v41 =	vld [tilespmem:$0x8530]  }
0x134: {  	v35 =	vadd.f32 v35, v25;
	v43 =	vld [tilespmem:$0x8530]  }
0x135: {  	[tilespmem:s26+$0xFFFFFEA0] =	vst v36;
	v36 =	vadd.f32 v39, v17;
	v39 =	vld [tilespmem:$0x8570]  }
0x136: {  	v45 =	vld [tilespmem:$0x8530];
	[tilespmem:s26+$0xFFFFFF20] =	vst v35;
	v35 =	vadd.f32 v40, v26  }
0x137: {  	v40 =	vld [tilespmem:$0x8530];
	[tilespmem:s26+$0xFFFFFFA0] =	vst v36;
	v36 =	vadd.f32 v37, v29  }
0x138: {  	v37 =	vld [tilespmem:$0x8530];
	[tilespmem:s26+$0x20] =	vst v35;
	v35 =	vadd.f32 v44, v30;
	v41 =	vadd.s32 s31, v41  }
0x139: {  	v43 =	vadd.s32 s25, v43;
	v44 =	vld [tilespmem:$0x8530];
	[tilespmem:s26+$0xA0] =	vst v36;
	v36 =	vadd.s32 v3, v41  }
0x13a: {  	v41 =	vadd.s32 v3, v43;
	v43 =	vld [tilespmem:$0x8530];
	[tilespmem:s26+$0x120] =	vst v35;
	v35 =	vadd.s32 s18, v39;
	s18 =	smov.u32 s29  }
0x13b: {  	v39 =	vadd.s32 s21, v45;
	v45 =	vld [tilespmem:$0x8530];
	v35 =	vadd.s32 v7, v35  }
0x13c: {  	v39 =	vadd.s32 v3, v39;
	v40 =	vadd.s32 s24, v40;
	v31 =	vld.idx.msk [tilespmem:v31+s16+$0x0], $0xffff  }
0x13d: {  	v40 =	vadd.s32 v3, v40;
	v37 =	vadd.s32 s22, v37;
	v33 =	vld.idx.msk [tilespmem:v33+s16+$0x0], $0xffff  }
0x13e: {  	v37 =	vadd.s32 v3, v37;
	v44 =	vadd.s32 s17, v44;
	v36 =	vld.idx.msk [tilespmem:v36+s16+$0x0], $0xffff  }
0x13f: {  	v41 =	vld.idx.msk [tilespmem:v41+s16+$0x0], $0xffff;
	v44 =	vadd.s32 v3, v44;
	v43 =	vadd.s32 s19, v43  }
0x140: {  	v43 =	vadd.s32 v3, v43;
	v45 =	vadd.s32 s18, v45;
	v42 =	vld.idx.msk [tilespmem:v42+s16+$0x0], $0xffff  }
0x141: {  	v39 =	vld.idx.msk [tilespmem:v39+s16+$0x0], $0xffff;
	v45 =	vadd.s32 v3, v45  }
0x142: {  	v31 =	vadd.f32 v31, v13;
	v13 =	vmov v16;
	v40 =	vld.idx.msk [tilespmem:v40+s16+$0x0], $0xffff  }
0x143: {  	v33 =	vadd.f32 v33, v14;
	v14 =	vmov v27;
	v16 =	vld.idx.msk [tilespmem:v37+s16+$0x0], $0xffff  }
0x144: {  	v36 =	vadd.f32 v36, v15;
	v27 =	vld.idx.msk [tilespmem:v44+s16+$0x0], $0xffff;
	[tilespmem:s0+$0xFFFFFE70] =	vst v31  }
0x145: {  	v31 =	vadd.f32 v41, v13;
	v37 =	vld.idx.msk [tilespmem:v43+s16+$0x0], $0xffff;
	[tilespmem:s0+$0xFFFFFEF0] =	vst v33  }
0x146: {  	v33 =	vld.idx.msk [tilespmem:v45+s16+$0x0], $0xffff;
	[tilespmem:s26+$0x1B0] =	vst v36;
	v36 =	vadd.f32 v42, v12;
	v12 =	vmov v25  }
0x147: {  	v25 =	vadd.f32 v39, v14;
	[tilespmem:s26+$0xFFFFFE30] =	vst v31;
	v31 =	vld [tilespmem:$0x8540]  }
0x148: {  	v40 =	vadd.f32 v40, v12;
	v39 =	vld [tilespmem:$0x8540];
	[tilespmem:s0+$0xFFFFFF70] =	vst v36  }
0x149: {  	v16 =	vadd.f32 v16, v17;
	[tilespmem:s26+$0xFFFFFEB0] =	vst v25;
	v25 =	vld.idx.msk [tilespmem:v38+s16+$0x0], $0xffff  }
0x14a: {  	v27 =	vadd.f32 v27, v26;
	v36 =	vld [tilespmem:$0x8540];
	[tilespmem:s26+$0xFFFFFF30] =	vst v40  }
0x14b: {  	v38 =	vld [tilespmem:$0x8540];
	[tilespmem:s26+$0xFFFFFFB0] =	vst v16;
	v16 =	vadd.f32 v37, v29  }
0x14c: {  	v37 =	vld [tilespmem:$0x8540];
	[tilespmem:s26+$0x30] =	vst v27;
	v27 =	vadd.f32 v33, v30;
	v31 =	vadd.s32 s31, v31  }
0x14d: {  	v33 =	vadd.s32 s25, v39;
	v39 =	vld [tilespmem:$0x8540];
	[tilespmem:s26+$0xB0] =	vst v16;
	v16 =	vadd.s32 v4, v31  }
0x14e: {  	v31 =	vadd.s32 v4, v33;
	v33 =	vld [tilespmem:$0x8540];
	[tilespmem:s26+$0x130] =	vst v27  }
0x14f: {  	v25 =	vadd.f32 v25, v11;
	v11 =	vmov v17;
	v27 =	vadd.s32 s21, v36;
	v36 =	vld [tilespmem:$0x8540]  }
0x150: {  	v17 =	vadd.s32 v4, v27;
	v27 =	vadd.s32 s24, v38;
	v32 =	vld.idx.msk [tilespmem:v32+s16+$0x0], $0xffff  }
0x151: {  	v27 =	vadd.s32 v4, v27;
	v37 =	vadd.s32 s22, v37;
	[tilespmem:s0+$0xFFFFFFF0] =	vst v25;
	v25 =	vld.idx.msk [tilespmem:v34+s16+$0x0], $0xffff  }
0x152: {  	v34 =	vadd.s32 v4, v37;
	v37 =	vadd.s32 s17, v39;
	v16 =	vld.idx.msk [tilespmem:v16+s16+$0x0], $0xffff  }
0x153: {  	v31 =	vld.idx.msk [tilespmem:v31+s16+$0x0], $0xffff;
	v37 =	vadd.s32 v4, v37;
	v33 =	vadd.s32 s19, v33  }
0x154: {  	v33 =	vadd.s32 v4, v33;
	v36 =	vadd.s32 s18, v36;
	v35 =	vld.idx.msk [tilespmem:v35+s16+$0x0], $0xffff  }
0x155: {  	v17 =	vld.idx.msk [tilespmem:v17+s16+$0x0], $0xffff;
	v36 =	vadd.s32 v4, v36  }
0x156: {  	v38 =	vmov s7;
	v32 =	vadd.f32 v32, v10;
	v10 =	vmov v26;
	v27 =	vld.idx.msk [tilespmem:v27+s16+$0x0], $0xffff  }
0x157: {  	v26 =	vshll.u32 v38, $0x8;
	v25 =	vadd.f32 v25, v8;
	v8 =	vmov v29;
	v34 =	vld.idx.msk [tilespmem:v34+s16+$0x0], $0xffff  }
0x158: {  	v26 =	vor.u32 v18, v26;
	v16 =	vadd.f32 v16, v15;
	v29 =	vld.idx.msk [tilespmem:v37+s16+$0x0], $0xffff;
	[tilespmem:s0+$0x70] =	vst v32  }
0x159: {  	v31 =	vadd.f32 v31, v13;
	v32 =	vld.idx.msk [tilespmem:v33+s16+$0x0], $0xffff;
	[tilespmem:s0+$0xF0] =	vst v25  }
0x15a: {  	v25 =	vld.idx.msk [tilespmem:v36+s16+$0x0], $0xffff;
	[tilespmem:s26+$0x1C0] =	vst v16;
	v16 =	vadd.f32 v35, v9;
	v9 =	vmov v30  }
0x15b: {  	s3 =	sadd.s32 $0x1, s7;
	s2 =	sadd.s32 $0x2, s7;
	v17 =	vadd.f32 v17, v14;
	[tilespmem:s26+$0xFFFFFE40] =	vst v31;
	v30 =	vld [tilespmem:$0x8550]  }
0x15c: {  	s1 =	sadd.s32 $0x3, s7;
	v33 =	vmov s2;
	v31 =	vmov s3;
	v27 =	vadd.f32 v27, v12;
	v35 =	vld [tilespmem:$0x8550];
	[tilespmem:s0+$0x170] =	vst v16;
	s0 =	smov.u32 s26  }
0x15d: {  	v16 =	vld.idx.msk [tilespmem:v26+s13+$0x0], $0xffff;
	v26 =	vshll.u32 v31, $0x8;
	v31 =	vmov s1;
	[tilespmem:s26+$0xFFFFFEC0] =	vst v17;
	v17 =	vadd.f32 v34, v11  }
0x15e: {  	v33 =	vshll.u32 v33, $0x8;
	v26 =	vand.u32 $0x1800, v26;
	v34 =	vld [tilespmem:$0x8550];
	[tilespmem:s26+$0xFFFFFF40] =	vst v27;
	v27 =	vadd.f32 v29, v10  }
0x15f: {  	v29 =	vand.u32 $0x1800, v33;
	v26 =	vor.u32 v26, v19;
	v33 =	vld [tilespmem:$0x8550];
	[tilespmem:s26+$0xFFFFFFC0] =	vst v17;
	v17 =	vadd.f32 v32, v8  }
0x160: {  	v29 =	vor.u32 v29, v20;
	v25 =	vadd.f32 v25, v9;
	v32 =	vld [tilespmem:$0x8550];
	[tilespmem:s26+$0x40] =	vst v27;
	v27 =	vadd.s32 s31, v30  }
0x161: {  	v30 =	vshll.u32 v31, $0x8;
	v31 =	vadd.s32 s25, v35;
	v35 =	vld [tilespmem:$0x8550];
	[tilespmem:s26+$0xC0] =	vst v17;
	v17 =	vadd.s32 v5, v27  }
0x162: {  	v27 =	vand.u32 $0x1800, v30;
	v30 =	vadd.s32 v5, v31;
	v31 =	vld [tilespmem:$0x8550];
	[tilespmem:s26+$0x140] =	vst v25  }
0x163: {  	v36 =	vor.u32 v27, v21;
	v25 =	vadd.s32 s21, v34;
	v34 =	vld [tilespmem:$0x8550]  }
0x164: {  	v27 =	vld.idx.msk [tilespmem:v26+s13+$0x0], $0xffff;
	v26 =	vadd.s32 v5, v25;
	v33 =	vadd.s32 s24, v33  }
0x165: {  	v25 =	vld.idx.msk [tilespmem:v29+s13+$0x0], $0xffff;
	v29 =	vadd.s32 v5, v33;
	v32 =	vadd.s32 s22, v32  }
0x166: {  	v32 =	vadd.s32 v5, v32;
	v33 =	vadd.s32 s17, v35;
	v35 =	vld.idx.msk [tilespmem:v17+s16+$0x0], $0xffff  }
0x167: {  	v30 =	vld.idx.msk [tilespmem:v30+s16+$0x0], $0xffff;
	v33 =	vadd.s32 v5, v33;
	v31 =	vadd.s32 s19, v31  }
0x168: {  	s23 =	sadd.s32 $0x4, s7;
	v17 =	vld.idx.msk [tilespmem:v36+s13+$0x0], $0xffff;
	v31 =	vadd.s32 v5, v31;
	v34 =	vadd.s32 s18, v34  }
0x169: {  	v36 =	vmov s23;
	v26 =	vld.idx.msk [tilespmem:v26+s16+$0x0], $0xffff;
	v34 =	vadd.s32 v5, v34  }
0x16a: {  	v36 =	vshll.u32 v36, $0x8;
	v29 =	vld.idx.msk [tilespmem:v29+s16+$0x0], $0xffff  }
0x16b: {  	v36 =	vand.u32 $0x1800, v36;
	v32 =	vld.idx.msk [tilespmem:v32+s16+$0x0], $0xffff  }
0x16c: {  	v36 =	vor.u32 v36, v22;
	v35 =	vadd.f32 v35, v15;
	v33 =	vld.idx.msk [tilespmem:v33+s16+$0x0], $0xffff  }
0x16d: {  	v30 =	vadd.f32 v30, v13;
	v31 =	vld.idx.msk [tilespmem:v31+s16+$0x0], $0xffff  }
0x16e: {  	v34 =	vld.idx.msk [tilespmem:v34+s16+$0x0], $0xffff;
	[tilespmem:s26+$0x1D0] =	vst v35  }
0x16f: {  	[tilespmem:s26+$0xFFFFFE50] =	vst v30;
	v30 =	vadd.f32 v26, v14;
	v35 =	vld [tilespmem:$0x8560]  }
0x170: {  	s14 =	sadd.s32 $0x5, s7;
	v29 =	vadd.f32 v29, v12;
	v37 =	vld [tilespmem:$0x8560]  }
0x171: {  	v26 =	vld.idx.msk [tilespmem:v36+s13+$0x0], $0xffff;
	v36 =	vmov s14;
	[tilespmem:s26+$0xFFFFFED0] =	vst v30;
	v30 =	vadd.f32 v32, v11  }
0x172: {  	s29 =	sadd.s32 $0x6, s7;
	v38 =	vadd.f32 v33, v10;
	v32 =	vshll.u32 v36, $0x8;
	v36 =	vld [tilespmem:$0x8560];
	[tilespmem:s26+$0xFFFFFF50] =	vst v29  }
0x173: {  	v31 =	vadd.f32 v31, v8;
	v29 =	vand.u32 $0x1800, v32;
	v32 =	vmov s29;
	v40 =	vld [tilespmem:$0x8560];
	[tilespmem:s26+$0xFFFFFFD0] =	vst v30  }
.Ltmp0:
0x174: {  	v34 =	vadd.f32 v34, v9;
	v29 =	vor.u32 v29, v23;
	v33 =	vld [tilespmem:$0x8560];
	[tilespmem:s26+$0x50] =	vst v38;
	v35 =	vadd.s32 s31, v35;
	(pc) =	sbr.rel @p1 .LBB2_3-.Ltmp0, $4  }
0x175: {  	v32 =	vshll.u32 v32, $0x8;
	v38 =	vadd.s32 s25, v37;
	v30 =	vld [tilespmem:$0x8560];
	[tilespmem:s26+$0xD0] =	vst v31;
	v37 =	vadd.s32 v6, v35  }
0x176: {  	v31 =	vand.u32 $0x1800, v32;
	v38 =	vadd.s32 v6, v38;
	v32 =	vld [tilespmem:$0x8560];
	[tilespmem:s26+$0x150] =	vst v34  }
0x177: {  	v39 =	vor.u32 v31, v24;
	v34 =	vld [tilespmem:$0x8500];
	v31 =	vadd.s32 s21, v36  }
0x178: {  	s8 =	sadd.s32 $0x7, s28;
	s7 =	sadd.s32 $0x8, s7;
	v36 =	vadd.s32 v6, v31;
	v35 =	vadd.s32 s24, v40;
	v31 =	vld [tilespmem:$0x8560]  }
0x179: {  	_ =	sdelay $0x2  }
0x17a: {  	v18 =	vmov s8  }
0x17b: {  	v21 =	vld.idx.msk [tilespmem:v37+s16+$0x0], $0xffff;
	v18 =	vshll.u32 v18, $0x8  }
0x17c: {  	v19 =	vand.u32 $0x1800, v18  }
0x17d: {  	v20 =	vor.u32 v19, v28  }
0x17e: {  	v22 =	vld.idx.msk [tilespmem:v38+s16+$0x0], $0xffff;
	v43 =	vadd.s32 s8, v34  }
0x17f: {  	v18 =	vld.idx.msk [tilespmem:v29+s13+$0x0], $0xffff;
	v23 =	vadd.s32 s28, v34;
	v24 =	vadd.s32 v0, v43  }
0x180: {  	v19 =	vld.idx.msk [tilespmem:v39+s13+$0x0], $0xffff;
	v46 =	vadd.s32 s2, v34;
	v45 =	vadd.s32 v0, v23;
	v21 =	vadd.f32 v21, v15  }
0x181: {  	v44 =	vadd.s32 s3, v34;
	v23 =	vld.idx.msk [tilespmem:v36+s16+$0x0], $0xffff;
	v37 =	vadd.s32 v0, v46  }
0x182: {  	v48 =	vadd.s32 s23, v34;
	v28 =	vadd.s32 v0, v44;
	[tilespmem:s26+$0x1E0] =	vst v21;
	v20 =	vld.idx.msk [tilespmem:v20+s13+$0x0], $0xffff  }
0x183: {  	v47 =	vadd.s32 s1, v34;
	v38 =	vadd.s32 v0, v48;
	v46 =	vld [tilespmem:$0x8570]  }
0x184: {  	v50 =	vadd.s32 s29, v34;
	v36 =	vadd.s32 v0, v47;
	v24 =	vld.idx.msk [tilespmem:v24+s16+$0x0], $0xffff  }
0x185: {  	v49 =	vadd.s32 s14, v34;
	v34 =	vadd.s32 v0, v50;
	v29 =	vld.idx.msk [tilespmem:v45+s16+$0x0], $0xffff  }
0x186: {  	v39 =	vadd.s32 v0, v49;
	v37 =	vld.idx.msk [tilespmem:v37+s16+$0x0], $0xffff  }
0x187: {  	v28 =	vld.idx.msk [tilespmem:v28+s16+$0x0], $0xffff  }
0x188: {  	v38 =	vld.idx.msk [tilespmem:v38+s16+$0x0], $0xffff  }
0x189: {  	v36 =	vld.idx.msk [tilespmem:v36+s16+$0x0], $0xffff;
	v24 =	vadd.f32 v24, v20  }
0x18a: {  	s7 =	sadd.s32 $0x400, s26;
	v34 =	vld.idx.msk [tilespmem:v34+s16+$0x0], $0xffff;
	v29 =	vadd.f32 v29, v16  }
0x18b: {  	v39 =	vld.idx.msk [tilespmem:v39+s16+$0x0], $0xffff;
	v51 =	vadd.f32 v37, v25;
	[tilespmem:s7+$0x180] =	vst v24  }
0x18c: {  	v28 =	vadd.f32 v28, v27;
	[tilespmem:s7+$0xFFFFFE00] =	vst v29;
	v52 =	vld [tilespmem:$0x8510]  }
0x18d: {  	v55 =	vadd.f32 v38, v26;
	[tilespmem:s7+$0xFFFFFF00] =	vst v51;
	v53 =	vld [tilespmem:$0x8510]  }
0x18e: {  	v54 =	vadd.f32 v36, v17;
	[tilespmem:s7+$0xFFFFFE80] =	vst v28;
	v58 =	vld [tilespmem:$0x8510]  }
0x18f: {  	v59 =	vadd.f32 v34, v19;
	[tilespmem:s7+$0x0] =	vst v55;
	v56 =	vld [tilespmem:$0x8510]  }
0x190: {  	v35 =	vadd.s32 v6, v35;
	v33 =	vadd.s32 s22, v33;
	v57 =	vadd.f32 v39, v18;
	[tilespmem:s7+$0xFFFFFF80] =	vst v54;
	v62 =	vld [tilespmem:$0x8510]  }
0x191: {  	v33 =	vadd.s32 v6, v33;
	v23 =	vadd.f32 v23, v14;
	[tilespmem:s7+$0x100] =	vst v59;
	v60 =	vld [tilespmem:$0x8510];
	v61 =	vadd.s32 s8, v52  }
0x192: {  	v22 =	vadd.f32 v22, v13;
	[tilespmem:s7+$0x80] =	vst v57;
	v42 =	vld [tilespmem:$0x8510];
	v37 =	vadd.s32 s28, v53;
	v63 =	vadd.s32 v1, v61  }
0x193: {  	[tilespmem:s26+$0xFFFFFEE0] =	vst v23;
	v40 =	vld [tilespmem:$0x8510];
	v38 =	vadd.s32 s2, v58;
	v37 =	vadd.s32 v1, v37  }
0x194: {  	[tilespmem:s26+$0xFFFFFE60] =	vst v22;
	v22 =	vld [tilespmem:$0x8570];
	v41 =	vadd.s32 s3, v56;
	v44 =	vadd.s32 v1, v38  }
0x195: {  	v28 =	vld.idx.msk [tilespmem:v35+s16+$0x0], $0xffff;
	v29 =	vadd.s32 s23, v62;
	v43 =	vadd.s32 v1, v41  }
0x196: {  	v24 =	vld.idx.msk [tilespmem:v33+s16+$0x0], $0xffff;
	v45 =	vadd.s32 s1, v60;
	v29 =	vadd.s32 v1, v29  }
0x197: {  	v36 =	vadd.s32 s29, v42;
	v33 =	vadd.s32 v1, v45;
	v47 =	vld.idx.msk [tilespmem:v63+s16+$0x0], $0xffff  }
0x198: {  	v48 =	vadd.s32 s14, v40;
	v36 =	vadd.s32 v1, v36;
	v37 =	vld.idx.msk [tilespmem:v37+s16+$0x0], $0xffff  }
0x199: {  	v39 =	vadd.s32 v1, v48;
	v21 =	vld.idx.msk [tilespmem:v44+s16+$0x0], $0xffff  }
0x19a: {  	v35 =	vld.idx.msk [tilespmem:v43+s16+$0x0], $0xffff  }
0x19b: {  	v29 =	vld.idx.msk [tilespmem:v29+s16+$0x0], $0xffff  }
0x19c: {  	v33 =	vld.idx.msk [tilespmem:v33+s16+$0x0], $0xffff;
	v38 =	vadd.f32 v47, v20  }
0x19d: {  	v36 =	vld.idx.msk [tilespmem:v36+s16+$0x0], $0xffff;
	v37 =	vadd.f32 v37, v16  }
0x19e: {  	v39 =	vld.idx.msk [tilespmem:v39+s16+$0x0], $0xffff;
	v21 =	vadd.f32 v21, v25;
	[tilespmem:s7+$0x190] =	vst v38  }
0x19f: {  	v35 =	vadd.f32 v35, v27;
	[tilespmem:s7+$0xFFFFFE10] =	vst v37;
	v49 =	vld [tilespmem:$0x8520]  }
0x1a0: {  	v51 =	vadd.f32 v29, v26;
	[tilespmem:s7+$0xFFFFFF10] =	vst v21;
	v50 =	vld [tilespmem:$0x8520]  }
0x1a1: {  	v30 =	vadd.s32 s17, v30;
	v33 =	vadd.f32 v33, v17;
	[tilespmem:s7+$0xFFFFFE90] =	vst v35;
	v54 =	vld [tilespmem:$0x8520]  }
0x1a2: {  	v52 =	vadd.s32 v6, v30;
	v53 =	vadd.s32 s19, v32;
	v57 =	vadd.f32 v36, v19;
	[tilespmem:s7+$0x10] =	vst v51;
	v35 =	vld [tilespmem:$0x8520]  }
0x1a3: {  	v34 =	vadd.s32 s31, v46;
	v30 =	vadd.s32 v6, v53;
	v55 =	vadd.f32 v39, v18;
	[tilespmem:s7+$0xFFFFFF90] =	vst v33;
	v59 =	vld [tilespmem:$0x8520]  }
0x1a4: {  	v34 =	vadd.s32 v7, v34;
	[tilespmem:s7+$0x110] =	vst v57;
	v56 =	vld [tilespmem:$0x8520];
	v58 =	vadd.s32 s8, v49  }
0x1a5: {  	[tilespmem:s7+$0x90] =	vst v55;
	v63 =	vld [tilespmem:$0x8520];
	v60 =	vadd.s32 s28, v50;
	v36 =	vadd.s32 v2, v58  }
0x1a6: {  	v61 =	vld [tilespmem:$0x8520];
	v42 =	vadd.s32 s2, v54;
	v33 =	vadd.s32 v2, v60  }
0x1a7: {  	v40 =	vld.idx.msk [tilespmem:v52+s16+$0x0], $0xffff;
	v62 =	vadd.s32 s3, v35;
	v43 =	vadd.s32 v2, v42  }
0x1a8: {  	v29 =	vld.idx.msk [tilespmem:v30+s16+$0x0], $0xffff;
	v45 =	vadd.s32 s23, v59;
	v41 =	vadd.s32 v2, v62  }
0x1a9: {  	v21 =	vld.idx.msk [tilespmem:v34+s16+$0x0], $0xffff;
	v44 =	vadd.s32 s1, v56;
	v34 =	vadd.s32 v2, v45  }
0x1aa: {  	v35 =	vadd.s32 s29, v63;
	v32 =	vadd.s32 v2, v44;
	v36 =	vld.idx.msk [tilespmem:v36+s16+$0x0], $0xffff  }
0x1ab: {  	v46 =	vadd.s32 s14, v61;
	v35 =	vadd.s32 v2, v35;
	v33 =	vld.idx.msk [tilespmem:v33+s16+$0x0], $0xffff  }
0x1ac: {  	v37 =	vadd.s32 v2, v46;
	v30 =	vld.idx.msk [tilespmem:v43+s16+$0x0], $0xffff  }
0x1ad: {  	v47 =	vld.idx.msk [tilespmem:v41+s16+$0x0], $0xffff  }
0x1ae: {  	v34 =	vld.idx.msk [tilespmem:v34+s16+$0x0], $0xffff  }
0x1af: {  	v32 =	vld.idx.msk [tilespmem:v32+s16+$0x0], $0xffff;
	v36 =	vadd.f32 v36, v20  }
0x1b0: {  	v35 =	vld.idx.msk [tilespmem:v35+s16+$0x0], $0xffff;
	v33 =	vadd.f32 v33, v16  }
0x1b1: {  	v37 =	vld.idx.msk [tilespmem:v37+s16+$0x0], $0xffff;
	v30 =	vadd.f32 v30, v25;
	[tilespmem:s7+$0x1A0] =	vst v36  }
0x1b2: {  	v48 =	vadd.f32 v47, v27;
	[tilespmem:s7+$0xFFFFFE20] =	vst v33;
	v49 =	vld [tilespmem:$0x8530]  }
0x1b3: {  	v51 =	vadd.f32 v34, v26;
	[tilespmem:s7+$0xFFFFFF20] =	vst v30;
	v50 =	vld [tilespmem:$0x8530]  }
0x1b4: {  	v32 =	vadd.f32 v32, v17;
	[tilespmem:s7+$0xFFFFFEA0] =	vst v48;
	v52 =	vld [tilespmem:$0x8530]  }
0x1b5: {  	v31 =	vadd.s32 s18, v31;
	v55 =	vadd.f32 v35, v19;
	[tilespmem:s7+$0x20] =	vst v51;
	v36 =	vld [tilespmem:$0x8530]  }
0x1b6: {  	v31 =	vadd.s32 v6, v31;
	v22 =	vadd.s32 s21, v22;
	v53 =	vadd.f32 v37, v18;
	[tilespmem:s7+$0xFFFFFFA0] =	vst v32;
	v56 =	vld [tilespmem:$0x8530]  }
0x1b7: {  	v22 =	vadd.s32 v7, v22;
	[tilespmem:s7+$0x120] =	vst v55;
	v54 =	vld [tilespmem:$0x8530];
	v33 =	vadd.s32 s8, v49  }
0x1b8: {  	[tilespmem:s7+$0xA0] =	vst v53;
	v61 =	vld [tilespmem:$0x8530];
	v57 =	vadd.s32 s28, v50;
	v33 =	vadd.s32 v3, v33  }
0x1b9: {  	v58 =	vld [tilespmem:$0x8530];
	v62 =	vadd.s32 s2, v52;
	v59 =	vadd.s32 v3, v57  }
0x1ba: {  	v60 =	vadd.s32 s3, v36;
	v63 =	vadd.s32 v3, v62  }
0x1bb: {  	v31 =	vld.idx.msk [tilespmem:v31+s16+$0x0], $0xffff;
	v35 =	vadd.s32 s23, v56;
	v32 =	vadd.s32 v3, v60  }
0x1bc: {  	v22 =	vld.idx.msk [tilespmem:v22+s16+$0x0], $0xffff;
	v37 =	vadd.s32 s1, v54;
	v35 =	vadd.s32 v3, v35  }
0x1bd: {  	v36 =	vadd.s32 s29, v61;
	v37 =	vadd.s32 v3, v37;
	v33 =	vld.idx.msk [tilespmem:v33+s16+$0x0], $0xffff  }
0x1be: {  	v38 =	vadd.s32 s14, v58;
	v36 =	vadd.s32 v3, v36;
	v30 =	vld.idx.msk [tilespmem:v59+s16+$0x0], $0xffff  }
0x1bf: {  	v38 =	vadd.s32 v3, v38;
	v23 =	vld.idx.msk [tilespmem:v63+s16+$0x0], $0xffff  }
0x1c0: {  	v32 =	vld.idx.msk [tilespmem:v32+s16+$0x0], $0xffff  }
0x1c1: {  	v35 =	vld.idx.msk [tilespmem:v35+s16+$0x0], $0xffff  }
0x1c2: {  	v37 =	vld.idx.msk [tilespmem:v37+s16+$0x0], $0xffff;
	v33 =	vadd.f32 v33, v20  }
0x1c3: {  	v36 =	vld.idx.msk [tilespmem:v36+s16+$0x0], $0xffff;
	v30 =	vadd.f32 v30, v16  }
0x1c4: {  	v38 =	vld.idx.msk [tilespmem:v38+s16+$0x0], $0xffff;
	v23 =	vadd.f32 v23, v25;
	[tilespmem:s7+$0x1B0] =	vst v33  }
0x1c5: {  	v32 =	vadd.f32 v32, v27;
	[tilespmem:s7+$0xFFFFFE30] =	vst v30;
	v41 =	vld [tilespmem:$0x8540]  }
0x1c6: {  	v45 =	vadd.f32 v35, v26;
	[tilespmem:s7+$0xFFFFFF30] =	vst v23;
	v42 =	vld [tilespmem:$0x8540]  }
0x1c7: {  	v43 =	vadd.f32 v37, v17;
	[tilespmem:s7+$0xFFFFFEB0] =	vst v32;
	v46 =	vld [tilespmem:$0x8540]  }
0x1c8: {  	v49 =	vadd.f32 v36, v19;
	[tilespmem:s7+$0x30] =	vst v45;
	v44 =	vld [tilespmem:$0x8540]  }
0x1c9: {  	v47 =	vadd.f32 v38, v18;
	[tilespmem:s7+$0xFFFFFFB0] =	vst v43;
	v50 =	vld [tilespmem:$0x8540]  }
0x1ca: {  	v28 =	vadd.f32 v28, v12;
	[tilespmem:s7+$0x130] =	vst v49;
	v48 =	vld [tilespmem:$0x8540];
	v30 =	vadd.s32 s8, v41  }
0x1cb: {  	v24 =	vadd.f32 v24, v11;
	[tilespmem:s7+$0xB0] =	vst v47;
	v56 =	vld [tilespmem:$0x8540];
	v51 =	vadd.s32 s28, v42;
	v30 =	vadd.s32 v4, v30  }
0x1cc: {  	[tilespmem:s26+$0xFFFFFF60] =	vst v28;
	v52 =	vld [tilespmem:$0x8540];
	v35 =	vadd.s32 s2, v46;
	v54 =	vadd.s32 v4, v51  }
0x1cd: {  	[tilespmem:s26+$0xFFFFFFE0] =	vst v24;
	v24 =	vld [tilespmem:$0x8570];
	v55 =	vadd.s32 s3, v44;
	v35 =	vadd.s32 v4, v35  }
0x1ce: {  	v39 =	vld [tilespmem:$0x8570];
	v36 =	vadd.s32 s23, v50;
	v32 =	vadd.s32 v4, v55  }
0x1cf: {  	v34 =	vld [tilespmem:$0x8570];
	v38 =	vadd.s32 s1, v48;
	v36 =	vadd.s32 v4, v36  }
0x1d0: {  	v37 =	vadd.s32 s29, v56;
	v38 =	vadd.s32 v4, v38;
	v30 =	vld.idx.msk [tilespmem:v30+s16+$0x0], $0xffff  }
0x1d1: {  	v33 =	vadd.s32 s14, v52;
	v37 =	vadd.s32 v4, v37;
	v28 =	vld.idx.msk [tilespmem:v54+s16+$0x0], $0xffff  }
0x1d2: {  	v33 =	vadd.s32 v4, v33;
	v35 =	vld.idx.msk [tilespmem:v35+s16+$0x0], $0xffff  }
0x1d3: {  	v32 =	vld.idx.msk [tilespmem:v32+s16+$0x0], $0xffff  }
0x1d4: {  	v36 =	vld.idx.msk [tilespmem:v36+s16+$0x0], $0xffff  }
0x1d5: {  	v38 =	vld.idx.msk [tilespmem:v38+s16+$0x0], $0xffff;
	v30 =	vadd.f32 v30, v20  }
0x1d6: {  	v37 =	vld.idx.msk [tilespmem:v37+s16+$0x0], $0xffff;
	v28 =	vadd.f32 v28, v16  }
0x1d7: {  	v33 =	vld.idx.msk [tilespmem:v33+s16+$0x0], $0xffff;
	v59 =	vadd.f32 v35, v25;
	[tilespmem:s7+$0x1C0] =	vst v30  }
0x1d8: {  	v57 =	vadd.f32 v32, v27;
	[tilespmem:s7+$0xFFFFFE40] =	vst v28;
	v58 =	vld [tilespmem:$0x8550]  }
0x1d9: {  	v63 =	vadd.f32 v36, v26;
	[tilespmem:s7+$0xFFFFFF40] =	vst v59;
	v60 =	vld [tilespmem:$0x8550]  }
0x1da: {  	v24 =	vadd.s32 s24, v24;
	v53 =	vadd.f32 v40, v10;
	v61 =	vadd.f32 v38, v17;
	[tilespmem:s7+$0xFFFFFEC0] =	vst v57;
	v40 =	vld [tilespmem:$0x8550]  }
0x1db: {  	v24 =	vadd.s32 v7, v24;
	v44 =	vadd.f32 v37, v19;
	[tilespmem:s7+$0x40] =	vst v63;
	v62 =	vld [tilespmem:$0x8550]  }
0x1dc: {  	v41 =	vadd.f32 v33, v18;
	[tilespmem:s7+$0xFFFFFFC0] =	vst v61;
	v45 =	vld [tilespmem:$0x8550]  }
0x1dd: {  	[tilespmem:s7+$0x140] =	vst v44;
	v43 =	vld [tilespmem:$0x8550];
	v28 =	vadd.s32 s8, v58  }
0x1de: {  	[tilespmem:s7+$0xC0] =	vst v41;
	v32 =	vld [tilespmem:$0x8550];
	v47 =	vadd.s32 s28, v60;
	v28 =	vadd.s32 v5, v28  }
0x1df: {  	v29 =	vadd.f32 v29, v8;
	v48 =	vld [tilespmem:$0x8550];
	v36 =	vadd.s32 s2, v40;
	v49 =	vadd.s32 v5, v47  }
0x1e0: {  	v24 =	vld.idx.msk [tilespmem:v24+s16+$0x0], $0xffff;
	[tilespmem:s26+$0x60] =	vst v53;
	v50 =	vadd.s32 s3, v62;
	v36 =	vadd.s32 v5, v36  }
0x1e1: {  	[tilespmem:s0+$0xE0] =	vst v29;
	v23 =	vld [tilespmem:$0x8570];
	v46 =	vadd.f32 v31, v9;
	v37 =	vadd.s32 s23, v45;
	v31 =	vadd.s32 v5, v50  }
0x1e2: {  	v42 =	vadd.s32 s25, v34;
	v30 =	vld [tilespmem:$0x8570];
	v34 =	vadd.s32 s1, v43;
	v37 =	vadd.s32 v5, v37  }
0x1e3: {  	v32 =	vadd.s32 s29, v32;
	v34 =	vadd.s32 v5, v34;
	v28 =	vld.idx.msk [tilespmem:v28+s16+$0x0], $0xffff  }
0x1e4: {  	v35 =	vadd.s32 s14, v48;
	v32 =	vadd.s32 v5, v32;
	v29 =	vld.idx.msk [tilespmem:v49+s16+$0x0], $0xffff  }
0x1e5: {  	v35 =	vadd.s32 v5, v35;
	v36 =	vld.idx.msk [tilespmem:v36+s16+$0x0], $0xffff  }
0x1e6: {  	v31 =	vld.idx.msk [tilespmem:v31+s16+$0x0], $0xffff  }
0x1e7: {  	v37 =	vld.idx.msk [tilespmem:v37+s16+$0x0], $0xffff  }
0x1e8: {  	v34 =	vld.idx.msk [tilespmem:v34+s16+$0x0], $0xffff;
	v28 =	vadd.f32 v28, v20  }
0x1e9: {  	[tilespmem:s0+$0x160] =	vst v46;
	v32 =	vld.idx.msk [tilespmem:v32+s16+$0x0], $0xffff;
	v29 =	vadd.f32 v29, v16  }
0x1ea: {  	v35 =	vld.idx.msk [tilespmem:v35+s16+$0x0], $0xffff;
	v53 =	vadd.f32 v36, v25;
	[tilespmem:s7+$0x1D0] =	vst v28  }
0x1eb: {  	v51 =	vadd.f32 v31, v27;
	[tilespmem:s7+$0xFFFFFE50] =	vst v29;
	v52 =	vld [tilespmem:$0x8560]  }
0x1ec: {  	v57 =	vadd.f32 v37, v26;
	[tilespmem:s7+$0xFFFFFF50] =	vst v53;
	v54 =	vld [tilespmem:$0x8560]  }
0x1ed: {  	v55 =	vadd.f32 v34, v17;
	[tilespmem:s7+$0xFFFFFED0] =	vst v51;
	v58 =	vld [tilespmem:$0x8560]  }
0x1ee: {  	v62 =	vadd.f32 v32, v19;
	[tilespmem:s7+$0x50] =	vst v57;
	v56 =	vld [tilespmem:$0x8560]  }
0x1ef: {  	v33 =	vadd.s32 v7, v42;
	v30 =	vadd.s32 s19, v30;
	v59 =	vadd.f32 v35, v18;
	[tilespmem:s7+$0xFFFFFFD0] =	vst v55;
	v42 =	vld [tilespmem:$0x8560]  }
0x1f0: {  	v30 =	vadd.s32 v7, v30;
	[tilespmem:s7+$0x150] =	vst v62;
	v61 =	vld [tilespmem:$0x8560];
	v29 =	vadd.s32 s8, v52  }
0x1f1: {  	[tilespmem:s7+$0xD0] =	vst v59;
	v46 =	vld [tilespmem:$0x8560];
	v43 =	vadd.s32 s28, v54;
	v29 =	vadd.s32 v6, v29  }
0x1f2: {  	v44 =	vld [tilespmem:$0x8560];
	v37 =	vadd.s32 s2, v58;
	v28 =	vadd.s32 v6, v43  }
0x1f3: {  	v38 =	vld [tilespmem:$0x8570];
	v45 =	vadd.s32 s3, v56;
	v37 =	vadd.s32 v6, v37  }
0x1f4: {  	v33 =	vld.idx.msk [tilespmem:v33+s16+$0x0], $0xffff;
	v35 =	vadd.s32 s23, v42;
	v31 =	vadd.s32 v6, v45  }
0x1f5: {  	v60 =	vadd.s32 s22, v39;
	v30 =	vld.idx.msk [tilespmem:v30+s16+$0x0], $0xffff;
	v39 =	vadd.s32 s1, v61;
	v35 =	vadd.s32 v6, v35  }
0x1f6: {  	v34 =	vadd.s32 s29, v46;
	v39 =	vadd.s32 v6, v39;
	v29 =	vld.idx.msk [tilespmem:v29+s16+$0x0], $0xffff  }
0x1f7: {  	v36 =	vadd.s32 s14, v44;
	v34 =	vadd.s32 v6, v34;
	v28 =	vld.idx.msk [tilespmem:v28+s16+$0x0], $0xffff  }
0x1f8: {  	v36 =	vadd.s32 v6, v36;
	v37 =	vld.idx.msk [tilespmem:v37+s16+$0x0], $0xffff  }
0x1f9: {  	v31 =	vld.idx.msk [tilespmem:v31+s16+$0x0], $0xffff  }
0x1fa: {  	v35 =	vld.idx.msk [tilespmem:v35+s16+$0x0], $0xffff  }
0x1fb: {  	v39 =	vld.idx.msk [tilespmem:v39+s16+$0x0], $0xffff;
	v29 =	vadd.f32 v29, v20  }
0x1fc: {  	v48 =	vld.idx.msk [tilespmem:v34+s16+$0x0], $0xffff;
	v28 =	vadd.f32 v28, v16  }
0x1fd: {  	v36 =	vld.idx.msk [tilespmem:v36+s16+$0x0], $0xffff;
	v50 =	vadd.f32 v37, v25;
	[tilespmem:s7+$0x1E0] =	vst v29  }
0x1fe: {  	v47 =	vadd.f32 v31, v27;
	[tilespmem:s7+$0xFFFFFE60] =	vst v28;
	v49 =	vld [tilespmem:$0x8570]  }
0x1ff: {  	v53 =	vadd.f32 v35, v26;
	[tilespmem:s7+$0xFFFFFF60] =	vst v50;
	v52 =	vld [tilespmem:$0x8570]  }
0x200: {  	v51 =	vadd.f32 v39, v17;
	[tilespmem:s7+$0xFFFFFEE0] =	vst v47;
	v56 =	vld [tilespmem:$0x8570]  }
0x201: {  	v23 =	vadd.s32 s17, v23;
	v63 =	vadd.s32 v7, v60;
	v57 =	vadd.f32 v48, v19;
	[tilespmem:s7+$0x60] =	vst v53;
	v54 =	vld [tilespmem:$0x8570]  }
0x202: {  	v23 =	vadd.s32 v7, v23;
	v38 =	vadd.s32 s18, v38;
	v55 =	vadd.f32 v36, v18;
	[tilespmem:s7+$0xFFFFFFE0] =	vst v51;
	v59 =	vld [tilespmem:$0x8570]  }
0x203: {  	v38 =	vadd.s32 v7, v38;
	[tilespmem:s7+$0x160] =	vst v57;
	v58 =	vld [tilespmem:$0x8570];
	v34 =	vadd.s32 s8, v49  }
0x204: {  	[tilespmem:s7+$0xE0] =	vst v55;
	v61 =	vld [tilespmem:$0x8570];
	v37 =	vadd.s32 s28, v52;
	v34 =	vadd.s32 v7, v34  }
0x205: {  	v60 =	vld [tilespmem:$0x8570];
	v36 =	vadd.s32 s2, v56;
	v37 =	vadd.s32 v7, v37  }
0x206: {  	v41 =	vadd.f32 v33, v13;
	v32 =	vld.idx.msk [tilespmem:v63+s16+$0x0], $0xffff;
	v35 =	vadd.s32 s3, v54;
	v42 =	vadd.s32 v7, v36  }
0x207: {  	v8 =	vadd.f32 v30, v8;
	v63 =	vld.idx.msk [tilespmem:v23+s16+$0x0], $0xffff;
	v29 =	vadd.s32 s23, v59;
	v40 =	vadd.s32 v7, v35  }
0x208: {  	[tilespmem:s0+$0xFFFFFE70] =	vst v41;
	v62 =	vadd.f32 v21, v15;
	v44 =	vld.idx.msk [tilespmem:v38+s16+$0x0], $0xffff;
	v31 =	vadd.s32 s1, v58;
	v48 =	vadd.s32 v7, v29  }
0x209: {  	[tilespmem:s0+$0xF0] =	vst v8;
	v46 =	vadd.f32 v24, v12;
	v49 =	vadd.s32 s29, v61;
	v45 =	vadd.s32 v7, v31;
	v47 =	vld.idx.msk [tilespmem:v34+s16+$0x0], $0xffff  }
0x20a: {  	[tilespmem:s0+$0x1F0] =	vst v62;
	v43 =	vadd.f32 v22, v14;
	v28 =	vadd.s32 s14, v60;
	v54 =	vadd.s32 v7, v49;
	v52 =	vld.idx.msk [tilespmem:v37+s16+$0x0], $0xffff  }
0x20b: {  	[tilespmem:s0+$0xFFFFFF70] =	vst v46;
	v50 =	vadd.f32 v32, v11;
	v51 =	vadd.s32 v7, v28;
	v56 =	vld.idx.msk [tilespmem:v42+s16+$0x0], $0xffff  }
0x20c: {  	[tilespmem:s0+$0xFFFFFEF0] =	vst v43;
	v53 =	vadd.f32 v63, v10;
	v55 =	vld.idx.msk [tilespmem:v40+s16+$0x0], $0xffff  }
0x20d: {  	v57 =	vadd.f32 v44, v9;
	[tilespmem:s0+$0xFFFFFFF0] =	vst v50;
	v59 =	vld.idx.msk [tilespmem:v48+s16+$0x0], $0xffff  }
0x20e: {  	[tilespmem:s0+$0x70] =	vst v53;
	v58 =	vld.idx.msk [tilespmem:v45+s16+$0x0], $0xffff;
	v8 =	vadd.f32 v47, v20  }
0x20f: {  	[tilespmem:s0+$0x170] =	vst v57;
	v12 =	vld.idx.msk [tilespmem:v54+s16+$0x0], $0xffff;
	v60 =	vadd.f32 v52, v16  }
0x210: {  	v14 =	vld.idx.msk [tilespmem:v51+s16+$0x0], $0xffff;
	v61 =	vadd.f32 v56, v25;
	[tilespmem:s7+$0x1F0] =	vst v8  }
0x211: {  	v8 =	vadd.f32 v55, v27;
	[tilespmem:s7+$0xFFFFFE70] =	vst v60  }
0x212: {  	v62 =	vadd.f32 v59, v26;
	[tilespmem:s7+$0xFFFFFF70] =	vst v61  }
0x213: {  	[tilespmem:s7+$0xFFFFFEF0] =	vst v8;
	v8 =	vadd.f32 v58, v17  }
0x214: {  	s19 =	sshll.u32 s12, $0x12;
	v63 =	vadd.f32 v12, v19;
	[tilespmem:s7+$0x70] =	vst v62  }
0x215: {  	s0 =	sor.u32 s10, s19;
	[tilespmem:s7+$0xFFFFFFF0] =	vst v8;
	v8 =	vadd.f32 v14, v18  }
0x216: {  	p1 =	sne.s32 s12, $0x63;
	s31 =	smov.u32 s10;
	s0 =	sshrl.u32 s0, $0x3;
	[tilespmem:s7+$0x170] =	vst v63  }
0x217: {  	s22 =	simm.s32 $0x10580;
	s10 =	simm.s32 $0x0;
	s21 =	sadd.s32 s9, s0;
	[tilespmem:s7+$0xF0] =	vst v8  }
0x218: {  	[hbm4b:s21+s10] =	stream.linear.scatter [tilespmem:s22], [sflag:$0x3], $0x400, $0x38;
	[tilespmem:$0x12580] =	vst v63  }
0x219: {  	s24 =	simm.s32 $0x10980;
	s26 =	simm.s32 $0x10D80;
	s23 =	sadd.s32 s0, s5  }
0x21a: {  	[hbm4b:s23+s10] =	stream.linear.scatter [tilespmem:s24], [sflag:$0x3], $0x400, $0x38;
	[tilespmem:$0x12580] =	vst v63  }
.Ltmp1:
0x21b: {  	s25 =	sadd.s32 s0, s4;
	s29 =	smov.u32 s9;
	(pc) =	sbr.rel @p1 .LBB2_6-.Ltmp1, $4  }
0x21c: {  	s9 =	smov.u32 s5;
	s5 =	smov.u32 s4;
	s4 =	rddreg [dreg:$0x7]  }
0x21d: {  	[hbm4b:s25+s10] =	stream.linear.scatter [tilespmem:s26], [sflag:$0x3], $0x400, $0x38;
	[tilespmem:$0x12580] =	vst v63  }
0x21e: {  	s28 =	simm.s32 $0x11180;
	s0 =	sadd.s32 s0, s4  }
0x21f: {  	[hbm4b:s0+s10] =	stream.linear.scatter [tilespmem:s28], [sflag:$0x3], $0x400, $0x38;
	[tilespmem:$0x12580] =	vst v63  }
.Ltmp2:
0x220: {  	(pc) =	sbr.rel .LBB2_7-.Ltmp2, $4  }
0x221: {  	s0 =	simm.s32 $0x2  }
0x222: {  	_ =	swait.ge [sflag:s0], $0x4000  }
0x223: {  	[sflag:s0] =	ssyncset.done $0x0  }
0x224: {  	[sflag:s0] =	ssyncadd.s32 $0xFFFFC000  }
.LBB2_6:
0x225: {  	v8 =	vld [tilespmem:s15+$0x100];
	_ =	sdelay $0x4  }
0x226: {  	v8 =	vshra.s32 v8, $0x2  }
0x227: {  	[tilespmem:$0x8400] =	vst v8  }
0x228: {  	v8 =	vld [tilespmem:s15+$0x110];
	_ =	sdelay $0x4  }
0x229: {  	v8 =	vshra.s32 v8, $0x2  }
0x22a: {  	[tilespmem:$0x8410] =	vst v8  }
0x22b: {  	v8 =	vld [tilespmem:s15+$0x120];
	_ =	sdelay $0x4  }
0x22c: {  	v8 =	vshra.s32 v8, $0x2  }
0x22d: {  	[tilespmem:$0x8420] =	vst v8  }
0x22e: {  	v8 =	vld [tilespmem:s15+$0x130];
	_ =	sdelay $0x4  }
0x22f: {  	v8 =	vshra.s32 v8, $0x2  }
0x230: {  	[tilespmem:$0x8430] =	vst v8  }
0x231: {  	v8 =	vld [tilespmem:s15+$0x140];
	_ =	sdelay $0x4  }
0x232: {  	v8 =	vshra.s32 v8, $0x2  }
0x233: {  	[tilespmem:$0x8440] =	vst v8  }
0x234: {  	v8 =	vld [tilespmem:s15+$0x150];
	_ =	sdelay $0x4  }
0x235: {  	v8 =	vshra.s32 v8, $0x2  }
0x236: {  	[tilespmem:$0x8450] =	vst v8  }
0x237: {  	v8 =	vld [tilespmem:s15+$0x160];
	_ =	sdelay $0x4  }
0x238: {  	v8 =	vshra.s32 v8, $0x2  }
0x239: {  	[tilespmem:$0x8460] =	vst v8  }
0x23a: {  	v8 =	vld [tilespmem:s15+$0x170];
	_ =	sdelay $0x4  }
0x23b: {  	s0 =	rddreg [dreg:$0x6];
	v8 =	vshra.s32 v8, $0x2  }
0x23c: {  	s1 =	simm.s32 $0x40;
	s2 =	simm.s32 $0x8400;
	s26 =	simm.s32 $0x8440;
	[tilespmem:$0x8470] =	vst v8  }
0x23d: {  	[tilespmem:s16], [sflag:$0x1] =	stream.indirect.gather [hbm4b:s0+s1], $0x80, s2, s1, $0xb8;
	[tilespmem:$0x12580] =	vst v63  }
.Ltmp3:
0x23e: {  	s3 =	simm.s32 $0xA580;
	s28 =	simm.s32 $0x2;
	(pc) =	sbr.rel @p0 .LBB2_8-.Ltmp3, $4  }
0x23f: {  	[tilespmem:s3], [sflag:$0x1] =	stream.indirect.gather [hbm4b:s0+s1], $0x80, s26, s1, $0xb8;
	[tilespmem:$0x12580] =	vst v63  }
0x240: {  	_ =	swait.ge [sflag:s28], $0x4000  }
0x241: {  	[sflag:s28] =	ssyncset.done $0x0  }
0x242: {  	[sflag:s28] =	ssyncadd.s32 $0xFFFFC000  }
.LBB2_7:
0x243: {  	_ =	swait.ge [sflag:s30], $0x400  }
0x244: {  	[sflag:s30] =	ssyncset.done $0x0  }
0x245: {  	[sflag:s30] =	ssyncadd.s32 $0xFFFFFC00  }
0x246: {  	_ =	swait.ge [sflag:s30], $0x400  }
0x247: {  	[sflag:s30] =	ssyncset.done $0x0  }
0x248: {  	[sflag:s30] =	ssyncadd.s32 $0xFFFFFC00  }
0x249: {  	_ =	swait.ge [sflag:s30], $0x400  }
0x24a: {  	[sflag:s30] =	ssyncset.done $0x0  }
0x24b: {  	[sflag:s30] =	ssyncadd.s32 $0xFFFFFC00  }
0x24c: {  	_ =	swait.ge [sflag:s30], $0x400  }
0x24d: {  	[sflag:s30] =	ssyncset.done $0x0  }
0x24e: {  	[sflag:s30] =	ssyncadd.s32 $0xFFFFFC00  }
.LBB2_8:
0x24f: {  	v8 =	vld [tilespmem:s11+$0x0];
	_ =	sdelay $0x4  }
0x250: {  	v8 =	vshll.u32 v8, $0x5  }
0x251: {  	v8 =	vand.u32 $0x60, v8  }
0x252: {  	[tilespmem:$0x8500] =	vst v8  }
0x253: {  	v8 =	vld [tilespmem:s11+$0x10];
	_ =	sdelay $0x4  }
0x254: {  	v8 =	vshll.u32 v8, $0x5  }
0x255: {  	v8 =	vand.u32 $0x60, v8  }
0x256: {  	[tilespmem:$0x8510] =	vst v8  }
0x257: {  	v8 =	vld [tilespmem:s11+$0x20];
	_ =	sdelay $0x4  }
0x258: {  	v8 =	vshll.u32 v8, $0x5  }
0x259: {  	v8 =	vand.u32 $0x60, v8  }
0x25a: {  	[tilespmem:$0x8520] =	vst v8  }
0x25b: {  	v8 =	vld [tilespmem:s11+$0x30];
	_ =	sdelay $0x4  }
0x25c: {  	v8 =	vshll.u32 v8, $0x5  }
0x25d: {  	v8 =	vand.u32 $0x60, v8  }
0x25e: {  	[tilespmem:$0x8530] =	vst v8  }
0x25f: {  	v8 =	vld [tilespmem:s11+$0x40];
	_ =	sdelay $0x4  }
0x260: {  	v8 =	vshll.u32 v8, $0x5  }
0x261: {  	v8 =	vand.u32 $0x60, v8  }
0x262: {  	[tilespmem:$0x8540] =	vst v8  }
0x263: {  	v8 =	vld [tilespmem:s11+$0x50];
	_ =	sdelay $0x4  }
0x264: {  	v8 =	vshll.u32 v8, $0x5  }
0x265: {  	v8 =	vand.u32 $0x60, v8  }
0x266: {  	[tilespmem:$0x8550] =	vst v8  }
0x267: {  	v8 =	vld [tilespmem:s11+$0x60];
	_ =	sdelay $0x1  }
0x268: {  	v9 =	vmov s6;
	s21 =	simm.s32 $0x2  }
0x269: {  	s19 =	simm.s32 $0x3;
	s26 =	simm.s32 $0x7;
	v10 =	vshll.u32 v9, $0x3;
	v9 =	vand.u32 $0x7F, v9;
	v11 =	vmov s21  }
0x26a: {  	v12 =	vmov s19;
	v14 =	vmov s26;
	v10 =	vand.u32 $0x400, v10  }
0x26b: {  	s22 =	simm.s32 $0x0;
	v11 =	vshll.u32 v11, $0x8;
	v12 =	vshll.u32 v12, $0x8;
	v8 =	vshll.u32 v8, $0x5  }
0x26c: {  	s18 =	simm.s32 $0x1;
	v18 =	vor.u32 v9, v10;
	v9 =	vmov s22;
	v8 =	vand.u32 $0x60, v8  }
0x26d: {  	v10 =	vmov s18;
	v11 =	vand.u32 $0x1800, v11;
	v12 =	vand.u32 $0x1800, v12;
	v16 =	vld [tilespmem:$0x8500];
	[tilespmem:$0x8560] =	vst v8  }
0x26e: {  	v19 =	vor.u32 $0x80, v18;
	v20 =	vor.u32 $0x100, v18;
	v21 =	vor.u32 $0x180, v18;
	v8 =	vld [tilespmem:s11+$0x70]  }
0x26f: {  	v22 =	vor.u32 $0x200, v18;
	v9 =	vshll.u32 v9, $0x8;
	v10 =	vshll.u32 v10, $0x8;
	s11 =	simm.s32 $0x4  }
0x270: {  	v9 =	vor.u32 v18, v9;
	v10 =	vand.u32 $0x1800, v10;
	v13 =	vmov s11  }
0x271: {  	v11 =	vor.u32 v11, v20;
	v15 =	vor.u32 v12, v21;
	v13 =	vshll.u32 v13, $0x8  }
0x272: {  	s17 =	simm.s32 $0x5;
	v10 =	vor.u32 v10, v19;
	v29 =	vadd.s32 s19, v16;
	v12 =	vand.u32 $0x1800, v13  }
0x273: {  	s15 =	simm.s32 $0x6;
	v13 =	vmov s17;
	v17 =	vor.u32 v12, v22;
	v8 =	vshll.u32 v8, $0x5  }
0x274: {  	v12 =	vshll.u32 v13, $0x8;
	v13 =	vmov s15;
	v8 =	vand.u32 $0x60, v8  }
0x275: {  	v29 =	vadd.s32 v0, v29;
	[tilespmem:$0x8570] =	vst v8;
	v8 =	vand.u32 $0x1800, v12;
	v12 =	vshll.u32 v13, $0x8  }
0x276: {  	v31 =	vadd.s32 s11, v16;
	v13 =	vld.idx.msk [tilespmem:v9+s13+$0x0], $0xffff;
	v9 =	vand.u32 $0x1800, v12;
	v12 =	vshll.u32 v14, $0x8  }
0x277: {  	v28 =	vor.u32 $0x380, v18;
	v31 =	vadd.s32 v0, v31;
	v14 =	vld.idx.msk [tilespmem:v10+s13+$0x0], $0xffff;
	v10 =	vand.u32 $0x1800, v12  }
0x278: {  	v12 =	vld.idx.msk [tilespmem:v11+s13+$0x0], $0xffff;
	v25 =	vor.u32 v10, v28;
	v10 =	vadd.s32 s26, v16  }
0x279: {  	v11 =	vld.idx.msk [tilespmem:v15+s13+$0x0], $0xffff;
	v15 =	vadd.s32 s22, v16;
	v26 =	vadd.s32 v0, v10  }
0x27a: {  	v27 =	vadd.s32 v0, v15;
	v10 =	vld.idx.msk [tilespmem:v17+s13+$0x0], $0xffff;
	v17 =	vadd.s32 s18, v16  }
0x27b: {  	v29 =	vld.idx.msk [tilespmem:v29+s20+$0x0], $0xffff;
	v15 =	vadd.s32 s21, v16;
	v17 =	vadd.s32 v0, v17  }
0x27c: {  	v23 =	vor.u32 $0x280, v18;
	v31 =	vld.idx.msk [tilespmem:v31+s20+$0x0], $0xffff;
	v30 =	vadd.s32 v0, v15  }
0x27d: {  	v24 =	vor.u32 $0x300, v18;
	v8 =	vor.u32 v8, v23;
	v15 =	vld.idx.msk [tilespmem:v25+s13+$0x0], $0xffff  }
0x27e: {  	v9 =	vor.u32 v9, v24;
	v25 =	vadd.s32 s17, v16;
	v26 =	vld.idx.msk [tilespmem:v26+s20+$0x0], $0xffff  }
0x27f: {  	v16 =	vadd.s32 s15, v16;
	v27 =	vld.idx.msk [tilespmem:v27+s20+$0x0], $0xffff;
	v25 =	vadd.s32 v0, v25  }
0x280: {  	v16 =	vadd.s32 v0, v16;
	v17 =	vld.idx.msk [tilespmem:v17+s20+$0x0], $0xffff  }
0x281: {  	v30 =	vld.idx.msk [tilespmem:v30+s20+$0x0], $0xffff  }
0x282: {  	v8 =	vld.idx.msk [tilespmem:v8+s13+$0x0], $0xffff  }
0x283: {  	v9 =	vld.idx.msk [tilespmem:v9+s13+$0x0], $0xffff;
	v26 =	vadd.f32 v26, v15  }
0x284: {  	s24 =	simm.s32 $0x11970;
	v27 =	vadd.f32 v27, v13;
	v25 =	vld.idx.msk [tilespmem:v25+s20+$0x0], $0xffff  }
0x285: {  	v16 =	vld.idx.msk [tilespmem:v16+s20+$0x0], $0xffff;
	v17 =	vadd.f32 v17, v14;
	[tilespmem:s24+$0xFFFFFF90] =	vst v26  }
0x286: {  	[tilespmem:s24+$0xFFFFFC10] =	vst v27;
	v26 =	vadd.f32 v30, v12;
	v27 =	vld [tilespmem:$0x8510]  }
0x287: {  	v30 =	vld [tilespmem:$0x8510];
	[tilespmem:s24+$0xFFFFFC90] =	vst v17;
	v17 =	vadd.f32 v29, v11  }
0x288: {  	[tilespmem:s24+$0xFFFFFD10] =	vst v26;
	v26 =	vadd.f32 v31, v10;
	v29 =	vld [tilespmem:$0x8510]  }
0x289: {  	[tilespmem:s24+$0xFFFFFD90] =	vst v17;
	v17 =	vadd.f32 v25, v8;
	v25 =	vld [tilespmem:$0x8510]  }
0x28a: {  	v16 =	vadd.f32 v16, v9;
	[tilespmem:s24+$0xFFFFFE10] =	vst v26;
	v26 =	vld [tilespmem:$0x8510]  }
0x28b: {  	[tilespmem:s24+$0xFFFFFE90] =	vst v17;
	v17 =	vadd.s32 s26, v27;
	v27 =	vld [tilespmem:$0x8510]  }
0x28c: {  	v30 =	vadd.s32 s22, v30;
	[tilespmem:s24+$0xFFFFFF10] =	vst v16;
	v16 =	vadd.s32 v1, v17;
	v17 =	vld [tilespmem:$0x8510]  }
0x28d: {  	v30 =	vadd.s32 v1, v30;
	v31 =	vld [tilespmem:$0x8510];
	v29 =	vadd.s32 s18, v29  }
0x28e: {  	v29 =	vadd.s32 v1, v29;
	v25 =	vadd.s32 s21, v25  }
0x28f: {  	v25 =	vadd.s32 v1, v25;
	v26 =	vadd.s32 s19, v26  }
0x290: {  	v26 =	vadd.s32 v1, v26;
	v27 =	vadd.s32 s11, v27  }
0x291: {  	v16 =	vld.idx.msk [tilespmem:v16+s20+$0x0], $0xffff;
	v27 =	vadd.s32 v1, v27;
	v17 =	vadd.s32 s17, v17  }
0x292: {  	v30 =	vld.idx.msk [tilespmem:v30+s20+$0x0], $0xffff;
	v31 =	vadd.s32 s15, v31;
	v17 =	vadd.s32 v1, v17  }
0x293: {  	v31 =	vadd.s32 v1, v31;
	v29 =	vld.idx.msk [tilespmem:v29+s20+$0x0], $0xffff  }
0x294: {  	v25 =	vld.idx.msk [tilespmem:v25+s20+$0x0], $0xffff  }
0x295: {  	v26 =	vld.idx.msk [tilespmem:v26+s20+$0x0], $0xffff  }
0x296: {  	v27 =	vld.idx.msk [tilespmem:v27+s20+$0x0], $0xffff;
	v16 =	vadd.f32 v16, v15  }
0x297: {  	v30 =	vadd.f32 v30, v13;
	v17 =	vld.idx.msk [tilespmem:v17+s20+$0x0], $0xffff  }
0x298: {  	v31 =	vld.idx.msk [tilespmem:v31+s20+$0x0], $0xffff;
	[tilespmem:s24+$0xFFFFFFA0] =	vst v16;
	v16 =	vadd.f32 v29, v14  }
0x299: {  	[tilespmem:s24+$0xFFFFFC20] =	vst v30;
	v25 =	vadd.f32 v25, v12;
	v29 =	vld [tilespmem:$0x8520]  }
0x29a: {  	v30 =	vld [tilespmem:$0x8520];
	[tilespmem:s24+$0xFFFFFCA0] =	vst v16;
	v16 =	vadd.f32 v26, v11  }
0x29b: {  	[tilespmem:s24+$0xFFFFFD20] =	vst v25;
	v26 =	vld [tilespmem:$0x8520];
	v25 =	vadd.f32 v27, v10  }
0x29c: {  	v27 =	vld [tilespmem:$0x8520];
	[tilespmem:s24+$0xFFFFFDA0] =	vst v16;
	v16 =	vadd.f32 v17, v8  }
0x29d: {  	v17 =	vld [tilespmem:$0x8520];
	[tilespmem:s24+$0xFFFFFE20] =	vst v25;
	v25 =	vadd.f32 v31, v9  }
0x29e: {  	v29 =	vadd.s32 s26, v29;
	v31 =	vld [tilespmem:$0x8520];
	[tilespmem:s24+$0xFFFFFEA0] =	vst v16  }
0x29f: {  	v16 =	vadd.s32 s22, v30;
	v29 =	vadd.s32 v2, v29;
	v30 =	vld [tilespmem:$0x8520];
	[tilespmem:s24+$0xFFFFFF20] =	vst v25  }
0x2a0: {  	v16 =	vadd.s32 v2, v16;
	v25 =	vadd.s32 s18, v26;
	v26 =	vld [tilespmem:$0x8520]  }
0x2a1: {  	v27 =	vadd.s32 s21, v27;
	v25 =	vadd.s32 v2, v25  }
0x2a2: {  	v27 =	vadd.s32 v2, v27;
	v17 =	vadd.s32 s19, v17  }
0x2a3: {  	v17 =	vadd.s32 v2, v17;
	v31 =	vadd.s32 s11, v31  }
0x2a4: {  	v29 =	vld.idx.msk [tilespmem:v29+s20+$0x0], $0xffff;
	v31 =	vadd.s32 v2, v31;
	v30 =	vadd.s32 s17, v30  }
0x2a5: {  	v16 =	vld.idx.msk [tilespmem:v16+s20+$0x0], $0xffff;
	v30 =	vadd.s32 v2, v30;
	v26 =	vadd.s32 s15, v26  }
0x2a6: {  	v25 =	vld.idx.msk [tilespmem:v25+s20+$0x0], $0xffff;
	v26 =	vadd.s32 v2, v26  }
0x2a7: {  	v27 =	vld.idx.msk [tilespmem:v27+s20+$0x0], $0xffff  }
0x2a8: {  	v17 =	vld.idx.msk [tilespmem:v17+s20+$0x0], $0xffff  }
0x2a9: {  	v31 =	vld.idx.msk [tilespmem:v31+s20+$0x0], $0xffff;
	v29 =	vadd.f32 v29, v15  }
0x2aa: {  	v16 =	vadd.f32 v16, v13;
	v30 =	vld.idx.msk [tilespmem:v30+s20+$0x0], $0xffff  }
0x2ab: {  	v26 =	vld.idx.msk [tilespmem:v26+s20+$0x0], $0xffff;
	[tilespmem:s24+$0xFFFFFFB0] =	vst v29;
	v25 =	vadd.f32 v25, v14  }
0x2ac: {  	[tilespmem:s24+$0xFFFFFC30] =	vst v16;
	v27 =	vadd.f32 v27, v12;
	v16 =	vld [tilespmem:$0x8530]  }
0x2ad: {  	v29 =	vld [tilespmem:$0x8530];
	[tilespmem:s24+$0xFFFFFCB0] =	vst v25;
	v17 =	vadd.f32 v17, v11  }
0x2ae: {  	[tilespmem:s24+$0xFFFFFD30] =	vst v27;
	v25 =	vld [tilespmem:$0x8530];
	v27 =	vadd.f32 v31, v10  }
0x2af: {  	v31 =	vld [tilespmem:$0x8530];
	[tilespmem:s24+$0xFFFFFDB0] =	vst v17;
	v17 =	vadd.f32 v30, v8  }
0x2b0: {  	v30 =	vld [tilespmem:$0x8530];
	[tilespmem:s24+$0xFFFFFE30] =	vst v27;
	v26 =	vadd.f32 v26, v9  }
0x2b1: {  	v16 =	vadd.s32 s26, v16;
	v27 =	vld [tilespmem:$0x8530];
	[tilespmem:s24+$0xFFFFFEB0] =	vst v17  }
0x2b2: {  	v17 =	vadd.s32 s22, v29;
	v16 =	vadd.s32 v3, v16;
	v29 =	vld [tilespmem:$0x8530];
	[tilespmem:s24+$0xFFFFFF30] =	vst v26  }
0x2b3: {  	v17 =	vadd.s32 v3, v17;
	v25 =	vadd.s32 s18, v25;
	v26 =	vld [tilespmem:$0x8530]  }
0x2b4: {  	v31 =	vadd.s32 s21, v31;
	v25 =	vadd.s32 v3, v25  }
0x2b5: {  	v31 =	vadd.s32 v3, v31;
	v30 =	vadd.s32 s19, v30  }
0x2b6: {  	v30 =	vadd.s32 v3, v30;
	v27 =	vadd.s32 s11, v27  }
0x2b7: {  	v16 =	vld.idx.msk [tilespmem:v16+s20+$0x0], $0xffff;
	v27 =	vadd.s32 v3, v27;
	v29 =	vadd.s32 s17, v29  }
0x2b8: {  	v17 =	vld.idx.msk [tilespmem:v17+s20+$0x0], $0xffff;
	v29 =	vadd.s32 v3, v29;
	v26 =	vadd.s32 s15, v26  }
0x2b9: {  	v25 =	vld.idx.msk [tilespmem:v25+s20+$0x0], $0xffff;
	v26 =	vadd.s32 v3, v26  }
0x2ba: {  	v31 =	vld.idx.msk [tilespmem:v31+s20+$0x0], $0xffff  }
0x2bb: {  	v30 =	vld.idx.msk [tilespmem:v30+s20+$0x0], $0xffff  }
0x2bc: {  	v27 =	vld.idx.msk [tilespmem:v27+s20+$0x0], $0xffff;
	v16 =	vadd.f32 v16, v15  }
0x2bd: {  	v17 =	vadd.f32 v17, v13;
	v29 =	vld.idx.msk [tilespmem:v29+s20+$0x0], $0xffff  }
0x2be: {  	v26 =	vld.idx.msk [tilespmem:v26+s20+$0x0], $0xffff;
	[tilespmem:s24+$0xFFFFFFC0] =	vst v16;
	v16 =	vadd.f32 v25, v14  }
0x2bf: {  	[tilespmem:s24+$0xFFFFFC40] =	vst v17;
	v25 =	vadd.f32 v31, v12;
	v17 =	vld [tilespmem:$0x8540]  }
0x2c0: {  	v31 =	vld [tilespmem:$0x8540];
	[tilespmem:s24+$0xFFFFFCC0] =	vst v16;
	v16 =	vadd.f32 v30, v11  }
0x2c1: {  	[tilespmem:s24+$0xFFFFFD40] =	vst v25;
	v30 =	vld [tilespmem:$0x8540];
	v25 =	vadd.f32 v27, v10  }
0x2c2: {  	v27 =	vld [tilespmem:$0x8540];
	[tilespmem:s24+$0xFFFFFDC0] =	vst v16;
	v16 =	vadd.f32 v29, v8  }
0x2c3: {  	v29 =	vld [tilespmem:$0x8540];
	[tilespmem:s24+$0xFFFFFE40] =	vst v25;
	v25 =	vadd.f32 v26, v9  }
0x2c4: {  	v17 =	vadd.s32 s26, v17;
	v26 =	vld [tilespmem:$0x8540];
	[tilespmem:s24+$0xFFFFFEC0] =	vst v16  }
0x2c5: {  	v16 =	vadd.s32 s22, v31;
	v17 =	vadd.s32 v4, v17;
	v31 =	vld [tilespmem:$0x8540];
	[tilespmem:s24+$0xFFFFFF40] =	vst v25  }
0x2c6: {  	v16 =	vadd.s32 v4, v16;
	v25 =	vadd.s32 s18, v30;
	v30 =	vld [tilespmem:$0x8540]  }
0x2c7: {  	v27 =	vadd.s32 s21, v27;
	v25 =	vadd.s32 v4, v25  }
0x2c8: {  	v27 =	vadd.s32 v4, v27;
	v29 =	vadd.s32 s19, v29  }
0x2c9: {  	v29 =	vadd.s32 v4, v29;
	v26 =	vadd.s32 s11, v26  }
0x2ca: {  	v17 =	vld.idx.msk [tilespmem:v17+s20+$0x0], $0xffff;
	v26 =	vadd.s32 v4, v26;
	v31 =	vadd.s32 s17, v31  }
0x2cb: {  	v16 =	vld.idx.msk [tilespmem:v16+s20+$0x0], $0xffff;
	v31 =	vadd.s32 v4, v31;
	v30 =	vadd.s32 s15, v30  }
0x2cc: {  	s25 =	simm.s32 $0x8;
	v25 =	vld.idx.msk [tilespmem:v25+s20+$0x0], $0xffff;
	v30 =	vadd.s32 v4, v30  }
0x2cd: {  	v32 =	vmov s25;
	v27 =	vld.idx.msk [tilespmem:v27+s20+$0x0], $0xffff  }
0x2ce: {  	v32 =	vshll.u32 v32, $0x8;
	v29 =	vld.idx.msk [tilespmem:v29+s20+$0x0], $0xffff  }
0x2cf: {  	v32 =	vor.u32 v18, v32;
	v26 =	vld.idx.msk [tilespmem:v26+s20+$0x0], $0xffff;
	v17 =	vadd.f32 v17, v15  }
0x2d0: {  	v16 =	vadd.f32 v16, v13;
	v31 =	vld.idx.msk [tilespmem:v31+s20+$0x0], $0xffff  }
0x2d1: {  	v30 =	vld.idx.msk [tilespmem:v30+s20+$0x0], $0xffff;
	[tilespmem:s24+$0xFFFFFFD0] =	vst v17  }
0x2d2: {  	s3 =	simm.s32 $0x9;
	s2 =	simm.s32 $0xA;
	[tilespmem:s24+$0xFFFFFC50] =	vst v16;
	v17 =	vadd.f32 v25, v14;
	v25 =	vld [tilespmem:$0x8550]  }
0x2d3: {  	s1 =	simm.s32 $0xB;
	v33 =	vmov s3;
	v34 =	vmov s2;
	v27 =	vadd.f32 v27, v12;
	v35 =	vld [tilespmem:$0x8550]  }
0x2d4: {  	v48 =	vmov s1;
	v47 =	vshll.u32 v33, $0x8;
	v16 =	vld.idx.msk [tilespmem:v32+s13+$0x0], $0xffff;
	[tilespmem:s24+$0xFFFFFCD0] =	vst v17;
	v17 =	vadd.f32 v29, v11  }
0x2d5: {  	v49 =	vshll.u32 v34, $0x8;
	v29 =	vand.u32 $0x1800, v47;
	[tilespmem:s24+$0xFFFFFD50] =	vst v27;
	v50 =	vld [tilespmem:$0x8550];
	v26 =	vadd.f32 v26, v10  }
0x2d6: {  	v27 =	vor.u32 v29, v19;
	v29 =	vand.u32 $0x1800, v49;
	v51 =	vld [tilespmem:$0x8550];
	[tilespmem:s24+$0xFFFFFDD0] =	vst v17;
	v17 =	vadd.f32 v31, v8  }
0x2d7: {  	v29 =	vor.u32 v29, v20;
	v31 =	vld [tilespmem:$0x8550];
	[tilespmem:s24+$0xFFFFFE50] =	vst v26;
	v26 =	vadd.f32 v30, v9;
	v25 =	vadd.s32 s26, v25  }
0x2d8: {  	v30 =	vshll.u32 v48, $0x8;
	v52 =	vadd.s32 s22, v35;
	v53 =	vld [tilespmem:$0x8550];
	[tilespmem:s24+$0xFFFFFED0] =	vst v17;
	v17 =	vadd.s32 v5, v25  }
0x2d9: {  	v25 =	vand.u32 $0x1800, v30;
	v30 =	vadd.s32 v5, v52;
	v54 =	vld [tilespmem:$0x8550];
	[tilespmem:s24+$0xFFFFFF50] =	vst v26  }
0x2da: {  	v26 =	vor.u32 v25, v21;
	v25 =	vadd.s32 s18, v50;
	v55 =	vld [tilespmem:$0x8550]  }
0x2db: {  	v27 =	vld.idx.msk [tilespmem:v27+s13+$0x0], $0xffff;
	v32 =	vadd.s32 s21, v51;
	v36 =	vadd.s32 v5, v25  }
0x2dc: {  	v25 =	vld.idx.msk [tilespmem:v29+s13+$0x0], $0xffff;
	v29 =	vadd.s32 v5, v32;
	v31 =	vadd.s32 s19, v31  }
0x2dd: {  	v31 =	vadd.s32 v5, v31;
	v56 =	vadd.s32 s11, v53;
	v57 =	vld.idx.msk [tilespmem:v17+s20+$0x0], $0xffff  }
0x2de: {  	v30 =	vld.idx.msk [tilespmem:v30+s20+$0x0], $0xffff;
	v32 =	vadd.s32 v5, v56;
	v33 =	vadd.s32 s17, v54  }
0x2df: {  	s23 =	simm.s32 $0xC;
	v17 =	vld.idx.msk [tilespmem:v26+s13+$0x0], $0xffff;
	v26 =	vadd.s32 v5, v33;
	v58 =	vadd.s32 s15, v55  }
0x2e0: {  	v59 =	vmov s23;
	v36 =	vld.idx.msk [tilespmem:v36+s20+$0x0], $0xffff;
	v33 =	vadd.s32 v5, v58  }
0x2e1: {  	v34 =	vshll.u32 v59, $0x8;
	v29 =	vld.idx.msk [tilespmem:v29+s20+$0x0], $0xffff  }
0x2e2: {  	v34 =	vand.u32 $0x1800, v34;
	v31 =	vld.idx.msk [tilespmem:v31+s20+$0x0], $0xffff  }
0x2e3: {  	v34 =	vor.u32 v34, v22;
	v32 =	vld.idx.msk [tilespmem:v32+s20+$0x0], $0xffff;
	v35 =	vadd.f32 v57, v15  }
0x2e4: {  	v30 =	vadd.f32 v30, v13;
	v37 =	vld.idx.msk [tilespmem:v26+s20+$0x0], $0xffff  }
0x2e5: {  	v38 =	vld.idx.msk [tilespmem:v33+s20+$0x0], $0xffff;
	[tilespmem:s24+$0xFFFFFFE0] =	vst v35  }
0x2e6: {  	[tilespmem:s24+$0xFFFFFC60] =	vst v30;
	v30 =	vadd.f32 v36, v14;
	v35 =	vld [tilespmem:$0x8560]  }
0x2e7: {  	s14 =	simm.s32 $0xD;
	v29 =	vadd.f32 v29, v12;
	v60 =	vld [tilespmem:$0x8560]  }
0x2e8: {  	v26 =	vld.idx.msk [tilespmem:v34+s13+$0x0], $0xffff;
	[tilespmem:s24+$0xFFFFFCE0] =	vst v30;
	v30 =	vadd.f32 v31, v11;
	v31 =	vmov s14  }
0x2e9: {  	s28 =	simm.s32 $0xE;
	[tilespmem:s24+$0xFFFFFD60] =	vst v29;
	v39 =	vld [tilespmem:$0x8560];
	v29 =	vadd.f32 v32, v10;
	v31 =	vshll.u32 v31, $0x8  }
0x2ea: {  	v40 =	vld [tilespmem:$0x8560];
	[tilespmem:s24+$0xFFFFFDE0] =	vst v30;
	v61 =	vadd.f32 v37, v8;
	v30 =	vand.u32 $0x1800, v31;
	v31 =	vmov s28  }
0x2eb: {  	v33 =	vld [tilespmem:$0x8560];
	[tilespmem:s24+$0xFFFFFE60] =	vst v29;
	v29 =	vor.u32 v30, v23;
	v62 =	vadd.f32 v38, v9;
	v35 =	vadd.s32 s26, v35  }
0x2ec: {  	v31 =	vshll.u32 v31, $0x8;
	v30 =	vld [tilespmem:$0x8560];
	[tilespmem:s24+$0xFFFFFEE0] =	vst v61;
	v36 =	vadd.s32 s22, v60;
	v37 =	vadd.s32 v6, v35  }
0x2ed: {  	v31 =	vand.u32 $0x1800, v31;
	v32 =	vld [tilespmem:$0x8560];
	v38 =	vadd.s32 v6, v36  }
0x2ee: {  	v34 =	vld [tilespmem:$0x8500];
	[tilespmem:s24+$0xFFFFFF60] =	vst v62;
	v63 =	vadd.s32 s18, v39;
	v39 =	vor.u32 v31, v24  }
0x2ef: {  	s8 =	simm.s32 $0xF;
	s7 =	simm.s32 $0x10;
	s0 =	simm.s32 $0x11970;
	v35 =	vadd.s32 s21, v40;
	v31 =	vld [tilespmem:$0x8560];
	v36 =	vadd.s32 v6, v63  }
.LBB2_9:
0x2f0: {  	p0 =	slt.u32 s7, $0x18;
	v29 =	vld.idx.msk [tilespmem:v29+s13+$0x0], $0xffff;
	v40 =	vmov s8;
	v35 =	vadd.s32 v6, v35;
	v33 =	vadd.s32 s19, v33  }
0x2f1: {  	v40 =	vshll.u32 v40, $0x8;
	v33 =	vadd.s32 v6, v33;
	v30 =	vadd.s32 s11, v30;
	v37 =	vld.idx.msk [tilespmem:v37+s20+$0x0], $0xffff  }
0x2f2: {  	v40 =	vand.u32 $0x1800, v40;
	v38 =	vld.idx.msk [tilespmem:v38+s20+$0x0], $0xffff;
	v41 =	vadd.s32 v6, v30;
	v32 =	vadd.s32 s17, v32  }
0x2f3: {  	v42 =	vadd.s32 s25, v34;
	v30 =	vld.idx.msk [tilespmem:v39+s13+$0x0], $0xffff;
	v39 =	vor.u32 v40, v28;
	v40 =	vadd.s32 s8, v34  }
0x2f4: {  	v43 =	vadd.s32 s3, v34;
	v44 =	vadd.s32 s2, v34;
	v40 =	vadd.s32 v0, v40;
	v36 =	vld.idx.msk [tilespmem:v36+s20+$0x0], $0xffff  }
0x2f5: {  	v45 =	vadd.s32 s1, v34;
	v46 =	vadd.s32 s23, v34;
	v47 =	vadd.s32 s14, v34;
	v35 =	vld.idx.msk [tilespmem:v35+s20+$0x0], $0xffff  }
0x2f6: {  	v34 =	vadd.s32 s28, v34;
	v42 =	vadd.s32 v0, v42;
	v43 =	vadd.s32 v0, v43;
	v33 =	vld.idx.msk [tilespmem:v33+s20+$0x0], $0xffff  }
0x2f7: {  	v44 =	vadd.s32 v0, v44;
	v45 =	vadd.s32 v0, v45;
	v37 =	vadd.f32 v37, v15;
	v41 =	vld.idx.msk [tilespmem:v41+s20+$0x0], $0xffff  }
0x2f8: {  	v46 =	vadd.s32 v0, v46;
	v47 =	vadd.s32 v0, v47;
	v34 =	vadd.s32 v0, v34;
	v39 =	vld.idx.msk [tilespmem:v39+s13+$0x0], $0xffff  }
0x2f9: {  	v32 =	vadd.s32 v6, v32;
	v31 =	vadd.s32 s15, v31;
	v38 =	vadd.f32 v38, v13;
	v40 =	vld.idx.msk [tilespmem:v40+s20+$0x0], $0xffff;
	[tilespmem:s24+$0xFFFFFFF0] =	vst v37  }
0x2fa: {  	v31 =	vadd.s32 v6, v31;
	v36 =	vadd.f32 v36, v14;
	v37 =	vld [tilespmem:$0x8570]  }
0x2fb: {  	v35 =	vadd.f32 v35, v12;
	v42 =	vld.idx.msk [tilespmem:v42+s20+$0x0], $0xffff;
	[tilespmem:s24+$0xFFFFFC70] =	vst v38  }
0x2fc: {  	v33 =	vadd.f32 v33, v11;
	v38 =	vld.idx.msk [tilespmem:v43+s20+$0x0], $0xffff;
	[tilespmem:s24+$0xFFFFFCF0] =	vst v36  }
0x2fd: {  	v36 =	vld.idx.msk [tilespmem:v44+s20+$0x0], $0xffff;
	[tilespmem:s24+$0xFFFFFD70] =	vst v35;
	v35 =	vadd.f32 v41, v10  }
0x2fe: {  	v41 =	vld.idx.msk [tilespmem:v45+s20+$0x0], $0xffff;
	[tilespmem:s24+$0xFFFFFDF0] =	vst v33  }
0x2ff: {  	v33 =	vld.idx.msk [tilespmem:v46+s20+$0x0], $0xffff;
	[tilespmem:s24+$0xFFFFFE70] =	vst v35;
	v35 =	vadd.s32 s26, v37;
	s26 =	smov.u32 s8  }
0x300: {  	v40 =	vadd.f32 v40, v39;
	v37 =	vld.idx.msk [tilespmem:v47+s20+$0x0], $0xffff;
	v35 =	vadd.s32 v7, v35  }
0x301: {  	s24 =	sadd.s32 $0x400, s24;
	v42 =	vadd.f32 v42, v16;
	v34 =	vld.idx.msk [tilespmem:v34+s20+$0x0], $0xffff  }
0x302: {  	v38 =	vadd.f32 v38, v27;
	[tilespmem:s24+$0xFFFFFF90] =	vst v40;
	v32 =	vld.idx.msk [tilespmem:v32+s20+$0x0], $0xffff  }
0x303: {  	v36 =	vadd.f32 v36, v25;
	[tilespmem:s24+$0xFFFFFC10] =	vst v42;
	v40 =	vld [tilespmem:$0x8510]  }
0x304: {  	v42 =	vld [tilespmem:$0x8510];
	[tilespmem:s24+$0xFFFFFC90] =	vst v38;
	v38 =	vadd.f32 v41, v17  }
0x305: {  	v33 =	vadd.f32 v33, v26;
	[tilespmem:s24+$0xFFFFFD10] =	vst v36;
	v35 =	vld.idx.msk [tilespmem:v35+s20+$0x0], $0xffff  }
0x306: {  	v37 =	vadd.f32 v37, v29;
	v36 =	vld [tilespmem:$0x8510];
	[tilespmem:s24+$0xFFFFFD90] =	vst v38  }
0x307: {  	v38 =	vld [tilespmem:$0x8510];
	[tilespmem:s24+$0xFFFFFE10] =	vst v33;
	v33 =	vadd.f32 v34, v30  }
0x308: {  	v32 =	vadd.f32 v32, v8;
	v34 =	vld [tilespmem:$0x8510];
	[tilespmem:s24+$0xFFFFFE90] =	vst v37;
	v37 =	vadd.s32 s26, v40  }
0x309: {  	v40 =	vadd.s32 s25, v42;
	v41 =	vld [tilespmem:$0x8510];
	[tilespmem:s24+$0xFFFFFF10] =	vst v33;
	v33 =	vadd.s32 v1, v37  }
0x30a: {  	v37 =	vadd.s32 v1, v40;
	v40 =	vld [tilespmem:$0x8510];
	[tilespmem:s0+$0xFFFFFEF0] =	vst v32  }
0x30b: {  	v35 =	vadd.f32 v35, v15;
	v15 =	vmov v39;
	v32 =	vadd.s32 s3, v36;
	v36 =	vld [tilespmem:$0x8510]  }
0x30c: {  	v32 =	vadd.s32 v1, v32;
	v38 =	vadd.s32 s2, v38;
	v31 =	vld.idx.msk [tilespmem:v31+s20+$0x0], $0xffff  }
0x30d: {  	v38 =	vadd.s32 v1, v38;
	v34 =	vadd.s32 s1, v34;
	v39 =	vld [tilespmem:$0x8570];
	[tilespmem:s0+$0x0] =	vst v35  }
0x30e: {  	v34 =	vadd.s32 v1, v34;
	v35 =	vadd.s32 s23, v41;
	v33 =	vld.idx.msk [tilespmem:v33+s20+$0x0], $0xffff  }
0x30f: {  	v37 =	vld.idx.msk [tilespmem:v37+s20+$0x0], $0xffff;
	v35 =	vadd.s32 v1, v35;
	v40 =	vadd.s32 s14, v40  }
0x310: {  	v40 =	vadd.s32 v1, v40;
	v36 =	vadd.s32 s28, v36;
	v41 =	vld [tilespmem:$0x8570]  }
0x311: {  	v32 =	vld.idx.msk [tilespmem:v32+s20+$0x0], $0xffff;
	v36 =	vadd.s32 v1, v36  }
0x312: {  	v42 =	vadd.f32 v31, v9;
	v38 =	vld.idx.msk [tilespmem:v38+s20+$0x0], $0xffff;
	v39 =	vadd.s32 s22, v39;
	s22 =	smov.u32 s25;
	s25 =	smov.u32 s7  }
0x313: {  	v34 =	vld.idx.msk [tilespmem:v34+s20+$0x0], $0xffff;
	v31 =	vadd.s32 v7, v39  }
0x314: {  	v33 =	vadd.f32 v33, v15;
	v35 =	vld.idx.msk [tilespmem:v35+s20+$0x0], $0xffff;
	[tilespmem:s0+$0xFFFFFF70] =	vst v42  }
0x315: {  	v37 =	vadd.f32 v37, v16;
	v39 =	vld.idx.msk [tilespmem:v40+s20+$0x0], $0xffff;
	v40 =	vadd.s32 s18, v41;
	s18 =	smov.u32 s3  }
0x316: {  	v36 =	vld.idx.msk [tilespmem:v36+s20+$0x0], $0xffff;
	[tilespmem:s24+$0xFFFFFFA0] =	vst v33;
	v33 =	vadd.s32 v7, v40  }
0x317: {  	v32 =	vadd.f32 v32, v27;
	[tilespmem:s24+$0xFFFFFC20] =	vst v37;
	v37 =	vld [tilespmem:$0x8520]  }
0x318: {  	v38 =	vadd.f32 v38, v25;
	v40 =	vld [tilespmem:$0x8520]  }
0x319: {  	[tilespmem:s24+$0xFFFFFCA0] =	vst v32;
	v32 =	vadd.f32 v34, v17;
	v34 =	vld [tilespmem:$0x8570]  }
0x31a: {  	v35 =	vadd.f32 v35, v26;
	v41 =	vld [tilespmem:$0x8520];
	[tilespmem:s24+$0xFFFFFD20] =	vst v38  }
0x31b: {  	v38 =	vld [tilespmem:$0x8520];
	[tilespmem:s24+$0xFFFFFDA0] =	vst v32;
	v32 =	vadd.f32 v39, v29  }
0x31c: {  	v39 =	vld [tilespmem:$0x8520];
	[tilespmem:s24+$0xFFFFFE20] =	vst v35;
	v35 =	vadd.f32 v36, v30;
	v36 =	vadd.s32 s26, v37  }
0x31d: {  	v37 =	vadd.s32 s22, v40;
	v40 =	vld [tilespmem:$0x8520];
	[tilespmem:s24+$0xFFFFFEA0] =	vst v32;
	v32 =	vadd.s32 v2, v36  }
0x31e: {  	v36 =	vadd.s32 v2, v37;
	v37 =	vld [tilespmem:$0x8520];
	[tilespmem:s24+$0xFFFFFF20] =	vst v35;
	v34 =	vadd.s32 s21, v34;
	s21 =	smov.u32 s2  }
0x31f: {  	v35 =	vadd.s32 s18, v41;
	v41 =	vld [tilespmem:$0x8520];
	v42 =	vadd.s32 v7, v34  }
0x320: {  	v34 =	vadd.s32 v2, v35;
	v35 =	vadd.s32 s21, v38;
	v38 =	vld [tilespmem:$0x8570]  }
0x321: {  	v35 =	vadd.s32 v2, v35;
	v39 =	vadd.s32 s1, v39;
	v43 =	vld [tilespmem:$0x8570]  }
0x322: {  	v39 =	vadd.s32 v2, v39;
	v40 =	vadd.s32 s23, v40;
	v44 =	vld.idx.msk [tilespmem:v32+s20+$0x0], $0xffff  }
0x323: {  	v36 =	vld.idx.msk [tilespmem:v36+s20+$0x0], $0xffff;
	v40 =	vadd.s32 v2, v40;
	v32 =	vadd.s32 s14, v37  }
0x324: {  	v37 =	vadd.s32 v2, v32;
	v32 =	vadd.s32 s28, v41;
	v41 =	vld [tilespmem:$0x8570]  }
0x325: {  	v45 =	vld.idx.msk [tilespmem:v34+s20+$0x0], $0xffff;
	v34 =	vadd.s32 v2, v32;
	v32 =	vadd.s32 s19, v38;
	s19 =	smov.u32 s1  }
0x326: {  	v35 =	vld.idx.msk [tilespmem:v35+s20+$0x0], $0xffff;
	v38 =	vadd.s32 v7, v32;
	v32 =	vadd.s32 s11, v43;
	s11 =	smov.u32 s23  }
0x327: {  	v39 =	vld.idx.msk [tilespmem:v39+s20+$0x0], $0xffff;
	v32 =	vadd.s32 v7, v32  }
0x328: {  	v43 =	vadd.f32 v44, v15;
	v40 =	vld.idx.msk [tilespmem:v40+s20+$0x0], $0xffff  }
0x329: {  	v36 =	vadd.f32 v36, v16;
	v37 =	vld.idx.msk [tilespmem:v37+s20+$0x0], $0xffff;
	v41 =	vadd.s32 s17, v41;
	s17 =	smov.u32 s14  }
0x32a: {  	v44 =	vld.idx.msk [tilespmem:v34+s20+$0x0], $0xffff;
	[tilespmem:s24+$0xFFFFFFB0] =	vst v43;
	v34 =	vadd.s32 v7, v41  }
0x32b: {  	[tilespmem:s24+$0xFFFFFC30] =	vst v36;
	v36 =	vadd.f32 v45, v27;
	v41 =	vld [tilespmem:$0x8530]  }
0x32c: {  	v35 =	vadd.f32 v35, v25;
	v43 =	vld [tilespmem:$0x8530]  }
0x32d: {  	[tilespmem:s24+$0xFFFFFCB0] =	vst v36;
	v36 =	vadd.f32 v39, v17;
	v39 =	vld [tilespmem:$0x8570]  }
0x32e: {  	v45 =	vld [tilespmem:$0x8530];
	[tilespmem:s24+$0xFFFFFD30] =	vst v35;
	v35 =	vadd.f32 v40, v26  }
0x32f: {  	v40 =	vld [tilespmem:$0x8530];
	[tilespmem:s24+$0xFFFFFDB0] =	vst v36;
	v36 =	vadd.f32 v37, v29  }
0x330: {  	v37 =	vld [tilespmem:$0x8530];
	[tilespmem:s24+$0xFFFFFE30] =	vst v35;
	v35 =	vadd.f32 v44, v30;
	v41 =	vadd.s32 s26, v41  }
0x331: {  	v43 =	vadd.s32 s22, v43;
	v44 =	vld [tilespmem:$0x8530];
	[tilespmem:s24+$0xFFFFFEB0] =	vst v36;
	v36 =	vadd.s32 v3, v41  }
0x332: {  	v41 =	vadd.s32 v3, v43;
	v43 =	vld [tilespmem:$0x8530];
	[tilespmem:s24+$0xFFFFFF30] =	vst v35;
	v35 =	vadd.s32 s15, v39;
	s15 =	smov.u32 s28  }
0x333: {  	v39 =	vadd.s32 s18, v45;
	v45 =	vld [tilespmem:$0x8530];
	v35 =	vadd.s32 v7, v35  }
0x334: {  	v39 =	vadd.s32 v3, v39;
	v40 =	vadd.s32 s21, v40;
	v31 =	vld.idx.msk [tilespmem:v31+s20+$0x0], $0xffff  }
0x335: {  	v40 =	vadd.s32 v3, v40;
	v37 =	vadd.s32 s19, v37;
	v33 =	vld.idx.msk [tilespmem:v33+s20+$0x0], $0xffff  }
0x336: {  	v37 =	vadd.s32 v3, v37;
	v44 =	vadd.s32 s11, v44;
	v36 =	vld.idx.msk [tilespmem:v36+s20+$0x0], $0xffff  }
0x337: {  	v41 =	vld.idx.msk [tilespmem:v41+s20+$0x0], $0xffff;
	v44 =	vadd.s32 v3, v44;
	v43 =	vadd.s32 s17, v43  }
0x338: {  	v43 =	vadd.s32 v3, v43;
	v45 =	vadd.s32 s15, v45;
	v42 =	vld.idx.msk [tilespmem:v42+s20+$0x0], $0xffff  }
0x339: {  	v39 =	vld.idx.msk [tilespmem:v39+s20+$0x0], $0xffff;
	v45 =	vadd.s32 v3, v45  }
0x33a: {  	v31 =	vadd.f32 v31, v13;
	v13 =	vmov v16;
	v40 =	vld.idx.msk [tilespmem:v40+s20+$0x0], $0xffff  }
0x33b: {  	v33 =	vadd.f32 v33, v14;
	v14 =	vmov v27;
	v16 =	vld.idx.msk [tilespmem:v37+s20+$0x0], $0xffff  }
0x33c: {  	v36 =	vadd.f32 v36, v15;
	v27 =	vld.idx.msk [tilespmem:v44+s20+$0x0], $0xffff;
	[tilespmem:s0+$0xFFFFFC80] =	vst v31  }
0x33d: {  	v31 =	vadd.f32 v41, v13;
	v37 =	vld.idx.msk [tilespmem:v43+s20+$0x0], $0xffff;
	[tilespmem:s0+$0xFFFFFD00] =	vst v33  }
0x33e: {  	v33 =	vld.idx.msk [tilespmem:v45+s20+$0x0], $0xffff;
	[tilespmem:s24+$0xFFFFFFC0] =	vst v36;
	v36 =	vadd.f32 v42, v12;
	v12 =	vmov v25  }
0x33f: {  	v25 =	vadd.f32 v39, v14;
	[tilespmem:s24+$0xFFFFFC40] =	vst v31;
	v31 =	vld [tilespmem:$0x8540]  }
0x340: {  	v40 =	vadd.f32 v40, v12;
	v39 =	vld [tilespmem:$0x8540];
	[tilespmem:s0+$0xFFFFFD80] =	vst v36  }
0x341: {  	v16 =	vadd.f32 v16, v17;
	[tilespmem:s24+$0xFFFFFCC0] =	vst v25;
	v25 =	vld.idx.msk [tilespmem:v38+s20+$0x0], $0xffff  }
0x342: {  	v27 =	vadd.f32 v27, v26;
	v36 =	vld [tilespmem:$0x8540];
	[tilespmem:s24+$0xFFFFFD40] =	vst v40  }
0x343: {  	v38 =	vld [tilespmem:$0x8540];
	[tilespmem:s24+$0xFFFFFDC0] =	vst v16;
	v16 =	vadd.f32 v37, v29  }
0x344: {  	v37 =	vld [tilespmem:$0x8540];
	[tilespmem:s24+$0xFFFFFE40] =	vst v27;
	v27 =	vadd.f32 v33, v30;
	v31 =	vadd.s32 s26, v31  }
0x345: {  	v33 =	vadd.s32 s22, v39;
	v39 =	vld [tilespmem:$0x8540];
	[tilespmem:s24+$0xFFFFFEC0] =	vst v16;
	v16 =	vadd.s32 v4, v31  }
0x346: {  	v31 =	vadd.s32 v4, v33;
	v33 =	vld [tilespmem:$0x8540];
	[tilespmem:s24+$0xFFFFFF40] =	vst v27  }
0x347: {  	v25 =	vadd.f32 v25, v11;
	v11 =	vmov v17;
	v27 =	vadd.s32 s18, v36;
	v36 =	vld [tilespmem:$0x8540]  }
0x348: {  	v17 =	vadd.s32 v4, v27;
	v27 =	vadd.s32 s21, v38;
	v32 =	vld.idx.msk [tilespmem:v32+s20+$0x0], $0xffff  }
0x349: {  	v27 =	vadd.s32 v4, v27;
	v37 =	vadd.s32 s19, v37;
	[tilespmem:s0+$0xFFFFFE00] =	vst v25;
	v25 =	vld.idx.msk [tilespmem:v34+s20+$0x0], $0xffff  }
0x34a: {  	v34 =	vadd.s32 v4, v37;
	v37 =	vadd.s32 s11, v39;
	v16 =	vld.idx.msk [tilespmem:v16+s20+$0x0], $0xffff  }
0x34b: {  	v31 =	vld.idx.msk [tilespmem:v31+s20+$0x0], $0xffff;
	v37 =	vadd.s32 v4, v37;
	v33 =	vadd.s32 s17, v33  }
0x34c: {  	v33 =	vadd.s32 v4, v33;
	v36 =	vadd.s32 s15, v36;
	v35 =	vld.idx.msk [tilespmem:v35+s20+$0x0], $0xffff  }
0x34d: {  	v17 =	vld.idx.msk [tilespmem:v17+s20+$0x0], $0xffff;
	v36 =	vadd.s32 v4, v36  }
0x34e: {  	v38 =	vmov s7;
	v32 =	vadd.f32 v32, v10;
	v10 =	vmov v26;
	v27 =	vld.idx.msk [tilespmem:v27+s20+$0x0], $0xffff  }
0x34f: {  	v26 =	vshll.u32 v38, $0x8;
	v25 =	vadd.f32 v25, v8;
	v8 =	vmov v29;
	v34 =	vld.idx.msk [tilespmem:v34+s20+$0x0], $0xffff  }
0x350: {  	v26 =	vor.u32 v18, v26;
	v16 =	vadd.f32 v16, v15;
	v29 =	vld.idx.msk [tilespmem:v37+s20+$0x0], $0xffff;
	[tilespmem:s0+$0xFFFFFE80] =	vst v32  }
0x351: {  	v31 =	vadd.f32 v31, v13;
	v32 =	vld.idx.msk [tilespmem:v33+s20+$0x0], $0xffff;
	[tilespmem:s0+$0xFFFFFF00] =	vst v25  }
0x352: {  	v25 =	vld.idx.msk [tilespmem:v36+s20+$0x0], $0xffff;
	[tilespmem:s24+$0xFFFFFFD0] =	vst v16;
	v16 =	vadd.f32 v35, v9;
	v9 =	vmov v30  }
0x353: {  	s3 =	sadd.s32 $0x1, s7;
	s2 =	sadd.s32 $0x2, s7;
	v17 =	vadd.f32 v17, v14;
	[tilespmem:s24+$0xFFFFFC50] =	vst v31;
	v30 =	vld [tilespmem:$0x8550]  }
0x354: {  	s1 =	sadd.s32 $0x3, s7;
	v33 =	vmov s2;
	v31 =	vmov s3;
	v27 =	vadd.f32 v27, v12;
	v35 =	vld [tilespmem:$0x8550];
	[tilespmem:s0+$0xFFFFFF80] =	vst v16;
	s0 =	smov.u32 s24  }
0x355: {  	v16 =	vld.idx.msk [tilespmem:v26+s13+$0x0], $0xffff;
	v26 =	vshll.u32 v31, $0x8;
	v31 =	vmov s1;
	[tilespmem:s24+$0xFFFFFCD0] =	vst v17;
	v17 =	vadd.f32 v34, v11  }
0x356: {  	v33 =	vshll.u32 v33, $0x8;
	v26 =	vand.u32 $0x1800, v26;
	v34 =	vld [tilespmem:$0x8550];
	[tilespmem:s24+$0xFFFFFD50] =	vst v27;
	v27 =	vadd.f32 v29, v10  }
0x357: {  	v29 =	vand.u32 $0x1800, v33;
	v26 =	vor.u32 v26, v19;
	v33 =	vld [tilespmem:$0x8550];
	[tilespmem:s24+$0xFFFFFDD0] =	vst v17;
	v17 =	vadd.f32 v32, v8  }
0x358: {  	v29 =	vor.u32 v29, v20;
	v25 =	vadd.f32 v25, v9;
	v32 =	vld [tilespmem:$0x8550];
	[tilespmem:s24+$0xFFFFFE50] =	vst v27;
	v27 =	vadd.s32 s26, v30  }
0x359: {  	v30 =	vshll.u32 v31, $0x8;
	v31 =	vadd.s32 s22, v35;
	v35 =	vld [tilespmem:$0x8550];
	[tilespmem:s24+$0xFFFFFED0] =	vst v17;
	v17 =	vadd.s32 v5, v27  }
0x35a: {  	v27 =	vand.u32 $0x1800, v30;
	v30 =	vadd.s32 v5, v31;
	v31 =	vld [tilespmem:$0x8550];
	[tilespmem:s24+$0xFFFFFF50] =	vst v25  }
0x35b: {  	v36 =	vor.u32 v27, v21;
	v25 =	vadd.s32 s18, v34;
	v34 =	vld [tilespmem:$0x8550]  }
0x35c: {  	v27 =	vld.idx.msk [tilespmem:v26+s13+$0x0], $0xffff;
	v26 =	vadd.s32 v5, v25;
	v33 =	vadd.s32 s21, v33  }
0x35d: {  	v25 =	vld.idx.msk [tilespmem:v29+s13+$0x0], $0xffff;
	v29 =	vadd.s32 v5, v33;
	v32 =	vadd.s32 s19, v32  }
0x35e: {  	v32 =	vadd.s32 v5, v32;
	v33 =	vadd.s32 s11, v35;
	v35 =	vld.idx.msk [tilespmem:v17+s20+$0x0], $0xffff  }
0x35f: {  	v30 =	vld.idx.msk [tilespmem:v30+s20+$0x0], $0xffff;
	v33 =	vadd.s32 v5, v33;
	v31 =	vadd.s32 s17, v31  }
0x360: {  	s23 =	sadd.s32 $0x4, s7;
	v17 =	vld.idx.msk [tilespmem:v36+s13+$0x0], $0xffff;
	v31 =	vadd.s32 v5, v31;
	v34 =	vadd.s32 s15, v34  }
0x361: {  	v36 =	vmov s23;
	v26 =	vld.idx.msk [tilespmem:v26+s20+$0x0], $0xffff;
	v34 =	vadd.s32 v5, v34  }
0x362: {  	v36 =	vshll.u32 v36, $0x8;
	v29 =	vld.idx.msk [tilespmem:v29+s20+$0x0], $0xffff  }
0x363: {  	v36 =	vand.u32 $0x1800, v36;
	v32 =	vld.idx.msk [tilespmem:v32+s20+$0x0], $0xffff  }
0x364: {  	v36 =	vor.u32 v36, v22;
	v35 =	vadd.f32 v35, v15;
	v33 =	vld.idx.msk [tilespmem:v33+s20+$0x0], $0xffff  }
0x365: {  	v30 =	vadd.f32 v30, v13;
	v31 =	vld.idx.msk [tilespmem:v31+s20+$0x0], $0xffff  }
0x366: {  	v34 =	vld.idx.msk [tilespmem:v34+s20+$0x0], $0xffff;
	[tilespmem:s24+$0xFFFFFFE0] =	vst v35  }
0x367: {  	[tilespmem:s24+$0xFFFFFC60] =	vst v30;
	v30 =	vadd.f32 v26, v14;
	v35 =	vld [tilespmem:$0x8560]  }
0x368: {  	s14 =	sadd.s32 $0x5, s7;
	v29 =	vadd.f32 v29, v12;
	v37 =	vld [tilespmem:$0x8560]  }
0x369: {  	v26 =	vld.idx.msk [tilespmem:v36+s13+$0x0], $0xffff;
	v36 =	vmov s14;
	[tilespmem:s24+$0xFFFFFCE0] =	vst v30;
	v30 =	vadd.f32 v32, v11  }
0x36a: {  	s28 =	sadd.s32 $0x6, s7;
	v38 =	vadd.f32 v33, v10;
	v32 =	vshll.u32 v36, $0x8;
	v36 =	vld [tilespmem:$0x8560];
	[tilespmem:s24+$0xFFFFFD60] =	vst v29  }
0x36b: {  	v31 =	vadd.f32 v31, v8;
	v29 =	vand.u32 $0x1800, v32;
	v32 =	vmov s28;
	v40 =	vld [tilespmem:$0x8560];
	[tilespmem:s24+$0xFFFFFDE0] =	vst v30  }
.Ltmp4:
0x36c: {  	v34 =	vadd.f32 v34, v9;
	v29 =	vor.u32 v29, v23;
	v33 =	vld [tilespmem:$0x8560];
	[tilespmem:s24+$0xFFFFFE60] =	vst v38;
	v35 =	vadd.s32 s26, v35;
	(pc) =	sbr.rel @p0 .LBB2_9-.Ltmp4, $4  }
0x36d: {  	v32 =	vshll.u32 v32, $0x8;
	v38 =	vadd.s32 s22, v37;
	v30 =	vld [tilespmem:$0x8560];
	[tilespmem:s24+$0xFFFFFEE0] =	vst v31;
	v37 =	vadd.s32 v6, v35  }
0x36e: {  	v31 =	vand.u32 $0x1800, v32;
	v38 =	vadd.s32 v6, v38;
	v32 =	vld [tilespmem:$0x8560];
	[tilespmem:s24+$0xFFFFFF60] =	vst v34  }
0x36f: {  	v39 =	vor.u32 v31, v24;
	v34 =	vld [tilespmem:$0x8500];
	v31 =	vadd.s32 s18, v36  }
0x370: {  	s8 =	sadd.s32 $0x7, s25;
	s7 =	sadd.s32 $0x8, s7;
	v36 =	vadd.s32 v6, v31;
	v35 =	vadd.s32 s21, v40;
	v31 =	vld [tilespmem:$0x8560]  }
0x371: {  	_ =	sdelay $0x2  }
0x372: {  	v18 =	vmov s8  }
0x373: {  	v21 =	vld.idx.msk [tilespmem:v37+s20+$0x0], $0xffff;
	v18 =	vshll.u32 v18, $0x8  }
0x374: {  	v19 =	vand.u32 $0x1800, v18  }
0x375: {  	v20 =	vor.u32 v19, v28  }
0x376: {  	v22 =	vld.idx.msk [tilespmem:v38+s20+$0x0], $0xffff;
	v43 =	vadd.s32 s8, v34  }
0x377: {  	v18 =	vld.idx.msk [tilespmem:v29+s13+$0x0], $0xffff;
	v23 =	vadd.s32 s25, v34;
	v24 =	vadd.s32 v0, v43  }
0x378: {  	v19 =	vld.idx.msk [tilespmem:v39+s13+$0x0], $0xffff;
	v46 =	vadd.s32 s2, v34;
	v45 =	vadd.s32 v0, v23;
	v21 =	vadd.f32 v21, v15  }
0x379: {  	v44 =	vadd.s32 s3, v34;
	v23 =	vld.idx.msk [tilespmem:v36+s20+$0x0], $0xffff;
	v37 =	vadd.s32 v0, v46  }
0x37a: {  	v48 =	vadd.s32 s23, v34;
	v28 =	vadd.s32 v0, v44;
	[tilespmem:s24+$0xFFFFFFF0] =	vst v21;
	v20 =	vld.idx.msk [tilespmem:v20+s13+$0x0], $0xffff  }
0x37b: {  	v47 =	vadd.s32 s1, v34;
	v38 =	vadd.s32 v0, v48;
	v46 =	vld [tilespmem:$0x8570]  }
0x37c: {  	v50 =	vadd.s32 s28, v34;
	v36 =	vadd.s32 v0, v47;
	v24 =	vld.idx.msk [tilespmem:v24+s20+$0x0], $0xffff  }
0x37d: {  	v49 =	vadd.s32 s14, v34;
	v34 =	vadd.s32 v0, v50;
	v29 =	vld.idx.msk [tilespmem:v45+s20+$0x0], $0xffff  }
0x37e: {  	v39 =	vadd.s32 v0, v49;
	v37 =	vld.idx.msk [tilespmem:v37+s20+$0x0], $0xffff  }
0x37f: {  	v28 =	vld.idx.msk [tilespmem:v28+s20+$0x0], $0xffff  }
0x380: {  	v38 =	vld.idx.msk [tilespmem:v38+s20+$0x0], $0xffff  }
0x381: {  	v36 =	vld.idx.msk [tilespmem:v36+s20+$0x0], $0xffff;
	v24 =	vadd.f32 v24, v20  }
0x382: {  	s7 =	sadd.s32 $0x400, s24;
	v34 =	vld.idx.msk [tilespmem:v34+s20+$0x0], $0xffff;
	v29 =	vadd.f32 v29, v16  }
0x383: {  	v39 =	vld.idx.msk [tilespmem:v39+s20+$0x0], $0xffff;
	v51 =	vadd.f32 v37, v25;
	[tilespmem:s7+$0xFFFFFF90] =	vst v24  }
0x384: {  	v28 =	vadd.f32 v28, v27;
	[tilespmem:s7+$0xFFFFFC10] =	vst v29;
	v52 =	vld [tilespmem:$0x8510]  }
0x385: {  	v55 =	vadd.f32 v38, v26;
	[tilespmem:s7+$0xFFFFFD10] =	vst v51;
	v53 =	vld [tilespmem:$0x8510]  }
0x386: {  	v54 =	vadd.f32 v36, v17;
	[tilespmem:s7+$0xFFFFFC90] =	vst v28;
	v58 =	vld [tilespmem:$0x8510]  }
0x387: {  	v59 =	vadd.f32 v34, v19;
	[tilespmem:s7+$0xFFFFFE10] =	vst v55;
	v56 =	vld [tilespmem:$0x8510]  }
0x388: {  	v35 =	vadd.s32 v6, v35;
	v33 =	vadd.s32 s19, v33;
	v57 =	vadd.f32 v39, v18;
	[tilespmem:s7+$0xFFFFFD90] =	vst v54;
	v62 =	vld [tilespmem:$0x8510]  }
0x389: {  	v33 =	vadd.s32 v6, v33;
	v23 =	vadd.f32 v23, v14;
	[tilespmem:s7+$0xFFFFFF10] =	vst v59;
	v60 =	vld [tilespmem:$0x8510];
	v61 =	vadd.s32 s8, v52  }
0x38a: {  	v22 =	vadd.f32 v22, v13;
	[tilespmem:s7+$0xFFFFFE90] =	vst v57;
	v42 =	vld [tilespmem:$0x8510];
	v37 =	vadd.s32 s25, v53;
	v63 =	vadd.s32 v1, v61  }
0x38b: {  	[tilespmem:s24+$0xFFFFFCF0] =	vst v23;
	v40 =	vld [tilespmem:$0x8510];
	v38 =	vadd.s32 s2, v58;
	v37 =	vadd.s32 v1, v37  }
0x38c: {  	[tilespmem:s24+$0xFFFFFC70] =	vst v22;
	v22 =	vld [tilespmem:$0x8570];
	v41 =	vadd.s32 s3, v56;
	v44 =	vadd.s32 v1, v38  }
0x38d: {  	v28 =	vld.idx.msk [tilespmem:v35+s20+$0x0], $0xffff;
	v29 =	vadd.s32 s23, v62;
	v43 =	vadd.s32 v1, v41  }
0x38e: {  	v24 =	vld.idx.msk [tilespmem:v33+s20+$0x0], $0xffff;
	v45 =	vadd.s32 s1, v60;
	v29 =	vadd.s32 v1, v29  }
0x38f: {  	v36 =	vadd.s32 s28, v42;
	v33 =	vadd.s32 v1, v45;
	v47 =	vld.idx.msk [tilespmem:v63+s20+$0x0], $0xffff  }
0x390: {  	v48 =	vadd.s32 s14, v40;
	v36 =	vadd.s32 v1, v36;
	v37 =	vld.idx.msk [tilespmem:v37+s20+$0x0], $0xffff  }
0x391: {  	v39 =	vadd.s32 v1, v48;
	v21 =	vld.idx.msk [tilespmem:v44+s20+$0x0], $0xffff  }
0x392: {  	v35 =	vld.idx.msk [tilespmem:v43+s20+$0x0], $0xffff  }
0x393: {  	v29 =	vld.idx.msk [tilespmem:v29+s20+$0x0], $0xffff  }
0x394: {  	v33 =	vld.idx.msk [tilespmem:v33+s20+$0x0], $0xffff;
	v38 =	vadd.f32 v47, v20  }
0x395: {  	v36 =	vld.idx.msk [tilespmem:v36+s20+$0x0], $0xffff;
	v37 =	vadd.f32 v37, v16  }
0x396: {  	v39 =	vld.idx.msk [tilespmem:v39+s20+$0x0], $0xffff;
	v21 =	vadd.f32 v21, v25;
	[tilespmem:s7+$0xFFFFFFA0] =	vst v38  }
0x397: {  	v35 =	vadd.f32 v35, v27;
	[tilespmem:s7+$0xFFFFFC20] =	vst v37;
	v49 =	vld [tilespmem:$0x8520]  }
0x398: {  	v51 =	vadd.f32 v29, v26;
	[tilespmem:s7+$0xFFFFFD20] =	vst v21;
	v50 =	vld [tilespmem:$0x8520]  }
0x399: {  	v30 =	vadd.s32 s11, v30;
	v33 =	vadd.f32 v33, v17;
	[tilespmem:s7+$0xFFFFFCA0] =	vst v35;
	v54 =	vld [tilespmem:$0x8520]  }
0x39a: {  	v52 =	vadd.s32 v6, v30;
	v53 =	vadd.s32 s17, v32;
	v57 =	vadd.f32 v36, v19;
	[tilespmem:s7+$0xFFFFFE20] =	vst v51;
	v35 =	vld [tilespmem:$0x8520]  }
0x39b: {  	v34 =	vadd.s32 s26, v46;
	v30 =	vadd.s32 v6, v53;
	v55 =	vadd.f32 v39, v18;
	[tilespmem:s7+$0xFFFFFDA0] =	vst v33;
	v59 =	vld [tilespmem:$0x8520]  }
0x39c: {  	v34 =	vadd.s32 v7, v34;
	[tilespmem:s7+$0xFFFFFF20] =	vst v57;
	v56 =	vld [tilespmem:$0x8520];
	v58 =	vadd.s32 s8, v49  }
0x39d: {  	[tilespmem:s7+$0xFFFFFEA0] =	vst v55;
	v63 =	vld [tilespmem:$0x8520];
	v60 =	vadd.s32 s25, v50;
	v36 =	vadd.s32 v2, v58  }
0x39e: {  	v61 =	vld [tilespmem:$0x8520];
	v42 =	vadd.s32 s2, v54;
	v33 =	vadd.s32 v2, v60  }
0x39f: {  	v40 =	vld.idx.msk [tilespmem:v52+s20+$0x0], $0xffff;
	v62 =	vadd.s32 s3, v35;
	v43 =	vadd.s32 v2, v42  }
0x3a0: {  	v29 =	vld.idx.msk [tilespmem:v30+s20+$0x0], $0xffff;
	v45 =	vadd.s32 s23, v59;
	v41 =	vadd.s32 v2, v62  }
0x3a1: {  	v21 =	vld.idx.msk [tilespmem:v34+s20+$0x0], $0xffff;
	v44 =	vadd.s32 s1, v56;
	v34 =	vadd.s32 v2, v45  }
0x3a2: {  	v35 =	vadd.s32 s28, v63;
	v32 =	vadd.s32 v2, v44;
	v36 =	vld.idx.msk [tilespmem:v36+s20+$0x0], $0xffff  }
0x3a3: {  	v46 =	vadd.s32 s14, v61;
	v35 =	vadd.s32 v2, v35;
	v33 =	vld.idx.msk [tilespmem:v33+s20+$0x0], $0xffff  }
0x3a4: {  	v37 =	vadd.s32 v2, v46;
	v30 =	vld.idx.msk [tilespmem:v43+s20+$0x0], $0xffff  }
0x3a5: {  	v47 =	vld.idx.msk [tilespmem:v41+s20+$0x0], $0xffff  }
0x3a6: {  	v34 =	vld.idx.msk [tilespmem:v34+s20+$0x0], $0xffff  }
0x3a7: {  	v32 =	vld.idx.msk [tilespmem:v32+s20+$0x0], $0xffff;
	v36 =	vadd.f32 v36, v20  }
0x3a8: {  	v35 =	vld.idx.msk [tilespmem:v35+s20+$0x0], $0xffff;
	v33 =	vadd.f32 v33, v16  }
0x3a9: {  	v37 =	vld.idx.msk [tilespmem:v37+s20+$0x0], $0xffff;
	v30 =	vadd.f32 v30, v25;
	[tilespmem:s7+$0xFFFFFFB0] =	vst v36  }
0x3aa: {  	v48 =	vadd.f32 v47, v27;
	[tilespmem:s7+$0xFFFFFC30] =	vst v33;
	v49 =	vld [tilespmem:$0x8530]  }
0x3ab: {  	v51 =	vadd.f32 v34, v26;
	[tilespmem:s7+$0xFFFFFD30] =	vst v30;
	v50 =	vld [tilespmem:$0x8530]  }
0x3ac: {  	v32 =	vadd.f32 v32, v17;
	[tilespmem:s7+$0xFFFFFCB0] =	vst v48;
	v52 =	vld [tilespmem:$0x8530]  }
0x3ad: {  	v31 =	vadd.s32 s15, v31;
	v55 =	vadd.f32 v35, v19;
	[tilespmem:s7+$0xFFFFFE30] =	vst v51;
	v36 =	vld [tilespmem:$0x8530]  }
0x3ae: {  	v31 =	vadd.s32 v6, v31;
	v22 =	vadd.s32 s18, v22;
	v53 =	vadd.f32 v37, v18;
	[tilespmem:s7+$0xFFFFFDB0] =	vst v32;
	v56 =	vld [tilespmem:$0x8530]  }
0x3af: {  	v22 =	vadd.s32 v7, v22;
	[tilespmem:s7+$0xFFFFFF30] =	vst v55;
	v54 =	vld [tilespmem:$0x8530];
	v33 =	vadd.s32 s8, v49  }
0x3b0: {  	[tilespmem:s7+$0xFFFFFEB0] =	vst v53;
	v61 =	vld [tilespmem:$0x8530];
	v57 =	vadd.s32 s25, v50;
	v33 =	vadd.s32 v3, v33  }
0x3b1: {  	v58 =	vld [tilespmem:$0x8530];
	v62 =	vadd.s32 s2, v52;
	v59 =	vadd.s32 v3, v57  }
0x3b2: {  	v60 =	vadd.s32 s3, v36;
	v63 =	vadd.s32 v3, v62  }
0x3b3: {  	v31 =	vld.idx.msk [tilespmem:v31+s20+$0x0], $0xffff;
	v35 =	vadd.s32 s23, v56;
	v32 =	vadd.s32 v3, v60  }
0x3b4: {  	v22 =	vld.idx.msk [tilespmem:v22+s20+$0x0], $0xffff;
	v37 =	vadd.s32 s1, v54;
	v35 =	vadd.s32 v3, v35  }
0x3b5: {  	v36 =	vadd.s32 s28, v61;
	v37 =	vadd.s32 v3, v37;
	v33 =	vld.idx.msk [tilespmem:v33+s20+$0x0], $0xffff  }
0x3b6: {  	v38 =	vadd.s32 s14, v58;
	v36 =	vadd.s32 v3, v36;
	v30 =	vld.idx.msk [tilespmem:v59+s20+$0x0], $0xffff  }
0x3b7: {  	v38 =	vadd.s32 v3, v38;
	v23 =	vld.idx.msk [tilespmem:v63+s20+$0x0], $0xffff  }
0x3b8: {  	v32 =	vld.idx.msk [tilespmem:v32+s20+$0x0], $0xffff  }
0x3b9: {  	v35 =	vld.idx.msk [tilespmem:v35+s20+$0x0], $0xffff  }
0x3ba: {  	v37 =	vld.idx.msk [tilespmem:v37+s20+$0x0], $0xffff;
	v33 =	vadd.f32 v33, v20  }
0x3bb: {  	v36 =	vld.idx.msk [tilespmem:v36+s20+$0x0], $0xffff;
	v30 =	vadd.f32 v30, v16  }
0x3bc: {  	v38 =	vld.idx.msk [tilespmem:v38+s20+$0x0], $0xffff;
	v23 =	vadd.f32 v23, v25;
	[tilespmem:s7+$0xFFFFFFC0] =	vst v33  }
0x3bd: {  	v32 =	vadd.f32 v32, v27;
	[tilespmem:s7+$0xFFFFFC40] =	vst v30;
	v41 =	vld [tilespmem:$0x8540]  }
0x3be: {  	v45 =	vadd.f32 v35, v26;
	[tilespmem:s7+$0xFFFFFD40] =	vst v23;
	v42 =	vld [tilespmem:$0x8540]  }
0x3bf: {  	v43 =	vadd.f32 v37, v17;
	[tilespmem:s7+$0xFFFFFCC0] =	vst v32;
	v46 =	vld [tilespmem:$0x8540]  }
0x3c0: {  	v49 =	vadd.f32 v36, v19;
	[tilespmem:s7+$0xFFFFFE40] =	vst v45;
	v44 =	vld [tilespmem:$0x8540]  }
0x3c1: {  	v47 =	vadd.f32 v38, v18;
	[tilespmem:s7+$0xFFFFFDC0] =	vst v43;
	v50 =	vld [tilespmem:$0x8540]  }
0x3c2: {  	v28 =	vadd.f32 v28, v12;
	[tilespmem:s7+$0xFFFFFF40] =	vst v49;
	v48 =	vld [tilespmem:$0x8540];
	v30 =	vadd.s32 s8, v41  }
0x3c3: {  	v24 =	vadd.f32 v24, v11;
	[tilespmem:s7+$0xFFFFFEC0] =	vst v47;
	v56 =	vld [tilespmem:$0x8540];
	v51 =	vadd.s32 s25, v42;
	v30 =	vadd.s32 v4, v30  }
0x3c4: {  	[tilespmem:s24+$0xFFFFFD70] =	vst v28;
	v52 =	vld [tilespmem:$0x8540];
	v35 =	vadd.s32 s2, v46;
	v54 =	vadd.s32 v4, v51  }
0x3c5: {  	[tilespmem:s24+$0xFFFFFDF0] =	vst v24;
	v24 =	vld [tilespmem:$0x8570];
	v55 =	vadd.s32 s3, v44;
	v35 =	vadd.s32 v4, v35  }
0x3c6: {  	v39 =	vld [tilespmem:$0x8570];
	v36 =	vadd.s32 s23, v50;
	v32 =	vadd.s32 v4, v55  }
0x3c7: {  	v34 =	vld [tilespmem:$0x8570];
	v38 =	vadd.s32 s1, v48;
	v36 =	vadd.s32 v4, v36  }
0x3c8: {  	v37 =	vadd.s32 s28, v56;
	v38 =	vadd.s32 v4, v38;
	v30 =	vld.idx.msk [tilespmem:v30+s20+$0x0], $0xffff  }
0x3c9: {  	v33 =	vadd.s32 s14, v52;
	v37 =	vadd.s32 v4, v37;
	v28 =	vld.idx.msk [tilespmem:v54+s20+$0x0], $0xffff  }
0x3ca: {  	v33 =	vadd.s32 v4, v33;
	v35 =	vld.idx.msk [tilespmem:v35+s20+$0x0], $0xffff  }
0x3cb: {  	v32 =	vld.idx.msk [tilespmem:v32+s20+$0x0], $0xffff  }
0x3cc: {  	v36 =	vld.idx.msk [tilespmem:v36+s20+$0x0], $0xffff  }
0x3cd: {  	v38 =	vld.idx.msk [tilespmem:v38+s20+$0x0], $0xffff;
	v30 =	vadd.f32 v30, v20  }
0x3ce: {  	v37 =	vld.idx.msk [tilespmem:v37+s20+$0x0], $0xffff;
	v28 =	vadd.f32 v28, v16  }
0x3cf: {  	v33 =	vld.idx.msk [tilespmem:v33+s20+$0x0], $0xffff;
	v59 =	vadd.f32 v35, v25;
	[tilespmem:s7+$0xFFFFFFD0] =	vst v30  }
0x3d0: {  	v57 =	vadd.f32 v32, v27;
	[tilespmem:s7+$0xFFFFFC50] =	vst v28;
	v58 =	vld [tilespmem:$0x8550]  }
0x3d1: {  	v63 =	vadd.f32 v36, v26;
	[tilespmem:s7+$0xFFFFFD50] =	vst v59;
	v60 =	vld [tilespmem:$0x8550]  }
0x3d2: {  	v24 =	vadd.s32 s21, v24;
	v53 =	vadd.f32 v40, v10;
	v61 =	vadd.f32 v38, v17;
	[tilespmem:s7+$0xFFFFFCD0] =	vst v57;
	v40 =	vld [tilespmem:$0x8550]  }
0x3d3: {  	v24 =	vadd.s32 v7, v24;
	v44 =	vadd.f32 v37, v19;
	[tilespmem:s7+$0xFFFFFE50] =	vst v63;
	v62 =	vld [tilespmem:$0x8550]  }
0x3d4: {  	v41 =	vadd.f32 v33, v18;
	[tilespmem:s7+$0xFFFFFDD0] =	vst v61;
	v45 =	vld [tilespmem:$0x8550]  }
0x3d5: {  	[tilespmem:s7+$0xFFFFFF50] =	vst v44;
	v43 =	vld [tilespmem:$0x8550];
	v28 =	vadd.s32 s8, v58  }
0x3d6: {  	[tilespmem:s7+$0xFFFFFED0] =	vst v41;
	v32 =	vld [tilespmem:$0x8550];
	v47 =	vadd.s32 s25, v60;
	v28 =	vadd.s32 v5, v28  }
0x3d7: {  	v29 =	vadd.f32 v29, v8;
	v48 =	vld [tilespmem:$0x8550];
	v36 =	vadd.s32 s2, v40;
	v49 =	vadd.s32 v5, v47  }
0x3d8: {  	v24 =	vld.idx.msk [tilespmem:v24+s20+$0x0], $0xffff;
	[tilespmem:s24+$0xFFFFFE70] =	vst v53;
	v50 =	vadd.s32 s3, v62;
	v36 =	vadd.s32 v5, v36  }
0x3d9: {  	[tilespmem:s0+$0xFFFFFEF0] =	vst v29;
	v23 =	vld [tilespmem:$0x8570];
	v46 =	vadd.f32 v31, v9;
	v37 =	vadd.s32 s23, v45;
	v31 =	vadd.s32 v5, v50  }
0x3da: {  	v42 =	vadd.s32 s22, v34;
	v30 =	vld [tilespmem:$0x8570];
	v34 =	vadd.s32 s1, v43;
	v37 =	vadd.s32 v5, v37  }
0x3db: {  	v32 =	vadd.s32 s28, v32;
	v34 =	vadd.s32 v5, v34;
	v28 =	vld.idx.msk [tilespmem:v28+s20+$0x0], $0xffff  }
0x3dc: {  	v35 =	vadd.s32 s14, v48;
	v32 =	vadd.s32 v5, v32;
	v29 =	vld.idx.msk [tilespmem:v49+s20+$0x0], $0xffff  }
0x3dd: {  	v35 =	vadd.s32 v5, v35;
	v36 =	vld.idx.msk [tilespmem:v36+s20+$0x0], $0xffff  }
0x3de: {  	v31 =	vld.idx.msk [tilespmem:v31+s20+$0x0], $0xffff  }
0x3df: {  	v37 =	vld.idx.msk [tilespmem:v37+s20+$0x0], $0xffff  }
0x3e0: {  	v34 =	vld.idx.msk [tilespmem:v34+s20+$0x0], $0xffff;
	v28 =	vadd.f32 v28, v20  }
0x3e1: {  	[tilespmem:s0+$0xFFFFFF70] =	vst v46;
	v32 =	vld.idx.msk [tilespmem:v32+s20+$0x0], $0xffff;
	v29 =	vadd.f32 v29, v16  }
0x3e2: {  	v35 =	vld.idx.msk [tilespmem:v35+s20+$0x0], $0xffff;
	v53 =	vadd.f32 v36, v25;
	[tilespmem:s7+$0xFFFFFFE0] =	vst v28  }
0x3e3: {  	v51 =	vadd.f32 v31, v27;
	[tilespmem:s7+$0xFFFFFC60] =	vst v29;
	v52 =	vld [tilespmem:$0x8560]  }
0x3e4: {  	v57 =	vadd.f32 v37, v26;
	[tilespmem:s7+$0xFFFFFD60] =	vst v53;
	v54 =	vld [tilespmem:$0x8560]  }
0x3e5: {  	v55 =	vadd.f32 v34, v17;
	[tilespmem:s7+$0xFFFFFCE0] =	vst v51;
	v58 =	vld [tilespmem:$0x8560]  }
0x3e6: {  	v62 =	vadd.f32 v32, v19;
	[tilespmem:s7+$0xFFFFFE60] =	vst v57;
	v56 =	vld [tilespmem:$0x8560]  }
0x3e7: {  	v33 =	vadd.s32 v7, v42;
	v30 =	vadd.s32 s17, v30;
	v59 =	vadd.f32 v35, v18;
	[tilespmem:s7+$0xFFFFFDE0] =	vst v55;
	v42 =	vld [tilespmem:$0x8560]  }
0x3e8: {  	v30 =	vadd.s32 v7, v30;
	[tilespmem:s7+$0xFFFFFF60] =	vst v62;
	v61 =	vld [tilespmem:$0x8560];
	v29 =	vadd.s32 s8, v52  }
0x3e9: {  	[tilespmem:s7+$0xFFFFFEE0] =	vst v59;
	v46 =	vld [tilespmem:$0x8560];
	v43 =	vadd.s32 s25, v54;
	v29 =	vadd.s32 v6, v29  }
0x3ea: {  	v44 =	vld [tilespmem:$0x8560];
	v37 =	vadd.s32 s2, v58;
	v28 =	vadd.s32 v6, v43  }
0x3eb: {  	v38 =	vld [tilespmem:$0x8570];
	v45 =	vadd.s32 s3, v56;
	v37 =	vadd.s32 v6, v37  }
0x3ec: {  	v33 =	vld.idx.msk [tilespmem:v33+s20+$0x0], $0xffff;
	v35 =	vadd.s32 s23, v42;
	v31 =	vadd.s32 v6, v45  }
0x3ed: {  	v60 =	vadd.s32 s19, v39;
	v30 =	vld.idx.msk [tilespmem:v30+s20+$0x0], $0xffff;
	v39 =	vadd.s32 s1, v61;
	v35 =	vadd.s32 v6, v35  }
0x3ee: {  	v34 =	vadd.s32 s28, v46;
	v39 =	vadd.s32 v6, v39;
	v29 =	vld.idx.msk [tilespmem:v29+s20+$0x0], $0xffff  }
0x3ef: {  	v36 =	vadd.s32 s14, v44;
	v34 =	vadd.s32 v6, v34;
	v28 =	vld.idx.msk [tilespmem:v28+s20+$0x0], $0xffff  }
0x3f0: {  	v36 =	vadd.s32 v6, v36;
	v37 =	vld.idx.msk [tilespmem:v37+s20+$0x0], $0xffff  }
0x3f1: {  	v31 =	vld.idx.msk [tilespmem:v31+s20+$0x0], $0xffff  }
0x3f2: {  	v35 =	vld.idx.msk [tilespmem:v35+s20+$0x0], $0xffff  }
0x3f3: {  	v39 =	vld.idx.msk [tilespmem:v39+s20+$0x0], $0xffff;
	v29 =	vadd.f32 v29, v20  }
0x3f4: {  	v48 =	vld.idx.msk [tilespmem:v34+s20+$0x0], $0xffff;
	v28 =	vadd.f32 v28, v16  }
0x3f5: {  	v36 =	vld.idx.msk [tilespmem:v36+s20+$0x0], $0xffff;
	v50 =	vadd.f32 v37, v25;
	[tilespmem:s7+$0xFFFFFFF0] =	vst v29  }
0x3f6: {  	v47 =	vadd.f32 v31, v27;
	[tilespmem:s7+$0xFFFFFC70] =	vst v28;
	v49 =	vld [tilespmem:$0x8570]  }
0x3f7: {  	v53 =	vadd.f32 v35, v26;
	[tilespmem:s7+$0xFFFFFD70] =	vst v50;
	v52 =	vld [tilespmem:$0x8570]  }
0x3f8: {  	v51 =	vadd.f32 v39, v17;
	[tilespmem:s7+$0xFFFFFCF0] =	vst v47;
	v56 =	vld [tilespmem:$0x8570]  }
0x3f9: {  	v23 =	vadd.s32 s11, v23;
	v63 =	vadd.s32 v7, v60;
	v57 =	vadd.f32 v48, v19;
	[tilespmem:s7+$0xFFFFFE70] =	vst v53;
	v54 =	vld [tilespmem:$0x8570]  }
0x3fa: {  	v23 =	vadd.s32 v7, v23;
	v38 =	vadd.s32 s15, v38;
	v55 =	vadd.f32 v36, v18;
	[tilespmem:s7+$0xFFFFFDF0] =	vst v51;
	v59 =	vld [tilespmem:$0x8570]  }
0x3fb: {  	v38 =	vadd.s32 v7, v38;
	[tilespmem:s7+$0xFFFFFF70] =	vst v57;
	v58 =	vld [tilespmem:$0x8570];
	v34 =	vadd.s32 s8, v49  }
0x3fc: {  	[tilespmem:s7+$0xFFFFFEF0] =	vst v55;
	v61 =	vld [tilespmem:$0x8570];
	v37 =	vadd.s32 s25, v52;
	v34 =	vadd.s32 v7, v34  }
0x3fd: {  	v60 =	vld [tilespmem:$0x8570];
	v36 =	vadd.s32 s2, v56;
	v37 =	vadd.s32 v7, v37  }
0x3fe: {  	v41 =	vadd.f32 v33, v13;
	v32 =	vld.idx.msk [tilespmem:v63+s20+$0x0], $0xffff;
	v35 =	vadd.s32 s3, v54;
	v42 =	vadd.s32 v7, v36  }
0x3ff: {  	v8 =	vadd.f32 v30, v8;
	v63 =	vld.idx.msk [tilespmem:v23+s20+$0x0], $0xffff;
	v29 =	vadd.s32 s23, v59;
	v40 =	vadd.s32 v7, v35  }
0x400: {  	[tilespmem:s0+$0xFFFFFC80] =	vst v41;
	v62 =	vadd.f32 v21, v15;
	v44 =	vld.idx.msk [tilespmem:v38+s20+$0x0], $0xffff;
	v31 =	vadd.s32 s1, v58;
	v48 =	vadd.s32 v7, v29  }
0x401: {  	[tilespmem:s0+$0xFFFFFF00] =	vst v8;
	v46 =	vadd.f32 v24, v12;
	v49 =	vadd.s32 s28, v61;
	v45 =	vadd.s32 v7, v31;
	v47 =	vld.idx.msk [tilespmem:v34+s20+$0x0], $0xffff  }
0x402: {  	[tilespmem:s0+$0x0] =	vst v62;
	v43 =	vadd.f32 v22, v14;
	v28 =	vadd.s32 s14, v60;
	v54 =	vadd.s32 v7, v49;
	v52 =	vld.idx.msk [tilespmem:v37+s20+$0x0], $0xffff  }
0x403: {  	[tilespmem:s0+$0xFFFFFD80] =	vst v46;
	v50 =	vadd.f32 v32, v11;
	v51 =	vadd.s32 v7, v28;
	v56 =	vld.idx.msk [tilespmem:v42+s20+$0x0], $0xffff  }
0x404: {  	[tilespmem:s0+$0xFFFFFD00] =	vst v43;
	v53 =	vadd.f32 v63, v10;
	v55 =	vld.idx.msk [tilespmem:v40+s20+$0x0], $0xffff  }
0x405: {  	v57 =	vadd.f32 v44, v9;
	[tilespmem:s0+$0xFFFFFE00] =	vst v50;
	v59 =	vld.idx.msk [tilespmem:v48+s20+$0x0], $0xffff  }
0x406: {  	[tilespmem:s0+$0xFFFFFE80] =	vst v53;
	v58 =	vld.idx.msk [tilespmem:v45+s20+$0x0], $0xffff;
	v8 =	vadd.f32 v47, v20  }
0x407: {  	[tilespmem:s0+$0xFFFFFF80] =	vst v57;
	v12 =	vld.idx.msk [tilespmem:v54+s20+$0x0], $0xffff;
	v60 =	vadd.f32 v52, v16  }
0x408: {  	v14 =	vld.idx.msk [tilespmem:v51+s20+$0x0], $0xffff;
	v61 =	vadd.f32 v56, v25;
	[tilespmem:s7+$0x0] =	vst v8  }
0x409: {  	v8 =	vadd.f32 v55, v27;
	[tilespmem:s7+$0xFFFFFC80] =	vst v60  }
0x40a: {  	v62 =	vadd.f32 v59, v26;
	[tilespmem:s7+$0xFFFFFD80] =	vst v61  }
0x40b: {  	[tilespmem:s7+$0xFFFFFD00] =	vst v8;
	v8 =	vadd.f32 v58, v17  }
0x40c: {  	s19 =	sshll.u32 s6, $0x11;
	v63 =	vadd.f32 v12, v19;
	[tilespmem:s7+$0xFFFFFE80] =	vst v62  }
0x40d: {  	s0 =	sor.u32 s31, s19;
	[tilespmem:s7+$0xFFFFFE00] =	vst v8;
	v8 =	vadd.f32 v14, v18  }
0x40e: {  	s0 =	sshrl.u32 s0, $0x3;
	[tilespmem:s7+$0xFFFFFF80] =	vst v63  }
0x40f: {  	s12 =	sadd.s32 $0x1, s12;
	s22 =	simm.s32 $0x11580;
	s21 =	sadd.s32 s29, s0;
	[tilespmem:s7+$0xFFFFFF00] =	vst v8  }
0x410: {  	[hbm4b:s21+s10] =	stream.linear.scatter [tilespmem:s22], [sflag:$0x4], $0x400, $0x38;
	[tilespmem:$0x12580] =	vst v63  }
0x411: {  	p0 =	sne.s32 s12, $0x64;
	s24 =	simm.s32 $0x11980;
	s23 =	sadd.s32 s0, s9  }
0x412: {  	[hbm4b:s23+s10] =	stream.linear.scatter [tilespmem:s24], [sflag:$0x4], $0x400, $0x38;
	[tilespmem:$0x12580] =	vst v63  }
.Ltmp5:
0x413: {  	_ = 	snop;
	(pc) =	sbr.rel @p0 .LBB2_2-.Ltmp5, $4  }
0x414: {  	s26 =	simm.s32 $0x11D80;
	s25 =	sadd.s32 s0, s5  }
0x415: {  	[hbm4b:s25+s10] =	stream.linear.scatter [tilespmem:s26], [sflag:$0x4], $0x400, $0x38;
	[tilespmem:$0x12580] =	vst v63  }
0x416: {  	s0 =	sadd.s32 s0, s4;
	s28 =	simm.s32 $0x12180  }
0x417: {  	[hbm4b:s0+s10] =	stream.linear.scatter [tilespmem:s28], [sflag:$0x4], $0x400, $0x38;
	[tilespmem:$0x12580] =	vst v63  }
0x418: {  	s0 =	simm.s32 $0x3  }
0x419: {  	_ =	swait.ge [sflag:s0], $0x400  }
0x41a: {  	[sflag:s0] =	ssyncset.done $0x0  }
0x41b: {  	[sflag:s0] =	ssyncadd.s32 $0xFFFFFC00  }
0x41c: {  	_ =	swait.ge [sflag:s0], $0x400  }
0x41d: {  	[sflag:s0] =	ssyncset.done $0x0  }
0x41e: {  	[sflag:s0] =	ssyncadd.s32 $0xFFFFFC00  }
0x41f: {  	_ =	swait.ge [sflag:s0], $0x400  }
0x420: {  	[sflag:s0] =	ssyncset.done $0x0  }
0x421: {  	[sflag:s0] =	ssyncadd.s32 $0xFFFFFC00  }
0x422: {  	_ =	swait.ge [sflag:s0], $0x400  }
0x423: {  	[sflag:s0] =	ssyncset.done $0x0  }
0x424: {  	[sflag:s0] =	ssyncadd.s32 $0xFFFFFC00  }
0x425: {  	_ =	swait.ge [sflag:s30], $0x400  }
0x426: {  	[sflag:s30] =	ssyncset.done $0x0  }
0x427: {  	[sflag:s30] =	ssyncadd.s32 $0xFFFFFC00  }
0x428: {  	_ =	swait.ge [sflag:s30], $0x400  }
0x429: {  	[sflag:s30] =	ssyncset.done $0x0  }
0x42a: {  	[sflag:s30] =	ssyncadd.s32 $0xFFFFFC00  }
0x42b: {  	_ =	swait.ge [sflag:s30], $0x400  }
0x42c: {  	[sflag:s30] =	ssyncset.done $0x0  }
0x42d: {  	[sflag:s30] =	ssyncadd.s32 $0xFFFFFC00  }
0x42e: {  	_ =	swait.ge [sflag:s30], $0x400  }
0x42f: {  	s1 =	rddreg [dreg:$0x9]  }
0x430: {  	s28 =	rddreg [dreg:$0x8];
	s1 =	sadd.s32 $0x1, s1  }
0x431: {  	p0 =	sne.s32 s1, s28  }
.Ltmp6:
0x432: {  	_ = 	snop;
	(pc) =	sbr.rel @p0 .LBB2_1-.Ltmp6, $3  }
0x433: {  	_ =	sdelay $0x1  }
0x434: {  	[sflag:s30] =	ssyncset.done $0x0  }
0x435: {  	[sflag:s30] =	ssyncadd.s32 $0xFFFFFC00  }
0x436: {  	_ =	sfence.sel $0x180000  }
0x437: {  	[bflag:$0x0] =	sbarrier.arrive $0xFFFF  }
0x438: {  	_ =	strace $0x9000004A  }
0x439: {  	s0 =	stileid.u32;
	[bflag:$0x2] =	sbarrier.arrive $0xFFFF  }
0x43a: {  	p0 =	sne.s32 s0, $0x0;
	s0 =	rddreg [dreg:$0x4]  }
0x43b: {  	s0 =	sadd.s32 @!p0 $0x100000, s0  }
0x43c: {  	[sflag:s0] =	ssyncadd.tile.s32 @!p0 $0x1;
	_ =	shalt  }
.Lfunc_end2:
_tile_overlayer_lowered:
.L_overlay_start_2:
0x43d: {  	(tag) =	ssettag $0x2  }
0x43e: {  	s0 =	rddreg [dreg:$0x0];
	s2 =	stileid.u32  }
0x43f: {  	s1 =	rddreg [dreg:$0x1];
	p0 =	sne.s32 s2, $0x0  }
0x440: {  	s3 =	rddreg [dreg:$0x2];
	[bflag:$0x3] =	sbarrier.arrive $0xFFFF;
	s2 =	simm.s32 @!p0 $0x1C05  }
0x441: {  	[timem:s3], [sflag:s2] =	dma.local @!p0 [hbm:s0], s1  }
0x442: {  	s0 =	simm.s32 @!p0 $0x5  }
0x443: {  	_ =	swait.ge @!p0 [sflag:s0], s1  }
0x444: {  	s1 =	ssub.s32 @!p0 $0x0, s1;
	[sflag:s0] =	ssyncset.done @!p0 $0x0  }
0x445: {  	[sflag:s0] =	ssyncadd.s32 @!p0 s1  }
0x446: {  	[bflag:$0x3] =	sbarrier.arrive $0xFFFF  }
0x447: {  	_ =	shalt  }

</sc_bundles>
